<compile_context>
chip_gen: v7x
topology: tpu7x:2x2x1
jax: 0.10.2.dev20260603
libtpu: 0.0.44.dev20260713+nightly
codegen_flags: <defaults>
</compile_context>

<pallas_src>
import jax
import jax.numpy as jnp
import numpy as np
from jax import lax
from jax.experimental import pallas as pl
from jax.experimental.pallas import tpu as pltpu
from jax.experimental.pallas import tpu_sc as plsc

NC = 2
NS = 16
L = 16

B = 4096
N = 20
D = 32
NPROD = N + N * (N - 1) // 2
OUT_F = NPROD * D
NW = NC * NS
BPW = B // NW
NSLOT = N + 1
EROWS = NSLOT * D
TCOL = 512
TBLK = 16384
PCHUNK = 30
NPC = NPROD // PCHUNK


def _pair_tables():
    pa, pb = [], []
    for i in range(N):
        pa.append(N)
        pb.append(i)
    for i in range(N):
        for j in range(i + 1, N):
            pa.append(i)
            pb.append(j)
    return pa, pb




def _t_body(src_ref, eye_ref, dst_ref):
    dst_ref[...] = lax.dot_general(
        src_ref[...], eye_ref[...], (((0,), (0,)), ((), ())),
        preferred_element_type=jnp.float32)


def _transpose_table(tabT, eye):
    m = tabT.shape[1]
    grid = (m + TBLK - 1) // TBLK
    return pl.pallas_call(
        _t_body,
        grid=(grid,),
        in_specs=[pl.BlockSpec((D, TBLK), lambda c: (0, c)),
                  pl.BlockSpec((D, D), lambda c: (0, 0))],
        out_specs=pl.BlockSpec((TBLK, D), lambda c: (c, 0)),
        out_shape=jax.ShapeDtypeStruct((m, D), jnp.float32),
    )(tabT, eye)




def _g_body(uidx_hbm, midxT_hbm, utab_hbm, itab_hbm, emb_hbm,
            midx_v, uidx_v, rows_v, ev_v, sem_g):
    w = lax.axis_index("s") * NC + lax.axis_index("c")
    lane0 = w * BPW

    pltpu.sync_copy(midxT_hbm.at[:, pl.ds(lane0, BPW)], midx_v)
    pltpu.sync_copy(uidx_hbm.at[pl.ds(lane0, BPW)], uidx_v)

    lane_iota = jnp.arange(L, dtype=jnp.int32)
    gsize = NSLOT // 3

    for g in range(3):
        for sl in range(gsize):
            s = g * gsize + sl
            if s < N:
                pltpu.async_copy(itab_hbm.at[midx_v.at[s]],
                                 rows_v.at[pl.ds(sl * BPW, BPW)], sem_g)
            else:
                pltpu.async_copy(utab_hbm.at[uidx_v],
                                 rows_v.at[pl.ds(sl * BPW, BPW)], sem_g)
        for _ in range(gsize):
            pltpu.make_async_copy(
                itab_hbm.at[midx_v.at[0]],
                rows_v.at[pl.ds(0, BPW)], sem_g).wait()

        def dbody(d, _, g=g):
            for sl in range(gsize):
                for blk in range(BPW // L):
                    rows = lane_iota + (sl * BPW + blk * L)
                    vals = plsc.load_gather(
                        rows_v, [rows, jnp.full((L,), 0, jnp.int32) + d])
                    ev_v[(g * gsize + sl) * D + d, pl.ds(blk * L, L)] = vals
            return _

        lax.fori_loop(0, D, dbody, None)

    pltpu.sync_copy(ev_v, emb_hbm.at[:, pl.ds(lane0, BPW)])


def _gather_emb(uidx, midxT, utab_rm, itab_rm):
    mesh = plsc.VectorSubcoreMesh(core_axis_name="c", subcore_axis_name="s")
    k = pl.kernel(
        _g_body,
        out_type=jax.ShapeDtypeStruct((EROWS, B), jnp.float32),
        mesh=mesh,
        compiler_params=pltpu.CompilerParams(use_tc_tiling_on_sc=False,
                                             needs_layout_passes=False),
        scratch_types=[
            pltpu.VMEM((N, BPW), jnp.int32),
            pltpu.VMEM((BPW,), jnp.int32),
            pltpu.VMEM((NSLOT // 3 * BPW, D), jnp.float32),
            pltpu.VMEM((EROWS, BPW), jnp.float32),
            pltpu.SemaphoreType.DMA,
        ],
    )
    return k(uidx, midxT, utab_rm, itab_rm)




def _p_body(pa_ref, pb_ref, emb_ref, wrow_ref, out_ref):
    pc = pl.program_id(1)
    for k in range(PCHUNK):
        p = pc * PCHUNK + k
        a0 = pa_ref[p] * D
        b0 = pb_ref[p] * D
        av = emb_ref[pl.ds(a0, D), :]
        bv = emb_ref[pl.ds(b0, D), :]
        out_ref[pl.ds(k * D, D), :] = av * bv * wrow_ref[pl.ds(k * D, D), :]


def _products(emb, wrow, pa_arr, pb_arr):
    grid_spec = pltpu.PrefetchScalarGridSpec(
        num_scalar_prefetch=2,
        grid=(B // TCOL, NPC),
        in_specs=[
            pl.BlockSpec((EROWS, TCOL), lambda bb, pc, *_: (0, bb)),
            pl.BlockSpec((PCHUNK * D, 1), lambda bb, pc, *_: (pc, 0)),
        ],
        out_specs=pl.BlockSpec((PCHUNK * D, TCOL),
                               lambda bb, pc, *_: (pc, bb)),
    )
    return pl.pallas_call(
        _p_body,
        grid_spec=grid_spec,
        out_shape=jax.ShapeDtypeStruct((OUT_F, B), jnp.float32),
    )(pa_arr, pb_arr, emb, wrow)


def kernel(user, memory, user_table, item_table, weights):
    uidx = user.reshape(-1).astype(jnp.int32)
    midxT = memory.T.astype(jnp.int32)

    utab_rm = user_table.astype(jnp.float32)
    itab_rm = item_table.astype(jnp.float32)

    emb = _gather_emb(uidx, midxT, utab_rm, itab_rm)

    pa, pb = _pair_tables()
    pa_arr = jnp.asarray(np.array(pa, np.int32))
    pb_arr = jnp.asarray(np.array(pb, np.int32))
    wf = weights.astype(jnp.float32)
    w1 = jnp.where(pa_arr == N, jnp.ones((NPROD,), jnp.float32),
                   wf[jnp.clip(pa_arr, 0, N - 1)])
    wprod = w1 * wf[pb_arr]
    wrow = jnp.repeat(wprod, D)[:, None]

    outT = _products(emb, wrow, pa_arr, pb_arr)
    return outT.T

# --- scband reference (transcript-rebuilt; emitter-appended) ---
"""Pipeline reference for scband-state-repr-module-u-5592047419689 (READ-ONLY COPY).

The authoritative reference and input builder live on the scoring server;
editing this copy changes nothing except your own understanding.
"""

import jax, jax.numpy as jnp
import numpy as np

USER_NUM = 1000000
ITEM_NUM = 1000000
D = 32
N = 20
B = 4096


def setup_inputs(seed: int = 0) -> dict:
    key = jax.random.key(seed)
    k1, k2, k3, k4, k5 = jax.random.split(key, 5)
    user = jax.random.randint(k1, (B, 1), 0, USER_NUM)
    memory = jax.random.randint(k2, (B, N), 0, ITEM_NUM)
    user_table = jax.random.normal(k3, (USER_NUM, D), dtype=jnp.float32) * 0.01
    item_table = jax.random.normal(k4, (ITEM_NUM + 1, D), dtype=jnp.float32) * 0.01
    item_table = item_table.at[-1].set(0.0)
    weights = jax.random.uniform(k5, (N,), dtype=jnp.float32)
    return {"user": user, "memory": memory, "user_table": user_table,
            "item_table": item_table, "weights": weights}


def reference(user, memory, user_table, item_table, weights):
    # user: [B,1] -> embedding -> [B,1,D] -> squeeze(1) -> [B,D]
    user_emb = jnp.take(user_table, user[:, 0], axis=0)          # [B, D]
    # memory: [B,N] -> embedding -> [B,N,D] (squeeze(1) is a no-op)
    item_emb = jnp.take(item_table, memory, axis=0)              # [B, N, D]

    # user_item_vectors[u, i, :] = user_emb[u] * weights[i] * item_emb[u, i]
    user_item_vectors = user_emb[:, None, :] * weights[None, :, None] * item_emb

    # pairwise item vectors for item_1 < item_2 in row-major loop order
    i1, i2 = np.triu_indices(N, k=1)                             # same order as nested torch loops
    w1 = weights[i1][None, :, None]                              # [1, P, 1]
    w2 = weights[i2][None, :, None]
    item_vectors = (w1 * item_emb[:, i1, :]) * (w2 * item_emb[:, i2, :])  # [B, P, D]

    out = jnp.concatenate([user_item_vectors, item_vectors], axis=1)
    return out.reshape(user_emb.shape[0], -1)

if __name__ == "__main__":
    import jax
    _d = setup_inputs()
    print(jax.jit(kernel)(*tuple(_d.values())))

</pallas_src>

<mosaic_0001>
#map = affine_map<(d0, d1) -> (0)>
#map1 = affine_map<(d0, d1) -> (0, 0)>
module attributes {stable_mosaic.version = 14 : i64} {
  func.func @_g_body(%arg0: i32, %arg1: i32, %arg2: memref<4096xi32, #tpu.memory_space<hbm>>, %arg3: memref<20x4096xi32, #tpu.memory_space<hbm>>, %arg4: memref<1000000x32xf32, #tpu.memory_space<hbm>>, %arg5: memref<1000001x32xf32, #tpu.memory_space<hbm>>, %arg6: memref<672x4096xf32, #tpu.memory_space<hbm>>, %arg7: memref<20x128xi32, #tpu.memory_space<vmem>>, %arg8: memref<128xi32, #tpu.memory_space<vmem>>, %arg9: memref<896x32xf32, #tpu.memory_space<vmem>>, %arg10: memref<672x128xf32, #tpu.memory_space<vmem>>, %arg11: memref<!tpu.dma_semaphore, #tpu.memory_space<semaphore_mem>>) attributes {dimension_semantics = [#tpu.dimension_semantics<core_parallel>, #tpu.dimension_semantics<subcore_parallel>], iteration_bounds = array<i64: 2, 16>, scalar_prefetch = 0 : i64, scratch_operands = 5 : i64, tpu.core_type = #tpu.core_type<sc_vector_subcore>, window_params = [{transform_indices = #map}, {transform_indices = #map1}, {transform_indices = #map1}, {transform_indices = #map1}, {transform_indices = #map1}]} {
    %mul3A = arith.constant 2 : i32
    %mul3A_0 = arith.muli %arg1, %mul3A : i32
    %add3A = arith.addi %mul3A_0, %arg0 : i32
    %mul3A_1 = arith.constant 128 : i32
    %mul3A_2 = arith.muli %add3A, %mul3A_1 : i32
    "tpu.region"() ({
      %run_scoped3A = tpu.sem_alloc : memref<!tpu.dma_semaphore, #tpu.memory_space<semaphore_mem>>
      %dma_start3A_431 = arith.constant 0 : i32
      %dma_start3A_432 = tpu.memref_slice %arg3[%dma_start3A_431, %mul3A_2] : memref<20x4096xi32, #tpu.memory_space<hbm>> -> memref<20x128xi32, #tpu.memory_space<hbm>>
      %dma_start3A_433 = arith.constant 0 : i32
      %dma_start3A_434 = tpu.memref_slice %arg3[%dma_start3A_433, %mul3A_2] : memref<20x4096xi32, #tpu.memory_space<hbm>> -> memref<20x128xi32, #tpu.memory_space<hbm>>
      tpu.enqueue_dma source(%dma_start3A_434 : memref<20x128xi32, #tpu.memory_space<hbm>>) target(%arg7 : memref<20x128xi32, #tpu.memory_space<vmem>>) target_semaphore(%run_scoped3A : memref<!tpu.dma_semaphore, #tpu.memory_space<semaphore_mem>>)
      %dma_wait3A_435 = arith.constant 0 : i32
      %dma_wait3A_436 = tpu.memref_slice %arg3[%dma_wait3A_435, %mul3A_2] : memref<20x4096xi32, #tpu.memory_space<hbm>> -> memref<20x128xi32, #tpu.memory_space<hbm>>
      %dma_wait3A_437 = arith.constant 0 : i32
      %dma_wait3A_438 = tpu.memref_slice %arg3[%dma_wait3A_437, %mul3A_2] : memref<20x4096xi32, #tpu.memory_space<hbm>> -> memref<20x128xi32, #tpu.memory_space<hbm>>
      tpu.wait_dma2 semaphore(%run_scoped3A : memref<!tpu.dma_semaphore, #tpu.memory_space<semaphore_mem>>) src(%dma_wait3A_438 : memref<20x128xi32, #tpu.memory_space<hbm>>) dst(%arg7 : memref<20x128xi32, #tpu.memory_space<vmem>>)
      tpu.yield
    }) : () -> ()
    "tpu.region"() ({
      %run_scoped3A = tpu.sem_alloc : memref<!tpu.dma_semaphore, #tpu.memory_space<semaphore_mem>>
      %dma_start3A_431 = tpu.memref_slice %arg2[%mul3A_2] : memref<4096xi32, #tpu.memory_space<hbm>> -> memref<128xi32, #tpu.memory_space<hbm>>
      %dma_start3A_432 = tpu.memref_slice %arg2[%mul3A_2] : memref<4096xi32, #tpu.memory_space<hbm>> -> memref<128xi32, #tpu.memory_space<hbm>>
      tpu.enqueue_dma source(%dma_start3A_432 : memref<128xi32, #tpu.memory_space<hbm>>) target(%arg8 : memref<128xi32, #tpu.memory_space<vmem>>) target_semaphore(%run_scoped3A : memref<!tpu.dma_semaphore, #tpu.memory_space<semaphore_mem>>)
      %dma_wait3A_433 = tpu.memref_slice %arg2[%mul3A_2] : memref<4096xi32, #tpu.memory_space<hbm>> -> memref<128xi32, #tpu.memory_space<hbm>>
      %dma_wait3A_434 = tpu.memref_slice %arg2[%mul3A_2] : memref<4096xi32, #tpu.memory_space<hbm>> -> memref<128xi32, #tpu.memory_space<hbm>>
      tpu.wait_dma2 semaphore(%run_scoped3A : memref<!tpu.dma_semaphore, #tpu.memory_space<semaphore_mem>>) src(%dma_wait3A_434 : memref<128xi32, #tpu.memory_space<hbm>>) dst(%arg8 : memref<128xi32, #tpu.memory_space<vmem>>)
      tpu.yield
    }) : () -> ()
    %iota3A = tpu.iota {dimensions = array<i32: 0>} : vector<16xi32>
    %dma_start3A = arith.constant 0 : i32
    %dma_start3A_3 = arith.constant 0 : i32
    %dma_start3A_4 = arith.constant 0 : i32
    %dma_start3A_5 = tpu.memref_slice %arg9[%dma_start3A_3, %dma_start3A_4] : memref<896x32xf32, #tpu.memory_space<vmem>> -> memref<128x32xf32, #tpu.memory_space<vmem>>
    %dma_start3A_6 = arith.constant 0 : i32
    %dma_start3A_7 = tpu.memref_slice %arg7[%dma_start3A, %dma_start3A_6] : memref<20x128xi32, #tpu.memory_space<vmem>> -> memref<1x128xi32, #tpu.memory_space<vmem>>
    %dma_start3A_8 = tpu.memref_squeeze %dma_start3A_7 : memref<1x128xi32, #tpu.memory_space<vmem>> -> memref<128xi32, #tpu.memory_space<vmem>>
    %dma_start3A_9 = arith.constant 0 : i32
    %dma_start3A_10 = arith.constant 0 : i32
    %dma_start3A_11 = tpu.memref_slice %arg5[%dma_start3A_9, %dma_start3A_10] : memref<1000001x32xf32, #tpu.memory_space<hbm>> -> memref<1000001x32xf32, #tpu.memory_space<hbm>>
    tpu.enqueue_indirect_dma source(%dma_start3A_11 : memref<1000001x32xf32, #tpu.memory_space<hbm>>) target(%dma_start3A_5 : memref<128x32xf32, #tpu.memory_space<vmem>>) offsets(%dma_start3A_8 : memref<128xi32, #tpu.memory_space<vmem>>) semaphore(%arg11 : memref<!tpu.dma_semaphore, #tpu.memory_space<semaphore_mem>>)
    %dma_start3A_12 = arith.constant 1 : i32
    %dma_start3A_13 = arith.constant 128 : i32
    %dma_start3A_14 = arith.constant 0 : i32
    %dma_start3A_15 = tpu.memref_slice %arg9[%dma_start3A_13, %dma_start3A_14] : memref<896x32xf32, #tpu.memory_space<vmem>> -> memref<128x32xf32, #tpu.memory_space<vmem>>
    %dma_start3A_16 = arith.constant 0 : i32
    %dma_start3A_17 = tpu.memref_slice %arg7[%dma_start3A_12, %dma_start3A_16] : memref<20x128xi32, #tpu.memory_space<vmem>> -> memref<1x128xi32, #tpu.memory_space<vmem>>
    %dma_start3A_18 = tpu.memref_squeeze %dma_start3A_17 : memref<1x128xi32, #tpu.memory_space<vmem>> -> memref<128xi32, #tpu.memory_space<vmem>>
    %dma_start3A_19 = arith.constant 0 : i32
    %dma_start3A_20 = arith.constant 0 : i32
    %dma_start3A_21 = tpu.memref_slice %arg5[%dma_start3A_19, %dma_start3A_20] : memref<1000001x32xf32, #tpu.memory_space<hbm>> -> memref<1000001x32xf32, #tpu.memory_space<hbm>>
    tpu.enqueue_indirect_dma source(%dma_start3A_21 : memref<1000001x32xf32, #tpu.memory_space<hbm>>) target(%dma_start3A_15 : memref<128x32xf32, #tpu.memory_space<vmem>>) offsets(%dma_start3A_18 : memref<128xi32, #tpu.memory_space<vmem>>) semaphore(%arg11 : memref<!tpu.dma_semaphore, #tpu.memory_space<semaphore_mem>>)
    %dma_start3A_22 = arith.constant 2 : i32
    %dma_start3A_23 = arith.constant 256 : i32
    %dma_start3A_24 = arith.constant 0 : i32
    %dma_start3A_25 = tpu.memref_slice %arg9[%dma_start3A_23, %dma_start3A_24] : memref<896x32xf32, #tpu.memory_space<vmem>> -> memref<128x32xf32, #tpu.memory_space<vmem>>
    %dma_start3A_26 = arith.constant 0 : i32
    %dma_start3A_27 = tpu.memref_slice %arg7[%dma_start3A_22, %dma_start3A_26] : memref<20x128xi32, #tpu.memory_space<vmem>> -> memref<1x128xi32, #tpu.memory_space<vmem>>
    %dma_start3A_28 = tpu.memref_squeeze %dma_start3A_27 : memref<1x128xi32, #tpu.memory_space<vmem>> -> memref<128xi32, #tpu.memory_space<vmem>>
    %dma_start3A_29 = arith.constant 0 : i32
    %dma_start3A_30 = arith.constant 0 : i32
    %dma_start3A_31 = tpu.memref_slice %arg5[%dma_start3A_29, %dma_start3A_30] : memref<1000001x32xf32, #tpu.memory_space<hbm>> -> memref<1000001x32xf32, #tpu.memory_space<hbm>>
    tpu.enqueue_indirect_dma source(%dma_start3A_31 : memref<1000001x32xf32, #tpu.memory_space<hbm>>) target(%dma_start3A_25 : memref<128x32xf32, #tpu.memory_space<vmem>>) offsets(%dma_start3A_28 : memref<128xi32, #tpu.memory_space<vmem>>) semaphore(%arg11 : memref<!tpu.dma_semaphore, #tpu.memory_space<semaphore_mem>>)
    %dma_start3A_32 = arith.constant 3 : i32
    %dma_start3A_33 = arith.constant 384 : i32
    %dma_start3A_34 = arith.constant 0 : i32
    %dma_start3A_35 = tpu.memref_slice %arg9[%dma_start3A_33, %dma_start3A_34] : memref<896x32xf32, #tpu.memory_space<vmem>> -> memref<128x32xf32, #tpu.memory_space<vmem>>
    %dma_start3A_36 = arith.constant 0 : i32
    %dma_start3A_37 = tpu.memref_slice %arg7[%dma_start3A_32, %dma_start3A_36] : memref<20x128xi32, #tpu.memory_space<vmem>> -> memref<1x128xi32, #tpu.memory_space<vmem>>
    %dma_start3A_38 = tpu.memref_squeeze %dma_start3A_37 : memref<1x128xi32, #tpu.memory_space<vmem>> -> memref<128xi32, #tpu.memory_space<vmem>>
    %dma_start3A_39 = arith.constant 0 : i32
    %dma_start3A_40 = arith.constant 0 : i32
    %dma_start3A_41 = tpu.memref_slice %arg5[%dma_start3A_39, %dma_start3A_40] : memref<1000001x32xf32, #tpu.memory_space<hbm>> -> memref<1000001x32xf32, #tpu.memory_space<hbm>>
    tpu.enqueue_indirect_dma source(%dma_start3A_41 : memref<1000001x32xf32, #tpu.memory_space<hbm>>) target(%dma_start3A_35 : memref<128x32xf32, #tpu.memory_space<vmem>>) offsets(%dma_start3A_38 : memref<128xi32, #tpu.memory_space<vmem>>) semaphore(%arg11 : memref<!tpu.dma_semaphore, #tpu.memory_space<semaphore_mem>>)
    %dma_start3A_42 = arith.constant 4 : i32
    %dma_start3A_43 = arith.constant 512 : i32
    %dma_start3A_44 = arith.constant 0 : i32
    %dma_start3A_45 = tpu.memref_slice %arg9[%dma_start3A_43, %dma_start3A_44] : memref<896x32xf32, #tpu.memory_space<vmem>> -> memref<128x32xf32, #tpu.memory_space<vmem>>
    %dma_start3A_46 = arith.constant 0 : i32
    %dma_start3A_47 = tpu.memref_slice %arg7[%dma_start3A_42, %dma_start3A_46] : memref<20x128xi32, #tpu.memory_space<vmem>> -> memref<1x128xi32, #tpu.memory_space<vmem>>
    %dma_start3A_48 = tpu.memref_squeeze %dma_start3A_47 : memref<1x128xi32, #tpu.memory_space<vmem>> -> memref<128xi32, #tpu.memory_space<vmem>>
    %dma_start3A_49 = arith.constant 0 : i32
    %dma_start3A_50 = arith.constant 0 : i32
    %dma_start3A_51 = tpu.memref_slice %arg5[%dma_start3A_49, %dma_start3A_50] : memref<1000001x32xf32, #tpu.memory_space<hbm>> -> memref<1000001x32xf32, #tpu.memory_space<hbm>>
    tpu.enqueue_indirect_dma source(%dma_start3A_51 : memref<1000001x32xf32, #tpu.memory_space<hbm>>) target(%dma_start3A_45 : memref<128x32xf32, #tpu.memory_space<vmem>>) offsets(%dma_start3A_48 : memref<128xi32, #tpu.memory_space<vmem>>) semaphore(%arg11 : memref<!tpu.dma_semaphore, #tpu.memory_space<semaphore_mem>>)
    %dma_start3A_52 = arith.constant 5 : i32
    %dma_start3A_53 = arith.constant 640 : i32
    %dma_start3A_54 = arith.constant 0 : i32
    %dma_start3A_55 = tpu.memref_slice %arg9[%dma_start3A_53, %dma_start3A_54] : memref<896x32xf32, #tpu.memory_space<vmem>> -> memref<128x32xf32, #tpu.memory_space<vmem>>
    %dma_start3A_56 = arith.constant 0 : i32
    %dma_start3A_57 = tpu.memref_slice %arg7[%dma_start3A_52, %dma_start3A_56] : memref<20x128xi32, #tpu.memory_space<vmem>> -> memref<1x128xi32, #tpu.memory_space<vmem>>
    %dma_start3A_58 = tpu.memref_squeeze %dma_start3A_57 : memref<1x128xi32, #tpu.memory_space<vmem>> -> memref<128xi32, #tpu.memory_space<vmem>>
    %dma_start3A_59 = arith.constant 0 : i32
    %dma_start3A_60 = arith.constant 0 : i32
    %dma_start3A_61 = tpu.memref_slice %arg5[%dma_start3A_59, %dma_start3A_60] : memref<1000001x32xf32, #tpu.memory_space<hbm>> -> memref<1000001x32xf32, #tpu.memory_space<hbm>>
    tpu.enqueue_indirect_dma source(%dma_start3A_61 : memref<1000001x32xf32, #tpu.memory_space<hbm>>) target(%dma_start3A_55 : memref<128x32xf32, #tpu.memory_space<vmem>>) offsets(%dma_start3A_58 : memref<128xi32, #tpu.memory_space<vmem>>) semaphore(%arg11 : memref<!tpu.dma_semaphore, #tpu.memory_space<semaphore_mem>>)
    %dma_start3A_62 = arith.constant 6 : i32
    %dma_start3A_63 = arith.constant 768 : i32
    %dma_start3A_64 = arith.constant 0 : i32
    %dma_start3A_65 = tpu.memref_slice %arg9[%dma_start3A_63, %dma_start3A_64] : memref<896x32xf32, #tpu.memory_space<vmem>> -> memref<128x32xf32, #tpu.memory_space<vmem>>
    %dma_start3A_66 = arith.constant 0 : i32
    %dma_start3A_67 = tpu.memref_slice %arg7[%dma_start3A_62, %dma_start3A_66] : memref<20x128xi32, #tpu.memory_space<vmem>> -> memref<1x128xi32, #tpu.memory_space<vmem>>
    %dma_start3A_68 = tpu.memref_squeeze %dma_start3A_67 : memref<1x128xi32, #tpu.memory_space<vmem>> -> memref<128xi32, #tpu.memory_space<vmem>>
    %dma_start3A_69 = arith.constant 0 : i32
    %dma_start3A_70 = arith.constant 0 : i32
    %dma_start3A_71 = tpu.memref_slice %arg5[%dma_start3A_69, %dma_start3A_70] : memref<1000001x32xf32, #tpu.memory_space<hbm>> -> memref<1000001x32xf32, #tpu.memory_space<hbm>>
    tpu.enqueue_indirect_dma source(%dma_start3A_71 : memref<1000001x32xf32, #tpu.memory_space<hbm>>) target(%dma_start3A_65 : memref<128x32xf32, #tpu.memory_space<vmem>>) offsets(%dma_start3A_68 : memref<128xi32, #tpu.memory_space<vmem>>) semaphore(%arg11 : memref<!tpu.dma_semaphore, #tpu.memory_space<semaphore_mem>>)
    %dma_wait3A = arith.constant 0 : i32
    %dma_wait3A_72 = arith.constant 0 : i32
    %dma_wait3A_73 = arith.constant 0 : i32
    %dma_wait3A_74 = tpu.memref_slice %arg9[%dma_wait3A_72, %dma_wait3A_73] : memref<896x32xf32, #tpu.memory_space<vmem>> -> memref<128x32xf32, #tpu.memory_space<vmem>>
    %dma_wait3A_75 = arith.constant 0 : i32
    %dma_wait3A_76 = tpu.memref_slice %arg7[%dma_wait3A, %dma_wait3A_75] : memref<20x128xi32, #tpu.memory_space<vmem>> -> memref<1x128xi32, #tpu.memory_space<vmem>>
    %dma_wait3A_77 = tpu.memref_squeeze %dma_wait3A_76 : memref<1x128xi32, #tpu.memory_space<vmem>> -> memref<128xi32, #tpu.memory_space<vmem>>
    %dma_wait3A_78 = arith.constant 0 : i32
    %dma_wait3A_79 = arith.constant 0 : i32
    %dma_wait3A_80 = tpu.memref_slice %arg5[%dma_wait3A_78, %dma_wait3A_79] : memref<1000001x32xf32, #tpu.memory_space<hbm>> -> memref<1000001x32xf32, #tpu.memory_space<hbm>>
    tpu.wait_indirect_dma semaphore(%arg11 : memref<!tpu.dma_semaphore, #tpu.memory_space<semaphore_mem>>) src(%dma_wait3A_80 : memref<1000001x32xf32, #tpu.memory_space<hbm>>) dst(%dma_wait3A_74 : memref<128x32xf32, #tpu.memory_space<vmem>>)
    %dma_wait3A_81 = arith.constant 0 : i32
    %dma_wait3A_82 = arith.constant 0 : i32
    %dma_wait3A_83 = arith.constant 0 : i32
    %dma_wait3A_84 = tpu.memref_slice %arg9[%dma_wait3A_82, %dma_wait3A_83] : memref<896x32xf32, #tpu.memory_space<vmem>> -> memref<128x32xf32, #tpu.memory_space<vmem>>
    %dma_wait3A_85 = arith.constant 0 : i32
    %dma_wait3A_86 = tpu.memref_slice %arg7[%dma_wait3A_81, %dma_wait3A_85] : memref<20x128xi32, #tpu.memory_space<vmem>> -> memref<1x128xi32, #tpu.memory_space<vmem>>
    %dma_wait3A_87 = tpu.memref_squeeze %dma_wait3A_86 : memref<1x128xi32, #tpu.memory_space<vmem>> -> memref<128xi32, #tpu.memory_space<vmem>>
    %dma_wait3A_88 = arith.constant 0 : i32
    %dma_wait3A_89 = arith.constant 0 : i32
    %dma_wait3A_90 = tpu.memref_slice %arg5[%dma_wait3A_88, %dma_wait3A_89] : memref<1000001x32xf32, #tpu.memory_space<hbm>> -> memref<1000001x32xf32, #tpu.memory_space<hbm>>
    tpu.wait_indirect_dma semaphore(%arg11 : memref<!tpu.dma_semaphore, #tpu.memory_space<semaphore_mem>>) src(%dma_wait3A_90 : memref<1000001x32xf32, #tpu.memory_space<hbm>>) dst(%dma_wait3A_84 : memref<128x32xf32, #tpu.memory_space<vmem>>)
    %dma_wait3A_91 = arith.constant 0 : i32
    %dma_wait3A_92 = arith.constant 0 : i32
    %dma_wait3A_93 = arith.constant 0 : i32
    %dma_wait3A_94 = tpu.memref_slice %arg9[%dma_wait3A_92, %dma_wait3A_93] : memref<896x32xf32, #tpu.memory_space<vmem>> -> memref<128x32xf32, #tpu.memory_space<vmem>>
    %dma_wait3A_95 = arith.constant 0 : i32
    %dma_wait3A_96 = tpu.memref_slice %arg7[%dma_wait3A_91, %dma_wait3A_95] : memref<20x128xi32, #tpu.memory_space<vmem>> -> memref<1x128xi32, #tpu.memory_space<vmem>>
    %dma_wait3A_97 = tpu.memref_squeeze %dma_wait3A_96 : memref<1x128xi32, #tpu.memory_space<vmem>> -> memref<128xi32, #tpu.memory_space<vmem>>
    %dma_wait3A_98 = arith.constant 0 : i32
    %dma_wait3A_99 = arith.constant 0 : i32
    %dma_wait3A_100 = tpu.memref_slice %arg5[%dma_wait3A_98, %dma_wait3A_99] : memref<1000001x32xf32, #tpu.memory_space<hbm>> -> memref<1000001x32xf32, #tpu.memory_space<hbm>>
    tpu.wait_indirect_dma semaphore(%arg11 : memref<!tpu.dma_semaphore, #tpu.memory_space<semaphore_mem>>) src(%dma_wait3A_100 : memref<1000001x32xf32, #tpu.memory_space<hbm>>) dst(%dma_wait3A_94 : memref<128x32xf32, #tpu.memory_space<vmem>>)
    %dma_wait3A_101 = arith.constant 0 : i32
    %dma_wait3A_102 = arith.constant 0 : i32
    %dma_wait3A_103 = arith.constant 0 : i32
    %dma_wait3A_104 = tpu.memref_slice %arg9[%dma_wait3A_102, %dma_wait3A_103] : memref<896x32xf32, #tpu.memory_space<vmem>> -> memref<128x32xf32, #tpu.memory_space<vmem>>
    %dma_wait3A_105 = arith.constant 0 : i32
    %dma_wait3A_106 = tpu.memref_slice %arg7[%dma_wait3A_101, %dma_wait3A_105] : memref<20x128xi32, #tpu.memory_space<vmem>> -> memref<1x128xi32, #tpu.memory_space<vmem>>
    %dma_wait3A_107 = tpu.memref_squeeze %dma_wait3A_106 : memref<1x128xi32, #tpu.memory_space<vmem>> -> memref<128xi32, #tpu.memory_space<vmem>>
    %dma_wait3A_108 = arith.constant 0 : i32
    %dma_wait3A_109 = arith.constant 0 : i32
    %dma_wait3A_110 = tpu.memref_slice %arg5[%dma_wait3A_108, %dma_wait3A_109] : memref<1000001x32xf32, #tpu.memory_space<hbm>> -> memref<1000001x32xf32, #tpu.memory_space<hbm>>
    tpu.wait_indirect_dma semaphore(%arg11 : memref<!tpu.dma_semaphore, #tpu.memory_space<semaphore_mem>>) src(%dma_wait3A_110 : memref<1000001x32xf32, #tpu.memory_space<hbm>>) dst(%dma_wait3A_104 : memref<128x32xf32, #tpu.memory_space<vmem>>)
    %dma_wait3A_111 = arith.constant 0 : i32
    %dma_wait3A_112 = arith.constant 0 : i32
    %dma_wait3A_113 = arith.constant 0 : i32
    %dma_wait3A_114 = tpu.memref_slice %arg9[%dma_wait3A_112, %dma_wait3A_113] : memref<896x32xf32, #tpu.memory_space<vmem>> -> memref<128x32xf32, #tpu.memory_space<vmem>>
    %dma_wait3A_115 = arith.constant 0 : i32
    %dma_wait3A_116 = tpu.memref_slice %arg7[%dma_wait3A_111, %dma_wait3A_115] : memref<20x128xi32, #tpu.memory_space<vmem>> -> memref<1x128xi32, #tpu.memory_space<vmem>>
    %dma_wait3A_117 = tpu.memref_squeeze %dma_wait3A_116 : memref<1x128xi32, #tpu.memory_space<vmem>> -> memref<128xi32, #tpu.memory_space<vmem>>
    %dma_wait3A_118 = arith.constant 0 : i32
    %dma_wait3A_119 = arith.constant 0 : i32
    %dma_wait3A_120 = tpu.memref_slice %arg5[%dma_wait3A_118, %dma_wait3A_119] : memref<1000001x32xf32, #tpu.memory_space<hbm>> -> memref<1000001x32xf32, #tpu.memory_space<hbm>>
    tpu.wait_indirect_dma semaphore(%arg11 : memref<!tpu.dma_semaphore, #tpu.memory_space<semaphore_mem>>) src(%dma_wait3A_120 : memref<1000001x32xf32, #tpu.memory_space<hbm>>) dst(%dma_wait3A_114 : memref<128x32xf32, #tpu.memory_space<vmem>>)
    %dma_wait3A_121 = arith.constant 0 : i32
    %dma_wait3A_122 = arith.constant 0 : i32
    %dma_wait3A_123 = arith.constant 0 : i32
    %dma_wait3A_124 = tpu.memref_slice %arg9[%dma_wait3A_122, %dma_wait3A_123] : memref<896x32xf32, #tpu.memory_space<vmem>> -> memref<128x32xf32, #tpu.memory_space<vmem>>
    %dma_wait3A_125 = arith.constant 0 : i32
    %dma_wait3A_126 = tpu.memref_slice %arg7[%dma_wait3A_121, %dma_wait3A_125] : memref<20x128xi32, #tpu.memory_space<vmem>> -> memref<1x128xi32, #tpu.memory_space<vmem>>
    %dma_wait3A_127 = tpu.memref_squeeze %dma_wait3A_126 : memref<1x128xi32, #tpu.memory_space<vmem>> -> memref<128xi32, #tpu.memory_space<vmem>>
    %dma_wait3A_128 = arith.constant 0 : i32
    %dma_wait3A_129 = arith.constant 0 : i32
    %dma_wait3A_130 = tpu.memref_slice %arg5[%dma_wait3A_128, %dma_wait3A_129] : memref<1000001x32xf32, #tpu.memory_space<hbm>> -> memref<1000001x32xf32, #tpu.memory_space<hbm>>
    tpu.wait_indirect_dma semaphore(%arg11 : memref<!tpu.dma_semaphore, #tpu.memory_space<semaphore_mem>>) src(%dma_wait3A_130 : memref<1000001x32xf32, #tpu.memory_space<hbm>>) dst(%dma_wait3A_124 : memref<128x32xf32, #tpu.memory_space<vmem>>)
    %dma_wait3A_131 = arith.constant 0 : i32
    %dma_wait3A_132 = arith.constant 0 : i32
    %dma_wait3A_133 = arith.constant 0 : i32
    %dma_wait3A_134 = tpu.memref_slice %arg9[%dma_wait3A_132, %dma_wait3A_133] : memref<896x32xf32, #tpu.memory_space<vmem>> -> memref<128x32xf32, #tpu.memory_space<vmem>>
    %dma_wait3A_135 = arith.constant 0 : i32
    %dma_wait3A_136 = tpu.memref_slice %arg7[%dma_wait3A_131, %dma_wait3A_135] : memref<20x128xi32, #tpu.memory_space<vmem>> -> memref<1x128xi32, #tpu.memory_space<vmem>>
    %dma_wait3A_137 = tpu.memref_squeeze %dma_wait3A_136 : memref<1x128xi32, #tpu.memory_space<vmem>> -> memref<128xi32, #tpu.memory_space<vmem>>
    %dma_wait3A_138 = arith.constant 0 : i32
    %dma_wait3A_139 = arith.constant 0 : i32
    %dma_wait3A_140 = tpu.memref_slice %arg5[%dma_wait3A_138, %dma_wait3A_139] : memref<1000001x32xf32, #tpu.memory_space<hbm>> -> memref<1000001x32xf32, #tpu.memory_space<hbm>>
    tpu.wait_indirect_dma semaphore(%arg11 : memref<!tpu.dma_semaphore, #tpu.memory_space<semaphore_mem>>) src(%dma_wait3A_140 : memref<1000001x32xf32, #tpu.memory_space<hbm>>) dst(%dma_wait3A_134 : memref<128x32xf32, #tpu.memory_space<vmem>>)
    %scan3A = arith.constant 0 : i32
    %scan3A_141 = arith.constant 32 : i32
    %scan3A_142 = arith.addi %scan3A, %scan3A_141 : i32
    %scan3A_143 = arith.constant 1 : i32
    scf.for %scan3A_431 = %scan3A to %scan3A_142 step %scan3A_143  : i32 {
      %add3A_432 = arith.constant 0 : i32
      %add3A_433 = vector.broadcast %add3A_432 : i32 to vector<16xi32>
      %add3A_434 = arith.addi %iota3A, %add3A_433 : vector<16xi32>
      %broadcast_in_dim3A = arith.constant 0 : i32
      %broadcast_in_dim3A_435 = vector.broadcast %broadcast_in_dim3A : i32 to vector<16xi32>
      %add3A_436 = vector.broadcast %scan3A_431 : i32 to vector<16xi32>
      %add3A_437 = arith.addi %broadcast_in_dim3A_435, %add3A_436 : vector<16xi32>
      %gather3A = tpu.vector_load_idx %arg9[%add3A_434, %add3A_437] : memref<896x32xf32, #tpu.memory_space<vmem>>[vector<16xi32>, vector<16xi32>], vector<16xf32>,
      %add3A_438 = arith.constant 0 : i32
      %add3A_439 = arith.addi %add3A_438, %scan3A_431 : i32
      %swap3A = arith.index_cast %add3A_439 : i32 to index
      %swap3A_440 = arith.constant 0 : index
      %swap3A_441 = tpu.vector_load %arg10[%swap3A, %swap3A_440] {strides = array<i32>} : memref<672x128xf32, #tpu.memory_space<vmem>>, vector<16xf32>,
      tpu.vector_store %arg10[%swap3A, %swap3A_440], %gather3A {strides = array<i32>} : memref<672x128xf32, #tpu.memory_space<vmem>>, vector<16xf32>,
      %add3A_442 = arith.constant 16 : i32
      %add3A_443 = vector.broadcast %add3A_442 : i32 to vector<16xi32>
      %add3A_444 = arith.addi %iota3A, %add3A_443 : vector<16xi32>
      %broadcast_in_dim3A_445 = arith.constant 0 : i32
      %broadcast_in_dim3A_446 = vector.broadcast %broadcast_in_dim3A_445 : i32 to vector<16xi32>
      %add3A_447 = vector.broadcast %scan3A_431 : i32 to vector<16xi32>
      %add3A_448 = arith.addi %broadcast_in_dim3A_446, %add3A_447 : vector<16xi32>
      %gather3A_449 = tpu.vector_load_idx %arg9[%add3A_444, %add3A_448] : memref<896x32xf32, #tpu.memory_space<vmem>>[vector<16xi32>, vector<16xi32>], vector<16xf32>,
      %add3A_450 = arith.constant 0 : i32
      %add3A_451 = arith.addi %add3A_450, %scan3A_431 : i32
      %swap3A_452 = arith.index_cast %add3A_451 : i32 to index
      %swap3A_453 = arith.constant 16 : index
      %swap3A_454 = tpu.vector_load %arg10[%swap3A_452, %swap3A_453] {strides = array<i32>} : memref<672x128xf32, #tpu.memory_space<vmem>>, vector<16xf32>,
      tpu.vector_store %arg10[%swap3A_452, %swap3A_453], %gather3A_449 {strides = array<i32>} : memref<672x128xf32, #tpu.memory_space<vmem>>, vector<16xf32>,
      %add3A_455 = arith.constant 32 : i32
      %add3A_456 = vector.broadcast %add3A_455 : i32 to vector<16xi32>
      %add3A_457 = arith.addi %iota3A, %add3A_456 : vector<16xi32>
      %broadcast_in_dim3A_458 = arith.constant 0 : i32
      %broadcast_in_dim3A_459 = vector.broadcast %broadcast_in_dim3A_458 : i32 to vector<16xi32>
      %add3A_460 = vector.broadcast %scan3A_431 : i32 to vector<16xi32>
      %add3A_461 = arith.addi %broadcast_in_dim3A_459, %add3A_460 : vector<16xi32>
      %gather3A_462 = tpu.vector_load_idx %arg9[%add3A_457, %add3A_461] : memref<896x32xf32, #tpu.memory_space<vmem>>[vector<16xi32>, vector<16xi32>], vector<16xf32>,
      %add3A_463 = arith.constant 0 : i32
      %add3A_464 = arith.addi %add3A_463, %scan3A_431 : i32
      %swap3A_465 = arith.index_cast %add3A_464 : i32 to index
      %swap3A_466 = arith.constant 32 : index
      %swap3A_467 = tpu.vector_load %arg10[%swap3A_465, %swap3A_466] {strides = array<i32>} : memref<672x128xf32, #tpu.memory_space<vmem>>, vector<16xf32>,
      tpu.vector_store %arg10[%swap3A_465, %swap3A_466], %gather3A_462 {strides = array<i32>} : memref<672x128xf32, #tpu.memory_space<vmem>>, vector<16xf32>,
      %add3A_468 = arith.constant 48 : i32
      %add3A_469 = vector.broadcast %add3A_468 : i32 to vector<16xi32>
      %add3A_470 = arith.addi %iota3A, %add3A_469 : vector<16xi32>
      %broadcast_in_dim3A_471 = arith.constant 0 : i32
      %broadcast_in_dim3A_472 = vector.broadcast %broadcast_in_dim3A_471 : i32 to vector<16xi32>
      %add3A_473 = vector.broadcast %scan3A_431 : i32 to vector<16xi32>
      %add3A_474 = arith.addi %broadcast_in_dim3A_472, %add3A_473 : vector<16xi32>
      %gather3A_475 = tpu.vector_load_idx %arg9[%add3A_470, %add3A_474] : memref<896x32xf32, #tpu.memory_space<vmem>>[vector<16xi32>, vector<16xi32>], vector<16xf32>,
      %add3A_476 = arith.constant 0 : i32
      %add3A_477 = arith.addi %add3A_476, %scan3A_431 : i32
      %swap3A_478 = arith.index_cast %add3A_477 : i32 to index
      %swap3A_479 = arith.constant 48 : index
      %swap3A_480 = tpu.vector_load %arg10[%swap3A_478, %swap3A_479] {strides = array<i32>} : memref<672x128xf32, #tpu.memory_space<vmem>>, vector<16xf32>,
      tpu.vector_store %arg10[%swap3A_478, %swap3A_479], %gather3A_475 {strides = array<i32>} : memref<672x128xf32, #tpu.memory_space<vmem>>, vector<16xf32>,
      %add3A_481 = arith.constant 64 : i32
      %add3A_482 = vector.broadcast %add3A_481 : i32 to vector<16xi32>
      %add3A_483 = arith.addi %iota3A, %add3A_482 : vector<16xi32>
      %broadcast_in_dim3A_484 = arith.constant 0 : i32
      %broadcast_in_dim3A_485 = vector.broadcast %broadcast_in_dim3A_484 : i32 to vector<16xi32>
      %add3A_486 = vector.broadcast %scan3A_431 : i32 to vector<16xi32>
      %add3A_487 = arith.addi %broadcast_in_dim3A_485, %add3A_486 : vector<16xi32>
      %gather3A_488 = tpu.vector_load_idx %arg9[%add3A_483, %add3A_487] : memref<896x32xf32, #tpu.memory_space<vmem>>[vector<16xi32>, vector<16xi32>], vector<16xf32>,
      %add3A_489 = arith.constant 0 : i32
      %add3A_490 = arith.addi %add3A_489, %scan3A_431 : i32
      %swap3A_491 = arith.index_cast %add3A_490 : i32 to index
      %swap3A_492 = arith.constant 64 : index
      %swap3A_493 = tpu.vector_load %arg10[%swap3A_491, %swap3A_492] {strides = array<i32>} : memref<672x128xf32, #tpu.memory_space<vmem>>, vector<16xf32>,
      tpu.vector_store %arg10[%swap3A_491, %swap3A_492], %gather3A_488 {strides = array<i32>} : memref<672x128xf32, #tpu.memory_space<vmem>>, vector<16xf32>,
      %add3A_494 = arith.constant 80 : i32
      %add3A_495 = vector.broadcast %add3A_494 : i32 to vector<16xi32>
      %add3A_496 = arith.addi %iota3A, %add3A_495 : vector<16xi32>
      %broadcast_in_dim3A_497 = arith.constant 0 : i32
      %broadcast_in_dim3A_498 = vector.broadcast %broadcast_in_dim3A_497 : i32 to vector<16xi32>
      %add3A_499 = vector.broadcast %scan3A_431 : i32 to vector<16xi32>
      %add3A_500 = arith.addi %broadcast_in_dim3A_498, %add3A_499 : vector<16xi32>
      %gather3A_501 = tpu.vector_load_idx %arg9[%add3A_496, %add3A_500] : memref<896x32xf32, #tpu.memory_space<vmem>>[vector<16xi32>, vector<16xi32>], vector<16xf32>,
      %add3A_502 = arith.constant 0 : i32
      %add3A_503 = arith.addi %add3A_502, %scan3A_431 : i32
      %swap3A_504 = arith.index_cast %add3A_503 : i32 to index
      %swap3A_505 = arith.constant 80 : index
      %swap3A_506 = tpu.vector_load %arg10[%swap3A_504, %swap3A_505] {strides = array<i32>} : memref<672x128xf32, #tpu.memory_space<vmem>>, vector<16xf32>,
      tpu.vector_store %arg10[%swap3A_504, %swap3A_505], %gather3A_501 {strides = array<i32>} : memref<672x128xf32, #tpu.memory_space<vmem>>, vector<16xf32>,
      %add3A_507 = arith.constant 96 : i32
      %add3A_508 = vector.broadcast %add3A_507 : i32 to vector<16xi32>
      %add3A_509 = arith.addi %iota3A, %add3A_508 : vector<16xi32>
      %broadcast_in_dim3A_510 = arith.constant 0 : i32
      %broadcast_in_dim3A_511 = vector.broadcast %broadcast_in_dim3A_510 : i32 to vector<16xi32>
      %add3A_512 = vector.broadcast %scan3A_431 : i32 to vector<16xi32>
      %add3A_513 = arith.addi %broadcast_in_dim3A_511, %add3A_512 : vector<16xi32>
      %gather3A_514 = tpu.vector_load_idx %arg9[%add3A_509, %add3A_513] : memref<896x32xf32, #tpu.memory_space<vmem>>[vector<16xi32>, vector<16xi32>], vector<16xf32>,
      %add3A_515 = arith.constant 0 : i32
      %add3A_516 = arith.addi %add3A_515, %scan3A_431 : i32
      %swap3A_517 = arith.index_cast %add3A_516 : i32 to index
      %swap3A_518 = arith.constant 96 : index
      %swap3A_519 = tpu.vector_load %arg10[%swap3A_517, %swap3A_518] {strides = array<i32>} : memref<672x128xf32, #tpu.memory_space<vmem>>, vector<16xf32>,
      tpu.vector_store %arg10[%swap3A_517, %swap3A_518], %gather3A_514 {strides = array<i32>} : memref<672x128xf32, #tpu.memory_space<vmem>>, vector<16xf32>,
      %add3A_520 = arith.constant 112 : i32
      %add3A_521 = vector.broadcast %add3A_520 : i32 to vector<16xi32>
      %add3A_522 = arith.addi %iota3A, %add3A_521 : vector<16xi32>
      %broadcast_in_dim3A_523 = arith.constant 0 : i32
      %broadcast_in_dim3A_524 = vector.broadcast %broadcast_in_dim3A_523 : i32 to vector<16xi32>
      %add3A_525 = vector.broadcast %scan3A_431 : i32 to vector<16xi32>
      %add3A_526 = arith.addi %broadcast_in_dim3A_524, %add3A_525 : vector<16xi32>
      %gather3A_527 = tpu.vector_load_idx %arg9[%add3A_522, %add3A_526] : memref<896x32xf32, #tpu.memory_space<vmem>>[vector<16xi32>, vector<16xi32>], vector<16xf32>,
      %add3A_528 = arith.constant 0 : i32
      %add3A_529 = arith.addi %add3A_528, %scan3A_431 : i32
      %swap3A_530 = arith.index_cast %add3A_529 : i32 to index
      %swap3A_531 = arith.constant 112 : index
      %swap3A_532 = tpu.vector_load %arg10[%swap3A_530, %swap3A_531] {strides = array<i32>} : memref<672x128xf32, #tpu.memory_space<vmem>>, vector<16xf32>,
      tpu.vector_store %arg10[%swap3A_530, %swap3A_531], %gather3A_527 {strides = array<i32>} : memref<672x128xf32, #tpu.memory_space<vmem>>, vector<16xf32>,
      %add3A_533 = arith.constant 128 : i32
      %add3A_534 = vector.broadcast %add3A_533 : i32 to vector<16xi32>
      %add3A_535 = arith.addi %iota3A, %add3A_534 : vector<16xi32>
      %broadcast_in_dim3A_536 = arith.constant 0 : i32
      %broadcast_in_dim3A_537 = vector.broadcast %broadcast_in_dim3A_536 : i32 to vector<16xi32>
      %add3A_538 = vector.broadcast %scan3A_431 : i32 to vector<16xi32>
      %add3A_539 = arith.addi %broadcast_in_dim3A_537, %add3A_538 : vector<16xi32>
      %gather3A_540 = tpu.vector_load_idx %arg9[%add3A_535, %add3A_539] : memref<896x32xf32, #tpu.memory_space<vmem>>[vector<16xi32>, vector<16xi32>], vector<16xf32>,
      %add3A_541 = arith.constant 32 : i32
      %add3A_542 = arith.addi %add3A_541, %scan3A_431 : i32
      %swap3A_543 = arith.index_cast %add3A_542 : i32 to index
      %swap3A_544 = arith.constant 0 : index
      %swap3A_545 = tpu.vector_load %arg10[%swap3A_543, %swap3A_544] {strides = array<i32>} : memref<672x128xf32, #tpu.memory_space<vmem>>, vector<16xf32>,
      tpu.vector_store %arg10[%swap3A_543, %swap3A_544], %gather3A_540 {strides = array<i32>} : memref<672x128xf32, #tpu.memory_space<vmem>>, vector<16xf32>,
      %add3A_546 = arith.constant 144 : i32
      %add3A_547 = vector.broadcast %add3A_546 : i32 to vector<16xi32>
      %add3A_548 = arith.addi %iota3A, %add3A_547 : vector<16xi32>
      %broadcast_in_dim3A_549 = arith.constant 0 : i32
      %broadcast_in_dim3A_550 = vector.broadcast %broadcast_in_dim3A_549 : i32 to vector<16xi32>
      %add3A_551 = vector.broadcast %scan3A_431 : i32 to vector<16xi32>
      %add3A_552 = arith.addi %broadcast_in_dim3A_550, %add3A_551 : vector<16xi32>
      %gather3A_553 = tpu.vector_load_idx %arg9[%add3A_548, %add3A_552] : memref<896x32xf32, #tpu.memory_space<vmem>>[vector<16xi32>, vector<16xi32>], vector<16xf32>,
      %add3A_554 = arith.constant 32 : i32
      %add3A_555 = arith.addi %add3A_554, %scan3A_431 : i32
      %swap3A_556 = arith.index_cast %add3A_555 : i32 to index
      %swap3A_557 = arith.constant 16 : index
      %swap3A_558 = tpu.vector_load %arg10[%swap3A_556, %swap3A_557] {strides = array<i32>} : memref<672x128xf32, #tpu.memory_space<vmem>>, vector<16xf32>,
      tpu.vector_store %arg10[%swap3A_556, %swap3A_557], %gather3A_553 {strides = array<i32>} : memref<672x128xf32, #tpu.memory_space<vmem>>, vector<16xf32>,
      %add3A_559 = arith.constant 160 : i32
      %add3A_560 = vector.broadcast %add3A_559 : i32 to vector<16xi32>
      %add3A_561 = arith.addi %iota3A, %add3A_560 : vector<16xi32>
      %broadcast_in_dim3A_562 = arith.constant 0 : i32
      %broadcast_in_dim3A_563 = vector.broadcast %broadcast_in_dim3A_562 : i32 to vector<16xi32>
      %add3A_564 = vector.broadcast %scan3A_431 : i32 to vector<16xi32>
      %add3A_565 = arith.addi %broadcast_in_dim3A_563, %add3A_564 : vector<16xi32>
      %gather3A_566 = tpu.vector_load_idx %arg9[%add3A_561, %add3A_565] : memref<896x32xf32, #tpu.memory_space<vmem>>[vector<16xi32>, vector<16xi32>], vector<16xf32>,
      %add3A_567 = arith.constant 32 : i32
      %add3A_568 = arith.addi %add3A_567, %scan3A_431 : i32
      %swap3A_569 = arith.index_cast %add3A_568 : i32 to index
      %swap3A_570 = arith.constant 32 : index
      %swap3A_571 = tpu.vector_load %arg10[%swap3A_569, %swap3A_570] {strides = array<i32>} : memref<672x128xf32, #tpu.memory_space<vmem>>, vector<16xf32>,
      tpu.vector_store %arg10[%swap3A_569, %swap3A_570], %gather3A_566 {strides = array<i32>} : memref<672x128xf32, #tpu.memory_space<vmem>>, vector<16xf32>,
      %add3A_572 = arith.constant 176 : i32
      %add3A_573 = vector.broadcast %add3A_572 : i32 to vector<16xi32>
      %add3A_574 = arith.addi %iota3A, %add3A_573 : vector<16xi32>
      %broadcast_in_dim3A_575 = arith.constant 0 : i32
      %broadcast_in_dim3A_576 = vector.broadcast %broadcast_in_dim3A_575 : i32 to vector<16xi32>
      %add3A_577 = vector.broadcast %scan3A_431 : i32 to vector<16xi32>
      %add3A_578 = arith.addi %broadcast_in_dim3A_576, %add3A_577 : vector<16xi32>
      %gather3A_579 = tpu.vector_load_idx %arg9[%add3A_574, %add3A_578] : memref<896x32xf32, #tpu.memory_space<vmem>>[vector<16xi32>, vector<16xi32>], vector<16xf32>,
      %add3A_580 = arith.constant 32 : i32
      %add3A_581 = arith.addi %add3A_580, %scan3A_431 : i32
      %swap3A_582 = arith.index_cast %add3A_581 : i32 to index
      %swap3A_583 = arith.constant 48 : index
      %swap3A_584 = tpu.vector_load %arg10[%swap3A_582, %swap3A_583] {strides = array<i32>} : memref<672x128xf32, #tpu.memory_space<vmem>>, vector<16xf32>,
      tpu.vector_store %arg10[%swap3A_582, %swap3A_583], %gather3A_579 {strides = array<i32>} : memref<672x128xf32, #tpu.memory_space<vmem>>, vector<16xf32>,
      %add3A_585 = arith.constant 192 : i32
      %add3A_586 = vector.broadcast %add3A_585 : i32 to vector<16xi32>
      %add3A_587 = arith.addi %iota3A, %add3A_586 : vector<16xi32>
      %broadcast_in_dim3A_588 = arith.constant 0 : i32
      %broadcast_in_dim3A_589 = vector.broadcast %broadcast_in_dim3A_588 : i32 to vector<16xi32>
      %add3A_590 = vector.broadcast %scan3A_431 : i32 to vector<16xi32>
      %add3A_591 = arith.addi %broadcast_in_dim3A_589, %add3A_590 : vector<16xi32>
      %gather3A_592 = tpu.vector_load_idx %arg9[%add3A_587, %add3A_591] : memref<896x32xf32, #tpu.memory_space<vmem>>[vector<16xi32>, vector<16xi32>], vector<16xf32>,
      %add3A_593 = arith.constant 32 : i32
      %add3A_594 = arith.addi %add3A_593, %scan3A_431 : i32
      %swap3A_595 = arith.index_cast %add3A_594 : i32 to index
      %swap3A_596 = arith.constant 64 : index
      %swap3A_597 = tpu.vector_load %arg10[%swap3A_595, %swap3A_596] {strides = array<i32>} : memref<672x128xf32, #tpu.memory_space<vmem>>, vector<16xf32>,
      tpu.vector_store %arg10[%swap3A_595, %swap3A_596], %gather3A_592 {strides = array<i32>} : memref<672x128xf32, #tpu.memory_space<vmem>>, vector<16xf32>,
      %add3A_598 = arith.constant 208 : i32
      %add3A_599 = vector.broadcast %add3A_598 : i32 to vector<16xi32>
      %add3A_600 = arith.addi %iota3A, %add3A_599 : vector<16xi32>
      %broadcast_in_dim3A_601 = arith.constant 0 : i32
      %broadcast_in_dim3A_602 = vector.broadcast %broadcast_in_dim3A_601 : i32 to vector<16xi32>
      %add3A_603 = vector.broadcast %scan3A_431 : i32 to vector<16xi32>
      %add3A_604 = arith.addi %broadcast_in_dim3A_602, %add3A_603 : vector<16xi32>
      %gather3A_605 = tpu.vector_load_idx %arg9[%add3A_600, %add3A_604] : memref<896x32xf32, #tpu.memory_space<vmem>>[vector<16xi32>, vector<16xi32>], vector<16xf32>,
      %add3A_606 = arith.constant 32 : i32
      %add3A_607 = arith.addi %add3A_606, %scan3A_431 : i32
      %swap3A_608 = arith.index_cast %add3A_607 : i32 to index
      %swap3A_609 = arith.constant 80 : index
      %swap3A_610 = tpu.vector_load %arg10[%swap3A_608, %swap3A_609] {strides = array<i32>} : memref<672x128xf32, #tpu.memory_space<vmem>>, vector<16xf32>,
      tpu.vector_store %arg10[%swap3A_608, %swap3A_609], %gather3A_605 {strides = array<i32>} : memref<672x128xf32, #tpu.memory_space<vmem>>, vector<16xf32>,
      %add3A_611 = arith.constant 224 : i32
      %add3A_612 = vector.broadcast %add3A_611 : i32 to vector<16xi32>
      %add3A_613 = arith.addi %iota3A, %add3A_612 : vector<16xi32>
      %broadcast_in_dim3A_614 = arith.constant 0 : i32
      %broadcast_in_dim3A_615 = vector.broadcast %broadcast_in_dim3A_614 : i32 to vector<16xi32>
      %add3A_616 = vector.broadcast %scan3A_431 : i32 to vector<16xi32>
      %add3A_617 = arith.addi %broadcast_in_dim3A_615, %add3A_616 : vector<16xi32>
      %gather3A_618 = tpu.vector_load_idx %arg9[%add3A_613, %add3A_617] : memref<896x32xf32, #tpu.memory_space<vmem>>[vector<16xi32>, vector<16xi32>], vector<16xf32>,
      %add3A_619 = arith.constant 32 : i32
      %add3A_620 = arith.addi %add3A_619, %scan3A_431 : i32
      %swap3A_621 = arith.index_cast %add3A_620 : i32 to index
      %swap3A_622 = arith.constant 96 : index
      %swap3A_623 = tpu.vector_load %arg10[%swap3A_621, %swap3A_622] {strides = array<i32>} : memref<672x128xf32, #tpu.memory_space<vmem>>, vector<16xf32>,
      tpu.vector_store %arg10[%swap3A_621, %swap3A_622], %gather3A_618 {strides = array<i32>} : memref<672x128xf32, #tpu.memory_space<vmem>>, vector<16xf32>,
      %add3A_624 = arith.constant 240 : i32
      %add3A_625 = vector.broadcast %add3A_624 : i32 to vector<16xi32>
      %add3A_626 = arith.addi %iota3A, %add3A_625 : vector<16xi32>
      %broadcast_in_dim3A_627 = arith.constant 0 : i32
      %broadcast_in_dim3A_628 = vector.broadcast %broadcast_in_dim3A_627 : i32 to vector<16xi32>
      %add3A_629 = vector.broadcast %scan3A_431 : i32 to vector<16xi32>
      %add3A_630 = arith.addi %broadcast_in_dim3A_628, %add3A_629 : vector<16xi32>
      %gather3A_631 = tpu.vector_load_idx %arg9[%add3A_626, %add3A_630] : memref<896x32xf32, #tpu.memory_space<vmem>>[vector<16xi32>, vector<16xi32>], vector<16xf32>,
      %add3A_632 = arith.constant 32 : i32
      %add3A_633 = arith.addi %add3A_632, %scan3A_431 : i32
      %swap3A_634 = arith.index_cast %add3A_633 : i32 to index
      %swap3A_635 = arith.constant 112 : index
      %swap3A_636 = tpu.vector_load %arg10[%swap3A_634, %swap3A_635] {strides = array<i32>} : memref<672x128xf32, #tpu.memory_space<vmem>>, vector<16xf32>,
      tpu.vector_store %arg10[%swap3A_634, %swap3A_635], %gather3A_631 {strides = array<i32>} : memref<672x128xf32, #tpu.memory_space<vmem>>, vector<16xf32>,
      %add3A_637 = arith.constant 256 : i32
      %add3A_638 = vector.broadcast %add3A_637 : i32 to vector<16xi32>
      %add3A_639 = arith.addi %iota3A, %add3A_638 : vector<16xi32>
      %broadcast_in_dim3A_640 = arith.constant 0 : i32
      %broadcast_in_dim3A_641 = vector.broadcast %broadcast_in_dim3A_640 : i32 to vector<16xi32>
      %add3A_642 = vector.broadcast %scan3A_431 : i32 to vector<16xi32>
      %add3A_643 = arith.addi %broadcast_in_dim3A_641, %add3A_642 : vector<16xi32>
      %gather3A_644 = tpu.vector_load_idx %arg9[%add3A_639, %add3A_643] : memref<896x32xf32, #tpu.memory_space<vmem>>[vector<16xi32>, vector<16xi32>], vector<16xf32>,
      %add3A_645 = arith.constant 64 : i32
      %add3A_646 = arith.addi %add3A_645, %scan3A_431 : i32
      %swap3A_647 = arith.index_cast %add3A_646 : i32 to index
      %swap3A_648 = arith.constant 0 : index
      %swap3A_649 = tpu.vector_load %arg10[%swap3A_647, %swap3A_648] {strides = array<i32>} : memref<672x128xf32, #tpu.memory_space<vmem>>, vector<16xf32>,
      tpu.vector_store %arg10[%swap3A_647, %swap3A_648], %gather3A_644 {strides = array<i32>} : memref<672x128xf32, #tpu.memory_space<vmem>>, vector<16xf32>,
      %add3A_650 = arith.constant 272 : i32
      %add3A_651 = vector.broadcast %add3A_650 : i32 to vector<16xi32>
      %add3A_652 = arith.addi %iota3A, %add3A_651 : vector<16xi32>
      %broadcast_in_dim3A_653 = arith.constant 0 : i32
      %broadcast_in_dim3A_654 = vector.broadcast %broadcast_in_dim3A_653 : i32 to vector<16xi32>
      %add3A_655 = vector.broadcast %scan3A_431 : i32 to vector<16xi32>
      %add3A_656 = arith.addi %broadcast_in_dim3A_654, %add3A_655 : vector<16xi32>
      %gather3A_657 = tpu.vector_load_idx %arg9[%add3A_652, %add3A_656] : memref<896x32xf32, #tpu.memory_space<vmem>>[vector<16xi32>, vector<16xi32>], vector<16xf32>,
      %add3A_658 = arith.constant 64 : i32
      %add3A_659 = arith.addi %add3A_658, %scan3A_431 : i32
      %swap3A_660 = arith.index_cast %add3A_659 : i32 to index
      %swap3A_661 = arith.constant 16 : index
      %swap3A_662 = tpu.vector_load %arg10[%swap3A_660, %swap3A_661] {strides = array<i32>} : memref<672x128xf32, #tpu.memory_space<vmem>>, vector<16xf32>,
      tpu.vector_store %arg10[%swap3A_660, %swap3A_661], %gather3A_657 {strides = array<i32>} : memref<672x128xf32, #tpu.memory_space<vmem>>, vector<16xf32>,
      %add3A_663 = arith.constant 288 : i32
      %add3A_664 = vector.broadcast %add3A_663 : i32 to vector<16xi32>
      %add3A_665 = arith.addi %iota3A, %add3A_664 : vector<16xi32>
      %broadcast_in_dim3A_666 = arith.constant 0 : i32
      %broadcast_in_dim3A_667 = vector.broadcast %broadcast_in_dim3A_666 : i32 to vector<16xi32>
      %add3A_668 = vector.broadcast %scan3A_431 : i32 to vector<16xi32>
      %add3A_669 = arith.addi %broadcast_in_dim3A_667, %add3A_668 : vector<16xi32>
      %gather3A_670 = tpu.vector_load_idx %arg9[%add3A_665, %add3A_669] : memref<896x32xf32, #tpu.memory_space<vmem>>[vector<16xi32>, vector<16xi32>], vector<16xf32>,
      %add3A_671 = arith.constant 64 : i32
      %add3A_672 = arith.addi %add3A_671, %scan3A_431 : i32
      %swap3A_673 = arith.index_cast %add3A_672 : i32 to index
      %swap3A_674 = arith.constant 32 : index
      %swap3A_675 = tpu.vector_load %arg10[%swap3A_673, %swap3A_674] {strides = array<i32>} : memref<672x128xf32, #tpu.memory_space<vmem>>, vector<16xf32>,
      tpu.vector_store %arg10[%swap3A_673, %swap3A_674], %gather3A_670 {strides = array<i32>} : memref<672x128xf32, #tpu.memory_space<vmem>>, vector<16xf32>,
      %add3A_676 = arith.constant 304 : i32
      %add3A_677 = vector.broadcast %add3A_676 : i32 to vector<16xi32>
      %add3A_678 = arith.addi %iota3A, %add3A_677 : vector<16xi32>
      %broadcast_in_dim3A_679 = arith.constant 0 : i32
      %broadcast_in_dim3A_680 = vector.broadcast %broadcast_in_dim3A_679 : i32 to vector<16xi32>
      %add3A_681 = vector.broadcast %scan3A_431 : i32 to vector<16xi32>
      %add3A_682 = arith.addi %broadcast_in_dim3A_680, %add3A_681 : vector<16xi32>
      %gather3A_683 = tpu.vector_load_idx %arg9[%add3A_678, %add3A_682] : memref<896x32xf32, #tpu.memory_space<vmem>>[vector<16xi32>, vector<16xi32>], vector<16xf32>,
      %add3A_684 = arith.constant 64 : i32
      %add3A_685 = arith.addi %add3A_684, %scan3A_431 : i32
      %swap3A_686 = arith.index_cast %add3A_685 : i32 to index
      %swap3A_687 = arith.constant 48 : index
      %swap3A_688 = tpu.vector_load %arg10[%swap3A_686, %swap3A_687] {strides = array<i32>} : memref<672x128xf32, #tpu.memory_space<vmem>>, vector<16xf32>,
      tpu.vector_store %arg10[%swap3A_686, %swap3A_687], %gather3A_683 {strides = array<i32>} : memref<672x128xf32, #tpu.memory_space<vmem>>, vector<16xf32>,
      %add3A_689 = arith.constant 320 : i32
      %add3A_690 = vector.broadcast %add3A_689 : i32 to vector<16xi32>
      %add3A_691 = arith.addi %iota3A, %add3A_690 : vector<16xi32>
      %broadcast_in_dim3A_692 = arith.constant 0 : i32
      %broadcast_in_dim3A_693 = vector.broadcast %broadcast_in_dim3A_692 : i32 to vector<16xi32>
      %add3A_694 = vector.broadcast %scan3A_431 : i32 to vector<16xi32>
      %add3A_695 = arith.addi %broadcast_in_dim3A_693, %add3A_694 : vector<16xi32>
      %gather3A_696 = tpu.vector_load_idx %arg9[%add3A_691, %add3A_695] : memref<896x32xf32, #tpu.memory_space<vmem>>[vector<16xi32>, vector<16xi32>], vector<16xf32>,
      %add3A_697 = arith.constant 64 : i32
      %add3A_698 = arith.addi %add3A_697, %scan3A_431 : i32
      %swap3A_699 = arith.index_cast %add3A_698 : i32 to index
      %swap3A_700 = arith.constant 64 : index
      %swap3A_701 = tpu.vector_load %arg10[%swap3A_699, %swap3A_700] {strides = array<i32>} : memref<672x128xf32, #tpu.memory_space<vmem>>, vector<16xf32>,
      tpu.vector_store %arg10[%swap3A_699, %swap3A_700], %gather3A_696 {strides = array<i32>} : memref<672x128xf32, #tpu.memory_space<vmem>>, vector<16xf32>,
      %add3A_702 = arith.constant 336 : i32
      %add3A_703 = vector.broadcast %add3A_702 : i32 to vector<16xi32>
      %add3A_704 = arith.addi %iota3A, %add3A_703 : vector<16xi32>
      %broadcast_in_dim3A_705 = arith.constant 0 : i32
      %broadcast_in_dim3A_706 = vector.broadcast %broadcast_in_dim3A_705 : i32 to vector<16xi32>
      %add3A_707 = vector.broadcast %scan3A_431 : i32 to vector<16xi32>
      %add3A_708 = arith.addi %broadcast_in_dim3A_706, %add3A_707 : vector<16xi32>
      %gather3A_709 = tpu.vector_load_idx %arg9[%add3A_704, %add3A_708] : memref<896x32xf32, #tpu.memory_space<vmem>>[vector<16xi32>, vector<16xi32>], vector<16xf32>,
      %add3A_710 = arith.constant 64 : i32
      %add3A_711 = arith.addi %add3A_710, %scan3A_431 : i32
      %swap3A_712 = arith.index_cast %add3A_711 : i32 to index
      %swap3A_713 = arith.constant 80 : index
      %swap3A_714 = tpu.vector_load %arg10[%swap3A_712, %swap3A_713] {strides = array<i32>} : memref<672x128xf32, #tpu.memory_space<vmem>>, vector<16xf32>,
      tpu.vector_store %arg10[%swap3A_712, %swap3A_713], %gather3A_709 {strides = array<i32>} : memref<672x128xf32, #tpu.memory_space<vmem>>, vector<16xf32>,
      %add3A_715 = arith.constant 352 : i32
      %add3A_716 = vector.broadcast %add3A_715 : i32 to vector<16xi32>
      %add3A_717 = arith.addi %iota3A, %add3A_716 : vector<16xi32>
      %broadcast_in_dim3A_718 = arith.constant 0 : i32
      %broadcast_in_dim3A_719 = vector.broadcast %broadcast_in_dim3A_718 : i32 to vector<16xi32>
      %add3A_720 = vector.broadcast %scan3A_431 : i32 to vector<16xi32>
      %add3A_721 = arith.addi %broadcast_in_dim3A_719, %add3A_720 : vector<16xi32>
      %gather3A_722 = tpu.vector_load_idx %arg9[%add3A_717, %add3A_721] : memref<896x32xf32, #tpu.memory_space<vmem>>[vector<16xi32>, vector<16xi32>], vector<16xf32>,
      %add3A_723 = arith.constant 64 : i32
      %add3A_724 = arith.addi %add3A_723, %scan3A_431 : i32
      %swap3A_725 = arith.index_cast %add3A_724 : i32 to index
      %swap3A_726 = arith.constant 96 : index
      %swap3A_727 = tpu.vector_load %arg10[%swap3A_725, %swap3A_726] {strides = array<i32>} : memref<672x128xf32, #tpu.memory_space<vmem>>, vector<16xf32>,
      tpu.vector_store %arg10[%swap3A_725, %swap3A_726], %gather3A_722 {strides = array<i32>} : memref<672x128xf32, #tpu.memory_space<vmem>>, vector<16xf32>,
      %add3A_728 = arith.constant 368 : i32
      %add3A_729 = vector.broadcast %add3A_728 : i32 to vector<16xi32>
      %add3A_730 = arith.addi %iota3A, %add3A_729 : vector<16xi32>
      %broadcast_in_dim3A_731 = arith.constant 0 : i32
      %broadcast_in_dim3A_732 = vector.broadcast %broadcast_in_dim3A_731 : i32 to vector<16xi32>
      %add3A_733 = vector.broadcast %scan3A_431 : i32 to vector<16xi32>
      %add3A_734 = arith.addi %broadcast_in_dim3A_732, %add3A_733 : vector<16xi32>
      %gather3A_735 = tpu.vector_load_idx %arg9[%add3A_730, %add3A_734] : memref<896x32xf32, #tpu.memory_space<vmem>>[vector<16xi32>, vector<16xi32>], vector<16xf32>,
      %add3A_736 = arith.constant 64 : i32
      %add3A_737 = arith.addi %add3A_736, %scan3A_431 : i32
      %swap3A_738 = arith.index_cast %add3A_737 : i32 to index
      %swap3A_739 = arith.constant 112 : index
      %swap3A_740 = tpu.vector_load %arg10[%swap3A_738, %swap3A_739] {strides = array<i32>} : memref<672x128xf32, #tpu.memory_space<vmem>>, vector<16xf32>,
      tpu.vector_store %arg10[%swap3A_738, %swap3A_739], %gather3A_735 {strides = array<i32>} : memref<672x128xf32, #tpu.memory_space<vmem>>, vector<16xf32>,
      %add3A_741 = arith.constant 384 : i32
      %add3A_742 = vector.broadcast %add3A_741 : i32 to vector<16xi32>
      %add3A_743 = arith.addi %iota3A, %add3A_742 : vector<16xi32>
      %broadcast_in_dim3A_744 = arith.constant 0 : i32
      %broadcast_in_dim3A_745 = vector.broadcast %broadcast_in_dim3A_744 : i32 to vector<16xi32>
      %add3A_746 = vector.broadcast %scan3A_431 : i32 to vector<16xi32>
      %add3A_747 = arith.addi %broadcast_in_dim3A_745, %add3A_746 : vector<16xi32>
      %gather3A_748 = tpu.vector_load_idx %arg9[%add3A_743, %add3A_747] : memref<896x32xf32, #tpu.memory_space<vmem>>[vector<16xi32>, vector<16xi32>], vector<16xf32>,
      %add3A_749 = arith.constant 96 : i32
      %add3A_750 = arith.addi %add3A_749, %scan3A_431 : i32
      %swap3A_751 = arith.index_cast %add3A_750 : i32 to index
      %swap3A_752 = arith.constant 0 : index
      %swap3A_753 = tpu.vector_load %arg10[%swap3A_751, %swap3A_752] {strides = array<i32>} : memref<672x128xf32, #tpu.memory_space<vmem>>, vector<16xf32>,
      tpu.vector_store %arg10[%swap3A_751, %swap3A_752], %gather3A_748 {strides = array<i32>} : memref<672x128xf32, #tpu.memory_space<vmem>>, vector<16xf32>,
      %add3A_754 = arith.constant 400 : i32
      %add3A_755 = vector.broadcast %add3A_754 : i32 to vector<16xi32>
      %add3A_756 = arith.addi %iota3A, %add3A_755 : vector<16xi32>
      %broadcast_in_dim3A_757 = arith.constant 0 : i32
      %broadcast_in_dim3A_758 = vector.broadcast %broadcast_in_dim3A_757 : i32 to vector<16xi32>
      %add3A_759 = vector.broadcast %scan3A_431 : i32 to vector<16xi32>
      %add3A_760 = arith.addi %broadcast_in_dim3A_758, %add3A_759 : vector<16xi32>
      %gather3A_761 = tpu.vector_load_idx %arg9[%add3A_756, %add3A_760] : memref<896x32xf32, #tpu.memory_space<vmem>>[vector<16xi32>, vector<16xi32>], vector<16xf32>,
      %add3A_762 = arith.constant 96 : i32
      %add3A_763 = arith.addi %add3A_762, %scan3A_431 : i32
      %swap3A_764 = arith.index_cast %add3A_763 : i32 to index
      %swap3A_765 = arith.constant 16 : index
      %swap3A_766 = tpu.vector_load %arg10[%swap3A_764, %swap3A_765] {strides = array<i32>} : memref<672x128xf32, #tpu.memory_space<vmem>>, vector<16xf32>,
      tpu.vector_store %arg10[%swap3A_764, %swap3A_765], %gather3A_761 {strides = array<i32>} : memref<672x128xf32, #tpu.memory_space<vmem>>, vector<16xf32>,
      %add3A_767 = arith.constant 416 : i32
      %add3A_768 = vector.broadcast %add3A_767 : i32 to vector<16xi32>
      %add3A_769 = arith.addi %iota3A, %add3A_768 : vector<16xi32>
      %broadcast_in_dim3A_770 = arith.constant 0 : i32
      %broadcast_in_dim3A_771 = vector.broadcast %broadcast_in_dim3A_770 : i32 to vector<16xi32>
      %add3A_772 = vector.broadcast %scan3A_431 : i32 to vector<16xi32>
      %add3A_773 = arith.addi %broadcast_in_dim3A_771, %add3A_772 : vector<16xi32>
      %gather3A_774 = tpu.vector_load_idx %arg9[%add3A_769, %add3A_773] : memref<896x32xf32, #tpu.memory_space<vmem>>[vector<16xi32>, vector<16xi32>], vector<16xf32>,
      %add3A_775 = arith.constant 96 : i32
      %add3A_776 = arith.addi %add3A_775, %scan3A_431 : i32
      %swap3A_777 = arith.index_cast %add3A_776 : i32 to index
      %swap3A_778 = arith.constant 32 : index
      %swap3A_779 = tpu.vector_load %arg10[%swap3A_777, %swap3A_778] {strides = array<i32>} : memref<672x128xf32, #tpu.memory_space<vmem>>, vector<16xf32>,
      tpu.vector_store %arg10[%swap3A_777, %swap3A_778], %gather3A_774 {strides = array<i32>} : memref<672x128xf32, #tpu.memory_space<vmem>>, vector<16xf32>,
      %add3A_780 = arith.constant 432 : i32
      %add3A_781 = vector.broadcast %add3A_780 : i32 to vector<16xi32>
      %add3A_782 = arith.addi %iota3A, %add3A_781 : vector<16xi32>
      %broadcast_in_dim3A_783 = arith.constant 0 : i32
      %broadcast_in_dim3A_784 = vector.broadcast %broadcast_in_dim3A_783 : i32 to vector<16xi32>
      %add3A_785 = vector.broadcast %scan3A_431 : i32 to vector<16xi32>
      %add3A_786 = arith.addi %broadcast_in_dim3A_784, %add3A_785 : vector<16xi32>
      %gather3A_787 = tpu.vector_load_idx %arg9[%add3A_782, %add3A_786] : memref<896x32xf32, #tpu.memory_space<vmem>>[vector<16xi32>, vector<16xi32>], vector<16xf32>,
      %add3A_788 = arith.constant 96 : i32
      %add3A_789 = arith.addi %add3A_788, %scan3A_431 : i32
      %swap3A_790 = arith.index_cast %add3A_789 : i32 to index
      %swap3A_791 = arith.constant 48 : index
      %swap3A_792 = tpu.vector_load %arg10[%swap3A_790, %swap3A_791] {strides = array<i32>} : memref<672x128xf32, #tpu.memory_space<vmem>>, vector<16xf32>,
      tpu.vector_store %arg10[%swap3A_790, %swap3A_791], %gather3A_787 {strides = array<i32>} : memref<672x128xf32, #tpu.memory_space<vmem>>, vector<16xf32>,
      %add3A_793 = arith.constant 448 : i32
      %add3A_794 = vector.broadcast %add3A_793 : i32 to vector<16xi32>
      %add3A_795 = arith.addi %iota3A, %add3A_794 : vector<16xi32>
      %broadcast_in_dim3A_796 = arith.constant 0 : i32
      %broadcast_in_dim3A_797 = vector.broadcast %broadcast_in_dim3A_796 : i32 to vector<16xi32>
      %add3A_798 = vector.broadcast %scan3A_431 : i32 to vector<16xi32>
      %add3A_799 = arith.addi %broadcast_in_dim3A_797, %add3A_798 : vector<16xi32>
      %gather3A_800 = tpu.vector_load_idx %arg9[%add3A_795, %add3A_799] : memref<896x32xf32, #tpu.memory_space<vmem>>[vector<16xi32>, vector<16xi32>], vector<16xf32>,
      %add3A_801 = arith.constant 96 : i32
      %add3A_802 = arith.addi %add3A_801, %scan3A_431 : i32
      %swap3A_803 = arith.index_cast %add3A_802 : i32 to index
      %swap3A_804 = arith.constant 64 : index
      %swap3A_805 = tpu.vector_load %arg10[%swap3A_803, %swap3A_804] {strides = array<i32>} : memref<672x128xf32, #tpu.memory_space<vmem>>, vector<16xf32>,
      tpu.vector_store %arg10[%swap3A_803, %swap3A_804], %gather3A_800 {strides = array<i32>} : memref<672x128xf32, #tpu.memory_space<vmem>>, vector<16xf32>,
      %add3A_806 = arith.constant 464 : i32
      %add3A_807 = vector.broadcast %add3A_806 : i32 to vector<16xi32>
      %add3A_808 = arith.addi %iota3A, %add3A_807 : vector<16xi32>
      %broadcast_in_dim3A_809 = arith.constant 0 : i32
      %broadcast_in_dim3A_810 = vector.broadcast %broadcast_in_dim3A_809 : i32 to vector<16xi32>
      %add3A_811 = vector.broadcast %scan3A_431 : i32 to vector<16xi32>
      %add3A_812 = arith.addi %broadcast_in_dim3A_810, %add3A_811 : vector<16xi32>
      %gather3A_813 = tpu.vector_load_idx %arg9[%add3A_808, %add3A_812] : memref<896x32xf32, #tpu.memory_space<vmem>>[vector<16xi32>, vector<16xi32>], vector<16xf32>,
      %add3A_814 = arith.constant 96 : i32
      %add3A_815 = arith.addi %add3A_814, %scan3A_431 : i32
      %swap3A_816 = arith.index_cast %add3A_815 : i32 to index
      %swap3A_817 = arith.constant 80 : index
      %swap3A_818 = tpu.vector_load %arg10[%swap3A_816, %swap3A_817] {strides = array<i32>} : memref<672x128xf32, #tpu.memory_space<vmem>>, vector<16xf32>,
      tpu.vector_store %arg10[%swap3A_816, %swap3A_817], %gather3A_813 {strides = array<i32>} : memref<672x128xf32, #tpu.memory_space<vmem>>, vector<16xf32>,
      %add3A_819 = arith.constant 480 : i32
      %add3A_820 = vector.broadcast %add3A_819 : i32 to vector<16xi32>
      %add3A_821 = arith.addi %iota3A, %add3A_820 : vector<16xi32>
      %broadcast_in_dim3A_822 = arith.constant 0 : i32
      %broadcast_in_dim3A_823 = vector.broadcast %broadcast_in_dim3A_822 : i32 to vector<16xi32>
      %add3A_824 = vector.broadcast %scan3A_431 : i32 to vector<16xi32>
      %add3A_825 = arith.addi %broadcast_in_dim3A_823, %add3A_824 : vector<16xi32>
      %gather3A_826 = tpu.vector_load_idx %arg9[%add3A_821, %add3A_825] : memref<896x32xf32, #tpu.memory_space<vmem>>[vector<16xi32>, vector<16xi32>], vector<16xf32>,
      %add3A_827 = arith.constant 96 : i32
      %add3A_828 = arith.addi %add3A_827, %scan3A_431 : i32
      %swap3A_829 = arith.index_cast %add3A_828 : i32 to index
      %swap3A_830 = arith.constant 96 : index
      %swap3A_831 = tpu.vector_load %arg10[%swap3A_829, %swap3A_830] {strides = array<i32>} : memref<672x128xf32, #tpu.memory_space<vmem>>, vector<16xf32>,
      tpu.vector_store %arg10[%swap3A_829, %swap3A_830], %gather3A_826 {strides = array<i32>} : memref<672x128xf32, #tpu.memory_space<vmem>>, vector<16xf32>,
      %add3A_832 = arith.constant 496 : i32
      %add3A_833 = vector.broadcast %add3A_832 : i32 to vector<16xi32>
      %add3A_834 = arith.addi %iota3A, %add3A_833 : vector<16xi32>
      %broadcast_in_dim3A_835 = arith.constant 0 : i32
      %broadcast_in_dim3A_836 = vector.broadcast %broadcast_in_dim3A_835 : i32 to vector<16xi32>
      %add3A_837 = vector.broadcast %scan3A_431 : i32 to vector<16xi32>
      %add3A_838 = arith.addi %broadcast_in_dim3A_836, %add3A_837 : vector<16xi32>
      %gather3A_839 = tpu.vector_load_idx %arg9[%add3A_834, %add3A_838] : memref<896x32xf32, #tpu.memory_space<vmem>>[vector<16xi32>, vector<16xi32>], vector<16xf32>,
      %add3A_840 = arith.constant 96 : i32
      %add3A_841 = arith.addi %add3A_840, %scan3A_431 : i32
      %swap3A_842 = arith.index_cast %add3A_841 : i32 to index
      %swap3A_843 = arith.constant 112 : index
      %swap3A_844 = tpu.vector_load %arg10[%swap3A_842, %swap3A_843] {strides = array<i32>} : memref<672x128xf32, #tpu.memory_space<vmem>>, vector<16xf32>,
      tpu.vector_store %arg10[%swap3A_842, %swap3A_843], %gather3A_839 {strides = array<i32>} : memref<672x128xf32, #tpu.memory_space<vmem>>, vector<16xf32>,
      %add3A_845 = arith.constant 512 : i32
      %add3A_846 = vector.broadcast %add3A_845 : i32 to vector<16xi32>
      %add3A_847 = arith.addi %iota3A, %add3A_846 : vector<16xi32>
      %broadcast_in_dim3A_848 = arith.constant 0 : i32
      %broadcast_in_dim3A_849 = vector.broadcast %broadcast_in_dim3A_848 : i32 to vector<16xi32>
      %add3A_850 = vector.broadcast %scan3A_431 : i32 to vector<16xi32>
      %add3A_851 = arith.addi %broadcast_in_dim3A_849, %add3A_850 : vector<16xi32>
      %gather3A_852 = tpu.vector_load_idx %arg9[%add3A_847, %add3A_851] : memref<896x32xf32, #tpu.memory_space<vmem>>[vector<16xi32>, vector<16xi32>], vector<16xf32>,
      %add3A_853 = arith.constant 128 : i32
      %add3A_854 = arith.addi %add3A_853, %scan3A_431 : i32
      %swap3A_855 = arith.index_cast %add3A_854 : i32 to index
      %swap3A_856 = arith.constant 0 : index
      %swap3A_857 = tpu.vector_load %arg10[%swap3A_855, %swap3A_856] {strides = array<i32>} : memref<672x128xf32, #tpu.memory_space<vmem>>, vector<16xf32>,
      tpu.vector_store %arg10[%swap3A_855, %swap3A_856], %gather3A_852 {strides = array<i32>} : memref<672x128xf32, #tpu.memory_space<vmem>>, vector<16xf32>,
      %add3A_858 = arith.constant 528 : i32
      %add3A_859 = vector.broadcast %add3A_858 : i32 to vector<16xi32>
      %add3A_860 = arith.addi %iota3A, %add3A_859 : vector<16xi32>
      %broadcast_in_dim3A_861 = arith.constant 0 : i32
      %broadcast_in_dim3A_862 = vector.broadcast %broadcast_in_dim3A_861 : i32 to vector<16xi32>
      %add3A_863 = vector.broadcast %scan3A_431 : i32 to vector<16xi32>
      %add3A_864 = arith.addi %broadcast_in_dim3A_862, %add3A_863 : vector<16xi32>
      %gather3A_865 = tpu.vector_load_idx %arg9[%add3A_860, %add3A_864] : memref<896x32xf32, #tpu.memory_space<vmem>>[vector<16xi32>, vector<16xi32>], vector<16xf32>,
      %add3A_866 = arith.constant 128 : i32
      %add3A_867 = arith.addi %add3A_866, %scan3A_431 : i32
      %swap3A_868 = arith.index_cast %add3A_867 : i32 to index
      %swap3A_869 = arith.constant 16 : index
      %swap3A_870 = tpu.vector_load %arg10[%swap3A_868, %swap3A_869] {strides = array<i32>} : memref<672x128xf32, #tpu.memory_space<vmem>>, vector<16xf32>,
      tpu.vector_store %arg10[%swap3A_868, %swap3A_869], %gather3A_865 {strides = array<i32>} : memref<672x128xf32, #tpu.memory_space<vmem>>, vector<16xf32>,
      %add3A_871 = arith.constant 544 : i32
      %add3A_872 = vector.broadcast %add3A_871 : i32 to vector<16xi32>
      %add3A_873 = arith.addi %iota3A, %add3A_872 : vector<16xi32>
      %broadcast_in_dim3A_874 = arith.constant 0 : i32
      %broadcast_in_dim3A_875 = vector.broadcast %broadcast_in_dim3A_874 : i32 to vector<16xi32>
      %add3A_876 = vector.broadcast %scan3A_431 : i32 to vector<16xi32>
      %add3A_877 = arith.addi %broadcast_in_dim3A_875, %add3A_876 : vector<16xi32>
      %gather3A_878 = tpu.vector_load_idx %arg9[%add3A_873, %add3A_877] : memref<896x32xf32, #tpu.memory_space<vmem>>[vector<16xi32>, vector<16xi32>], vector<16xf32>,
      %add3A_879 = arith.constant 128 : i32
      %add3A_880 = arith.addi %add3A_879, %scan3A_431 : i32
      %swap3A_881 = arith.index_cast %add3A_880 : i32 to index
      %swap3A_882 = arith.constant 32 : index
      %swap3A_883 = tpu.vector_load %arg10[%swap3A_881, %swap3A_882] {strides = array<i32>} : memref<672x128xf32, #tpu.memory_space<vmem>>, vector<16xf32>,
      tpu.vector_store %arg10[%swap3A_881, %swap3A_882], %gather3A_878 {strides = array<i32>} : memref<672x128xf32, #tpu.memory_space<vmem>>, vector<16xf32>,
      %add3A_884 = arith.constant 560 : i32
      %add3A_885 = vector.broadcast %add3A_884 : i32 to vector<16xi32>
      %add3A_886 = arith.addi %iota3A, %add3A_885 : vector<16xi32>
      %broadcast_in_dim3A_887 = arith.constant 0 : i32
      %broadcast_in_dim3A_888 = vector.broadcast %broadcast_in_dim3A_887 : i32 to vector<16xi32>
      %add3A_889 = vector.broadcast %scan3A_431 : i32 to vector<16xi32>
      %add3A_890 = arith.addi %broadcast_in_dim3A_888, %add3A_889 : vector<16xi32>
      %gather3A_891 = tpu.vector_load_idx %arg9[%add3A_886, %add3A_890] : memref<896x32xf32, #tpu.memory_space<vmem>>[vector<16xi32>, vector<16xi32>], vector<16xf32>,
      %add3A_892 = arith.constant 128 : i32
      %add3A_893 = arith.addi %add3A_892, %scan3A_431 : i32
      %swap3A_894 = arith.index_cast %add3A_893 : i32 to index
      %swap3A_895 = arith.constant 48 : index
      %swap3A_896 = tpu.vector_load %arg10[%swap3A_894, %swap3A_895] {strides = array<i32>} : memref<672x128xf32, #tpu.memory_space<vmem>>, vector<16xf32>,
      tpu.vector_store %arg10[%swap3A_894, %swap3A_895], %gather3A_891 {strides = array<i32>} : memref<672x128xf32, #tpu.memory_space<vmem>>, vector<16xf32>,
      %add3A_897 = arith.constant 576 : i32
      %add3A_898 = vector.broadcast %add3A_897 : i32 to vector<16xi32>
      %add3A_899 = arith.addi %iota3A, %add3A_898 : vector<16xi32>
      %broadcast_in_dim3A_900 = arith.constant 0 : i32
      %broadcast_in_dim3A_901 = vector.broadcast %broadcast_in_dim3A_900 : i32 to vector<16xi32>
      %add3A_902 = vector.broadcast %scan3A_431 : i32 to vector<16xi32>
      %add3A_903 = arith.addi %broadcast_in_dim3A_901, %add3A_902 : vector<16xi32>
      %gather3A_904 = tpu.vector_load_idx %arg9[%add3A_899, %add3A_903] : memref<896x32xf32, #tpu.memory_space<vmem>>[vector<16xi32>, vector<16xi32>], vector<16xf32>,
      %add3A_905 = arith.constant 128 : i32
      %add3A_906 = arith.addi %add3A_905, %scan3A_431 : i32
      %swap3A_907 = arith.index_cast %add3A_906 : i32 to index
      %swap3A_908 = arith.constant 64 : index
      %swap3A_909 = tpu.vector_load %arg10[%swap3A_907, %swap3A_908] {strides = array<i32>} : memref<672x128xf32, #tpu.memory_space<vmem>>, vector<16xf32>,
      tpu.vector_store %arg10[%swap3A_907, %swap3A_908], %gather3A_904 {strides = array<i32>} : memref<672x128xf32, #tpu.memory_space<vmem>>, vector<16xf32>,
      %add3A_910 = arith.constant 592 : i32
      %add3A_911 = vector.broadcast %add3A_910 : i32 to vector<16xi32>
      %add3A_912 = arith.addi %iota3A, %add3A_911 : vector<16xi32>
      %broadcast_in_dim3A_913 = arith.constant 0 : i32
      %broadcast_in_dim3A_914 = vector.broadcast %broadcast_in_dim3A_913 : i32 to vector<16xi32>
      %add3A_915 = vector.broadcast %scan3A_431 : i32 to vector<16xi32>
      %add3A_916 = arith.addi %broadcast_in_dim3A_914, %add3A_915 : vector<16xi32>
      %gather3A_917 = tpu.vector_load_idx %arg9[%add3A_912, %add3A_916] : memref<896x32xf32, #tpu.memory_space<vmem>>[vector<16xi32>, vector<16xi32>], vector<16xf32>,
      %add3A_918 = arith.constant 128 : i32
      %add3A_919 = arith.addi %add3A_918, %scan3A_431 : i32
      %swap3A_920 = arith.index_cast %add3A_919 : i32 to index
      %swap3A_921 = arith.constant 80 : index
      %swap3A_922 = tpu.vector_load %arg10[%swap3A_920, %swap3A_921] {strides = array<i32>} : memref<672x128xf32, #tpu.memory_space<vmem>>, vector<16xf32>,
      tpu.vector_store %arg10[%swap3A_920, %swap3A_921], %gather3A_917 {strides = array<i32>} : memref<672x128xf32, #tpu.memory_space<vmem>>, vector<16xf32>,
      %add3A_923 = arith.constant 608 : i32
      %add3A_924 = vector.broadcast %add3A_923 : i32 to vector<16xi32>
      %add3A_925 = arith.addi %iota3A, %add3A_924 : vector<16xi32>
      %broadcast_in_dim3A_926 = arith.constant 0 : i32
      %broadcast_in_dim3A_927 = vector.broadcast %broadcast_in_dim3A_926 : i32 to vector<16xi32>
      %add3A_928 = vector.broadcast %scan3A_431 : i32 to vector<16xi32>
      %add3A_929 = arith.addi %broadcast_in_dim3A_927, %add3A_928 : vector<16xi32>
      %gather3A_930 = tpu.vector_load_idx %arg9[%add3A_925, %add3A_929] : memref<896x32xf32, #tpu.memory_space<vmem>>[vector<16xi32>, vector<16xi32>], vector<16xf32>,
      %add3A_931 = arith.constant 128 : i32
      %add3A_932 = arith.addi %add3A_931, %scan3A_431 : i32
      %swap3A_933 = arith.index_cast %add3A_932 : i32 to index
      %swap3A_934 = arith.constant 96 : index
      %swap3A_935 = tpu.vector_load %arg10[%swap3A_933, %swap3A_934] {strides = array<i32>} : memref<672x128xf32, #tpu.memory_space<vmem>>, vector<16xf32>,
      tpu.vector_store %arg10[%swap3A_933, %swap3A_934], %gather3A_930 {strides = array<i32>} : memref<672x128xf32, #tpu.memory_space<vmem>>, vector<16xf32>,
      %add3A_936 = arith.constant 624 : i32
      %add3A_937 = vector.broadcast %add3A_936 : i32 to vector<16xi32>
      %add3A_938 = arith.addi %iota3A, %add3A_937 : vector<16xi32>
      %broadcast_in_dim3A_939 = arith.constant 0 : i32
      %broadcast_in_dim3A_940 = vector.broadcast %broadcast_in_dim3A_939 : i32 to vector<16xi32>
      %add3A_941 = vector.broadcast %scan3A_431 : i32 to vector<16xi32>
      %add3A_942 = arith.addi %broadcast_in_dim3A_940, %add3A_941 : vector<16xi32>
      %gather3A_943 = tpu.vector_load_idx %arg9[%add3A_938, %add3A_942] : memref<896x32xf32, #tpu.memory_space<vmem>>[vector<16xi32>, vector<16xi32>], vector<16xf32>,
      %add3A_944 = arith.constant 128 : i32
      %add3A_945 = arith.addi %add3A_944, %scan3A_431 : i32
      %swap3A_946 = arith.index_cast %add3A_945 : i32 to index
      %swap3A_947 = arith.constant 112 : index
      %swap3A_948 = tpu.vector_load %arg10[%swap3A_946, %swap3A_947] {strides = array<i32>} : memref<672x128xf32, #tpu.memory_space<vmem>>, vector<16xf32>,
      tpu.vector_store %arg10[%swap3A_946, %swap3A_947], %gather3A_943 {strides = array<i32>} : memref<672x128xf32, #tpu.memory_space<vmem>>, vector<16xf32>,
      %add3A_949 = arith.constant 640 : i32
      %add3A_950 = vector.broadcast %add3A_949 : i32 to vector<16xi32>
      %add3A_951 = arith.addi %iota3A, %add3A_950 : vector<16xi32>
      %broadcast_in_dim3A_952 = arith.constant 0 : i32
      %broadcast_in_dim3A_953 = vector.broadcast %broadcast_in_dim3A_952 : i32 to vector<16xi32>
      %add3A_954 = vector.broadcast %scan3A_431 : i32 to vector<16xi32>
      %add3A_955 = arith.addi %broadcast_in_dim3A_953, %add3A_954 : vector<16xi32>
      %gather3A_956 = tpu.vector_load_idx %arg9[%add3A_951, %add3A_955] : memref<896x32xf32, #tpu.memory_space<vmem>>[vector<16xi32>, vector<16xi32>], vector<16xf32>,
      %add3A_957 = arith.constant 160 : i32
      %add3A_958 = arith.addi %add3A_957, %scan3A_431 : i32
      %swap3A_959 = arith.index_cast %add3A_958 : i32 to index
      %swap3A_960 = arith.constant 0 : index
      %swap3A_961 = tpu.vector_load %arg10[%swap3A_959, %swap3A_960] {strides = array<i32>} : memref<672x128xf32, #tpu.memory_space<vmem>>, vector<16xf32>,
      tpu.vector_store %arg10[%swap3A_959, %swap3A_960], %gather3A_956 {strides = array<i32>} : memref<672x128xf32, #tpu.memory_space<vmem>>, vector<16xf32>,
      %add3A_962 = arith.constant 656 : i32
      %add3A_963 = vector.broadcast %add3A_962 : i32 to vector<16xi32>
      %add3A_964 = arith.addi %iota3A, %add3A_963 : vector<16xi32>
      %broadcast_in_dim3A_965 = arith.constant 0 : i32
      %broadcast_in_dim3A_966 = vector.broadcast %broadcast_in_dim3A_965 : i32 to vector<16xi32>
      %add3A_967 = vector.broadcast %scan3A_431 : i32 to vector<16xi32>
      %add3A_968 = arith.addi %broadcast_in_dim3A_966, %add3A_967 : vector<16xi32>
      %gather3A_969 = tpu.vector_load_idx %arg9[%add3A_964, %add3A_968] : memref<896x32xf32, #tpu.memory_space<vmem>>[vector<16xi32>, vector<16xi32>], vector<16xf32>,
      %add3A_970 = arith.constant 160 : i32
      %add3A_971 = arith.addi %add3A_970, %scan3A_431 : i32
      %swap3A_972 = arith.index_cast %add3A_971 : i32 to index
      %swap3A_973 = arith.constant 16 : index
      %swap3A_974 = tpu.vector_load %arg10[%swap3A_972, %swap3A_973] {strides = array<i32>} : memref<672x128xf32, #tpu.memory_space<vmem>>, vector<16xf32>,
      tpu.vector_store %arg10[%swap3A_972, %swap3A_973], %gather3A_969 {strides = array<i32>} : memref<672x128xf32, #tpu.memory_space<vmem>>, vector<16xf32>,
      %add3A_975 = arith.constant 672 : i32
      %add3A_976 = vector.broadcast %add3A_975 : i32 to vector<16xi32>
      %add3A_977 = arith.addi %iota3A, %add3A_976 : vector<16xi32>
      %broadcast_in_dim3A_978 = arith.constant 0 : i32
      %broadcast_in_dim3A_979 = vector.broadcast %broadcast_in_dim3A_978 : i32 to vector<16xi32>
      %add3A_980 = vector.broadcast %scan3A_431 : i32 to vector<16xi32>
      %add3A_981 = arith.addi %broadcast_in_dim3A_979, %add3A_980 : vector<16xi32>
      %gather3A_982 = tpu.vector_load_idx %arg9[%add3A_977, %add3A_981] : memref<896x32xf32, #tpu.memory_space<vmem>>[vector<16xi32>, vector<16xi32>], vector<16xf32>,
      %add3A_983 = arith.constant 160 : i32
      %add3A_984 = arith.addi %add3A_983, %scan3A_431 : i32
      %swap3A_985 = arith.index_cast %add3A_984 : i32 to index
      %swap3A_986 = arith.constant 32 : index
      %swap3A_987 = tpu.vector_load %arg10[%swap3A_985, %swap3A_986] {strides = array<i32>} : memref<672x128xf32, #tpu.memory_space<vmem>>, vector<16xf32>,
      tpu.vector_store %arg10[%swap3A_985, %swap3A_986], %gather3A_982 {strides = array<i32>} : memref<672x128xf32, #tpu.memory_space<vmem>>, vector<16xf32>,
      %add3A_988 = arith.constant 688 : i32
      %add3A_989 = vector.broadcast %add3A_988 : i32 to vector<16xi32>
      %add3A_990 = arith.addi %iota3A, %add3A_989 : vector<16xi32>
      %broadcast_in_dim3A_991 = arith.constant 0 : i32
      %broadcast_in_dim3A_992 = vector.broadcast %broadcast_in_dim3A_991 : i32 to vector<16xi32>
      %add3A_993 = vector.broadcast %scan3A_431 : i32 to vector<16xi32>
      %add3A_994 = arith.addi %broadcast_in_dim3A_992, %add3A_993 : vector<16xi32>
      %gather3A_995 = tpu.vector_load_idx %arg9[%add3A_990, %add3A_994] : memref<896x32xf32, #tpu.memory_space<vmem>>[vector<16xi32>, vector<16xi32>], vector<16xf32>,
      %add3A_996 = arith.constant 160 : i32
      %add3A_997 = arith.addi %add3A_996, %scan3A_431 : i32
      %swap3A_998 = arith.index_cast %add3A_997 : i32 to index
      %swap3A_999 = arith.constant 48 : index
      %swap3A_1000 = tpu.vector_load %arg10[%swap3A_998, %swap3A_999] {strides = array<i32>} : memref<672x128xf32, #tpu.memory_space<vmem>>, vector<16xf32>,
      tpu.vector_store %arg10[%swap3A_998, %swap3A_999], %gather3A_995 {strides = array<i32>} : memref<672x128xf32, #tpu.memory_space<vmem>>, vector<16xf32>,
      %add3A_1001 = arith.constant 704 : i32
      %add3A_1002 = vector.broadcast %add3A_1001 : i32 to vector<16xi32>
      %add3A_1003 = arith.addi %iota3A, %add3A_1002 : vector<16xi32>
      %broadcast_in_dim3A_1004 = arith.constant 0 : i32
      %broadcast_in_dim3A_1005 = vector.broadcast %broadcast_in_dim3A_1004 : i32 to vector<16xi32>
      %add3A_1006 = vector.broadcast %scan3A_431 : i32 to vector<16xi32>
      %add3A_1007 = arith.addi %broadcast_in_dim3A_1005, %add3A_1006 : vector<16xi32>
      %gather3A_1008 = tpu.vector_load_idx %arg9[%add3A_1003, %add3A_1007] : memref<896x32xf32, #tpu.memory_space<vmem>>[vector<16xi32>, vector<16xi32>], vector<16xf32>,
      %add3A_1009 = arith.constant 160 : i32
      %add3A_1010 = arith.addi %add3A_1009, %scan3A_431 : i32
      %swap3A_1011 = arith.index_cast %add3A_1010 : i32 to index
      %swap3A_1012 = arith.constant 64 : index
      %swap3A_1013 = tpu.vector_load %arg10[%swap3A_1011, %swap3A_1012] {strides = array<i32>} : memref<672x128xf32, #tpu.memory_space<vmem>>, vector<16xf32>,
      tpu.vector_store %arg10[%swap3A_1011, %swap3A_1012], %gather3A_1008 {strides = array<i32>} : memref<672x128xf32, #tpu.memory_space<vmem>>, vector<16xf32>,
      %add3A_1014 = arith.constant 720 : i32
      %add3A_1015 = vector.broadcast %add3A_1014 : i32 to vector<16xi32>
      %add3A_1016 = arith.addi %iota3A, %add3A_1015 : vector<16xi32>
      %broadcast_in_dim3A_1017 = arith.constant 0 : i32
      %broadcast_in_dim3A_1018 = vector.broadcast %broadcast_in_dim3A_1017 : i32 to vector<16xi32>
      %add3A_1019 = vector.broadcast %scan3A_431 : i32 to vector<16xi32>
      %add3A_1020 = arith.addi %broadcast_in_dim3A_1018, %add3A_1019 : vector<16xi32>
      %gather3A_1021 = tpu.vector_load_idx %arg9[%add3A_1016, %add3A_1020] : memref<896x32xf32, #tpu.memory_space<vmem>>[vector<16xi32>, vector<16xi32>], vector<16xf32>,
      %add3A_1022 = arith.constant 160 : i32
      %add3A_1023 = arith.addi %add3A_1022, %scan3A_431 : i32
      %swap3A_1024 = arith.index_cast %add3A_1023 : i32 to index
      %swap3A_1025 = arith.constant 80 : index
      %swap3A_1026 = tpu.vector_load %arg10[%swap3A_1024, %swap3A_1025] {strides = array<i32>} : memref<672x128xf32, #tpu.memory_space<vmem>>, vector<16xf32>,
      tpu.vector_store %arg10[%swap3A_1024, %swap3A_1025], %gather3A_1021 {strides = array<i32>} : memref<672x128xf32, #tpu.memory_space<vmem>>, vector<16xf32>,
      %add3A_1027 = arith.constant 736 : i32
      %add3A_1028 = vector.broadcast %add3A_1027 : i32 to vector<16xi32>
      %add3A_1029 = arith.addi %iota3A, %add3A_1028 : vector<16xi32>
      %broadcast_in_dim3A_1030 = arith.constant 0 : i32
      %broadcast_in_dim3A_1031 = vector.broadcast %broadcast_in_dim3A_1030 : i32 to vector<16xi32>
      %add3A_1032 = vector.broadcast %scan3A_431 : i32 to vector<16xi32>
      %add3A_1033 = arith.addi %broadcast_in_dim3A_1031, %add3A_1032 : vector<16xi32>
      %gather3A_1034 = tpu.vector_load_idx %arg9[%add3A_1029, %add3A_1033] : memref<896x32xf32, #tpu.memory_space<vmem>>[vector<16xi32>, vector<16xi32>], vector<16xf32>,
      %add3A_1035 = arith.constant 160 : i32
      %add3A_1036 = arith.addi %add3A_1035, %scan3A_431 : i32
      %swap3A_1037 = arith.index_cast %add3A_1036 : i32 to index
      %swap3A_1038 = arith.constant 96 : index
      %swap3A_1039 = tpu.vector_load %arg10[%swap3A_1037, %swap3A_1038] {strides = array<i32>} : memref<672x128xf32, #tpu.memory_space<vmem>>, vector<16xf32>,
      tpu.vector_store %arg10[%swap3A_1037, %swap3A_1038], %gather3A_1034 {strides = array<i32>} : memref<672x128xf32, #tpu.memory_space<vmem>>, vector<16xf32>,
      %add3A_1040 = arith.constant 752 : i32
      %add3A_1041 = vector.broadcast %add3A_1040 : i32 to vector<16xi32>
      %add3A_1042 = arith.addi %iota3A, %add3A_1041 : vector<16xi32>
      %broadcast_in_dim3A_1043 = arith.constant 0 : i32
      %broadcast_in_dim3A_1044 = vector.broadcast %broadcast_in_dim3A_1043 : i32 to vector<16xi32>
      %add3A_1045 = vector.broadcast %scan3A_431 : i32 to vector<16xi32>
      %add3A_1046 = arith.addi %broadcast_in_dim3A_1044, %add3A_1045 : vector<16xi32>
      %gather3A_1047 = tpu.vector_load_idx %arg9[%add3A_1042, %add3A_1046] : memref<896x32xf32, #tpu.memory_space<vmem>>[vector<16xi32>, vector<16xi32>], vector<16xf32>,
      %add3A_1048 = arith.constant 160 : i32
      %add3A_1049 = arith.addi %add3A_1048, %scan3A_431 : i32
      %swap3A_1050 = arith.index_cast %add3A_1049 : i32 to index
      %swap3A_1051 = arith.constant 112 : index
      %swap3A_1052 = tpu.vector_load %arg10[%swap3A_1050, %swap3A_1051] {strides = array<i32>} : memref<672x128xf32, #tpu.memory_space<vmem>>, vector<16xf32>,
      tpu.vector_store %arg10[%swap3A_1050, %swap3A_1051], %gather3A_1047 {strides = array<i32>} : memref<672x128xf32, #tpu.memory_space<vmem>>, vector<16xf32>,
      %add3A_1053 = arith.constant 768 : i32
      %add3A_1054 = vector.broadcast %add3A_1053 : i32 to vector<16xi32>
      %add3A_1055 = arith.addi %iota3A, %add3A_1054 : vector<16xi32>
      %broadcast_in_dim3A_1056 = arith.constant 0 : i32
      %broadcast_in_dim3A_1057 = vector.broadcast %broadcast_in_dim3A_1056 : i32 to vector<16xi32>
      %add3A_1058 = vector.broadcast %scan3A_431 : i32 to vector<16xi32>
      %add3A_1059 = arith.addi %broadcast_in_dim3A_1057, %add3A_1058 : vector<16xi32>
      %gather3A_1060 = tpu.vector_load_idx %arg9[%add3A_1055, %add3A_1059] : memref<896x32xf32, #tpu.memory_space<vmem>>[vector<16xi32>, vector<16xi32>], vector<16xf32>,
      %add3A_1061 = arith.constant 192 : i32
      %add3A_1062 = arith.addi %add3A_1061, %scan3A_431 : i32
      %swap3A_1063 = arith.index_cast %add3A_1062 : i32 to index
      %swap3A_1064 = arith.constant 0 : index
      %swap3A_1065 = tpu.vector_load %arg10[%swap3A_1063, %swap3A_1064] {strides = array<i32>} : memref<672x128xf32, #tpu.memory_space<vmem>>, vector<16xf32>,
      tpu.vector_store %arg10[%swap3A_1063, %swap3A_1064], %gather3A_1060 {strides = array<i32>} : memref<672x128xf32, #tpu.memory_space<vmem>>, vector<16xf32>,
      %add3A_1066 = arith.constant 784 : i32
      %add3A_1067 = vector.broadcast %add3A_1066 : i32 to vector<16xi32>
      %add3A_1068 = arith.addi %iota3A, %add3A_1067 : vector<16xi32>
      %broadcast_in_dim3A_1069 = arith.constant 0 : i32
      %broadcast_in_dim3A_1070 = vector.broadcast %broadcast_in_dim3A_1069 : i32 to vector<16xi32>
      %add3A_1071 = vector.broadcast %scan3A_431 : i32 to vector<16xi32>
      %add3A_1072 = arith.addi %broadcast_in_dim3A_1070, %add3A_1071 : vector<16xi32>
      %gather3A_1073 = tpu.vector_load_idx %arg9[%add3A_1068, %add3A_1072] : memref<896x32xf32, #tpu.memory_space<vmem>>[vector<16xi32>, vector<16xi32>], vector<16xf32>,
      %add3A_1074 = arith.constant 192 : i32
      %add3A_1075 = arith.addi %add3A_1074, %scan3A_431 : i32
      %swap3A_1076 = arith.index_cast %add3A_1075 : i32 to index
      %swap3A_1077 = arith.constant 16 : index
      %swap3A_1078 = tpu.vector_load %arg10[%swap3A_1076, %swap3A_1077] {strides = array<i32>} : memref<672x128xf32, #tpu.memory_space<vmem>>, vector<16xf32>,
      tpu.vector_store %arg10[%swap3A_1076, %swap3A_1077], %gather3A_1073 {strides = array<i32>} : memref<672x128xf32, #tpu.memory_space<vmem>>, vector<16xf32>,
      %add3A_1079 = arith.constant 800 : i32
      %add3A_1080 = vector.broadcast %add3A_1079 : i32 to vector<16xi32>
      %add3A_1081 = arith.addi %iota3A, %add3A_1080 : vector<16xi32>
      %broadcast_in_dim3A_1082 = arith.constant 0 : i32
      %broadcast_in_dim3A_1083 = vector.broadcast %broadcast_in_dim3A_1082 : i32 to vector<16xi32>
      %add3A_1084 = vector.broadcast %scan3A_431 : i32 to vector<16xi32>
      %add3A_1085 = arith.addi %broadcast_in_dim3A_1083, %add3A_1084 : vector<16xi32>
      %gather3A_1086 = tpu.vector_load_idx %arg9[%add3A_1081, %add3A_1085] : memref<896x32xf32, #tpu.memory_space<vmem>>[vector<16xi32>, vector<16xi32>], vector<16xf32>,
      %add3A_1087 = arith.constant 192 : i32
      %add3A_1088 = arith.addi %add3A_1087, %scan3A_431 : i32
      %swap3A_1089 = arith.index_cast %add3A_1088 : i32 to index
      %swap3A_1090 = arith.constant 32 : index
      %swap3A_1091 = tpu.vector_load %arg10[%swap3A_1089, %swap3A_1090] {strides = array<i32>} : memref<672x128xf32, #tpu.memory_space<vmem>>, vector<16xf32>,
      tpu.vector_store %arg10[%swap3A_1089, %swap3A_1090], %gather3A_1086 {strides = array<i32>} : memref<672x128xf32, #tpu.memory_space<vmem>>, vector<16xf32>,
      %add3A_1092 = arith.constant 816 : i32
      %add3A_1093 = vector.broadcast %add3A_1092 : i32 to vector<16xi32>
      %add3A_1094 = arith.addi %iota3A, %add3A_1093 : vector<16xi32>
      %broadcast_in_dim3A_1095 = arith.constant 0 : i32
      %broadcast_in_dim3A_1096 = vector.broadcast %broadcast_in_dim3A_1095 : i32 to vector<16xi32>
      %add3A_1097 = vector.broadcast %scan3A_431 : i32 to vector<16xi32>
      %add3A_1098 = arith.addi %broadcast_in_dim3A_1096, %add3A_1097 : vector<16xi32>
      %gather3A_1099 = tpu.vector_load_idx %arg9[%add3A_1094, %add3A_1098] : memref<896x32xf32, #tpu.memory_space<vmem>>[vector<16xi32>, vector<16xi32>], vector<16xf32>,
      %add3A_1100 = arith.constant 192 : i32
      %add3A_1101 = arith.addi %add3A_1100, %scan3A_431 : i32
      %swap3A_1102 = arith.index_cast %add3A_1101 : i32 to index
      %swap3A_1103 = arith.constant 48 : index
      %swap3A_1104 = tpu.vector_load %arg10[%swap3A_1102, %swap3A_1103] {strides = array<i32>} : memref<672x128xf32, #tpu.memory_space<vmem>>, vector<16xf32>,
      tpu.vector_store %arg10[%swap3A_1102, %swap3A_1103], %gather3A_1099 {strides = array<i32>} : memref<672x128xf32, #tpu.memory_space<vmem>>, vector<16xf32>,
      %add3A_1105 = arith.constant 832 : i32
      %add3A_1106 = vector.broadcast %add3A_1105 : i32 to vector<16xi32>
      %add3A_1107 = arith.addi %iota3A, %add3A_1106 : vector<16xi32>
      %broadcast_in_dim3A_1108 = arith.constant 0 : i32
      %broadcast_in_dim3A_1109 = vector.broadcast %broadcast_in_dim3A_1108 : i32 to vector<16xi32>
      %add3A_1110 = vector.broadcast %scan3A_431 : i32 to vector<16xi32>
      %add3A_1111 = arith.addi %broadcast_in_dim3A_1109, %add3A_1110 : vector<16xi32>
      %gather3A_1112 = tpu.vector_load_idx %arg9[%add3A_1107, %add3A_1111] : memref<896x32xf32, #tpu.memory_space<vmem>>[vector<16xi32>, vector<16xi32>], vector<16xf32>,
      %add3A_1113 = arith.constant 192 : i32
      %add3A_1114 = arith.addi %add3A_1113, %scan3A_431 : i32
      %swap3A_1115 = arith.index_cast %add3A_1114 : i32 to index
      %swap3A_1116 = arith.constant 64 : index
      %swap3A_1117 = tpu.vector_load %arg10[%swap3A_1115, %swap3A_1116] {strides = array<i32>} : memref<672x128xf32, #tpu.memory_space<vmem>>, vector<16xf32>,
      tpu.vector_store %arg10[%swap3A_1115, %swap3A_1116], %gather3A_1112 {strides = array<i32>} : memref<672x128xf32, #tpu.memory_space<vmem>>, vector<16xf32>,
      %add3A_1118 = arith.constant 848 : i32
      %add3A_1119 = vector.broadcast %add3A_1118 : i32 to vector<16xi32>
      %add3A_1120 = arith.addi %iota3A, %add3A_1119 : vector<16xi32>
      %broadcast_in_dim3A_1121 = arith.constant 0 : i32
      %broadcast_in_dim3A_1122 = vector.broadcast %broadcast_in_dim3A_1121 : i32 to vector<16xi32>
      %add3A_1123 = vector.broadcast %scan3A_431 : i32 to vector<16xi32>
      %add3A_1124 = arith.addi %broadcast_in_dim3A_1122, %add3A_1123 : vector<16xi32>
      %gather3A_1125 = tpu.vector_load_idx %arg9[%add3A_1120, %add3A_1124] : memref<896x32xf32, #tpu.memory_space<vmem>>[vector<16xi32>, vector<16xi32>], vector<16xf32>,
      %add3A_1126 = arith.constant 192 : i32
      %add3A_1127 = arith.addi %add3A_1126, %scan3A_431 : i32
      %swap3A_1128 = arith.index_cast %add3A_1127 : i32 to index
      %swap3A_1129 = arith.constant 80 : index
      %swap3A_1130 = tpu.vector_load %arg10[%swap3A_1128, %swap3A_1129] {strides = array<i32>} : memref<672x128xf32, #tpu.memory_space<vmem>>, vector<16xf32>,
      tpu.vector_store %arg10[%swap3A_1128, %swap3A_1129], %gather3A_1125 {strides = array<i32>} : memref<672x128xf32, #tpu.memory_space<vmem>>, vector<16xf32>,
      %add3A_1131 = arith.constant 864 : i32
      %add3A_1132 = vector.broadcast %add3A_1131 : i32 to vector<16xi32>
      %add3A_1133 = arith.addi %iota3A, %add3A_1132 : vector<16xi32>
      %broadcast_in_dim3A_1134 = arith.constant 0 : i32
      %broadcast_in_dim3A_1135 = vector.broadcast %broadcast_in_dim3A_1134 : i32 to vector<16xi32>
      %add3A_1136 = vector.broadcast %scan3A_431 : i32 to vector<16xi32>
      %add3A_1137 = arith.addi %broadcast_in_dim3A_1135, %add3A_1136 : vector<16xi32>
      %gather3A_1138 = tpu.vector_load_idx %arg9[%add3A_1133, %add3A_1137] : memref<896x32xf32, #tpu.memory_space<vmem>>[vector<16xi32>, vector<16xi32>], vector<16xf32>,
      %add3A_1139 = arith.constant 192 : i32
      %add3A_1140 = arith.addi %add3A_1139, %scan3A_431 : i32
      %swap3A_1141 = arith.index_cast %add3A_1140 : i32 to index
      %swap3A_1142 = arith.constant 96 : index
      %swap3A_1143 = tpu.vector_load %arg10[%swap3A_1141, %swap3A_1142] {strides = array<i32>} : memref<672x128xf32, #tpu.memory_space<vmem>>, vector<16xf32>,
      tpu.vector_store %arg10[%swap3A_1141, %swap3A_1142], %gather3A_1138 {strides = array<i32>} : memref<672x128xf32, #tpu.memory_space<vmem>>, vector<16xf32>,
      %add3A_1144 = arith.constant 880 : i32
      %add3A_1145 = vector.broadcast %add3A_1144 : i32 to vector<16xi32>
      %add3A_1146 = arith.addi %iota3A, %add3A_1145 : vector<16xi32>
      %broadcast_in_dim3A_1147 = arith.constant 0 : i32
      %broadcast_in_dim3A_1148 = vector.broadcast %broadcast_in_dim3A_1147 : i32 to vector<16xi32>
      %add3A_1149 = vector.broadcast %scan3A_431 : i32 to vector<16xi32>
      %add3A_1150 = arith.addi %broadcast_in_dim3A_1148, %add3A_1149 : vector<16xi32>
      %gather3A_1151 = tpu.vector_load_idx %arg9[%add3A_1146, %add3A_1150] : memref<896x32xf32, #tpu.memory_space<vmem>>[vector<16xi32>, vector<16xi32>], vector<16xf32>,
      %add3A_1152 = arith.constant 192 : i32
      %add3A_1153 = arith.addi %add3A_1152, %scan3A_431 : i32
      %swap3A_1154 = arith.index_cast %add3A_1153 : i32 to index
      %swap3A_1155 = arith.constant 112 : index
      %swap3A_1156 = tpu.vector_load %arg10[%swap3A_1154, %swap3A_1155] {strides = array<i32>} : memref<672x128xf32, #tpu.memory_space<vmem>>, vector<16xf32>,
      tpu.vector_store %arg10[%swap3A_1154, %swap3A_1155], %gather3A_1151 {strides = array<i32>} : memref<672x128xf32, #tpu.memory_space<vmem>>, vector<16xf32>,
    }
    %scan3A_144 = arith.constant 32 : i32
    %dma_start3A_145 = arith.constant 7 : i32
    %dma_start3A_146 = arith.constant 0 : i32
    %dma_start3A_147 = arith.constant 0 : i32
    %dma_start3A_148 = tpu.memref_slice %arg9[%dma_start3A_146, %dma_start3A_147] : memref<896x32xf32, #tpu.memory_space<vmem>> -> memref<128x32xf32, #tpu.memory_space<vmem>>
    %dma_start3A_149 = arith.constant 0 : i32
    %dma_start3A_150 = tpu.memref_slice %arg7[%dma_start3A_145, %dma_start3A_149] : memref<20x128xi32, #tpu.memory_space<vmem>> -> memref<1x128xi32, #tpu.memory_space<vmem>>
    %dma_start3A_151 = tpu.memref_squeeze %dma_start3A_150 : memref<1x128xi32, #tpu.memory_space<vmem>> -> memref<128xi32, #tpu.memory_space<vmem>>
    %dma_start3A_152 = arith.constant 0 : i32
    %dma_start3A_153 = arith.constant 0 : i32
    %dma_start3A_154 = tpu.memref_slice %arg5[%dma_start3A_152, %dma_start3A_153] : memref<1000001x32xf32, #tpu.memory_space<hbm>> -> memref<1000001x32xf32, #tpu.memory_space<hbm>>
    tpu.enqueue_indirect_dma source(%dma_start3A_154 : memref<1000001x32xf32, #tpu.memory_space<hbm>>) target(%dma_start3A_148 : memref<128x32xf32, #tpu.memory_space<vmem>>) offsets(%dma_start3A_151 : memref<128xi32, #tpu.memory_space<vmem>>) semaphore(%arg11 : memref<!tpu.dma_semaphore, #tpu.memory_space<semaphore_mem>>)
    %dma_start3A_155 = arith.constant 8 : i32
    %dma_start3A_156 = arith.constant 128 : i32
    %dma_start3A_157 = arith.constant 0 : i32
    %dma_start3A_158 = tpu.memref_slice %arg9[%dma_start3A_156, %dma_start3A_157] : memref<896x32xf32, #tpu.memory_space<vmem>> -> memref<128x32xf32, #tpu.memory_space<vmem>>
    %dma_start3A_159 = arith.constant 0 : i32
    %dma_start3A_160 = tpu.memref_slice %arg7[%dma_start3A_155, %dma_start3A_159] : memref<20x128xi32, #tpu.memory_space<vmem>> -> memref<1x128xi32, #tpu.memory_space<vmem>>
    %dma_start3A_161 = tpu.memref_squeeze %dma_start3A_160 : memref<1x128xi32, #tpu.memory_space<vmem>> -> memref<128xi32, #tpu.memory_space<vmem>>
    %dma_start3A_162 = arith.constant 0 : i32
    %dma_start3A_163 = arith.constant 0 : i32
    %dma_start3A_164 = tpu.memref_slice %arg5[%dma_start3A_162, %dma_start3A_163] : memref<1000001x32xf32, #tpu.memory_space<hbm>> -> memref<1000001x32xf32, #tpu.memory_space<hbm>>
    tpu.enqueue_indirect_dma source(%dma_start3A_164 : memref<1000001x32xf32, #tpu.memory_space<hbm>>) target(%dma_start3A_158 : memref<128x32xf32, #tpu.memory_space<vmem>>) offsets(%dma_start3A_161 : memref<128xi32, #tpu.memory_space<vmem>>) semaphore(%arg11 : memref<!tpu.dma_semaphore, #tpu.memory_space<semaphore_mem>>)
    %dma_start3A_165 = arith.constant 9 : i32
    %dma_start3A_166 = arith.constant 256 : i32
    %dma_start3A_167 = arith.constant 0 : i32
    %dma_start3A_168 = tpu.memref_slice %arg9[%dma_start3A_166, %dma_start3A_167] : memref<896x32xf32, #tpu.memory_space<vmem>> -> memref<128x32xf32, #tpu.memory_space<vmem>>
    %dma_start3A_169 = arith.constant 0 : i32
    %dma_start3A_170 = tpu.memref_slice %arg7[%dma_start3A_165, %dma_start3A_169] : memref<20x128xi32, #tpu.memory_space<vmem>> -> memref<1x128xi32, #tpu.memory_space<vmem>>
    %dma_start3A_171 = tpu.memref_squeeze %dma_start3A_170 : memref<1x128xi32, #tpu.memory_space<vmem>> -> memref<128xi32, #tpu.memory_space<vmem>>
    %dma_start3A_172 = arith.constant 0 : i32
    %dma_start3A_173 = arith.constant 0 : i32
    %dma_start3A_174 = tpu.memref_slice %arg5[%dma_start3A_172, %dma_start3A_173] : memref<1000001x32xf32, #tpu.memory_space<hbm>> -> memref<1000001x32xf32, #tpu.memory_space<hbm>>
    tpu.enqueue_indirect_dma source(%dma_start3A_174 : memref<1000001x32xf32, #tpu.memory_space<hbm>>) target(%dma_start3A_168 : memref<128x32xf32, #tpu.memory_space<vmem>>) offsets(%dma_start3A_171 : memref<128xi32, #tpu.memory_space<vmem>>) semaphore(%arg11 : memref<!tpu.dma_semaphore, #tpu.memory_space<semaphore_mem>>)
    %dma_start3A_175 = arith.constant 10 : i32
    %dma_start3A_176 = arith.constant 384 : i32
    %dma_start3A_177 = arith.constant 0 : i32
    %dma_start3A_178 = tpu.memref_slice %arg9[%dma_start3A_176, %dma_start3A_177] : memref<896x32xf32, #tpu.memory_space<vmem>> -> memref<128x32xf32, #tpu.memory_space<vmem>>
    %dma_start3A_179 = arith.constant 0 : i32
    %dma_start3A_180 = tpu.memref_slice %arg7[%dma_start3A_175, %dma_start3A_179] : memref<20x128xi32, #tpu.memory_space<vmem>> -> memref<1x128xi32, #tpu.memory_space<vmem>>
    %dma_start3A_181 = tpu.memref_squeeze %dma_start3A_180 : memref<1x128xi32, #tpu.memory_space<vmem>> -> memref<128xi32, #tpu.memory_space<vmem>>
    %dma_start3A_182 = arith.constant 0 : i32
    %dma_start3A_183 = arith.constant 0 : i32
    %dma_start3A_184 = tpu.memref_slice %arg5[%dma_start3A_182, %dma_start3A_183] : memref<1000001x32xf32, #tpu.memory_space<hbm>> -> memref<1000001x32xf32, #tpu.memory_space<hbm>>
    tpu.enqueue_indirect_dma source(%dma_start3A_184 : memref<1000001x32xf32, #tpu.memory_space<hbm>>) target(%dma_start3A_178 : memref<128x32xf32, #tpu.memory_space<vmem>>) offsets(%dma_start3A_181 : memref<128xi32, #tpu.memory_space<vmem>>) semaphore(%arg11 : memref<!tpu.dma_semaphore, #tpu.memory_space<semaphore_mem>>)
    %dma_start3A_185 = arith.constant 11 : i32
    %dma_start3A_186 = arith.constant 512 : i32
    %dma_start3A_187 = arith.constant 0 : i32
    %dma_start3A_188 = tpu.memref_slice %arg9[%dma_start3A_186, %dma_start3A_187] : memref<896x32xf32, #tpu.memory_space<vmem>> -> memref<128x32xf32, #tpu.memory_space<vmem>>
    %dma_start3A_189 = arith.constant 0 : i32
    %dma_start3A_190 = tpu.memref_slice %arg7[%dma_start3A_185, %dma_start3A_189] : memref<20x128xi32, #tpu.memory_space<vmem>> -> memref<1x128xi32, #tpu.memory_space<vmem>>
    %dma_start3A_191 = tpu.memref_squeeze %dma_start3A_190 : memref<1x128xi32, #tpu.memory_space<vmem>> -> memref<128xi32, #tpu.memory_space<vmem>>
    %dma_start3A_192 = arith.constant 0 : i32
    %dma_start3A_193 = arith.constant 0 : i32
    %dma_start3A_194 = tpu.memref_slice %arg5[%dma_start3A_192, %dma_start3A_193] : memref<1000001x32xf32, #tpu.memory_space<hbm>> -> memref<1000001x32xf32, #tpu.memory_space<hbm>>
    tpu.enqueue_indirect_dma source(%dma_start3A_194 : memref<1000001x32xf32, #tpu.memory_space<hbm>>) target(%dma_start3A_188 : memref<128x32xf32, #tpu.memory_space<vmem>>) offsets(%dma_start3A_191 : memref<128xi32, #tpu.memory_space<vmem>>) semaphore(%arg11 : memref<!tpu.dma_semaphore, #tpu.memory_space<semaphore_mem>>)
    %dma_start3A_195 = arith.constant 12 : i32
    %dma_start3A_196 = arith.constant 640 : i32
    %dma_start3A_197 = arith.constant 0 : i32
    %dma_start3A_198 = tpu.memref_slice %arg9[%dma_start3A_196, %dma_start3A_197] : memref<896x32xf32, #tpu.memory_space<vmem>> -> memref<128x32xf32, #tpu.memory_space<vmem>>
    %dma_start3A_199 = arith.constant 0 : i32
    %dma_start3A_200 = tpu.memref_slice %arg7[%dma_start3A_195, %dma_start3A_199] : memref<20x128xi32, #tpu.memory_space<vmem>> -> memref<1x128xi32, #tpu.memory_space<vmem>>
    %dma_start3A_201 = tpu.memref_squeeze %dma_start3A_200 : memref<1x128xi32, #tpu.memory_space<vmem>> -> memref<128xi32, #tpu.memory_space<vmem>>
    %dma_start3A_202 = arith.constant 0 : i32
    %dma_start3A_203 = arith.constant 0 : i32
    %dma_start3A_204 = tpu.memref_slice %arg5[%dma_start3A_202, %dma_start3A_203] : memref<1000001x32xf32, #tpu.memory_space<hbm>> -> memref<1000001x32xf32, #tpu.memory_space<hbm>>
    tpu.enqueue_indirect_dma source(%dma_start3A_204 : memref<1000001x32xf32, #tpu.memory_space<hbm>>) target(%dma_start3A_198 : memref<128x32xf32, #tpu.memory_space<vmem>>) offsets(%dma_start3A_201 : memref<128xi32, #tpu.memory_space<vmem>>) semaphore(%arg11 : memref<!tpu.dma_semaphore, #tpu.memory_space<semaphore_mem>>)
    %dma_start3A_205 = arith.constant 13 : i32
    %dma_start3A_206 = arith.constant 768 : i32
    %dma_start3A_207 = arith.constant 0 : i32
    %dma_start3A_208 = tpu.memref_slice %arg9[%dma_start3A_206, %dma_start3A_207] : memref<896x32xf32, #tpu.memory_space<vmem>> -> memref<128x32xf32, #tpu.memory_space<vmem>>
    %dma_start3A_209 = arith.constant 0 : i32
    %dma_start3A_210 = tpu.memref_slice %arg7[%dma_start3A_205, %dma_start3A_209] : memref<20x128xi32, #tpu.memory_space<vmem>> -> memref<1x128xi32, #tpu.memory_space<vmem>>
    %dma_start3A_211 = tpu.memref_squeeze %dma_start3A_210 : memref<1x128xi32, #tpu.memory_space<vmem>> -> memref<128xi32, #tpu.memory_space<vmem>>
    %dma_start3A_212 = arith.constant 0 : i32
    %dma_start3A_213 = arith.constant 0 : i32
    %dma_start3A_214 = tpu.memref_slice %arg5[%dma_start3A_212, %dma_start3A_213] : memref<1000001x32xf32, #tpu.memory_space<hbm>> -> memref<1000001x32xf32, #tpu.memory_space<hbm>>
    tpu.enqueue_indirect_dma source(%dma_start3A_214 : memref<1000001x32xf32, #tpu.memory_space<hbm>>) target(%dma_start3A_208 : memref<128x32xf32, #tpu.memory_space<vmem>>) offsets(%dma_start3A_211 : memref<128xi32, #tpu.memory_space<vmem>>) semaphore(%arg11 : memref<!tpu.dma_semaphore, #tpu.memory_space<semaphore_mem>>)
    %dma_wait3A_215 = arith.constant 0 : i32
    %dma_wait3A_216 = arith.constant 0 : i32
    %dma_wait3A_217 = arith.constant 0 : i32
    %dma_wait3A_218 = tpu.memref_slice %arg9[%dma_wait3A_216, %dma_wait3A_217] : memref<896x32xf32, #tpu.memory_space<vmem>> -> memref<128x32xf32, #tpu.memory_space<vmem>>
    %dma_wait3A_219 = arith.constant 0 : i32
    %dma_wait3A_220 = tpu.memref_slice %arg7[%dma_wait3A_215, %dma_wait3A_219] : memref<20x128xi32, #tpu.memory_space<vmem>> -> memref<1x128xi32, #tpu.memory_space<vmem>>
    %dma_wait3A_221 = tpu.memref_squeeze %dma_wait3A_220 : memref<1x128xi32, #tpu.memory_space<vmem>> -> memref<128xi32, #tpu.memory_space<vmem>>
    %dma_wait3A_222 = arith.constant 0 : i32
    %dma_wait3A_223 = arith.constant 0 : i32
    %dma_wait3A_224 = tpu.memref_slice %arg5[%dma_wait3A_222, %dma_wait3A_223] : memref<1000001x32xf32, #tpu.memory_space<hbm>> -> memref<1000001x32xf32, #tpu.memory_space<hbm>>
    tpu.wait_indirect_dma semaphore(%arg11 : memref<!tpu.dma_semaphore, #tpu.memory_space<semaphore_mem>>) src(%dma_wait3A_224 : memref<1000001x32xf32, #tpu.memory_space<hbm>>) dst(%dma_wait3A_218 : memref<128x32xf32, #tpu.memory_space<vmem>>)
    %dma_wait3A_225 = arith.constant 0 : i32
    %dma_wait3A_226 = arith.constant 0 : i32
    %dma_wait3A_227 = arith.constant 0 : i32
    %dma_wait3A_228 = tpu.memref_slice %arg9[%dma_wait3A_226, %dma_wait3A_227] : memref<896x32xf32, #tpu.memory_space<vmem>> -> memref<128x32xf32, #tpu.memory_space<vmem>>
    %dma_wait3A_229 = arith.constant 0 : i32
    %dma_wait3A_230 = tpu.memref_slice %arg7[%dma_wait3A_225, %dma_wait3A_229] : memref<20x128xi32, #tpu.memory_space<vmem>> -> memref<1x128xi32, #tpu.memory_space<vmem>>
    %dma_wait3A_231 = tpu.memref_squeeze %dma_wait3A_230 : memref<1x128xi32, #tpu.memory_space<vmem>> -> memref<128xi32, #tpu.memory_space<vmem>>
    %dma_wait3A_232 = arith.constant 0 : i32
    %dma_wait3A_233 = arith.constant 0 : i32
    %dma_wait3A_234 = tpu.memref_slice %arg5[%dma_wait3A_232, %dma_wait3A_233] : memref<1000001x32xf32, #tpu.memory_space<hbm>> -> memref<1000001x32xf32, #tpu.memory_space<hbm>>
    tpu.wait_indirect_dma semaphore(%arg11 : memref<!tpu.dma_semaphore, #tpu.memory_space<semaphore_mem>>) src(%dma_wait3A_234 : memref<1000001x32xf32, #tpu.memory_space<hbm>>) dst(%dma_wait3A_228 : memref<128x32xf32, #tpu.memory_space<vmem>>)
    %dma_wait3A_235 = arith.constant 0 : i32
    %dma_wait3A_236 = arith.constant 0 : i32
    %dma_wait3A_237 = arith.constant 0 : i32
    %dma_wait3A_238 = tpu.memref_slice %arg9[%dma_wait3A_236, %dma_wait3A_237] : memref<896x32xf32, #tpu.memory_space<vmem>> -> memref<128x32xf32, #tpu.memory_space<vmem>>
    %dma_wait3A_239 = arith.constant 0 : i32
    %dma_wait3A_240 = tpu.memref_slice %arg7[%dma_wait3A_235, %dma_wait3A_239] : memref<20x128xi32, #tpu.memory_space<vmem>> -> memref<1x128xi32, #tpu.memory_space<vmem>>
    %dma_wait3A_241 = tpu.memref_squeeze %dma_wait3A_240 : memref<1x128xi32, #tpu.memory_space<vmem>> -> memref<128xi32, #tpu.memory_space<vmem>>
    %dma_wait3A_242 = arith.constant 0 : i32
    %dma_wait3A_243 = arith.constant 0 : i32
    %dma_wait3A_244 = tpu.memref_slice %arg5[%dma_wait3A_242, %dma_wait3A_243] : memref<1000001x32xf32, #tpu.memory_space<hbm>> -> memref<1000001x32xf32, #tpu.memory_space<hbm>>
    tpu.wait_indirect_dma semaphore(%arg11 : memref<!tpu.dma_semaphore, #tpu.memory_space<semaphore_mem>>) src(%dma_wait3A_244 : memref<1000001x32xf32, #tpu.memory_space<hbm>>) dst(%dma_wait3A_238 : memref<128x32xf32, #tpu.memory_space<vmem>>)
    %dma_wait3A_245 = arith.constant 0 : i32
    %dma_wait3A_246 = arith.constant 0 : i32
    %dma_wait3A_247 = arith.constant 0 : i32
    %dma_wait3A_248 = tpu.memref_slice %arg9[%dma_wait3A_246, %dma_wait3A_247] : memref<896x32xf32, #tpu.memory_space<vmem>> -> memref<128x32xf32, #tpu.memory_space<vmem>>
    %dma_wait3A_249 = arith.constant 0 : i32
    %dma_wait3A_250 = tpu.memref_slice %arg7[%dma_wait3A_245, %dma_wait3A_249] : memref<20x128xi32, #tpu.memory_space<vmem>> -> memref<1x128xi32, #tpu.memory_space<vmem>>
    %dma_wait3A_251 = tpu.memref_squeeze %dma_wait3A_250 : memref<1x128xi32, #tpu.memory_space<vmem>> -> memref<128xi32, #tpu.memory_space<vmem>>
    %dma_wait3A_252 = arith.constant 0 : i32
    %dma_wait3A_253 = arith.constant 0 : i32
    %dma_wait3A_254 = tpu.memref_slice %arg5[%dma_wait3A_252, %dma_wait3A_253] : memref<1000001x32xf32, #tpu.memory_space<hbm>> -> memref<1000001x32xf32, #tpu.memory_space<hbm>>
    tpu.wait_indirect_dma semaphore(%arg11 : memref<!tpu.dma_semaphore, #tpu.memory_space<semaphore_mem>>) src(%dma_wait3A_254 : memref<1000001x32xf32, #tpu.memory_space<hbm>>) dst(%dma_wait3A_248 : memref<128x32xf32, #tpu.memory_space<vmem>>)
    %dma_wait3A_255 = arith.constant 0 : i32
    %dma_wait3A_256 = arith.constant 0 : i32
    %dma_wait3A_257 = arith.constant 0 : i32
    %dma_wait3A_258 = tpu.memref_slice %arg9[%dma_wait3A_256, %dma_wait3A_257] : memref<896x32xf32, #tpu.memory_space<vmem>> -> memref<128x32xf32, #tpu.memory_space<vmem>>
    %dma_wait3A_259 = arith.constant 0 : i32
    %dma_wait3A_260 = tpu.memref_slice %arg7[%dma_wait3A_255, %dma_wait3A_259] : memref<20x128xi32, #tpu.memory_space<vmem>> -> memref<1x128xi32, #tpu.memory_space<vmem>>
    %dma_wait3A_261 = tpu.memref_squeeze %dma_wait3A_260 : memref<1x128xi32, #tpu.memory_space<vmem>> -> memref<128xi32, #tpu.memory_space<vmem>>
    %dma_wait3A_262 = arith.constant 0 : i32
    %dma_wait3A_263 = arith.constant 0 : i32
    %dma_wait3A_264 = tpu.memref_slice %arg5[%dma_wait3A_262, %dma_wait3A_263] : memref<1000001x32xf32, #tpu.memory_space<hbm>> -> memref<1000001x32xf32, #tpu.memory_space<hbm>>
    tpu.wait_indirect_dma semaphore(%arg11 : memref<!tpu.dma_semaphore, #tpu.memory_space<semaphore_mem>>) src(%dma_wait3A_264 : memref<1000001x32xf32, #tpu.memory_space<hbm>>) dst(%dma_wait3A_258 : memref<128x32xf32, #tpu.memory_space<vmem>>)
    %dma_wait3A_265 = arith.constant 0 : i32
    %dma_wait3A_266 = arith.constant 0 : i32
    %dma_wait3A_267 = arith.constant 0 : i32
    %dma_wait3A_268 = tpu.memref_slice %arg9[%dma_wait3A_266, %dma_wait3A_267] : memref<896x32xf32, #tpu.memory_space<vmem>> -> memref<128x32xf32, #tpu.memory_space<vmem>>
    %dma_wait3A_269 = arith.constant 0 : i32
    %dma_wait3A_270 = tpu.memref_slice %arg7[%dma_wait3A_265, %dma_wait3A_269] : memref<20x128xi32, #tpu.memory_space<vmem>> -> memref<1x128xi32, #tpu.memory_space<vmem>>
    %dma_wait3A_271 = tpu.memref_squeeze %dma_wait3A_270 : memref<1x128xi32, #tpu.memory_space<vmem>> -> memref<128xi32, #tpu.memory_space<vmem>>
    %dma_wait3A_272 = arith.constant 0 : i32
    %dma_wait3A_273 = arith.constant 0 : i32
    %dma_wait3A_274 = tpu.memref_slice %arg5[%dma_wait3A_272, %dma_wait3A_273] : memref<1000001x32xf32, #tpu.memory_space<hbm>> -> memref<1000001x32xf32, #tpu.memory_space<hbm>>
    tpu.wait_indirect_dma semaphore(%arg11 : memref<!tpu.dma_semaphore, #tpu.memory_space<semaphore_mem>>) src(%dma_wait3A_274 : memref<1000001x32xf32, #tpu.memory_space<hbm>>) dst(%dma_wait3A_268 : memref<128x32xf32, #tpu.memory_space<vmem>>)
    %dma_wait3A_275 = arith.constant 0 : i32
    %dma_wait3A_276 = arith.constant 0 : i32
    %dma_wait3A_277 = arith.constant 0 : i32
    %dma_wait3A_278 = tpu.memref_slice %arg9[%dma_wait3A_276, %dma_wait3A_277] : memref<896x32xf32, #tpu.memory_space<vmem>> -> memref<128x32xf32, #tpu.memory_space<vmem>>
    %dma_wait3A_279 = arith.constant 0 : i32
    %dma_wait3A_280 = tpu.memref_slice %arg7[%dma_wait3A_275, %dma_wait3A_279] : memref<20x128xi32, #tpu.memory_space<vmem>> -> memref<1x128xi32, #tpu.memory_space<vmem>>
    %dma_wait3A_281 = tpu.memref_squeeze %dma_wait3A_280 : memref<1x128xi32, #tpu.memory_space<vmem>> -> memref<128xi32, #tpu.memory_space<vmem>>
    %dma_wait3A_282 = arith.constant 0 : i32
    %dma_wait3A_283 = arith.constant 0 : i32
    %dma_wait3A_284 = tpu.memref_slice %arg5[%dma_wait3A_282, %dma_wait3A_283] : memref<1000001x32xf32, #tpu.memory_space<hbm>> -> memref<1000001x32xf32, #tpu.memory_space<hbm>>
    tpu.wait_indirect_dma semaphore(%arg11 : memref<!tpu.dma_semaphore, #tpu.memory_space<semaphore_mem>>) src(%dma_wait3A_284 : memref<1000001x32xf32, #tpu.memory_space<hbm>>) dst(%dma_wait3A_278 : memref<128x32xf32, #tpu.memory_space<vmem>>)
    %scan3A_285 = arith.constant 0 : i32
    %scan3A_286 = arith.constant 32 : i32
    %scan3A_287 = arith.addi %scan3A_285, %scan3A_286 : i32
    %scan3A_288 = arith.constant 1 : i32
    scf.for %scan3A_431 = %scan3A_285 to %scan3A_287 step %scan3A_288  : i32 {
      %add3A_432 = arith.constant 0 : i32
      %add3A_433 = vector.broadcast %add3A_432 : i32 to vector<16xi32>
      %add3A_434 = arith.addi %iota3A, %add3A_433 : vector<16xi32>
      %broadcast_in_dim3A = arith.constant 0 : i32
      %broadcast_in_dim3A_435 = vector.broadcast %broadcast_in_dim3A : i32 to vector<16xi32>
      %add3A_436 = vector.broadcast %scan3A_431 : i32 to vector<16xi32>
      %add3A_437 = arith.addi %broadcast_in_dim3A_435, %add3A_436 : vector<16xi32>
      %gather3A = tpu.vector_load_idx %arg9[%add3A_434, %add3A_437] : memref<896x32xf32, #tpu.memory_space<vmem>>[vector<16xi32>, vector<16xi32>], vector<16xf32>,
      %add3A_438 = arith.constant 224 : i32
      %add3A_439 = arith.addi %add3A_438, %scan3A_431 : i32
      %swap3A = arith.index_cast %add3A_439 : i32 to index
      %swap3A_440 = arith.constant 0 : index
      %swap3A_441 = tpu.vector_load %arg10[%swap3A, %swap3A_440] {strides = array<i32>} : memref<672x128xf32, #tpu.memory_space<vmem>>, vector<16xf32>,
      tpu.vector_store %arg10[%swap3A, %swap3A_440], %gather3A {strides = array<i32>} : memref<672x128xf32, #tpu.memory_space<vmem>>, vector<16xf32>,
      %add3A_442 = arith.constant 16 : i32
      %add3A_443 = vector.broadcast %add3A_442 : i32 to vector<16xi32>
      %add3A_444 = arith.addi %iota3A, %add3A_443 : vector<16xi32>
      %broadcast_in_dim3A_445 = arith.constant 0 : i32
      %broadcast_in_dim3A_446 = vector.broadcast %broadcast_in_dim3A_445 : i32 to vector<16xi32>
      %add3A_447 = vector.broadcast %scan3A_431 : i32 to vector<16xi32>
      %add3A_448 = arith.addi %broadcast_in_dim3A_446, %add3A_447 : vector<16xi32>
      %gather3A_449 = tpu.vector_load_idx %arg9[%add3A_444, %add3A_448] : memref<896x32xf32, #tpu.memory_space<vmem>>[vector<16xi32>, vector<16xi32>], vector<16xf32>,
      %add3A_450 = arith.constant 224 : i32
      %add3A_451 = arith.addi %add3A_450, %scan3A_431 : i32
      %swap3A_452 = arith.index_cast %add3A_451 : i32 to index
      %swap3A_453 = arith.constant 16 : index
      %swap3A_454 = tpu.vector_load %arg10[%swap3A_452, %swap3A_453] {strides = array<i32>} : memref<672x128xf32, #tpu.memory_space<vmem>>, vector<16xf32>,
      tpu.vector_store %arg10[%swap3A_452, %swap3A_453], %gather3A_449 {strides = array<i32>} : memref<672x128xf32, #tpu.memory_space<vmem>>, vector<16xf32>,
      %add3A_455 = arith.constant 32 : i32
      %add3A_456 = vector.broadcast %add3A_455 : i32 to vector<16xi32>
      %add3A_457 = arith.addi %iota3A, %add3A_456 : vector<16xi32>
      %broadcast_in_dim3A_458 = arith.constant 0 : i32
      %broadcast_in_dim3A_459 = vector.broadcast %broadcast_in_dim3A_458 : i32 to vector<16xi32>
      %add3A_460 = vector.broadcast %scan3A_431 : i32 to vector<16xi32>
      %add3A_461 = arith.addi %broadcast_in_dim3A_459, %add3A_460 : vector<16xi32>
      %gather3A_462 = tpu.vector_load_idx %arg9[%add3A_457, %add3A_461] : memref<896x32xf32, #tpu.memory_space<vmem>>[vector<16xi32>, vector<16xi32>], vector<16xf32>,
      %add3A_463 = arith.constant 224 : i32
      %add3A_464 = arith.addi %add3A_463, %scan3A_431 : i32
      %swap3A_465 = arith.index_cast %add3A_464 : i32 to index
      %swap3A_466 = arith.constant 32 : index
      %swap3A_467 = tpu.vector_load %arg10[%swap3A_465, %swap3A_466] {strides = array<i32>} : memref<672x128xf32, #tpu.memory_space<vmem>>, vector<16xf32>,
      tpu.vector_store %arg10[%swap3A_465, %swap3A_466], %gather3A_462 {strides = array<i32>} : memref<672x128xf32, #tpu.memory_space<vmem>>, vector<16xf32>,
      %add3A_468 = arith.constant 48 : i32
      %add3A_469 = vector.broadcast %add3A_468 : i32 to vector<16xi32>
      %add3A_470 = arith.addi %iota3A, %add3A_469 : vector<16xi32>
      %broadcast_in_dim3A_471 = arith.constant 0 : i32
      %broadcast_in_dim3A_472 = vector.broadcast %broadcast_in_dim3A_471 : i32 to vector<16xi32>
      %add3A_473 = vector.broadcast %scan3A_431 : i32 to vector<16xi32>
      %add3A_474 = arith.addi %broadcast_in_dim3A_472, %add3A_473 : vector<16xi32>
      %gather3A_475 = tpu.vector_load_idx %arg9[%add3A_470, %add3A_474] : memref<896x32xf32, #tpu.memory_space<vmem>>[vector<16xi32>, vector<16xi32>], vector<16xf32>,
      %add3A_476 = arith.constant 224 : i32
      %add3A_477 = arith.addi %add3A_476, %scan3A_431 : i32
      %swap3A_478 = arith.index_cast %add3A_477 : i32 to index
      %swap3A_479 = arith.constant 48 : index
      %swap3A_480 = tpu.vector_load %arg10[%swap3A_478, %swap3A_479] {strides = array<i32>} : memref<672x128xf32, #tpu.memory_space<vmem>>, vector<16xf32>,
      tpu.vector_store %arg10[%swap3A_478, %swap3A_479], %gather3A_475 {strides = array<i32>} : memref<672x128xf32, #tpu.memory_space<vmem>>, vector<16xf32>,
      %add3A_481 = arith.constant 64 : i32
      %add3A_482 = vector.broadcast %add3A_481 : i32 to vector<16xi32>
      %add3A_483 = arith.addi %iota3A, %add3A_482 : vector<16xi32>
      %broadcast_in_dim3A_484 = arith.constant 0 : i32
      %broadcast_in_dim3A_485 = vector.broadcast %broadcast_in_dim3A_484 : i32 to vector<16xi32>
      %add3A_486 = vector.broadcast %scan3A_431 : i32 to vector<16xi32>
      %add3A_487 = arith.addi %broadcast_in_dim3A_485, %add3A_486 : vector<16xi32>
      %gather3A_488 = tpu.vector_load_idx %arg9[%add3A_483, %add3A_487] : memref<896x32xf32, #tpu.memory_space<vmem>>[vector<16xi32>, vector<16xi32>], vector<16xf32>,
      %add3A_489 = arith.constant 224 : i32
      %add3A_490 = arith.addi %add3A_489, %scan3A_431 : i32
      %swap3A_491 = arith.index_cast %add3A_490 : i32 to index
      %swap3A_492 = arith.constant 64 : index
      %swap3A_493 = tpu.vector_load %arg10[%swap3A_491, %swap3A_492] {strides = array<i32>} : memref<672x128xf32, #tpu.memory_space<vmem>>, vector<16xf32>,
      tpu.vector_store %arg10[%swap3A_491, %swap3A_492], %gather3A_488 {strides = array<i32>} : memref<672x128xf32, #tpu.memory_space<vmem>>, vector<16xf32>,
      %add3A_494 = arith.constant 80 : i32
      %add3A_495 = vector.broadcast %add3A_494 : i32 to vector<16xi32>
      %add3A_496 = arith.addi %iota3A, %add3A_495 : vector<16xi32>
      %broadcast_in_dim3A_497 = arith.constant 0 : i32
      %broadcast_in_dim3A_498 = vector.broadcast %broadcast_in_dim3A_497 : i32 to vector<16xi32>
      %add3A_499 = vector.broadcast %scan3A_431 : i32 to vector<16xi32>
      %add3A_500 = arith.addi %broadcast_in_dim3A_498, %add3A_499 : vector<16xi32>
      %gather3A_501 = tpu.vector_load_idx %arg9[%add3A_496, %add3A_500] : memref<896x32xf32, #tpu.memory_space<vmem>>[vector<16xi32>, vector<16xi32>], vector<16xf32>,
      %add3A_502 = arith.constant 224 : i32
      %add3A_503 = arith.addi %add3A_502, %scan3A_431 : i32
      %swap3A_504 = arith.index_cast %add3A_503 : i32 to index
      %swap3A_505 = arith.constant 80 : index
      %swap3A_506 = tpu.vector_load %arg10[%swap3A_504, %swap3A_505] {strides = array<i32>} : memref<672x128xf32, #tpu.memory_space<vmem>>, vector<16xf32>,
      tpu.vector_store %arg10[%swap3A_504, %swap3A_505], %gather3A_501 {strides = array<i32>} : memref<672x128xf32, #tpu.memory_space<vmem>>, vector<16xf32>,
      %add3A_507 = arith.constant 96 : i32
      %add3A_508 = vector.broadcast %add3A_507 : i32 to vector<16xi32>
      %add3A_509 = arith.addi %iota3A, %add3A_508 : vector<16xi32>
      %broadcast_in_dim3A_510 = arith.constant 0 : i32
      %broadcast_in_dim3A_511 = vector.broadcast %broadcast_in_dim3A_510 : i32 to vector<16xi32>
      %add3A_512 = vector.broadcast %scan3A_431 : i32 to vector<16xi32>
      %add3A_513 = arith.addi %broadcast_in_dim3A_511, %add3A_512 : vector<16xi32>
      %gather3A_514 = tpu.vector_load_idx %arg9[%add3A_509, %add3A_513] : memref<896x32xf32, #tpu.memory_space<vmem>>[vector<16xi32>, vector<16xi32>], vector<16xf32>,
      %add3A_515 = arith.constant 224 : i32
      %add3A_516 = arith.addi %add3A_515, %scan3A_431 : i32
      %swap3A_517 = arith.index_cast %add3A_516 : i32 to index
      %swap3A_518 = arith.constant 96 : index
      %swap3A_519 = tpu.vector_load %arg10[%swap3A_517, %swap3A_518] {strides = array<i32>} : memref<672x128xf32, #tpu.memory_space<vmem>>, vector<16xf32>,
      tpu.vector_store %arg10[%swap3A_517, %swap3A_518], %gather3A_514 {strides = array<i32>} : memref<672x128xf32, #tpu.memory_space<vmem>>, vector<16xf32>,
      %add3A_520 = arith.constant 112 : i32
      %add3A_521 = vector.broadcast %add3A_520 : i32 to vector<16xi32>
      %add3A_522 = arith.addi %iota3A, %add3A_521 : vector<16xi32>
      %broadcast_in_dim3A_523 = arith.constant 0 : i32
      %broadcast_in_dim3A_524 = vector.broadcast %broadcast_in_dim3A_523 : i32 to vector<16xi32>
      %add3A_525 = vector.broadcast %scan3A_431 : i32 to vector<16xi32>
      %add3A_526 = arith.addi %broadcast_in_dim3A_524, %add3A_525 : vector<16xi32>
      %gather3A_527 = tpu.vector_load_idx %arg9[%add3A_522, %add3A_526] : memref<896x32xf32, #tpu.memory_space<vmem>>[vector<16xi32>, vector<16xi32>], vector<16xf32>,
      %add3A_528 = arith.constant 224 : i32
      %add3A_529 = arith.addi %add3A_528, %scan3A_431 : i32
      %swap3A_530 = arith.index_cast %add3A_529 : i32 to index
      %swap3A_531 = arith.constant 112 : index
      %swap3A_532 = tpu.vector_load %arg10[%swap3A_530, %swap3A_531] {strides = array<i32>} : memref<672x128xf32, #tpu.memory_space<vmem>>, vector<16xf32>,
      tpu.vector_store %arg10[%swap3A_530, %swap3A_531], %gather3A_527 {strides = array<i32>} : memref<672x128xf32, #tpu.memory_space<vmem>>, vector<16xf32>,
      %add3A_533 = arith.constant 128 : i32
      %add3A_534 = vector.broadcast %add3A_533 : i32 to vector<16xi32>
      %add3A_535 = arith.addi %iota3A, %add3A_534 : vector<16xi32>
      %broadcast_in_dim3A_536 = arith.constant 0 : i32
      %broadcast_in_dim3A_537 = vector.broadcast %broadcast_in_dim3A_536 : i32 to vector<16xi32>
      %add3A_538 = vector.broadcast %scan3A_431 : i32 to vector<16xi32>
      %add3A_539 = arith.addi %broadcast_in_dim3A_537, %add3A_538 : vector<16xi32>
      %gather3A_540 = tpu.vector_load_idx %arg9[%add3A_535, %add3A_539] : memref<896x32xf32, #tpu.memory_space<vmem>>[vector<16xi32>, vector<16xi32>], vector<16xf32>,
      %add3A_541 = arith.constant 256 : i32
      %add3A_542 = arith.addi %add3A_541, %scan3A_431 : i32
      %swap3A_543 = arith.index_cast %add3A_542 : i32 to index
      %swap3A_544 = arith.constant 0 : index
      %swap3A_545 = tpu.vector_load %arg10[%swap3A_543, %swap3A_544] {strides = array<i32>} : memref<672x128xf32, #tpu.memory_space<vmem>>, vector<16xf32>,
      tpu.vector_store %arg10[%swap3A_543, %swap3A_544], %gather3A_540 {strides = array<i32>} : memref<672x128xf32, #tpu.memory_space<vmem>>, vector<16xf32>,
      %add3A_546 = arith.constant 144 : i32
      %add3A_547 = vector.broadcast %add3A_546 : i32 to vector<16xi32>
      %add3A_548 = arith.addi %iota3A, %add3A_547 : vector<16xi32>
      %broadcast_in_dim3A_549 = arith.constant 0 : i32
      %broadcast_in_dim3A_550 = vector.broadcast %broadcast_in_dim3A_549 : i32 to vector<16xi32>
      %add3A_551 = vector.broadcast %scan3A_431 : i32 to vector<16xi32>
      %add3A_552 = arith.addi %broadcast_in_dim3A_550, %add3A_551 : vector<16xi32>
      %gather3A_553 = tpu.vector_load_idx %arg9[%add3A_548, %add3A_552] : memref<896x32xf32, #tpu.memory_space<vmem>>[vector<16xi32>, vector<16xi32>], vector<16xf32>,
      %add3A_554 = arith.constant 256 : i32
      %add3A_555 = arith.addi %add3A_554, %scan3A_431 : i32
      %swap3A_556 = arith.index_cast %add3A_555 : i32 to index
      %swap3A_557 = arith.constant 16 : index
      %swap3A_558 = tpu.vector_load %arg10[%swap3A_556, %swap3A_557] {strides = array<i32>} : memref<672x128xf32, #tpu.memory_space<vmem>>, vector<16xf32>,
      tpu.vector_store %arg10[%swap3A_556, %swap3A_557], %gather3A_553 {strides = array<i32>} : memref<672x128xf32, #tpu.memory_space<vmem>>, vector<16xf32>,
      %add3A_559 = arith.constant 160 : i32
      %add3A_560 = vector.broadcast %add3A_559 : i32 to vector<16xi32>
      %add3A_561 = arith.addi %iota3A, %add3A_560 : vector<16xi32>
      %broadcast_in_dim3A_562 = arith.constant 0 : i32
      %broadcast_in_dim3A_563 = vector.broadcast %broadcast_in_dim3A_562 : i32 to vector<16xi32>
      %add3A_564 = vector.broadcast %scan3A_431 : i32 to vector<16xi32>
      %add3A_565 = arith.addi %broadcast_in_dim3A_563, %add3A_564 : vector<16xi32>
      %gather3A_566 = tpu.vector_load_idx %arg9[%add3A_561, %add3A_565] : memref<896x32xf32, #tpu.memory_space<vmem>>[vector<16xi32>, vector<16xi32>], vector<16xf32>,
      %add3A_567 = arith.constant 256 : i32
      %add3A_568 = arith.addi %add3A_567, %scan3A_431 : i32
      %swap3A_569 = arith.index_cast %add3A_568 : i32 to index
      %swap3A_570 = arith.constant 32 : index
      %swap3A_571 = tpu.vector_load %arg10[%swap3A_569, %swap3A_570] {strides = array<i32>} : memref<672x128xf32, #tpu.memory_space<vmem>>, vector<16xf32>,
      tpu.vector_store %arg10[%swap3A_569, %swap3A_570], %gather3A_566 {strides = array<i32>} : memref<672x128xf32, #tpu.memory_space<vmem>>, vector<16xf32>,
      %add3A_572 = arith.constant 176 : i32
      %add3A_573 = vector.broadcast %add3A_572 : i32 to vector<16xi32>
      %add3A_574 = arith.addi %iota3A, %add3A_573 : vector<16xi32>
      %broadcast_in_dim3A_575 = arith.constant 0 : i32
      %broadcast_in_dim3A_576 = vector.broadcast %broadcast_in_dim3A_575 : i32 to vector<16xi32>
      %add3A_577 = vector.broadcast %scan3A_431 : i32 to vector<16xi32>
      %add3A_578 = arith.addi %broadcast_in_dim3A_576, %add3A_577 : vector<16xi32>
      %gather3A_579 = tpu.vector_load_idx %arg9[%add3A_574, %add3A_578] : memref<896x32xf32, #tpu.memory_space<vmem>>[vector<16xi32>, vector<16xi32>], vector<16xf32>,
      %add3A_580 = arith.constant 256 : i32
      %add3A_581 = arith.addi %add3A_580, %scan3A_431 : i32
      %swap3A_582 = arith.index_cast %add3A_581 : i32 to index
      %swap3A_583 = arith.constant 48 : index
      %swap3A_584 = tpu.vector_load %arg10[%swap3A_582, %swap3A_583] {strides = array<i32>} : memref<672x128xf32, #tpu.memory_space<vmem>>, vector<16xf32>,
      tpu.vector_store %arg10[%swap3A_582, %swap3A_583], %gather3A_579 {strides = array<i32>} : memref<672x128xf32, #tpu.memory_space<vmem>>, vector<16xf32>,
      %add3A_585 = arith.constant 192 : i32
      %add3A_586 = vector.broadcast %add3A_585 : i32 to vector<16xi32>
      %add3A_587 = arith.addi %iota3A, %add3A_586 : vector<16xi32>
      %broadcast_in_dim3A_588 = arith.constant 0 : i32
      %broadcast_in_dim3A_589 = vector.broadcast %broadcast_in_dim3A_588 : i32 to vector<16xi32>
      %add3A_590 = vector.broadcast %scan3A_431 : i32 to vector<16xi32>
      %add3A_591 = arith.addi %broadcast_in_dim3A_589, %add3A_590 : vector<16xi32>
      %gather3A_592 = tpu.vector_load_idx %arg9[%add3A_587, %add3A_591] : memref<896x32xf32, #tpu.memory_space<vmem>>[vector<16xi32>, vector<16xi32>], vector<16xf32>,
      %add3A_593 = arith.constant 256 : i32
      %add3A_594 = arith.addi %add3A_593, %scan3A_431 : i32
      %swap3A_595 = arith.index_cast %add3A_594 : i32 to index
      %swap3A_596 = arith.constant 64 : index
      %swap3A_597 = tpu.vector_load %arg10[%swap3A_595, %swap3A_596] {strides = array<i32>} : memref<672x128xf32, #tpu.memory_space<vmem>>, vector<16xf32>,
      tpu.vector_store %arg10[%swap3A_595, %swap3A_596], %gather3A_592 {strides = array<i32>} : memref<672x128xf32, #tpu.memory_space<vmem>>, vector<16xf32>,
      %add3A_598 = arith.constant 208 : i32
      %add3A_599 = vector.broadcast %add3A_598 : i32 to vector<16xi32>
      %add3A_600 = arith.addi %iota3A, %add3A_599 : vector<16xi32>
      %broadcast_in_dim3A_601 = arith.constant 0 : i32
      %broadcast_in_dim3A_602 = vector.broadcast %broadcast_in_dim3A_601 : i32 to vector<16xi32>
      %add3A_603 = vector.broadcast %scan3A_431 : i32 to vector<16xi32>
      %add3A_604 = arith.addi %broadcast_in_dim3A_602, %add3A_603 : vector<16xi32>
      %gather3A_605 = tpu.vector_load_idx %arg9[%add3A_600, %add3A_604] : memref<896x32xf32, #tpu.memory_space<vmem>>[vector<16xi32>, vector<16xi32>], vector<16xf32>,
      %add3A_606 = arith.constant 256 : i32
      %add3A_607 = arith.addi %add3A_606, %scan3A_431 : i32
      %swap3A_608 = arith.index_cast %add3A_607 : i32 to index
      %swap3A_609 = arith.constant 80 : index
      %swap3A_610 = tpu.vector_load %arg10[%swap3A_608, %swap3A_609] {strides = array<i32>} : memref<672x128xf32, #tpu.memory_space<vmem>>, vector<16xf32>,
      tpu.vector_store %arg10[%swap3A_608, %swap3A_609], %gather3A_605 {strides = array<i32>} : memref<672x128xf32, #tpu.memory_space<vmem>>, vector<16xf32>,
      %add3A_611 = arith.constant 224 : i32
      %add3A_612 = vector.broadcast %add3A_611 : i32 to vector<16xi32>
      %add3A_613 = arith.addi %iota3A, %add3A_612 : vector<16xi32>
      %broadcast_in_dim3A_614 = arith.constant 0 : i32
      %broadcast_in_dim3A_615 = vector.broadcast %broadcast_in_dim3A_614 : i32 to vector<16xi32>
      %add3A_616 = vector.broadcast %scan3A_431 : i32 to vector<16xi32>
      %add3A_617 = arith.addi %broadcast_in_dim3A_615, %add3A_616 : vector<16xi32>
      %gather3A_618 = tpu.vector_load_idx %arg9[%add3A_613, %add3A_617] : memref<896x32xf32, #tpu.memory_space<vmem>>[vector<16xi32>, vector<16xi32>], vector<16xf32>,
      %add3A_619 = arith.constant 256 : i32
      %add3A_620 = arith.addi %add3A_619, %scan3A_431 : i32
      %swap3A_621 = arith.index_cast %add3A_620 : i32 to index
      %swap3A_622 = arith.constant 96 : index
      %swap3A_623 = tpu.vector_load %arg10[%swap3A_621, %swap3A_622] {strides = array<i32>} : memref<672x128xf32, #tpu.memory_space<vmem>>, vector<16xf32>,
      tpu.vector_store %arg10[%swap3A_621, %swap3A_622], %gather3A_618 {strides = array<i32>} : memref<672x128xf32, #tpu.memory_space<vmem>>, vector<16xf32>,
      %add3A_624 = arith.constant 240 : i32
      %add3A_625 = vector.broadcast %add3A_624 : i32 to vector<16xi32>
      %add3A_626 = arith.addi %iota3A, %add3A_625 : vector<16xi32>
      %broadcast_in_dim3A_627 = arith.constant 0 : i32
      %broadcast_in_dim3A_628 = vector.broadcast %broadcast_in_dim3A_627 : i32 to vector<16xi32>
      %add3A_629 = vector.broadcast %scan3A_431 : i32 to vector<16xi32>
      %add3A_630 = arith.addi %broadcast_in_dim3A_628, %add3A_629 : vector<16xi32>
      %gather3A_631 = tpu.vector_load_idx %arg9[%add3A_626, %add3A_630] : memref<896x32xf32, #tpu.memory_space<vmem>>[vector<16xi32>, vector<16xi32>], vector<16xf32>,
      %add3A_632 = arith.constant 256 : i32
      %add3A_633 = arith.addi %add3A_632, %scan3A_431 : i32
      %swap3A_634 = arith.index_cast %add3A_633 : i32 to index
      %swap3A_635 = arith.constant 112 : index
      %swap3A_636 = tpu.vector_load %arg10[%swap3A_634, %swap3A_635] {strides = array<i32>} : memref<672x128xf32, #tpu.memory_space<vmem>>, vector<16xf32>,
      tpu.vector_store %arg10[%swap3A_634, %swap3A_635], %gather3A_631 {strides = array<i32>} : memref<672x128xf32, #tpu.memory_space<vmem>>, vector<16xf32>,
      %add3A_637 = arith.constant 256 : i32
      %add3A_638 = vector.broadcast %add3A_637 : i32 to vector<16xi32>
      %add3A_639 = arith.addi %iota3A, %add3A_638 : vector<16xi32>
      %broadcast_in_dim3A_640 = arith.constant 0 : i32
      %broadcast_in_dim3A_641 = vector.broadcast %broadcast_in_dim3A_640 : i32 to vector<16xi32>
      %add3A_642 = vector.broadcast %scan3A_431 : i32 to vector<16xi32>
      %add3A_643 = arith.addi %broadcast_in_dim3A_641, %add3A_642 : vector<16xi32>
      %gather3A_644 = tpu.vector_load_idx %arg9[%add3A_639, %add3A_643] : memref<896x32xf32, #tpu.memory_space<vmem>>[vector<16xi32>, vector<16xi32>], vector<16xf32>,
      %add3A_645 = arith.constant 288 : i32
      %add3A_646 = arith.addi %add3A_645, %scan3A_431 : i32
      %swap3A_647 = arith.index_cast %add3A_646 : i32 to index
      %swap3A_648 = arith.constant 0 : index
      %swap3A_649 = tpu.vector_load %arg10[%swap3A_647, %swap3A_648] {strides = array<i32>} : memref<672x128xf32, #tpu.memory_space<vmem>>, vector<16xf32>,
      tpu.vector_store %arg10[%swap3A_647, %swap3A_648], %gather3A_644 {strides = array<i32>} : memref<672x128xf32, #tpu.memory_space<vmem>>, vector<16xf32>,
      %add3A_650 = arith.constant 272 : i32
      %add3A_651 = vector.broadcast %add3A_650 : i32 to vector<16xi32>
      %add3A_652 = arith.addi %iota3A, %add3A_651 : vector<16xi32>
      %broadcast_in_dim3A_653 = arith.constant 0 : i32
      %broadcast_in_dim3A_654 = vector.broadcast %broadcast_in_dim3A_653 : i32 to vector<16xi32>
      %add3A_655 = vector.broadcast %scan3A_431 : i32 to vector<16xi32>
      %add3A_656 = arith.addi %broadcast_in_dim3A_654, %add3A_655 : vector<16xi32>
      %gather3A_657 = tpu.vector_load_idx %arg9[%add3A_652, %add3A_656] : memref<896x32xf32, #tpu.memory_space<vmem>>[vector<16xi32>, vector<16xi32>], vector<16xf32>,
      %add3A_658 = arith.constant 288 : i32
      %add3A_659 = arith.addi %add3A_658, %scan3A_431 : i32
      %swap3A_660 = arith.index_cast %add3A_659 : i32 to index
      %swap3A_661 = arith.constant 16 : index
      %swap3A_662 = tpu.vector_load %arg10[%swap3A_660, %swap3A_661] {strides = array<i32>} : memref<672x128xf32, #tpu.memory_space<vmem>>, vector<16xf32>,
      tpu.vector_store %arg10[%swap3A_660, %swap3A_661], %gather3A_657 {strides = array<i32>} : memref<672x128xf32, #tpu.memory_space<vmem>>, vector<16xf32>,
      %add3A_663 = arith.constant 288 : i32
      %add3A_664 = vector.broadcast %add3A_663 : i32 to vector<16xi32>
      %add3A_665 = arith.addi %iota3A, %add3A_664 : vector<16xi32>
      %broadcast_in_dim3A_666 = arith.constant 0 : i32
      %broadcast_in_dim3A_667 = vector.broadcast %broadcast_in_dim3A_666 : i32 to vector<16xi32>
      %add3A_668 = vector.broadcast %scan3A_431 : i32 to vector<16xi32>
      %add3A_669 = arith.addi %broadcast_in_dim3A_667, %add3A_668 : vector<16xi32>
      %gather3A_670 = tpu.vector_load_idx %arg9[%add3A_665, %add3A_669] : memref<896x32xf32, #tpu.memory_space<vmem>>[vector<16xi32>, vector<16xi32>], vector<16xf32>,
      %add3A_671 = arith.constant 288 : i32
      %add3A_672 = arith.addi %add3A_671, %scan3A_431 : i32
      %swap3A_673 = arith.index_cast %add3A_672 : i32 to index
      %swap3A_674 = arith.constant 32 : index
      %swap3A_675 = tpu.vector_load %arg10[%swap3A_673, %swap3A_674] {strides = array<i32>} : memref<672x128xf32, #tpu.memory_space<vmem>>, vector<16xf32>,
      tpu.vector_store %arg10[%swap3A_673, %swap3A_674], %gather3A_670 {strides = array<i32>} : memref<672x128xf32, #tpu.memory_space<vmem>>, vector<16xf32>,
      %add3A_676 = arith.constant 304 : i32
      %add3A_677 = vector.broadcast %add3A_676 : i32 to vector<16xi32>
      %add3A_678 = arith.addi %iota3A, %add3A_677 : vector<16xi32>
      %broadcast_in_dim3A_679 = arith.constant 0 : i32
      %broadcast_in_dim3A_680 = vector.broadcast %broadcast_in_dim3A_679 : i32 to vector<16xi32>
      %add3A_681 = vector.broadcast %scan3A_431 : i32 to vector<16xi32>
      %add3A_682 = arith.addi %broadcast_in_dim3A_680, %add3A_681 : vector<16xi32>
      %gather3A_683 = tpu.vector_load_idx %arg9[%add3A_678, %add3A_682] : memref<896x32xf32, #tpu.memory_space<vmem>>[vector<16xi32>, vector<16xi32>], vector<16xf32>,
      %add3A_684 = arith.constant 288 : i32
      %add3A_685 = arith.addi %add3A_684, %scan3A_431 : i32
      %swap3A_686 = arith.index_cast %add3A_685 : i32 to index
      %swap3A_687 = arith.constant 48 : index
      %swap3A_688 = tpu.vector_load %arg10[%swap3A_686, %swap3A_687] {strides = array<i32>} : memref<672x128xf32, #tpu.memory_space<vmem>>, vector<16xf32>,
      tpu.vector_store %arg10[%swap3A_686, %swap3A_687], %gather3A_683 {strides = array<i32>} : memref<672x128xf32, #tpu.memory_space<vmem>>, vector<16xf32>,
      %add3A_689 = arith.constant 320 : i32
      %add3A_690 = vector.broadcast %add3A_689 : i32 to vector<16xi32>
      %add3A_691 = arith.addi %iota3A, %add3A_690 : vector<16xi32>
      %broadcast_in_dim3A_692 = arith.constant 0 : i32
      %broadcast_in_dim3A_693 = vector.broadcast %broadcast_in_dim3A_692 : i32 to vector<16xi32>
      %add3A_694 = vector.broadcast %scan3A_431 : i32 to vector<16xi32>
      %add3A_695 = arith.addi %broadcast_in_dim3A_693, %add3A_694 : vector<16xi32>
      %gather3A_696 = tpu.vector_load_idx %arg9[%add3A_691, %add3A_695] : memref<896x32xf32, #tpu.memory_space<vmem>>[vector<16xi32>, vector<16xi32>], vector<16xf32>,
      %add3A_697 = arith.constant 288 : i32
      %add3A_698 = arith.addi %add3A_697, %scan3A_431 : i32
      %swap3A_699 = arith.index_cast %add3A_698 : i32 to index
      %swap3A_700 = arith.constant 64 : index
      %swap3A_701 = tpu.vector_load %arg10[%swap3A_699, %swap3A_700] {strides = array<i32>} : memref<672x128xf32, #tpu.memory_space<vmem>>, vector<16xf32>,
      tpu.vector_store %arg10[%swap3A_699, %swap3A_700], %gather3A_696 {strides = array<i32>} : memref<672x128xf32, #tpu.memory_space<vmem>>, vector<16xf32>,
      %add3A_702 = arith.constant 336 : i32
      %add3A_703 = vector.broadcast %add3A_702 : i32 to vector<16xi32>
      %add3A_704 = arith.addi %iota3A, %add3A_703 : vector<16xi32>
      %broadcast_in_dim3A_705 = arith.constant 0 : i32
      %broadcast_in_dim3A_706 = vector.broadcast %broadcast_in_dim3A_705 : i32 to vector<16xi32>
      %add3A_707 = vector.broadcast %scan3A_431 : i32 to vector<16xi32>
      %add3A_708 = arith.addi %broadcast_in_dim3A_706, %add3A_707 : vector<16xi32>
      %gather3A_709 = tpu.vector_load_idx %arg9[%add3A_704, %add3A_708] : memref<896x32xf32, #tpu.memory_space<vmem>>[vector<16xi32>, vector<16xi32>], vector<16xf32>,
      %add3A_710 = arith.constant 288 : i32
      %add3A_711 = arith.addi %add3A_710, %scan3A_431 : i32
      %swap3A_712 = arith.index_cast %add3A_711 : i32 to index
      %swap3A_713 = arith.constant 80 : index
      %swap3A_714 = tpu.vector_load %arg10[%swap3A_712, %swap3A_713] {strides = array<i32>} : memref<672x128xf32, #tpu.memory_space<vmem>>, vector<16xf32>,
      tpu.vector_store %arg10[%swap3A_712, %swap3A_713], %gather3A_709 {strides = array<i32>} : memref<672x128xf32, #tpu.memory_space<vmem>>, vector<16xf32>,
      %add3A_715 = arith.constant 352 : i32
      %add3A_716 = vector.broadcast %add3A_715 : i32 to vector<16xi32>
      %add3A_717 = arith.addi %iota3A, %add3A_716 : vector<16xi32>
      %broadcast_in_dim3A_718 = arith.constant 0 : i32
      %broadcast_in_dim3A_719 = vector.broadcast %broadcast_in_dim3A_718 : i32 to vector<16xi32>
      %add3A_720 = vector.broadcast %scan3A_431 : i32 to vector<16xi32>
      %add3A_721 = arith.addi %broadcast_in_dim3A_719, %add3A_720 : vector<16xi32>
      %gather3A_722 = tpu.vector_load_idx %arg9[%add3A_717, %add3A_721] : memref<896x32xf32, #tpu.memory_space<vmem>>[vector<16xi32>, vector<16xi32>], vector<16xf32>,
      %add3A_723 = arith.constant 288 : i32
      %add3A_724 = arith.addi %add3A_723, %scan3A_431 : i32
      %swap3A_725 = arith.index_cast %add3A_724 : i32 to index
      %swap3A_726 = arith.constant 96 : index
      %swap3A_727 = tpu.vector_load %arg10[%swap3A_725, %swap3A_726] {strides = array<i32>} : memref<672x128xf32, #tpu.memory_space<vmem>>, vector<16xf32>,
      tpu.vector_store %arg10[%swap3A_725, %swap3A_726], %gather3A_722 {strides = array<i32>} : memref<672x128xf32, #tpu.memory_space<vmem>>, vector<16xf32>,
      %add3A_728 = arith.constant 368 : i32
      %add3A_729 = vector.broadcast %add3A_728 : i32 to vector<16xi32>
      %add3A_730 = arith.addi %iota3A, %add3A_729 : vector<16xi32>
      %broadcast_in_dim3A_731 = arith.constant 0 : i32
      %broadcast_in_dim3A_732 = vector.broadcast %broadcast_in_dim3A_731 : i32 to vector<16xi32>
      %add3A_733 = vector.broadcast %scan3A_431 : i32 to vector<16xi32>
      %add3A_734 = arith.addi %broadcast_in_dim3A_732, %add3A_733 : vector<16xi32>
      %gather3A_735 = tpu.vector_load_idx %arg9[%add3A_730, %add3A_734] : memref<896x32xf32, #tpu.memory_space<vmem>>[vector<16xi32>, vector<16xi32>], vector<16xf32>,
      %add3A_736 = arith.constant 288 : i32
      %add3A_737 = arith.addi %add3A_736, %scan3A_431 : i32
      %swap3A_738 = arith.index_cast %add3A_737 : i32 to index
      %swap3A_739 = arith.constant 112 : index
      %swap3A_740 = tpu.vector_load %arg10[%swap3A_738, %swap3A_739] {strides = array<i32>} : memref<672x128xf32, #tpu.memory_space<vmem>>, vector<16xf32>,
      tpu.vector_store %arg10[%swap3A_738, %swap3A_739], %gather3A_735 {strides = array<i32>} : memref<672x128xf32, #tpu.memory_space<vmem>>, vector<16xf32>,
      %add3A_741 = arith.constant 384 : i32
      %add3A_742 = vector.broadcast %add3A_741 : i32 to vector<16xi32>
      %add3A_743 = arith.addi %iota3A, %add3A_742 : vector<16xi32>
      %broadcast_in_dim3A_744 = arith.constant 0 : i32
      %broadcast_in_dim3A_745 = vector.broadcast %broadcast_in_dim3A_744 : i32 to vector<16xi32>
      %add3A_746 = vector.broadcast %scan3A_431 : i32 to vector<16xi32>
      %add3A_747 = arith.addi %broadcast_in_dim3A_745, %add3A_746 : vector<16xi32>
      %gather3A_748 = tpu.vector_load_idx %arg9[%add3A_743, %add3A_747] : memref<896x32xf32, #tpu.memory_space<vmem>>[vector<16xi32>, vector<16xi32>], vector<16xf32>,
      %add3A_749 = arith.constant 320 : i32
      %add3A_750 = arith.addi %add3A_749, %scan3A_431 : i32
      %swap3A_751 = arith.index_cast %add3A_750 : i32 to index
      %swap3A_752 = arith.constant 0 : index
      %swap3A_753 = tpu.vector_load %arg10[%swap3A_751, %swap3A_752] {strides = array<i32>} : memref<672x128xf32, #tpu.memory_space<vmem>>, vector<16xf32>,
      tpu.vector_store %arg10[%swap3A_751, %swap3A_752], %gather3A_748 {strides = array<i32>} : memref<672x128xf32, #tpu.memory_space<vmem>>, vector<16xf32>,
      %add3A_754 = arith.constant 400 : i32
      %add3A_755 = vector.broadcast %add3A_754 : i32 to vector<16xi32>
      %add3A_756 = arith.addi %iota3A, %add3A_755 : vector<16xi32>
      %broadcast_in_dim3A_757 = arith.constant 0 : i32
      %broadcast_in_dim3A_758 = vector.broadcast %broadcast_in_dim3A_757 : i32 to vector<16xi32>
      %add3A_759 = vector.broadcast %scan3A_431 : i32 to vector<16xi32>
      %add3A_760 = arith.addi %broadcast_in_dim3A_758, %add3A_759 : vector<16xi32>
      %gather3A_761 = tpu.vector_load_idx %arg9[%add3A_756, %add3A_760] : memref<896x32xf32, #tpu.memory_space<vmem>>[vector<16xi32>, vector<16xi32>], vector<16xf32>,
      %add3A_762 = arith.constant 320 : i32
      %add3A_763 = arith.addi %add3A_762, %scan3A_431 : i32
      %swap3A_764 = arith.index_cast %add3A_763 : i32 to index
      %swap3A_765 = arith.constant 16 : index
      %swap3A_766 = tpu.vector_load %arg10[%swap3A_764, %swap3A_765] {strides = array<i32>} : memref<672x128xf32, #tpu.memory_space<vmem>>, vector<16xf32>,
      tpu.vector_store %arg10[%swap3A_764, %swap3A_765], %gather3A_761 {strides = array<i32>} : memref<672x128xf32, #tpu.memory_space<vmem>>, vector<16xf32>,
      %add3A_767 = arith.constant 416 : i32
      %add3A_768 = vector.broadcast %add3A_767 : i32 to vector<16xi32>
      %add3A_769 = arith.addi %iota3A, %add3A_768 : vector<16xi32>
      %broadcast_in_dim3A_770 = arith.constant 0 : i32
      %broadcast_in_dim3A_771 = vector.broadcast %broadcast_in_dim3A_770 : i32 to vector<16xi32>
      %add3A_772 = vector.broadcast %scan3A_431 : i32 to vector<16xi32>
      %add3A_773 = arith.addi %broadcast_in_dim3A_771, %add3A_772 : vector<16xi32>
      %gather3A_774 = tpu.vector_load_idx %arg9[%add3A_769, %add3A_773] : memref<896x32xf32, #tpu.memory_space<vmem>>[vector<16xi32>, vector<16xi32>], vector<16xf32>,
      %add3A_775 = arith.constant 320 : i32
      %add3A_776 = arith.addi %add3A_775, %scan3A_431 : i32
      %swap3A_777 = arith.index_cast %add3A_776 : i32 to index
      %swap3A_778 = arith.constant 32 : index
      %swap3A_779 = tpu.vector_load %arg10[%swap3A_777, %swap3A_778] {strides = array<i32>} : memref<672x128xf32, #tpu.memory_space<vmem>>, vector<16xf32>,
      tpu.vector_store %arg10[%swap3A_777, %swap3A_778], %gather3A_774 {strides = array<i32>} : memref<672x128xf32, #tpu.memory_space<vmem>>, vector<16xf32>,
      %add3A_780 = arith.constant 432 : i32
      %add3A_781 = vector.broadcast %add3A_780 : i32 to vector<16xi32>
      %add3A_782 = arith.addi %iota3A, %add3A_781 : vector<16xi32>
      %broadcast_in_dim3A_783 = arith.constant 0 : i32
      %broadcast_in_dim3A_784 = vector.broadcast %broadcast_in_dim3A_783 : i32 to vector<16xi32>
      %add3A_785 = vector.broadcast %scan3A_431 : i32 to vector<16xi32>
      %add3A_786 = arith.addi %broadcast_in_dim3A_784, %add3A_785 : vector<16xi32>
      %gather3A_787 = tpu.vector_load_idx %arg9[%add3A_782, %add3A_786] : memref<896x32xf32, #tpu.memory_space<vmem>>[vector<16xi32>, vector<16xi32>], vector<16xf32>,
      %add3A_788 = arith.constant 320 : i32
      %add3A_789 = arith.addi %add3A_788, %scan3A_431 : i32
      %swap3A_790 = arith.index_cast %add3A_789 : i32 to index
      %swap3A_791 = arith.constant 48 : index
      %swap3A_792 = tpu.vector_load %arg10[%swap3A_790, %swap3A_791] {strides = array<i32>} : memref<672x128xf32, #tpu.memory_space<vmem>>, vector<16xf32>,
      tpu.vector_store %arg10[%swap3A_790, %swap3A_791], %gather3A_787 {strides = array<i32>} : memref<672x128xf32, #tpu.memory_space<vmem>>, vector<16xf32>,
      %add3A_793 = arith.constant 448 : i32
      %add3A_794 = vector.broadcast %add3A_793 : i32 to vector<16xi32>
      %add3A_795 = arith.addi %iota3A, %add3A_794 : vector<16xi32>
      %broadcast_in_dim3A_796 = arith.constant 0 : i32
      %broadcast_in_dim3A_797 = vector.broadcast %broadcast_in_dim3A_796 : i32 to vector<16xi32>
      %add3A_798 = vector.broadcast %scan3A_431 : i32 to vector<16xi32>
      %add3A_799 = arith.addi %broadcast_in_dim3A_797, %add3A_798 : vector<16xi32>
      %gather3A_800 = tpu.vector_load_idx %arg9[%add3A_795, %add3A_799] : memref<896x32xf32, #tpu.memory_space<vmem>>[vector<16xi32>, vector<16xi32>], vector<16xf32>,
      %add3A_801 = arith.constant 320 : i32
      %add3A_802 = arith.addi %add3A_801, %scan3A_431 : i32
      %swap3A_803 = arith.index_cast %add3A_802 : i32 to index
      %swap3A_804 = arith.constant 64 : index
      %swap3A_805 = tpu.vector_load %arg10[%swap3A_803, %swap3A_804] {strides = array<i32>} : memref<672x128xf32, #tpu.memory_space<vmem>>, vector<16xf32>,
      tpu.vector_store %arg10[%swap3A_803, %swap3A_804], %gather3A_800 {strides = array<i32>} : memref<672x128xf32, #tpu.memory_space<vmem>>, vector<16xf32>,
      %add3A_806 = arith.constant 464 : i32
      %add3A_807 = vector.broadcast %add3A_806 : i32 to vector<16xi32>
      %add3A_808 = arith.addi %iota3A, %add3A_807 : vector<16xi32>
      %broadcast_in_dim3A_809 = arith.constant 0 : i32
      %broadcast_in_dim3A_810 = vector.broadcast %broadcast_in_dim3A_809 : i32 to vector<16xi32>
      %add3A_811 = vector.broadcast %scan3A_431 : i32 to vector<16xi32>
      %add3A_812 = arith.addi %broadcast_in_dim3A_810, %add3A_811 : vector<16xi32>
      %gather3A_813 = tpu.vector_load_idx %arg9[%add3A_808, %add3A_812] : memref<896x32xf32, #tpu.memory_space<vmem>>[vector<16xi32>, vector<16xi32>], vector<16xf32>,
      %add3A_814 = arith.constant 320 : i32
      %add3A_815 = arith.addi %add3A_814, %scan3A_431 : i32
      %swap3A_816 = arith.index_cast %add3A_815 : i32 to index
      %swap3A_817 = arith.constant 80 : index
      %swap3A_818 = tpu.vector_load %arg10[%swap3A_816, %swap3A_817] {strides = array<i32>} : memref<672x128xf32, #tpu.memory_space<vmem>>, vector<16xf32>,
      tpu.vector_store %arg10[%swap3A_816, %swap3A_817], %gather3A_813 {strides = array<i32>} : memref<672x128xf32, #tpu.memory_space<vmem>>, vector<16xf32>,
      %add3A_819 = arith.constant 480 : i32
      %add3A_820 = vector.broadcast %add3A_819 : i32 to vector<16xi32>
      %add3A_821 = arith.addi %iota3A, %add3A_820 : vector<16xi32>
      %broadcast_in_dim3A_822 = arith.constant 0 : i32
      %broadcast_in_dim3A_823 = vector.broadcast %broadcast_in_dim3A_822 : i32 to vector<16xi32>
      %add3A_824 = vector.broadcast %scan3A_431 : i32 to vector<16xi32>
      %add3A_825 = arith.addi %broadcast_in_dim3A_823, %add3A_824 : vector<16xi32>
      %gather3A_826 = tpu.vector_load_idx %arg9[%add3A_821, %add3A_825] : memref<896x32xf32, #tpu.memory_space<vmem>>[vector<16xi32>, vector<16xi32>], vector<16xf32>,
      %add3A_827 = arith.constant 320 : i32
      %add3A_828 = arith.addi %add3A_827, %scan3A_431 : i32
      %swap3A_829 = arith.index_cast %add3A_828 : i32 to index
      %swap3A_830 = arith.constant 96 : index
      %swap3A_831 = tpu.vector_load %arg10[%swap3A_829, %swap3A_830] {strides = array<i32>} : memref<672x128xf32, #tpu.memory_space<vmem>>, vector<16xf32>,
      tpu.vector_store %arg10[%swap3A_829, %swap3A_830], %gather3A_826 {strides = array<i32>} : memref<672x128xf32, #tpu.memory_space<vmem>>, vector<16xf32>,
      %add3A_832 = arith.constant 496 : i32
      %add3A_833 = vector.broadcast %add3A_832 : i32 to vector<16xi32>
      %add3A_834 = arith.addi %iota3A, %add3A_833 : vector<16xi32>
      %broadcast_in_dim3A_835 = arith.constant 0 : i32
      %broadcast_in_dim3A_836 = vector.broadcast %broadcast_in_dim3A_835 : i32 to vector<16xi32>
      %add3A_837 = vector.broadcast %scan3A_431 : i32 to vector<16xi32>
      %add3A_838 = arith.addi %broadcast_in_dim3A_836, %add3A_837 : vector<16xi32>
      %gather3A_839 = tpu.vector_load_idx %arg9[%add3A_834, %add3A_838] : memref<896x32xf32, #tpu.memory_space<vmem>>[vector<16xi32>, vector<16xi32>], vector<16xf32>,
      %add3A_840 = arith.constant 320 : i32
      %add3A_841 = arith.addi %add3A_840, %scan3A_431 : i32
      %swap3A_842 = arith.index_cast %add3A_841 : i32 to index
      %swap3A_843 = arith.constant 112 : index
      %swap3A_844 = tpu.vector_load %arg10[%swap3A_842, %swap3A_843] {strides = array<i32>} : memref<672x128xf32, #tpu.memory_space<vmem>>, vector<16xf32>,
      tpu.vector_store %arg10[%swap3A_842, %swap3A_843], %gather3A_839 {strides = array<i32>} : memref<672x128xf32, #tpu.memory_space<vmem>>, vector<16xf32>,
      %add3A_845 = arith.constant 512 : i32
      %add3A_846 = vector.broadcast %add3A_845 : i32 to vector<16xi32>
      %add3A_847 = arith.addi %iota3A, %add3A_846 : vector<16xi32>
      %broadcast_in_dim3A_848 = arith.constant 0 : i32
      %broadcast_in_dim3A_849 = vector.broadcast %broadcast_in_dim3A_848 : i32 to vector<16xi32>
      %add3A_850 = vector.broadcast %scan3A_431 : i32 to vector<16xi32>
      %add3A_851 = arith.addi %broadcast_in_dim3A_849, %add3A_850 : vector<16xi32>
      %gather3A_852 = tpu.vector_load_idx %arg9[%add3A_847, %add3A_851] : memref<896x32xf32, #tpu.memory_space<vmem>>[vector<16xi32>, vector<16xi32>], vector<16xf32>,
      %add3A_853 = arith.constant 352 : i32
      %add3A_854 = arith.addi %add3A_853, %scan3A_431 : i32
      %swap3A_855 = arith.index_cast %add3A_854 : i32 to index
      %swap3A_856 = arith.constant 0 : index
      %swap3A_857 = tpu.vector_load %arg10[%swap3A_855, %swap3A_856] {strides = array<i32>} : memref<672x128xf32, #tpu.memory_space<vmem>>, vector<16xf32>,
      tpu.vector_store %arg10[%swap3A_855, %swap3A_856], %gather3A_852 {strides = array<i32>} : memref<672x128xf32, #tpu.memory_space<vmem>>, vector<16xf32>,
      %add3A_858 = arith.constant 528 : i32
      %add3A_859 = vector.broadcast %add3A_858 : i32 to vector<16xi32>
      %add3A_860 = arith.addi %iota3A, %add3A_859 : vector<16xi32>
      %broadcast_in_dim3A_861 = arith.constant 0 : i32
      %broadcast_in_dim3A_862 = vector.broadcast %broadcast_in_dim3A_861 : i32 to vector<16xi32>
      %add3A_863 = vector.broadcast %scan3A_431 : i32 to vector<16xi32>
      %add3A_864 = arith.addi %broadcast_in_dim3A_862, %add3A_863 : vector<16xi32>
      %gather3A_865 = tpu.vector_load_idx %arg9[%add3A_860, %add3A_864] : memref<896x32xf32, #tpu.memory_space<vmem>>[vector<16xi32>, vector<16xi32>], vector<16xf32>,
      %add3A_866 = arith.constant 352 : i32
      %add3A_867 = arith.addi %add3A_866, %scan3A_431 : i32
      %swap3A_868 = arith.index_cast %add3A_867 : i32 to index
      %swap3A_869 = arith.constant 16 : index
      %swap3A_870 = tpu.vector_load %arg10[%swap3A_868, %swap3A_869] {strides = array<i32>} : memref<672x128xf32, #tpu.memory_space<vmem>>, vector<16xf32>,
      tpu.vector_store %arg10[%swap3A_868, %swap3A_869], %gather3A_865 {strides = array<i32>} : memref<672x128xf32, #tpu.memory_space<vmem>>, vector<16xf32>,
      %add3A_871 = arith.constant 544 : i32
      %add3A_872 = vector.broadcast %add3A_871 : i32 to vector<16xi32>
      %add3A_873 = arith.addi %iota3A, %add3A_872 : vector<16xi32>
      %broadcast_in_dim3A_874 = arith.constant 0 : i32
      %broadcast_in_dim3A_875 = vector.broadcast %broadcast_in_dim3A_874 : i32 to vector<16xi32>
      %add3A_876 = vector.broadcast %scan3A_431 : i32 to vector<16xi32>
      %add3A_877 = arith.addi %broadcast_in_dim3A_875, %add3A_876 : vector<16xi32>
      %gather3A_878 = tpu.vector_load_idx %arg9[%add3A_873, %add3A_877] : memref<896x32xf32, #tpu.memory_space<vmem>>[vector<16xi32>, vector<16xi32>], vector<16xf32>,
      %add3A_879 = arith.constant 352 : i32
      %add3A_880 = arith.addi %add3A_879, %scan3A_431 : i32
      %swap3A_881 = arith.index_cast %add3A_880 : i32 to index
      %swap3A_882 = arith.constant 32 : index
      %swap3A_883 = tpu.vector_load %arg10[%swap3A_881, %swap3A_882] {strides = array<i32>} : memref<672x128xf32, #tpu.memory_space<vmem>>, vector<16xf32>,
      tpu.vector_store %arg10[%swap3A_881, %swap3A_882], %gather3A_878 {strides = array<i32>} : memref<672x128xf32, #tpu.memory_space<vmem>>, vector<16xf32>,
      %add3A_884 = arith.constant 560 : i32
      %add3A_885 = vector.broadcast %add3A_884 : i32 to vector<16xi32>
      %add3A_886 = arith.addi %iota3A, %add3A_885 : vector<16xi32>
      %broadcast_in_dim3A_887 = arith.constant 0 : i32
      %broadcast_in_dim3A_888 = vector.broadcast %broadcast_in_dim3A_887 : i32 to vector<16xi32>
      %add3A_889 = vector.broadcast %scan3A_431 : i32 to vector<16xi32>
      %add3A_890 = arith.addi %broadcast_in_dim3A_888, %add3A_889 : vector<16xi32>
      %gather3A_891 = tpu.vector_load_idx %arg9[%add3A_886, %add3A_890] : memref<896x32xf32, #tpu.memory_space<vmem>>[vector<16xi32>, vector<16xi32>], vector<16xf32>,
      %add3A_892 = arith.constant 352 : i32
      %add3A_893 = arith.addi %add3A_892, %scan3A_431 : i32
      %swap3A_894 = arith.index_cast %add3A_893 : i32 to index
      %swap3A_895 = arith.constant 48 : index
      %swap3A_896 = tpu.vector_load %arg10[%swap3A_894, %swap3A_895] {strides = array<i32>} : memref<672x128xf32, #tpu.memory_space<vmem>>, vector<16xf32>,
      tpu.vector_store %arg10[%swap3A_894, %swap3A_895], %gather3A_891 {strides = array<i32>} : memref<672x128xf32, #tpu.memory_space<vmem>>, vector<16xf32>,
      %add3A_897 = arith.constant 576 : i32
      %add3A_898 = vector.broadcast %add3A_897 : i32 to vector<16xi32>
      %add3A_899 = arith.addi %iota3A, %add3A_898 : vector<16xi32>
      %broadcast_in_dim3A_900 = arith.constant 0 : i32
      %broadcast_in_dim3A_901 = vector.broadcast %broadcast_in_dim3A_900 : i32 to vector<16xi32>
      %add3A_902 = vector.broadcast %scan3A_431 : i32 to vector<16xi32>
      %add3A_903 = arith.addi %broadcast_in_dim3A_901, %add3A_902 : vector<16xi32>
      %gather3A_904 = tpu.vector_load_idx %arg9[%add3A_899, %add3A_903] : memref<896x32xf32, #tpu.memory_space<vmem>>[vector<16xi32>, vector<16xi32>], vector<16xf32>,
      %add3A_905 = arith.constant 352 : i32
      %add3A_906 = arith.addi %add3A_905, %scan3A_431 : i32
      %swap3A_907 = arith.index_cast %add3A_906 : i32 to index
      %swap3A_908 = arith.constant 64 : index
      %swap3A_909 = tpu.vector_load %arg10[%swap3A_907, %swap3A_908] {strides = array<i32>} : memref<672x128xf32, #tpu.memory_space<vmem>>, vector<16xf32>,
      tpu.vector_store %arg10[%swap3A_907, %swap3A_908], %gather3A_904 {strides = array<i32>} : memref<672x128xf32, #tpu.memory_space<vmem>>, vector<16xf32>,
      %add3A_910 = arith.constant 592 : i32
      %add3A_911 = vector.broadcast %add3A_910 : i32 to vector<16xi32>
      %add3A_912 = arith.addi %iota3A, %add3A_911 : vector<16xi32>
      %broadcast_in_dim3A_913 = arith.constant 0 : i32
      %broadcast_in_dim3A_914 = vector.broadcast %broadcast_in_dim3A_913 : i32 to vector<16xi32>
      %add3A_915 = vector.broadcast %scan3A_431 : i32 to vector<16xi32>
      %add3A_916 = arith.addi %broadcast_in_dim3A_914, %add3A_915 : vector<16xi32>
      %gather3A_917 = tpu.vector_load_idx %arg9[%add3A_912, %add3A_916] : memref<896x32xf32, #tpu.memory_space<vmem>>[vector<16xi32>, vector<16xi32>], vector<16xf32>,
      %add3A_918 = arith.constant 352 : i32
      %add3A_919 = arith.addi %add3A_918, %scan3A_431 : i32
      %swap3A_920 = arith.index_cast %add3A_919 : i32 to index
      %swap3A_921 = arith.constant 80 : index
      %swap3A_922 = tpu.vector_load %arg10[%swap3A_920, %swap3A_921] {strides = array<i32>} : memref<672x128xf32, #tpu.memory_space<vmem>>, vector<16xf32>,
      tpu.vector_store %arg10[%swap3A_920, %swap3A_921], %gather3A_917 {strides = array<i32>} : memref<672x128xf32, #tpu.memory_space<vmem>>, vector<16xf32>,
      %add3A_923 = arith.constant 608 : i32
      %add3A_924 = vector.broadcast %add3A_923 : i32 to vector<16xi32>
      %add3A_925 = arith.addi %iota3A, %add3A_924 : vector<16xi32>
      %broadcast_in_dim3A_926 = arith.constant 0 : i32
      %broadcast_in_dim3A_927 = vector.broadcast %broadcast_in_dim3A_926 : i32 to vector<16xi32>
      %add3A_928 = vector.broadcast %scan3A_431 : i32 to vector<16xi32>
      %add3A_929 = arith.addi %broadcast_in_dim3A_927, %add3A_928 : vector<16xi32>
      %gather3A_930 = tpu.vector_load_idx %arg9[%add3A_925, %add3A_929] : memref<896x32xf32, #tpu.memory_space<vmem>>[vector<16xi32>, vector<16xi32>], vector<16xf32>,
      %add3A_931 = arith.constant 352 : i32
      %add3A_932 = arith.addi %add3A_931, %scan3A_431 : i32
      %swap3A_933 = arith.index_cast %add3A_932 : i32 to index
      %swap3A_934 = arith.constant 96 : index
      %swap3A_935 = tpu.vector_load %arg10[%swap3A_933, %swap3A_934] {strides = array<i32>} : memref<672x128xf32, #tpu.memory_space<vmem>>, vector<16xf32>,
      tpu.vector_store %arg10[%swap3A_933, %swap3A_934], %gather3A_930 {strides = array<i32>} : memref<672x128xf32, #tpu.memory_space<vmem>>, vector<16xf32>,
      %add3A_936 = arith.constant 624 : i32
      %add3A_937 = vector.broadcast %add3A_936 : i32 to vector<16xi32>
      %add3A_938 = arith.addi %iota3A, %add3A_937 : vector<16xi32>
      %broadcast_in_dim3A_939 = arith.constant 0 : i32
      %broadcast_in_dim3A_940 = vector.broadcast %broadcast_in_dim3A_939 : i32 to vector<16xi32>
      %add3A_941 = vector.broadcast %scan3A_431 : i32 to vector<16xi32>
      %add3A_942 = arith.addi %broadcast_in_dim3A_940, %add3A_941 : vector<16xi32>
      %gather3A_943 = tpu.vector_load_idx %arg9[%add3A_938, %add3A_942] : memref<896x32xf32, #tpu.memory_space<vmem>>[vector<16xi32>, vector<16xi32>], vector<16xf32>,
      %add3A_944 = arith.constant 352 : i32
      %add3A_945 = arith.addi %add3A_944, %scan3A_431 : i32
      %swap3A_946 = arith.index_cast %add3A_945 : i32 to index
      %swap3A_947 = arith.constant 112 : index
      %swap3A_948 = tpu.vector_load %arg10[%swap3A_946, %swap3A_947] {strides = array<i32>} : memref<672x128xf32, #tpu.memory_space<vmem>>, vector<16xf32>,
      tpu.vector_store %arg10[%swap3A_946, %swap3A_947], %gather3A_943 {strides = array<i32>} : memref<672x128xf32, #tpu.memory_space<vmem>>, vector<16xf32>,
      %add3A_949 = arith.constant 640 : i32
      %add3A_950 = vector.broadcast %add3A_949 : i32 to vector<16xi32>
      %add3A_951 = arith.addi %iota3A, %add3A_950 : vector<16xi32>
      %broadcast_in_dim3A_952 = arith.constant 0 : i32
      %broadcast_in_dim3A_953 = vector.broadcast %broadcast_in_dim3A_952 : i32 to vector<16xi32>
      %add3A_954 = vector.broadcast %scan3A_431 : i32 to vector<16xi32>
      %add3A_955 = arith.addi %broadcast_in_dim3A_953, %add3A_954 : vector<16xi32>
      %gather3A_956 = tpu.vector_load_idx %arg9[%add3A_951, %add3A_955] : memref<896x32xf32, #tpu.memory_space<vmem>>[vector<16xi32>, vector<16xi32>], vector<16xf32>,
      %add3A_957 = arith.constant 384 : i32
      %add3A_958 = arith.addi %add3A_957, %scan3A_431 : i32
      %swap3A_959 = arith.index_cast %add3A_958 : i32 to index
      %swap3A_960 = arith.constant 0 : index
      %swap3A_961 = tpu.vector_load %arg10[%swap3A_959, %swap3A_960] {strides = array<i32>} : memref<672x128xf32, #tpu.memory_space<vmem>>, vector<16xf32>,
      tpu.vector_store %arg10[%swap3A_959, %swap3A_960], %gather3A_956 {strides = array<i32>} : memref<672x128xf32, #tpu.memory_space<vmem>>, vector<16xf32>,
      %add3A_962 = arith.constant 656 : i32
      %add3A_963 = vector.broadcast %add3A_962 : i32 to vector<16xi32>
      %add3A_964 = arith.addi %iota3A, %add3A_963 : vector<16xi32>
      %broadcast_in_dim3A_965 = arith.constant 0 : i32
      %broadcast_in_dim3A_966 = vector.broadcast %broadcast_in_dim3A_965 : i32 to vector<16xi32>
      %add3A_967 = vector.broadcast %scan3A_431 : i32 to vector<16xi32>
      %add3A_968 = arith.addi %broadcast_in_dim3A_966, %add3A_967 : vector<16xi32>
      %gather3A_969 = tpu.vector_load_idx %arg9[%add3A_964, %add3A_968] : memref<896x32xf32, #tpu.memory_space<vmem>>[vector<16xi32>, vector<16xi32>], vector<16xf32>,
      %add3A_970 = arith.constant 384 : i32
      %add3A_971 = arith.addi %add3A_970, %scan3A_431 : i32
      %swap3A_972 = arith.index_cast %add3A_971 : i32 to index
      %swap3A_973 = arith.constant 16 : index
      %swap3A_974 = tpu.vector_load %arg10[%swap3A_972, %swap3A_973] {strides = array<i32>} : memref<672x128xf32, #tpu.memory_space<vmem>>, vector<16xf32>,
      tpu.vector_store %arg10[%swap3A_972, %swap3A_973], %gather3A_969 {strides = array<i32>} : memref<672x128xf32, #tpu.memory_space<vmem>>, vector<16xf32>,
      %add3A_975 = arith.constant 672 : i32
      %add3A_976 = vector.broadcast %add3A_975 : i32 to vector<16xi32>
      %add3A_977 = arith.addi %iota3A, %add3A_976 : vector<16xi32>
      %broadcast_in_dim3A_978 = arith.constant 0 : i32
      %broadcast_in_dim3A_979 = vector.broadcast %broadcast_in_dim3A_978 : i32 to vector<16xi32>
      %add3A_980 = vector.broadcast %scan3A_431 : i32 to vector<16xi32>
      %add3A_981 = arith.addi %broadcast_in_dim3A_979, %add3A_980 : vector<16xi32>
      %gather3A_982 = tpu.vector_load_idx %arg9[%add3A_977, %add3A_981] : memref<896x32xf32, #tpu.memory_space<vmem>>[vector<16xi32>, vector<16xi32>], vector<16xf32>,
      %add3A_983 = arith.constant 384 : i32
      %add3A_984 = arith.addi %add3A_983, %scan3A_431 : i32
      %swap3A_985 = arith.index_cast %add3A_984 : i32 to index
      %swap3A_986 = arith.constant 32 : index
      %swap3A_987 = tpu.vector_load %arg10[%swap3A_985, %swap3A_986] {strides = array<i32>} : memref<672x128xf32, #tpu.memory_space<vmem>>, vector<16xf32>,
      tpu.vector_store %arg10[%swap3A_985, %swap3A_986], %gather3A_982 {strides = array<i32>} : memref<672x128xf32, #tpu.memory_space<vmem>>, vector<16xf32>,
      %add3A_988 = arith.constant 688 : i32
      %add3A_989 = vector.broadcast %add3A_988 : i32 to vector<16xi32>
      %add3A_990 = arith.addi %iota3A, %add3A_989 : vector<16xi32>
      %broadcast_in_dim3A_991 = arith.constant 0 : i32
      %broadcast_in_dim3A_992 = vector.broadcast %broadcast_in_dim3A_991 : i32 to vector<16xi32>
      %add3A_993 = vector.broadcast %scan3A_431 : i32 to vector<16xi32>
      %add3A_994 = arith.addi %broadcast_in_dim3A_992, %add3A_993 : vector<16xi32>
      %gather3A_995 = tpu.vector_load_idx %arg9[%add3A_990, %add3A_994] : memref<896x32xf32, #tpu.memory_space<vmem>>[vector<16xi32>, vector<16xi32>], vector<16xf32>,
      %add3A_996 = arith.constant 384 : i32
      %add3A_997 = arith.addi %add3A_996, %scan3A_431 : i32
      %swap3A_998 = arith.index_cast %add3A_997 : i32 to index
      %swap3A_999 = arith.constant 48 : index
      %swap3A_1000 = tpu.vector_load %arg10[%swap3A_998, %swap3A_999] {strides = array<i32>} : memref<672x128xf32, #tpu.memory_space<vmem>>, vector<16xf32>,
      tpu.vector_store %arg10[%swap3A_998, %swap3A_999], %gather3A_995 {strides = array<i32>} : memref<672x128xf32, #tpu.memory_space<vmem>>, vector<16xf32>,
      %add3A_1001 = arith.constant 704 : i32
      %add3A_1002 = vector.broadcast %add3A_1001 : i32 to vector<16xi32>
      %add3A_1003 = arith.addi %iota3A, %add3A_1002 : vector<16xi32>
      %broadcast_in_dim3A_1004 = arith.constant 0 : i32
      %broadcast_in_dim3A_1005 = vector.broadcast %broadcast_in_dim3A_1004 : i32 to vector<16xi32>
      %add3A_1006 = vector.broadcast %scan3A_431 : i32 to vector<16xi32>
      %add3A_1007 = arith.addi %broadcast_in_dim3A_1005, %add3A_1006 : vector<16xi32>
      %gather3A_1008 = tpu.vector_load_idx %arg9[%add3A_1003, %add3A_1007] : memref<896x32xf32, #tpu.memory_space<vmem>>[vector<16xi32>, vector<16xi32>], vector<16xf32>,
      %add3A_1009 = arith.constant 384 : i32
      %add3A_1010 = arith.addi %add3A_1009, %scan3A_431 : i32
      %swap3A_1011 = arith.index_cast %add3A_1010 : i32 to index
      %swap3A_1012 = arith.constant 64 : index
      %swap3A_1013 = tpu.vector_load %arg10[%swap3A_1011, %swap3A_1012] {strides = array<i32>} : memref<672x128xf32, #tpu.memory_space<vmem>>, vector<16xf32>,
      tpu.vector_store %arg10[%swap3A_1011, %swap3A_1012], %gather3A_1008 {strides = array<i32>} : memref<672x128xf32, #tpu.memory_space<vmem>>, vector<16xf32>,
      %add3A_1014 = arith.constant 720 : i32
      %add3A_1015 = vector.broadcast %add3A_1014 : i32 to vector<16xi32>
      %add3A_1016 = arith.addi %iota3A, %add3A_1015 : vector<16xi32>
      %broadcast_in_dim3A_1017 = arith.constant 0 : i32
      %broadcast_in_dim3A_1018 = vector.broadcast %broadcast_in_dim3A_1017 : i32 to vector<16xi32>
      %add3A_1019 = vector.broadcast %scan3A_431 : i32 to vector<16xi32>
      %add3A_1020 = arith.addi %broadcast_in_dim3A_1018, %add3A_1019 : vector<16xi32>
      %gather3A_1021 = tpu.vector_load_idx %arg9[%add3A_1016, %add3A_1020] : memref<896x32xf32, #tpu.memory_space<vmem>>[vector<16xi32>, vector<16xi32>], vector<16xf32>,
      %add3A_1022 = arith.constant 384 : i32
      %add3A_1023 = arith.addi %add3A_1022, %scan3A_431 : i32
      %swap3A_1024 = arith.index_cast %add3A_1023 : i32 to index
      %swap3A_1025 = arith.constant 80 : index
      %swap3A_1026 = tpu.vector_load %arg10[%swap3A_1024, %swap3A_1025] {strides = array<i32>} : memref<672x128xf32, #tpu.memory_space<vmem>>, vector<16xf32>,
      tpu.vector_store %arg10[%swap3A_1024, %swap3A_1025], %gather3A_1021 {strides = array<i32>} : memref<672x128xf32, #tpu.memory_space<vmem>>, vector<16xf32>,
      %add3A_1027 = arith.constant 736 : i32
      %add3A_1028 = vector.broadcast %add3A_1027 : i32 to vector<16xi32>
      %add3A_1029 = arith.addi %iota3A, %add3A_1028 : vector<16xi32>
      %broadcast_in_dim3A_1030 = arith.constant 0 : i32
      %broadcast_in_dim3A_1031 = vector.broadcast %broadcast_in_dim3A_1030 : i32 to vector<16xi32>
      %add3A_1032 = vector.broadcast %scan3A_431 : i32 to vector<16xi32>
      %add3A_1033 = arith.addi %broadcast_in_dim3A_1031, %add3A_1032 : vector<16xi32>
      %gather3A_1034 = tpu.vector_load_idx %arg9[%add3A_1029, %add3A_1033] : memref<896x32xf32, #tpu.memory_space<vmem>>[vector<16xi32>, vector<16xi32>], vector<16xf32>,
      %add3A_1035 = arith.constant 384 : i32
      %add3A_1036 = arith.addi %add3A_1035, %scan3A_431 : i32
      %swap3A_1037 = arith.index_cast %add3A_1036 : i32 to index
      %swap3A_1038 = arith.constant 96 : index
      %swap3A_1039 = tpu.vector_load %arg10[%swap3A_1037, %swap3A_1038] {strides = array<i32>} : memref<672x128xf32, #tpu.memory_space<vmem>>, vector<16xf32>,
      tpu.vector_store %arg10[%swap3A_1037, %swap3A_1038], %gather3A_1034 {strides = array<i32>} : memref<672x128xf32, #tpu.memory_space<vmem>>, vector<16xf32>,
      %add3A_1040 = arith.constant 752 : i32
      %add3A_1041 = vector.broadcast %add3A_1040 : i32 to vector<16xi32>
      %add3A_1042 = arith.addi %iota3A, %add3A_1041 : vector<16xi32>
      %broadcast_in_dim3A_1043 = arith.constant 0 : i32
      %broadcast_in_dim3A_1044 = vector.broadcast %broadcast_in_dim3A_1043 : i32 to vector<16xi32>
      %add3A_1045 = vector.broadcast %scan3A_431 : i32 to vector<16xi32>
      %add3A_1046 = arith.addi %broadcast_in_dim3A_1044, %add3A_1045 : vector<16xi32>
      %gather3A_1047 = tpu.vector_load_idx %arg9[%add3A_1042, %add3A_1046] : memref<896x32xf32, #tpu.memory_space<vmem>>[vector<16xi32>, vector<16xi32>], vector<16xf32>,
      %add3A_1048 = arith.constant 384 : i32
      %add3A_1049 = arith.addi %add3A_1048, %scan3A_431 : i32
      %swap3A_1050 = arith.index_cast %add3A_1049 : i32 to index
      %swap3A_1051 = arith.constant 112 : index
      %swap3A_1052 = tpu.vector_load %arg10[%swap3A_1050, %swap3A_1051] {strides = array<i32>} : memref<672x128xf32, #tpu.memory_space<vmem>>, vector<16xf32>,
      tpu.vector_store %arg10[%swap3A_1050, %swap3A_1051], %gather3A_1047 {strides = array<i32>} : memref<672x128xf32, #tpu.memory_space<vmem>>, vector<16xf32>,
      %add3A_1053 = arith.constant 768 : i32
      %add3A_1054 = vector.broadcast %add3A_1053 : i32 to vector<16xi32>
      %add3A_1055 = arith.addi %iota3A, %add3A_1054 : vector<16xi32>
      %broadcast_in_dim3A_1056 = arith.constant 0 : i32
      %broadcast_in_dim3A_1057 = vector.broadcast %broadcast_in_dim3A_1056 : i32 to vector<16xi32>
      %add3A_1058 = vector.broadcast %scan3A_431 : i32 to vector<16xi32>
      %add3A_1059 = arith.addi %broadcast_in_dim3A_1057, %add3A_1058 : vector<16xi32>
      %gather3A_1060 = tpu.vector_load_idx %arg9[%add3A_1055, %add3A_1059] : memref<896x32xf32, #tpu.memory_space<vmem>>[vector<16xi32>, vector<16xi32>], vector<16xf32>,
      %add3A_1061 = arith.constant 416 : i32
      %add3A_1062 = arith.addi %add3A_1061, %scan3A_431 : i32
      %swap3A_1063 = arith.index_cast %add3A_1062 : i32 to index
      %swap3A_1064 = arith.constant 0 : index
      %swap3A_1065 = tpu.vector_load %arg10[%swap3A_1063, %swap3A_1064] {strides = array<i32>} : memref<672x128xf32, #tpu.memory_space<vmem>>, vector<16xf32>,
      tpu.vector_store %arg10[%swap3A_1063, %swap3A_1064], %gather3A_1060 {strides = array<i32>} : memref<672x128xf32, #tpu.memory_space<vmem>>, vector<16xf32>,
      %add3A_1066 = arith.constant 784 : i32
      %add3A_1067 = vector.broadcast %add3A_1066 : i32 to vector<16xi32>
      %add3A_1068 = arith.addi %iota3A, %add3A_1067 : vector<16xi32>
      %broadcast_in_dim3A_1069 = arith.constant 0 : i32
      %broadcast_in_dim3A_1070 = vector.broadcast %broadcast_in_dim3A_1069 : i32 to vector<16xi32>
      %add3A_1071 = vector.broadcast %scan3A_431 : i32 to vector<16xi32>
      %add3A_1072 = arith.addi %broadcast_in_dim3A_1070, %add3A_1071 : vector<16xi32>
      %gather3A_1073 = tpu.vector_load_idx %arg9[%add3A_1068, %add3A_1072] : memref<896x32xf32, #tpu.memory_space<vmem>>[vector<16xi32>, vector<16xi32>], vector<16xf32>,
      %add3A_1074 = arith.constant 416 : i32
      %add3A_1075 = arith.addi %add3A_1074, %scan3A_431 : i32
      %swap3A_1076 = arith.index_cast %add3A_1075 : i32 to index
      %swap3A_1077 = arith.constant 16 : index
      %swap3A_1078 = tpu.vector_load %arg10[%swap3A_1076, %swap3A_1077] {strides = array<i32>} : memref<672x128xf32, #tpu.memory_space<vmem>>, vector<16xf32>,
      tpu.vector_store %arg10[%swap3A_1076, %swap3A_1077], %gather3A_1073 {strides = array<i32>} : memref<672x128xf32, #tpu.memory_space<vmem>>, vector<16xf32>,
      %add3A_1079 = arith.constant 800 : i32
      %add3A_1080 = vector.broadcast %add3A_1079 : i32 to vector<16xi32>
      %add3A_1081 = arith.addi %iota3A, %add3A_1080 : vector<16xi32>
      %broadcast_in_dim3A_1082 = arith.constant 0 : i32
      %broadcast_in_dim3A_1083 = vector.broadcast %broadcast_in_dim3A_1082 : i32 to vector<16xi32>
      %add3A_1084 = vector.broadcast %scan3A_431 : i32 to vector<16xi32>
      %add3A_1085 = arith.addi %broadcast_in_dim3A_1083, %add3A_1084 : vector<16xi32>
      %gather3A_1086 = tpu.vector_load_idx %arg9[%add3A_1081, %add3A_1085] : memref<896x32xf32, #tpu.memory_space<vmem>>[vector<16xi32>, vector<16xi32>], vector<16xf32>,
      %add3A_1087 = arith.constant 416 : i32
      %add3A_1088 = arith.addi %add3A_1087, %scan3A_431 : i32
      %swap3A_1089 = arith.index_cast %add3A_1088 : i32 to index
      %swap3A_1090 = arith.constant 32 : index
      %swap3A_1091 = tpu.vector_load %arg10[%swap3A_1089, %swap3A_1090] {strides = array<i32>} : memref<672x128xf32, #tpu.memory_space<vmem>>, vector<16xf32>,
      tpu.vector_store %arg10[%swap3A_1089, %swap3A_1090], %gather3A_1086 {strides = array<i32>} : memref<672x128xf32, #tpu.memory_space<vmem>>, vector<16xf32>,
      %add3A_1092 = arith.constant 816 : i32
      %add3A_1093 = vector.broadcast %add3A_1092 : i32 to vector<16xi32>
      %add3A_1094 = arith.addi %iota3A, %add3A_1093 : vector<16xi32>
      %broadcast_in_dim3A_1095 = arith.constant 0 : i32
      %broadcast_in_dim3A_1096 = vector.broadcast %broadcast_in_dim3A_1095 : i32 to vector<16xi32>
      %add3A_1097 = vector.broadcast %scan3A_431 : i32 to vector<16xi32>
      %add3A_1098 = arith.addi %broadcast_in_dim3A_1096, %add3A_1097 : vector<16xi32>
      %gather3A_1099 = tpu.vector_load_idx %arg9[%add3A_1094, %add3A_1098] : memref<896x32xf32, #tpu.memory_space<vmem>>[vector<16xi32>, vector<16xi32>], vector<16xf32>,
      %add3A_1100 = arith.constant 416 : i32
      %add3A_1101 = arith.addi %add3A_1100, %scan3A_431 : i32
      %swap3A_1102 = arith.index_cast %add3A_1101 : i32 to index
      %swap3A_1103 = arith.constant 48 : index
      %swap3A_1104 = tpu.vector_load %arg10[%swap3A_1102, %swap3A_1103] {strides = array<i32>} : memref<672x128xf32, #tpu.memory_space<vmem>>, vector<16xf32>,
      tpu.vector_store %arg10[%swap3A_1102, %swap3A_1103], %gather3A_1099 {strides = array<i32>} : memref<672x128xf32, #tpu.memory_space<vmem>>, vector<16xf32>,
      %add3A_1105 = arith.constant 832 : i32
      %add3A_1106 = vector.broadcast %add3A_1105 : i32 to vector<16xi32>
      %add3A_1107 = arith.addi %iota3A, %add3A_1106 : vector<16xi32>
      %broadcast_in_dim3A_1108 = arith.constant 0 : i32
      %broadcast_in_dim3A_1109 = vector.broadcast %broadcast_in_dim3A_1108 : i32 to vector<16xi32>
      %add3A_1110 = vector.broadcast %scan3A_431 : i32 to vector<16xi32>
      %add3A_1111 = arith.addi %broadcast_in_dim3A_1109, %add3A_1110 : vector<16xi32>
      %gather3A_1112 = tpu.vector_load_idx %arg9[%add3A_1107, %add3A_1111] : memref<896x32xf32, #tpu.memory_space<vmem>>[vector<16xi32>, vector<16xi32>], vector<16xf32>,
      %add3A_1113 = arith.constant 416 : i32
      %add3A_1114 = arith.addi %add3A_1113, %scan3A_431 : i32
      %swap3A_1115 = arith.index_cast %add3A_1114 : i32 to index
      %swap3A_1116 = arith.constant 64 : index
      %swap3A_1117 = tpu.vector_load %arg10[%swap3A_1115, %swap3A_1116] {strides = array<i32>} : memref<672x128xf32, #tpu.memory_space<vmem>>, vector<16xf32>,
      tpu.vector_store %arg10[%swap3A_1115, %swap3A_1116], %gather3A_1112 {strides = array<i32>} : memref<672x128xf32, #tpu.memory_space<vmem>>, vector<16xf32>,
      %add3A_1118 = arith.constant 848 : i32
      %add3A_1119 = vector.broadcast %add3A_1118 : i32 to vector<16xi32>
      %add3A_1120 = arith.addi %iota3A, %add3A_1119 : vector<16xi32>
      %broadcast_in_dim3A_1121 = arith.constant 0 : i32
      %broadcast_in_dim3A_1122 = vector.broadcast %broadcast_in_dim3A_1121 : i32 to vector<16xi32>
      %add3A_1123 = vector.broadcast %scan3A_431 : i32 to vector<16xi32>
      %add3A_1124 = arith.addi %broadcast_in_dim3A_1122, %add3A_1123 : vector<16xi32>
      %gather3A_1125 = tpu.vector_load_idx %arg9[%add3A_1120, %add3A_1124] : memref<896x32xf32, #tpu.memory_space<vmem>>[vector<16xi32>, vector<16xi32>], vector<16xf32>,
      %add3A_1126 = arith.constant 416 : i32
      %add3A_1127 = arith.addi %add3A_1126, %scan3A_431 : i32
      %swap3A_1128 = arith.index_cast %add3A_1127 : i32 to index
      %swap3A_1129 = arith.constant 80 : index
      %swap3A_1130 = tpu.vector_load %arg10[%swap3A_1128, %swap3A_1129] {strides = array<i32>} : memref<672x128xf32, #tpu.memory_space<vmem>>, vector<16xf32>,
      tpu.vector_store %arg10[%swap3A_1128, %swap3A_1129], %gather3A_1125 {strides = array<i32>} : memref<672x128xf32, #tpu.memory_space<vmem>>, vector<16xf32>,
      %add3A_1131 = arith.constant 864 : i32
      %add3A_1132 = vector.broadcast %add3A_1131 : i32 to vector<16xi32>
      %add3A_1133 = arith.addi %iota3A, %add3A_1132 : vector<16xi32>
      %broadcast_in_dim3A_1134 = arith.constant 0 : i32
      %broadcast_in_dim3A_1135 = vector.broadcast %broadcast_in_dim3A_1134 : i32 to vector<16xi32>
      %add3A_1136 = vector.broadcast %scan3A_431 : i32 to vector<16xi32>
      %add3A_1137 = arith.addi %broadcast_in_dim3A_1135, %add3A_1136 : vector<16xi32>
      %gather3A_1138 = tpu.vector_load_idx %arg9[%add3A_1133, %add3A_1137] : memref<896x32xf32, #tpu.memory_space<vmem>>[vector<16xi32>, vector<16xi32>], vector<16xf32>,
      %add3A_1139 = arith.constant 416 : i32
      %add3A_1140 = arith.addi %add3A_1139, %scan3A_431 : i32
      %swap3A_1141 = arith.index_cast %add3A_1140 : i32 to index
      %swap3A_1142 = arith.constant 96 : index
      %swap3A_1143 = tpu.vector_load %arg10[%swap3A_1141, %swap3A_1142] {strides = array<i32>} : memref<672x128xf32, #tpu.memory_space<vmem>>, vector<16xf32>,
      tpu.vector_store %arg10[%swap3A_1141, %swap3A_1142], %gather3A_1138 {strides = array<i32>} : memref<672x128xf32, #tpu.memory_space<vmem>>, vector<16xf32>,
      %add3A_1144 = arith.constant 880 : i32
      %add3A_1145 = vector.broadcast %add3A_1144 : i32 to vector<16xi32>
      %add3A_1146 = arith.addi %iota3A, %add3A_1145 : vector<16xi32>
      %broadcast_in_dim3A_1147 = arith.constant 0 : i32
      %broadcast_in_dim3A_1148 = vector.broadcast %broadcast_in_dim3A_1147 : i32 to vector<16xi32>
      %add3A_1149 = vector.broadcast %scan3A_431 : i32 to vector<16xi32>
      %add3A_1150 = arith.addi %broadcast_in_dim3A_1148, %add3A_1149 : vector<16xi32>
      %gather3A_1151 = tpu.vector_load_idx %arg9[%add3A_1146, %add3A_1150] : memref<896x32xf32, #tpu.memory_space<vmem>>[vector<16xi32>, vector<16xi32>], vector<16xf32>,
      %add3A_1152 = arith.constant 416 : i32
      %add3A_1153 = arith.addi %add3A_1152, %scan3A_431 : i32
      %swap3A_1154 = arith.index_cast %add3A_1153 : i32 to index
      %swap3A_1155 = arith.constant 112 : index
      %swap3A_1156 = tpu.vector_load %arg10[%swap3A_1154, %swap3A_1155] {strides = array<i32>} : memref<672x128xf32, #tpu.memory_space<vmem>>, vector<16xf32>,
      tpu.vector_store %arg10[%swap3A_1154, %swap3A_1155], %gather3A_1151 {strides = array<i32>} : memref<672x128xf32, #tpu.memory_space<vmem>>, vector<16xf32>,
    }
    %scan3A_289 = arith.constant 32 : i32
    %dma_start3A_290 = arith.constant 14 : i32
    %dma_start3A_291 = arith.constant 0 : i32
    %dma_start3A_292 = arith.constant 0 : i32
    %dma_start3A_293 = tpu.memref_slice %arg9[%dma_start3A_291, %dma_start3A_292] : memref<896x32xf32, #tpu.memory_space<vmem>> -> memref<128x32xf32, #tpu.memory_space<vmem>>
    %dma_start3A_294 = arith.constant 0 : i32
    %dma_start3A_295 = tpu.memref_slice %arg7[%dma_start3A_290, %dma_start3A_294] : memref<20x128xi32, #tpu.memory_space<vmem>> -> memref<1x128xi32, #tpu.memory_space<vmem>>
    %dma_start3A_296 = tpu.memref_squeeze %dma_start3A_295 : memref<1x128xi32, #tpu.memory_space<vmem>> -> memref<128xi32, #tpu.memory_space<vmem>>
    %dma_start3A_297 = arith.constant 0 : i32
    %dma_start3A_298 = arith.constant 0 : i32
    %dma_start3A_299 = tpu.memref_slice %arg5[%dma_start3A_297, %dma_start3A_298] : memref<1000001x32xf32, #tpu.memory_space<hbm>> -> memref<1000001x32xf32, #tpu.memory_space<hbm>>
    tpu.enqueue_indirect_dma source(%dma_start3A_299 : memref<1000001x32xf32, #tpu.memory_space<hbm>>) target(%dma_start3A_293 : memref<128x32xf32, #tpu.memory_space<vmem>>) offsets(%dma_start3A_296 : memref<128xi32, #tpu.memory_space<vmem>>) semaphore(%arg11 : memref<!tpu.dma_semaphore, #tpu.memory_space<semaphore_mem>>)
    %dma_start3A_300 = arith.constant 15 : i32
    %dma_start3A_301 = arith.constant 128 : i32
    %dma_start3A_302 = arith.constant 0 : i32
    %dma_start3A_303 = tpu.memref_slice %arg9[%dma_start3A_301, %dma_start3A_302] : memref<896x32xf32, #tpu.memory_space<vmem>> -> memref<128x32xf32, #tpu.memory_space<vmem>>
    %dma_start3A_304 = arith.constant 0 : i32
    %dma_start3A_305 = tpu.memref_slice %arg7[%dma_start3A_300, %dma_start3A_304] : memref<20x128xi32, #tpu.memory_space<vmem>> -> memref<1x128xi32, #tpu.memory_space<vmem>>
    %dma_start3A_306 = tpu.memref_squeeze %dma_start3A_305 : memref<1x128xi32, #tpu.memory_space<vmem>> -> memref<128xi32, #tpu.memory_space<vmem>>
    %dma_start3A_307 = arith.constant 0 : i32
    %dma_start3A_308 = arith.constant 0 : i32
    %dma_start3A_309 = tpu.memref_slice %arg5[%dma_start3A_307, %dma_start3A_308] : memref<1000001x32xf32, #tpu.memory_space<hbm>> -> memref<1000001x32xf32, #tpu.memory_space<hbm>>
    tpu.enqueue_indirect_dma source(%dma_start3A_309 : memref<1000001x32xf32, #tpu.memory_space<hbm>>) target(%dma_start3A_303 : memref<128x32xf32, #tpu.memory_space<vmem>>) offsets(%dma_start3A_306 : memref<128xi32, #tpu.memory_space<vmem>>) semaphore(%arg11 : memref<!tpu.dma_semaphore, #tpu.memory_space<semaphore_mem>>)
    %dma_start3A_310 = arith.constant 16 : i32
    %dma_start3A_311 = arith.constant 256 : i32
    %dma_start3A_312 = arith.constant 0 : i32
    %dma_start3A_313 = tpu.memref_slice %arg9[%dma_start3A_311, %dma_start3A_312] : memref<896x32xf32, #tpu.memory_space<vmem>> -> memref<128x32xf32, #tpu.memory_space<vmem>>
    %dma_start3A_314 = arith.constant 0 : i32
    %dma_start3A_315 = tpu.memref_slice %arg7[%dma_start3A_310, %dma_start3A_314] : memref<20x128xi32, #tpu.memory_space<vmem>> -> memref<1x128xi32, #tpu.memory_space<vmem>>
    %dma_start3A_316 = tpu.memref_squeeze %dma_start3A_315 : memref<1x128xi32, #tpu.memory_space<vmem>> -> memref<128xi32, #tpu.memory_space<vmem>>
    %dma_start3A_317 = arith.constant 0 : i32
    %dma_start3A_318 = arith.constant 0 : i32
    %dma_start3A_319 = tpu.memref_slice %arg5[%dma_start3A_317, %dma_start3A_318] : memref<1000001x32xf32, #tpu.memory_space<hbm>> -> memref<1000001x32xf32, #tpu.memory_space<hbm>>
    tpu.enqueue_indirect_dma source(%dma_start3A_319 : memref<1000001x32xf32, #tpu.memory_space<hbm>>) target(%dma_start3A_313 : memref<128x32xf32, #tpu.memory_space<vmem>>) offsets(%dma_start3A_316 : memref<128xi32, #tpu.memory_space<vmem>>) semaphore(%arg11 : memref<!tpu.dma_semaphore, #tpu.memory_space<semaphore_mem>>)
    %dma_start3A_320 = arith.constant 17 : i32
    %dma_start3A_321 = arith.constant 384 : i32
    %dma_start3A_322 = arith.constant 0 : i32
    %dma_start3A_323 = tpu.memref_slice %arg9[%dma_start3A_321, %dma_start3A_322] : memref<896x32xf32, #tpu.memory_space<vmem>> -> memref<128x32xf32, #tpu.memory_space<vmem>>
    %dma_start3A_324 = arith.constant 0 : i32
    %dma_start3A_325 = tpu.memref_slice %arg7[%dma_start3A_320, %dma_start3A_324] : memref<20x128xi32, #tpu.memory_space<vmem>> -> memref<1x128xi32, #tpu.memory_space<vmem>>
    %dma_start3A_326 = tpu.memref_squeeze %dma_start3A_325 : memref<1x128xi32, #tpu.memory_space<vmem>> -> memref<128xi32, #tpu.memory_space<vmem>>
    %dma_start3A_327 = arith.constant 0 : i32
    %dma_start3A_328 = arith.constant 0 : i32
    %dma_start3A_329 = tpu.memref_slice %arg5[%dma_start3A_327, %dma_start3A_328] : memref<1000001x32xf32, #tpu.memory_space<hbm>> -> memref<1000001x32xf32, #tpu.memory_space<hbm>>
    tpu.enqueue_indirect_dma source(%dma_start3A_329 : memref<1000001x32xf32, #tpu.memory_space<hbm>>) target(%dma_start3A_323 : memref<128x32xf32, #tpu.memory_space<vmem>>) offsets(%dma_start3A_326 : memref<128xi32, #tpu.memory_space<vmem>>) semaphore(%arg11 : memref<!tpu.dma_semaphore, #tpu.memory_space<semaphore_mem>>)
    %dma_start3A_330 = arith.constant 18 : i32
    %dma_start3A_331 = arith.constant 512 : i32
    %dma_start3A_332 = arith.constant 0 : i32
    %dma_start3A_333 = tpu.memref_slice %arg9[%dma_start3A_331, %dma_start3A_332] : memref<896x32xf32, #tpu.memory_space<vmem>> -> memref<128x32xf32, #tpu.memory_space<vmem>>
    %dma_start3A_334 = arith.constant 0 : i32
    %dma_start3A_335 = tpu.memref_slice %arg7[%dma_start3A_330, %dma_start3A_334] : memref<20x128xi32, #tpu.memory_space<vmem>> -> memref<1x128xi32, #tpu.memory_space<vmem>>
    %dma_start3A_336 = tpu.memref_squeeze %dma_start3A_335 : memref<1x128xi32, #tpu.memory_space<vmem>> -> memref<128xi32, #tpu.memory_space<vmem>>
    %dma_start3A_337 = arith.constant 0 : i32
    %dma_start3A_338 = arith.constant 0 : i32
    %dma_start3A_339 = tpu.memref_slice %arg5[%dma_start3A_337, %dma_start3A_338] : memref<1000001x32xf32, #tpu.memory_space<hbm>> -> memref<1000001x32xf32, #tpu.memory_space<hbm>>
    tpu.enqueue_indirect_dma source(%dma_start3A_339 : memref<1000001x32xf32, #tpu.memory_space<hbm>>) target(%dma_start3A_333 : memref<128x32xf32, #tpu.memory_space<vmem>>) offsets(%dma_start3A_336 : memref<128xi32, #tpu.memory_space<vmem>>) semaphore(%arg11 : memref<!tpu.dma_semaphore, #tpu.memory_space<semaphore_mem>>)
    %dma_start3A_340 = arith.constant 19 : i32
    %dma_start3A_341 = arith.constant 640 : i32
    %dma_start3A_342 = arith.constant 0 : i32
    %dma_start3A_343 = tpu.memref_slice %arg9[%dma_start3A_341, %dma_start3A_342] : memref<896x32xf32, #tpu.memory_space<vmem>> -> memref<128x32xf32, #tpu.memory_space<vmem>>
    %dma_start3A_344 = arith.constant 0 : i32
    %dma_start3A_345 = tpu.memref_slice %arg7[%dma_start3A_340, %dma_start3A_344] : memref<20x128xi32, #tpu.memory_space<vmem>> -> memref<1x128xi32, #tpu.memory_space<vmem>>
    %dma_start3A_346 = tpu.memref_squeeze %dma_start3A_345 : memref<1x128xi32, #tpu.memory_space<vmem>> -> memref<128xi32, #tpu.memory_space<vmem>>
    %dma_start3A_347 = arith.constant 0 : i32
    %dma_start3A_348 = arith.constant 0 : i32
    %dma_start3A_349 = tpu.memref_slice %arg5[%dma_start3A_347, %dma_start3A_348] : memref<1000001x32xf32, #tpu.memory_space<hbm>> -> memref<1000001x32xf32, #tpu.memory_space<hbm>>
    tpu.enqueue_indirect_dma source(%dma_start3A_349 : memref<1000001x32xf32, #tpu.memory_space<hbm>>) target(%dma_start3A_343 : memref<128x32xf32, #tpu.memory_space<vmem>>) offsets(%dma_start3A_346 : memref<128xi32, #tpu.memory_space<vmem>>) semaphore(%arg11 : memref<!tpu.dma_semaphore, #tpu.memory_space<semaphore_mem>>)
    %dma_start3A_350 = arith.constant 768 : i32
    %dma_start3A_351 = arith.constant 0 : i32
    %dma_start3A_352 = tpu.memref_slice %arg9[%dma_start3A_350, %dma_start3A_351] : memref<896x32xf32, #tpu.memory_space<vmem>> -> memref<128x32xf32, #tpu.memory_space<vmem>>
    %dma_start3A_353 = arith.constant 0 : i32
    %dma_start3A_354 = arith.constant 0 : i32
    %dma_start3A_355 = tpu.memref_slice %arg4[%dma_start3A_353, %dma_start3A_354] : memref<1000000x32xf32, #tpu.memory_space<hbm>> -> memref<1000000x32xf32, #tpu.memory_space<hbm>>
    tpu.enqueue_indirect_dma source(%dma_start3A_355 : memref<1000000x32xf32, #tpu.memory_space<hbm>>) target(%dma_start3A_352 : memref<128x32xf32, #tpu.memory_space<vmem>>) offsets(%arg8 : memref<128xi32, #tpu.memory_space<vmem>>) semaphore(%arg11 : memref<!tpu.dma_semaphore, #tpu.memory_space<semaphore_mem>>)
    %dma_wait3A_356 = arith.constant 0 : i32
    %dma_wait3A_357 = arith.constant 0 : i32
    %dma_wait3A_358 = arith.constant 0 : i32
    %dma_wait3A_359 = tpu.memref_slice %arg9[%dma_wait3A_357, %dma_wait3A_358] : memref<896x32xf32, #tpu.memory_space<vmem>> -> memref<128x32xf32, #tpu.memory_space<vmem>>
    %dma_wait3A_360 = arith.constant 0 : i32
    %dma_wait3A_361 = tpu.memref_slice %arg7[%dma_wait3A_356, %dma_wait3A_360] : memref<20x128xi32, #tpu.memory_space<vmem>> -> memref<1x128xi32, #tpu.memory_space<vmem>>
    %dma_wait3A_362 = tpu.memref_squeeze %dma_wait3A_361 : memref<1x128xi32, #tpu.memory_space<vmem>> -> memref<128xi32, #tpu.memory_space<vmem>>
    %dma_wait3A_363 = arith.constant 0 : i32
    %dma_wait3A_364 = arith.constant 0 : i32
    %dma_wait3A_365 = tpu.memref_slice %arg5[%dma_wait3A_363, %dma_wait3A_364] : memref<1000001x32xf32, #tpu.memory_space<hbm>> -> memref<1000001x32xf32, #tpu.memory_space<hbm>>
    tpu.wait_indirect_dma semaphore(%arg11 : memref<!tpu.dma_semaphore, #tpu.memory_space<semaphore_mem>>) src(%dma_wait3A_365 : memref<1000001x32xf32, #tpu.memory_space<hbm>>) dst(%dma_wait3A_359 : memref<128x32xf32, #tpu.memory_space<vmem>>)
    %dma_wait3A_366 = arith.constant 0 : i32
    %dma_wait3A_367 = arith.constant 0 : i32
    %dma_wait3A_368 = arith.constant 0 : i32
    %dma_wait3A_369 = tpu.memref_slice %arg9[%dma_wait3A_367, %dma_wait3A_368] : memref<896x32xf32, #tpu.memory_space<vmem>> -> memref<128x32xf32, #tpu.memory_space<vmem>>
    %dma_wait3A_370 = arith.constant 0 : i32
    %dma_wait3A_371 = tpu.memref_slice %arg7[%dma_wait3A_366, %dma_wait3A_370] : memref<20x128xi32, #tpu.memory_space<vmem>> -> memref<1x128xi32, #tpu.memory_space<vmem>>
    %dma_wait3A_372 = tpu.memref_squeeze %dma_wait3A_371 : memref<1x128xi32, #tpu.memory_space<vmem>> -> memref<128xi32, #tpu.memory_space<vmem>>
    %dma_wait3A_373 = arith.constant 0 : i32
    %dma_wait3A_374 = arith.constant 0 : i32
    %dma_wait3A_375 = tpu.memref_slice %arg5[%dma_wait3A_373, %dma_wait3A_374] : memref<1000001x32xf32, #tpu.memory_space<hbm>> -> memref<1000001x32xf32, #tpu.memory_space<hbm>>
    tpu.wait_indirect_dma semaphore(%arg11 : memref<!tpu.dma_semaphore, #tpu.memory_space<semaphore_mem>>) src(%dma_wait3A_375 : memref<1000001x32xf32, #tpu.memory_space<hbm>>) dst(%dma_wait3A_369 : memref<128x32xf32, #tpu.memory_space<vmem>>)
    %dma_wait3A_376 = arith.constant 0 : i32
    %dma_wait3A_377 = arith.constant 0 : i32
    %dma_wait3A_378 = arith.constant 0 : i32
    %dma_wait3A_379 = tpu.memref_slice %arg9[%dma_wait3A_377, %dma_wait3A_378] : memref<896x32xf32, #tpu.memory_space<vmem>> -> memref<128x32xf32, #tpu.memory_space<vmem>>
    %dma_wait3A_380 = arith.constant 0 : i32
    %dma_wait3A_381 = tpu.memref_slice %arg7[%dma_wait3A_376, %dma_wait3A_380] : memref<20x128xi32, #tpu.memory_space<vmem>> -> memref<1x128xi32, #tpu.memory_space<vmem>>
    %dma_wait3A_382 = tpu.memref_squeeze %dma_wait3A_381 : memref<1x128xi32, #tpu.memory_space<vmem>> -> memref<128xi32, #tpu.memory_space<vmem>>
    %dma_wait3A_383 = arith.constant 0 : i32
    %dma_wait3A_384 = arith.constant 0 : i32
    %dma_wait3A_385 = tpu.memref_slice %arg5[%dma_wait3A_383, %dma_wait3A_384] : memref<1000001x32xf32, #tpu.memory_space<hbm>> -> memref<1000001x32xf32, #tpu.memory_space<hbm>>
    tpu.wait_indirect_dma semaphore(%arg11 : memref<!tpu.dma_semaphore, #tpu.memory_space<semaphore_mem>>) src(%dma_wait3A_385 : memref<1000001x32xf32, #tpu.memory_space<hbm>>) dst(%dma_wait3A_379 : memref<128x32xf32, #tpu.memory_space<vmem>>)
    %dma_wait3A_386 = arith.constant 0 : i32
    %dma_wait3A_387 = arith.constant 0 : i32
    %dma_wait3A_388 = arith.constant 0 : i32
    %dma_wait3A_389 = tpu.memref_slice %arg9[%dma_wait3A_387, %dma_wait3A_388] : memref<896x32xf32, #tpu.memory_space<vmem>> -> memref<128x32xf32, #tpu.memory_space<vmem>>
    %dma_wait3A_390 = arith.constant 0 : i32
    %dma_wait3A_391 = tpu.memref_slice %arg7[%dma_wait3A_386, %dma_wait3A_390] : memref<20x128xi32, #tpu.memory_space<vmem>> -> memref<1x128xi32, #tpu.memory_space<vmem>>
    %dma_wait3A_392 = tpu.memref_squeeze %dma_wait3A_391 : memref<1x128xi32, #tpu.memory_space<vmem>> -> memref<128xi32, #tpu.memory_space<vmem>>
    %dma_wait3A_393 = arith.constant 0 : i32
    %dma_wait3A_394 = arith.constant 0 : i32
    %dma_wait3A_395 = tpu.memref_slice %arg5[%dma_wait3A_393, %dma_wait3A_394] : memref<1000001x32xf32, #tpu.memory_space<hbm>> -> memref<1000001x32xf32, #tpu.memory_space<hbm>>
    tpu.wait_indirect_dma semaphore(%arg11 : memref<!tpu.dma_semaphore, #tpu.memory_space<semaphore_mem>>) src(%dma_wait3A_395 : memref<1000001x32xf32, #tpu.memory_space<hbm>>) dst(%dma_wait3A_389 : memref<128x32xf32, #tpu.memory_space<vmem>>)
    %dma_wait3A_396 = arith.constant 0 : i32
    %dma_wait3A_397 = arith.constant 0 : i32
    %dma_wait3A_398 = arith.constant 0 : i32
    %dma_wait3A_399 = tpu.memref_slice %arg9[%dma_wait3A_397, %dma_wait3A_398] : memref<896x32xf32, #tpu.memory_space<vmem>> -> memref<128x32xf32, #tpu.memory_space<vmem>>
    %dma_wait3A_400 = arith.constant 0 : i32
    %dma_wait3A_401 = tpu.memref_slice %arg7[%dma_wait3A_396, %dma_wait3A_400] : memref<20x128xi32, #tpu.memory_space<vmem>> -> memref<1x128xi32, #tpu.memory_space<vmem>>
    %dma_wait3A_402 = tpu.memref_squeeze %dma_wait3A_401 : memref<1x128xi32, #tpu.memory_space<vmem>> -> memref<128xi32, #tpu.memory_space<vmem>>
    %dma_wait3A_403 = arith.constant 0 : i32
    %dma_wait3A_404 = arith.constant 0 : i32
    %dma_wait3A_405 = tpu.memref_slice %arg5[%dma_wait3A_403, %dma_wait3A_404] : memref<1000001x32xf32, #tpu.memory_space<hbm>> -> memref<1000001x32xf32, #tpu.memory_space<hbm>>
    tpu.wait_indirect_dma semaphore(%arg11 : memref<!tpu.dma_semaphore, #tpu.memory_space<semaphore_mem>>) src(%dma_wait3A_405 : memref<1000001x32xf32, #tpu.memory_space<hbm>>) dst(%dma_wait3A_399 : memref<128x32xf32, #tpu.memory_space<vmem>>)
    %dma_wait3A_406 = arith.constant 0 : i32
    %dma_wait3A_407 = arith.constant 0 : i32
    %dma_wait3A_408 = arith.constant 0 : i32
    %dma_wait3A_409 = tpu.memref_slice %arg9[%dma_wait3A_407, %dma_wait3A_408] : memref<896x32xf32, #tpu.memory_space<vmem>> -> memref<128x32xf32, #tpu.memory_space<vmem>>
    %dma_wait3A_410 = arith.constant 0 : i32
    %dma_wait3A_411 = tpu.memref_slice %arg7[%dma_wait3A_406, %dma_wait3A_410] : memref<20x128xi32, #tpu.memory_space<vmem>> -> memref<1x128xi32, #tpu.memory_space<vmem>>
    %dma_wait3A_412 = tpu.memref_squeeze %dma_wait3A_411 : memref<1x128xi32, #tpu.memory_space<vmem>> -> memref<128xi32, #tpu.memory_space<vmem>>
    %dma_wait3A_413 = arith.constant 0 : i32
    %dma_wait3A_414 = arith.constant 0 : i32
    %dma_wait3A_415 = tpu.memref_slice %arg5[%dma_wait3A_413, %dma_wait3A_414] : memref<1000001x32xf32, #tpu.memory_space<hbm>> -> memref<1000001x32xf32, #tpu.memory_space<hbm>>
    tpu.wait_indirect_dma semaphore(%arg11 : memref<!tpu.dma_semaphore, #tpu.memory_space<semaphore_mem>>) src(%dma_wait3A_415 : memref<1000001x32xf32, #tpu.memory_space<hbm>>) dst(%dma_wait3A_409 : memref<128x32xf32, #tpu.memory_space<vmem>>)
    %dma_wait3A_416 = arith.constant 0 : i32
    %dma_wait3A_417 = arith.constant 0 : i32
    %dma_wait3A_418 = arith.constant 0 : i32
    %dma_wait3A_419 = tpu.memref_slice %arg9[%dma_wait3A_417, %dma_wait3A_418] : memref<896x32xf32, #tpu.memory_space<vmem>> -> memref<128x32xf32, #tpu.memory_space<vmem>>
    %dma_wait3A_420 = arith.constant 0 : i32
    %dma_wait3A_421 = tpu.memref_slice %arg7[%dma_wait3A_416, %dma_wait3A_420] : memref<20x128xi32, #tpu.memory_space<vmem>> -> memref<1x128xi32, #tpu.memory_space<vmem>>
    %dma_wait3A_422 = tpu.memref_squeeze %dma_wait3A_421 : memref<1x128xi32, #tpu.memory_space<vmem>> -> memref<128xi32, #tpu.memory_space<vmem>>
    %dma_wait3A_423 = arith.constant 0 : i32
    %dma_wait3A_424 = arith.constant 0 : i32
    %dma_wait3A_425 = tpu.memref_slice %arg5[%dma_wait3A_423, %dma_wait3A_424] : memref<1000001x32xf32, #tpu.memory_space<hbm>> -> memref<1000001x32xf32, #tpu.memory_space<hbm>>
    tpu.wait_indirect_dma semaphore(%arg11 : memref<!tpu.dma_semaphore, #tpu.memory_space<semaphore_mem>>) src(%dma_wait3A_425 : memref<1000001x32xf32, #tpu.memory_space<hbm>>) dst(%dma_wait3A_419 : memref<128x32xf32, #tpu.memory_space<vmem>>)
    %scan3A_426 = arith.constant 0 : i32
    %scan3A_427 = arith.constant 32 : i32
    %scan3A_428 = arith.addi %scan3A_426, %scan3A_427 : i32
    %scan3A_429 = arith.constant 1 : i32
    scf.for %scan3A_431 = %scan3A_426 to %scan3A_428 step %scan3A_429  : i32 {
      %add3A_432 = arith.constant 0 : i32
      %add3A_433 = vector.broadcast %add3A_432 : i32 to vector<16xi32>
      %add3A_434 = arith.addi %iota3A, %add3A_433 : vector<16xi32>
      %broadcast_in_dim3A = arith.constant 0 : i32
      %broadcast_in_dim3A_435 = vector.broadcast %broadcast_in_dim3A : i32 to vector<16xi32>
      %add3A_436 = vector.broadcast %scan3A_431 : i32 to vector<16xi32>
      %add3A_437 = arith.addi %broadcast_in_dim3A_435, %add3A_436 : vector<16xi32>
      %gather3A = tpu.vector_load_idx %arg9[%add3A_434, %add3A_437] : memref<896x32xf32, #tpu.memory_space<vmem>>[vector<16xi32>, vector<16xi32>], vector<16xf32>,
      %add3A_438 = arith.constant 448 : i32
      %add3A_439 = arith.addi %add3A_438, %scan3A_431 : i32
      %swap3A = arith.index_cast %add3A_439 : i32 to index
      %swap3A_440 = arith.constant 0 : index
      %swap3A_441 = tpu.vector_load %arg10[%swap3A, %swap3A_440] {strides = array<i32>} : memref<672x128xf32, #tpu.memory_space<vmem>>, vector<16xf32>,
      tpu.vector_store %arg10[%swap3A, %swap3A_440], %gather3A {strides = array<i32>} : memref<672x128xf32, #tpu.memory_space<vmem>>, vector<16xf32>,
      %add3A_442 = arith.constant 16 : i32
      %add3A_443 = vector.broadcast %add3A_442 : i32 to vector<16xi32>
      %add3A_444 = arith.addi %iota3A, %add3A_443 : vector<16xi32>
      %broadcast_in_dim3A_445 = arith.constant 0 : i32
      %broadcast_in_dim3A_446 = vector.broadcast %broadcast_in_dim3A_445 : i32 to vector<16xi32>
      %add3A_447 = vector.broadcast %scan3A_431 : i32 to vector<16xi32>
      %add3A_448 = arith.addi %broadcast_in_dim3A_446, %add3A_447 : vector<16xi32>
      %gather3A_449 = tpu.vector_load_idx %arg9[%add3A_444, %add3A_448] : memref<896x32xf32, #tpu.memory_space<vmem>>[vector<16xi32>, vector<16xi32>], vector<16xf32>,
      %add3A_450 = arith.constant 448 : i32
      %add3A_451 = arith.addi %add3A_450, %scan3A_431 : i32
      %swap3A_452 = arith.index_cast %add3A_451 : i32 to index
      %swap3A_453 = arith.constant 16 : index
      %swap3A_454 = tpu.vector_load %arg10[%swap3A_452, %swap3A_453] {strides = array<i32>} : memref<672x128xf32, #tpu.memory_space<vmem>>, vector<16xf32>,
      tpu.vector_store %arg10[%swap3A_452, %swap3A_453], %gather3A_449 {strides = array<i32>} : memref<672x128xf32, #tpu.memory_space<vmem>>, vector<16xf32>,
      %add3A_455 = arith.constant 32 : i32
      %add3A_456 = vector.broadcast %add3A_455 : i32 to vector<16xi32>
      %add3A_457 = arith.addi %iota3A, %add3A_456 : vector<16xi32>
      %broadcast_in_dim3A_458 = arith.constant 0 : i32
      %broadcast_in_dim3A_459 = vector.broadcast %broadcast_in_dim3A_458 : i32 to vector<16xi32>
      %add3A_460 = vector.broadcast %scan3A_431 : i32 to vector<16xi32>
      %add3A_461 = arith.addi %broadcast_in_dim3A_459, %add3A_460 : vector<16xi32>
      %gather3A_462 = tpu.vector_load_idx %arg9[%add3A_457, %add3A_461] : memref<896x32xf32, #tpu.memory_space<vmem>>[vector<16xi32>, vector<16xi32>], vector<16xf32>,
      %add3A_463 = arith.constant 448 : i32
      %add3A_464 = arith.addi %add3A_463, %scan3A_431 : i32
      %swap3A_465 = arith.index_cast %add3A_464 : i32 to index
      %swap3A_466 = arith.constant 32 : index
      %swap3A_467 = tpu.vector_load %arg10[%swap3A_465, %swap3A_466] {strides = array<i32>} : memref<672x128xf32, #tpu.memory_space<vmem>>, vector<16xf32>,
      tpu.vector_store %arg10[%swap3A_465, %swap3A_466], %gather3A_462 {strides = array<i32>} : memref<672x128xf32, #tpu.memory_space<vmem>>, vector<16xf32>,
      %add3A_468 = arith.constant 48 : i32
      %add3A_469 = vector.broadcast %add3A_468 : i32 to vector<16xi32>
      %add3A_470 = arith.addi %iota3A, %add3A_469 : vector<16xi32>
      %broadcast_in_dim3A_471 = arith.constant 0 : i32
      %broadcast_in_dim3A_472 = vector.broadcast %broadcast_in_dim3A_471 : i32 to vector<16xi32>
      %add3A_473 = vector.broadcast %scan3A_431 : i32 to vector<16xi32>
      %add3A_474 = arith.addi %broadcast_in_dim3A_472, %add3A_473 : vector<16xi32>
      %gather3A_475 = tpu.vector_load_idx %arg9[%add3A_470, %add3A_474] : memref<896x32xf32, #tpu.memory_space<vmem>>[vector<16xi32>, vector<16xi32>], vector<16xf32>,
      %add3A_476 = arith.constant 448 : i32
      %add3A_477 = arith.addi %add3A_476, %scan3A_431 : i32
      %swap3A_478 = arith.index_cast %add3A_477 : i32 to index
      %swap3A_479 = arith.constant 48 : index
      %swap3A_480 = tpu.vector_load %arg10[%swap3A_478, %swap3A_479] {strides = array<i32>} : memref<672x128xf32, #tpu.memory_space<vmem>>, vector<16xf32>,
      tpu.vector_store %arg10[%swap3A_478, %swap3A_479], %gather3A_475 {strides = array<i32>} : memref<672x128xf32, #tpu.memory_space<vmem>>, vector<16xf32>,
      %add3A_481 = arith.constant 64 : i32
      %add3A_482 = vector.broadcast %add3A_481 : i32 to vector<16xi32>
      %add3A_483 = arith.addi %iota3A, %add3A_482 : vector<16xi32>
      %broadcast_in_dim3A_484 = arith.constant 0 : i32
      %broadcast_in_dim3A_485 = vector.broadcast %broadcast_in_dim3A_484 : i32 to vector<16xi32>
      %add3A_486 = vector.broadcast %scan3A_431 : i32 to vector<16xi32>
      %add3A_487 = arith.addi %broadcast_in_dim3A_485, %add3A_486 : vector<16xi32>
      %gather3A_488 = tpu.vector_load_idx %arg9[%add3A_483, %add3A_487] : memref<896x32xf32, #tpu.memory_space<vmem>>[vector<16xi32>, vector<16xi32>], vector<16xf32>,
      %add3A_489 = arith.constant 448 : i32
      %add3A_490 = arith.addi %add3A_489, %scan3A_431 : i32
      %swap3A_491 = arith.index_cast %add3A_490 : i32 to index
      %swap3A_492 = arith.constant 64 : index
      %swap3A_493 = tpu.vector_load %arg10[%swap3A_491, %swap3A_492] {strides = array<i32>} : memref<672x128xf32, #tpu.memory_space<vmem>>, vector<16xf32>,
      tpu.vector_store %arg10[%swap3A_491, %swap3A_492], %gather3A_488 {strides = array<i32>} : memref<672x128xf32, #tpu.memory_space<vmem>>, vector<16xf32>,
      %add3A_494 = arith.constant 80 : i32
      %add3A_495 = vector.broadcast %add3A_494 : i32 to vector<16xi32>
      %add3A_496 = arith.addi %iota3A, %add3A_495 : vector<16xi32>
      %broadcast_in_dim3A_497 = arith.constant 0 : i32
      %broadcast_in_dim3A_498 = vector.broadcast %broadcast_in_dim3A_497 : i32 to vector<16xi32>
      %add3A_499 = vector.broadcast %scan3A_431 : i32 to vector<16xi32>
      %add3A_500 = arith.addi %broadcast_in_dim3A_498, %add3A_499 : vector<16xi32>
      %gather3A_501 = tpu.vector_load_idx %arg9[%add3A_496, %add3A_500] : memref<896x32xf32, #tpu.memory_space<vmem>>[vector<16xi32>, vector<16xi32>], vector<16xf32>,
      %add3A_502 = arith.constant 448 : i32
      %add3A_503 = arith.addi %add3A_502, %scan3A_431 : i32
      %swap3A_504 = arith.index_cast %add3A_503 : i32 to index
      %swap3A_505 = arith.constant 80 : index
      %swap3A_506 = tpu.vector_load %arg10[%swap3A_504, %swap3A_505] {strides = array<i32>} : memref<672x128xf32, #tpu.memory_space<vmem>>, vector<16xf32>,
      tpu.vector_store %arg10[%swap3A_504, %swap3A_505], %gather3A_501 {strides = array<i32>} : memref<672x128xf32, #tpu.memory_space<vmem>>, vector<16xf32>,
      %add3A_507 = arith.constant 96 : i32
      %add3A_508 = vector.broadcast %add3A_507 : i32 to vector<16xi32>
      %add3A_509 = arith.addi %iota3A, %add3A_508 : vector<16xi32>
      %broadcast_in_dim3A_510 = arith.constant 0 : i32
      %broadcast_in_dim3A_511 = vector.broadcast %broadcast_in_dim3A_510 : i32 to vector<16xi32>
      %add3A_512 = vector.broadcast %scan3A_431 : i32 to vector<16xi32>
      %add3A_513 = arith.addi %broadcast_in_dim3A_511, %add3A_512 : vector<16xi32>
      %gather3A_514 = tpu.vector_load_idx %arg9[%add3A_509, %add3A_513] : memref<896x32xf32, #tpu.memory_space<vmem>>[vector<16xi32>, vector<16xi32>], vector<16xf32>,
      %add3A_515 = arith.constant 448 : i32
      %add3A_516 = arith.addi %add3A_515, %scan3A_431 : i32
      %swap3A_517 = arith.index_cast %add3A_516 : i32 to index
      %swap3A_518 = arith.constant 96 : index
      %swap3A_519 = tpu.vector_load %arg10[%swap3A_517, %swap3A_518] {strides = array<i32>} : memref<672x128xf32, #tpu.memory_space<vmem>>, vector<16xf32>,
      tpu.vector_store %arg10[%swap3A_517, %swap3A_518], %gather3A_514 {strides = array<i32>} : memref<672x128xf32, #tpu.memory_space<vmem>>, vector<16xf32>,
      %add3A_520 = arith.constant 112 : i32
      %add3A_521 = vector.broadcast %add3A_520 : i32 to vector<16xi32>
      %add3A_522 = arith.addi %iota3A, %add3A_521 : vector<16xi32>
      %broadcast_in_dim3A_523 = arith.constant 0 : i32
      %broadcast_in_dim3A_524 = vector.broadcast %broadcast_in_dim3A_523 : i32 to vector<16xi32>
      %add3A_525 = vector.broadcast %scan3A_431 : i32 to vector<16xi32>
      %add3A_526 = arith.addi %broadcast_in_dim3A_524, %add3A_525 : vector<16xi32>
      %gather3A_527 = tpu.vector_load_idx %arg9[%add3A_522, %add3A_526] : memref<896x32xf32, #tpu.memory_space<vmem>>[vector<16xi32>, vector<16xi32>], vector<16xf32>,
      %add3A_528 = arith.constant 448 : i32
      %add3A_529 = arith.addi %add3A_528, %scan3A_431 : i32
      %swap3A_530 = arith.index_cast %add3A_529 : i32 to index
      %swap3A_531 = arith.constant 112 : index
      %swap3A_532 = tpu.vector_load %arg10[%swap3A_530, %swap3A_531] {strides = array<i32>} : memref<672x128xf32, #tpu.memory_space<vmem>>, vector<16xf32>,
      tpu.vector_store %arg10[%swap3A_530, %swap3A_531], %gather3A_527 {strides = array<i32>} : memref<672x128xf32, #tpu.memory_space<vmem>>, vector<16xf32>,
      %add3A_533 = arith.constant 128 : i32
      %add3A_534 = vector.broadcast %add3A_533 : i32 to vector<16xi32>
      %add3A_535 = arith.addi %iota3A, %add3A_534 : vector<16xi32>
      %broadcast_in_dim3A_536 = arith.constant 0 : i32
      %broadcast_in_dim3A_537 = vector.broadcast %broadcast_in_dim3A_536 : i32 to vector<16xi32>
      %add3A_538 = vector.broadcast %scan3A_431 : i32 to vector<16xi32>
      %add3A_539 = arith.addi %broadcast_in_dim3A_537, %add3A_538 : vector<16xi32>
      %gather3A_540 = tpu.vector_load_idx %arg9[%add3A_535, %add3A_539] : memref<896x32xf32, #tpu.memory_space<vmem>>[vector<16xi32>, vector<16xi32>], vector<16xf32>,
      %add3A_541 = arith.constant 480 : i32
      %add3A_542 = arith.addi %add3A_541, %scan3A_431 : i32
      %swap3A_543 = arith.index_cast %add3A_542 : i32 to index
      %swap3A_544 = arith.constant 0 : index
      %swap3A_545 = tpu.vector_load %arg10[%swap3A_543, %swap3A_544] {strides = array<i32>} : memref<672x128xf32, #tpu.memory_space<vmem>>, vector<16xf32>,
      tpu.vector_store %arg10[%swap3A_543, %swap3A_544], %gather3A_540 {strides = array<i32>} : memref<672x128xf32, #tpu.memory_space<vmem>>, vector<16xf32>,
      %add3A_546 = arith.constant 144 : i32
      %add3A_547 = vector.broadcast %add3A_546 : i32 to vector<16xi32>
      %add3A_548 = arith.addi %iota3A, %add3A_547 : vector<16xi32>
      %broadcast_in_dim3A_549 = arith.constant 0 : i32
      %broadcast_in_dim3A_550 = vector.broadcast %broadcast_in_dim3A_549 : i32 to vector<16xi32>
      %add3A_551 = vector.broadcast %scan3A_431 : i32 to vector<16xi32>
      %add3A_552 = arith.addi %broadcast_in_dim3A_550, %add3A_551 : vector<16xi32>
      %gather3A_553 = tpu.vector_load_idx %arg9[%add3A_548, %add3A_552] : memref<896x32xf32, #tpu.memory_space<vmem>>[vector<16xi32>, vector<16xi32>], vector<16xf32>,
      %add3A_554 = arith.constant 480 : i32
      %add3A_555 = arith.addi %add3A_554, %scan3A_431 : i32
      %swap3A_556 = arith.index_cast %add3A_555 : i32 to index
      %swap3A_557 = arith.constant 16 : index
      %swap3A_558 = tpu.vector_load %arg10[%swap3A_556, %swap3A_557] {strides = array<i32>} : memref<672x128xf32, #tpu.memory_space<vmem>>, vector<16xf32>,
      tpu.vector_store %arg10[%swap3A_556, %swap3A_557], %gather3A_553 {strides = array<i32>} : memref<672x128xf32, #tpu.memory_space<vmem>>, vector<16xf32>,
      %add3A_559 = arith.constant 160 : i32
      %add3A_560 = vector.broadcast %add3A_559 : i32 to vector<16xi32>
      %add3A_561 = arith.addi %iota3A, %add3A_560 : vector<16xi32>
      %broadcast_in_dim3A_562 = arith.constant 0 : i32
      %broadcast_in_dim3A_563 = vector.broadcast %broadcast_in_dim3A_562 : i32 to vector<16xi32>
      %add3A_564 = vector.broadcast %scan3A_431 : i32 to vector<16xi32>
      %add3A_565 = arith.addi %broadcast_in_dim3A_563, %add3A_564 : vector<16xi32>
      %gather3A_566 = tpu.vector_load_idx %arg9[%add3A_561, %add3A_565] : memref<896x32xf32, #tpu.memory_space<vmem>>[vector<16xi32>, vector<16xi32>], vector<16xf32>,
      %add3A_567 = arith.constant 480 : i32
      %add3A_568 = arith.addi %add3A_567, %scan3A_431 : i32
      %swap3A_569 = arith.index_cast %add3A_568 : i32 to index
      %swap3A_570 = arith.constant 32 : index
      %swap3A_571 = tpu.vector_load %arg10[%swap3A_569, %swap3A_570] {strides = array<i32>} : memref<672x128xf32, #tpu.memory_space<vmem>>, vector<16xf32>,
      tpu.vector_store %arg10[%swap3A_569, %swap3A_570], %gather3A_566 {strides = array<i32>} : memref<672x128xf32, #tpu.memory_space<vmem>>, vector<16xf32>,
      %add3A_572 = arith.constant 176 : i32
      %add3A_573 = vector.broadcast %add3A_572 : i32 to vector<16xi32>
      %add3A_574 = arith.addi %iota3A, %add3A_573 : vector<16xi32>
      %broadcast_in_dim3A_575 = arith.constant 0 : i32
      %broadcast_in_dim3A_576 = vector.broadcast %broadcast_in_dim3A_575 : i32 to vector<16xi32>
      %add3A_577 = vector.broadcast %scan3A_431 : i32 to vector<16xi32>
      %add3A_578 = arith.addi %broadcast_in_dim3A_576, %add3A_577 : vector<16xi32>
      %gather3A_579 = tpu.vector_load_idx %arg9[%add3A_574, %add3A_578] : memref<896x32xf32, #tpu.memory_space<vmem>>[vector<16xi32>, vector<16xi32>], vector<16xf32>,
      %add3A_580 = arith.constant 480 : i32
      %add3A_581 = arith.addi %add3A_580, %scan3A_431 : i32
      %swap3A_582 = arith.index_cast %add3A_581 : i32 to index
      %swap3A_583 = arith.constant 48 : index
      %swap3A_584 = tpu.vector_load %arg10[%swap3A_582, %swap3A_583] {strides = array<i32>} : memref<672x128xf32, #tpu.memory_space<vmem>>, vector<16xf32>,
      tpu.vector_store %arg10[%swap3A_582, %swap3A_583], %gather3A_579 {strides = array<i32>} : memref<672x128xf32, #tpu.memory_space<vmem>>, vector<16xf32>,
      %add3A_585 = arith.constant 192 : i32
      %add3A_586 = vector.broadcast %add3A_585 : i32 to vector<16xi32>
      %add3A_587 = arith.addi %iota3A, %add3A_586 : vector<16xi32>
      %broadcast_in_dim3A_588 = arith.constant 0 : i32
      %broadcast_in_dim3A_589 = vector.broadcast %broadcast_in_dim3A_588 : i32 to vector<16xi32>
      %add3A_590 = vector.broadcast %scan3A_431 : i32 to vector<16xi32>
      %add3A_591 = arith.addi %broadcast_in_dim3A_589, %add3A_590 : vector<16xi32>
      %gather3A_592 = tpu.vector_load_idx %arg9[%add3A_587, %add3A_591] : memref<896x32xf32, #tpu.memory_space<vmem>>[vector<16xi32>, vector<16xi32>], vector<16xf32>,
      %add3A_593 = arith.constant 480 : i32
      %add3A_594 = arith.addi %add3A_593, %scan3A_431 : i32
      %swap3A_595 = arith.index_cast %add3A_594 : i32 to index
      %swap3A_596 = arith.constant 64 : index
      %swap3A_597 = tpu.vector_load %arg10[%swap3A_595, %swap3A_596] {strides = array<i32>} : memref<672x128xf32, #tpu.memory_space<vmem>>, vector<16xf32>,
      tpu.vector_store %arg10[%swap3A_595, %swap3A_596], %gather3A_592 {strides = array<i32>} : memref<672x128xf32, #tpu.memory_space<vmem>>, vector<16xf32>,
      %add3A_598 = arith.constant 208 : i32
      %add3A_599 = vector.broadcast %add3A_598 : i32 to vector<16xi32>
      %add3A_600 = arith.addi %iota3A, %add3A_599 : vector<16xi32>
      %broadcast_in_dim3A_601 = arith.constant 0 : i32
      %broadcast_in_dim3A_602 = vector.broadcast %broadcast_in_dim3A_601 : i32 to vector<16xi32>
      %add3A_603 = vector.broadcast %scan3A_431 : i32 to vector<16xi32>
      %add3A_604 = arith.addi %broadcast_in_dim3A_602, %add3A_603 : vector<16xi32>
      %gather3A_605 = tpu.vector_load_idx %arg9[%add3A_600, %add3A_604] : memref<896x32xf32, #tpu.memory_space<vmem>>[vector<16xi32>, vector<16xi32>], vector<16xf32>,
      %add3A_606 = arith.constant 480 : i32
      %add3A_607 = arith.addi %add3A_606, %scan3A_431 : i32
      %swap3A_608 = arith.index_cast %add3A_607 : i32 to index
      %swap3A_609 = arith.constant 80 : index
      %swap3A_610 = tpu.vector_load %arg10[%swap3A_608, %swap3A_609] {strides = array<i32>} : memref<672x128xf32, #tpu.memory_space<vmem>>, vector<16xf32>,
      tpu.vector_store %arg10[%swap3A_608, %swap3A_609], %gather3A_605 {strides = array<i32>} : memref<672x128xf32, #tpu.memory_space<vmem>>, vector<16xf32>,
      %add3A_611 = arith.constant 224 : i32
      %add3A_612 = vector.broadcast %add3A_611 : i32 to vector<16xi32>
      %add3A_613 = arith.addi %iota3A, %add3A_612 : vector<16xi32>
      %broadcast_in_dim3A_614 = arith.constant 0 : i32
      %broadcast_in_dim3A_615 = vector.broadcast %broadcast_in_dim3A_614 : i32 to vector<16xi32>
      %add3A_616 = vector.broadcast %scan3A_431 : i32 to vector<16xi32>
      %add3A_617 = arith.addi %broadcast_in_dim3A_615, %add3A_616 : vector<16xi32>
      %gather3A_618 = tpu.vector_load_idx %arg9[%add3A_613, %add3A_617] : memref<896x32xf32, #tpu.memory_space<vmem>>[vector<16xi32>, vector<16xi32>], vector<16xf32>,
      %add3A_619 = arith.constant 480 : i32
      %add3A_620 = arith.addi %add3A_619, %scan3A_431 : i32
      %swap3A_621 = arith.index_cast %add3A_620 : i32 to index
      %swap3A_622 = arith.constant 96 : index
      %swap3A_623 = tpu.vector_load %arg10[%swap3A_621, %swap3A_622] {strides = array<i32>} : memref<672x128xf32, #tpu.memory_space<vmem>>, vector<16xf32>,
      tpu.vector_store %arg10[%swap3A_621, %swap3A_622], %gather3A_618 {strides = array<i32>} : memref<672x128xf32, #tpu.memory_space<vmem>>, vector<16xf32>,
      %add3A_624 = arith.constant 240 : i32
      %add3A_625 = vector.broadcast %add3A_624 : i32 to vector<16xi32>
      %add3A_626 = arith.addi %iota3A, %add3A_625 : vector<16xi32>
      %broadcast_in_dim3A_627 = arith.constant 0 : i32
      %broadcast_in_dim3A_628 = vector.broadcast %broadcast_in_dim3A_627 : i32 to vector<16xi32>
      %add3A_629 = vector.broadcast %scan3A_431 : i32 to vector<16xi32>
      %add3A_630 = arith.addi %broadcast_in_dim3A_628, %add3A_629 : vector<16xi32>
      %gather3A_631 = tpu.vector_load_idx %arg9[%add3A_626, %add3A_630] : memref<896x32xf32, #tpu.memory_space<vmem>>[vector<16xi32>, vector<16xi32>], vector<16xf32>,
      %add3A_632 = arith.constant 480 : i32
      %add3A_633 = arith.addi %add3A_632, %scan3A_431 : i32
      %swap3A_634 = arith.index_cast %add3A_633 : i32 to index
      %swap3A_635 = arith.constant 112 : index
      %swap3A_636 = tpu.vector_load %arg10[%swap3A_634, %swap3A_635] {strides = array<i32>} : memref<672x128xf32, #tpu.memory_space<vmem>>, vector<16xf32>,
      tpu.vector_store %arg10[%swap3A_634, %swap3A_635], %gather3A_631 {strides = array<i32>} : memref<672x128xf32, #tpu.memory_space<vmem>>, vector<16xf32>,
      %add3A_637 = arith.constant 256 : i32
      %add3A_638 = vector.broadcast %add3A_637 : i32 to vector<16xi32>
      %add3A_639 = arith.addi %iota3A, %add3A_638 : vector<16xi32>
      %broadcast_in_dim3A_640 = arith.constant 0 : i32
      %broadcast_in_dim3A_641 = vector.broadcast %broadcast_in_dim3A_640 : i32 to vector<16xi32>
      %add3A_642 = vector.broadcast %scan3A_431 : i32 to vector<16xi32>
      %add3A_643 = arith.addi %broadcast_in_dim3A_641, %add3A_642 : vector<16xi32>
      %gather3A_644 = tpu.vector_load_idx %arg9[%add3A_639, %add3A_643] : memref<896x32xf32, #tpu.memory_space<vmem>>[vector<16xi32>, vector<16xi32>], vector<16xf32>,
      %add3A_645 = arith.constant 512 : i32
      %add3A_646 = arith.addi %add3A_645, %scan3A_431 : i32
      %swap3A_647 = arith.index_cast %add3A_646 : i32 to index
      %swap3A_648 = arith.constant 0 : index
      %swap3A_649 = tpu.vector_load %arg10[%swap3A_647, %swap3A_648] {strides = array<i32>} : memref<672x128xf32, #tpu.memory_space<vmem>>, vector<16xf32>,
      tpu.vector_store %arg10[%swap3A_647, %swap3A_648], %gather3A_644 {strides = array<i32>} : memref<672x128xf32, #tpu.memory_space<vmem>>, vector<16xf32>,
      %add3A_650 = arith.constant 272 : i32
      %add3A_651 = vector.broadcast %add3A_650 : i32 to vector<16xi32>
      %add3A_652 = arith.addi %iota3A, %add3A_651 : vector<16xi32>
      %broadcast_in_dim3A_653 = arith.constant 0 : i32
      %broadcast_in_dim3A_654 = vector.broadcast %broadcast_in_dim3A_653 : i32 to vector<16xi32>
      %add3A_655 = vector.broadcast %scan3A_431 : i32 to vector<16xi32>
      %add3A_656 = arith.addi %broadcast_in_dim3A_654, %add3A_655 : vector<16xi32>
      %gather3A_657 = tpu.vector_load_idx %arg9[%add3A_652, %add3A_656] : memref<896x32xf32, #tpu.memory_space<vmem>>[vector<16xi32>, vector<16xi32>], vector<16xf32>,
      %add3A_658 = arith.constant 512 : i32
      %add3A_659 = arith.addi %add3A_658, %scan3A_431 : i32
      %swap3A_660 = arith.index_cast %add3A_659 : i32 to index
      %swap3A_661 = arith.constant 16 : index
      %swap3A_662 = tpu.vector_load %arg10[%swap3A_660, %swap3A_661] {strides = array<i32>} : memref<672x128xf32, #tpu.memory_space<vmem>>, vector<16xf32>,
      tpu.vector_store %arg10[%swap3A_660, %swap3A_661], %gather3A_657 {strides = array<i32>} : memref<672x128xf32, #tpu.memory_space<vmem>>, vector<16xf32>,
      %add3A_663 = arith.constant 288 : i32
      %add3A_664 = vector.broadcast %add3A_663 : i32 to vector<16xi32>
      %add3A_665 = arith.addi %iota3A, %add3A_664 : vector<16xi32>
      %broadcast_in_dim3A_666 = arith.constant 0 : i32
      %broadcast_in_dim3A_667 = vector.broadcast %broadcast_in_dim3A_666 : i32 to vector<16xi32>
      %add3A_668 = vector.broadcast %scan3A_431 : i32 to vector<16xi32>
      %add3A_669 = arith.addi %broadcast_in_dim3A_667, %add3A_668 : vector<16xi32>
      %gather3A_670 = tpu.vector_load_idx %arg9[%add3A_665, %add3A_669] : memref<896x32xf32, #tpu.memory_space<vmem>>[vector<16xi32>, vector<16xi32>], vector<16xf32>,
      %add3A_671 = arith.constant 512 : i32
      %add3A_672 = arith.addi %add3A_671, %scan3A_431 : i32
      %swap3A_673 = arith.index_cast %add3A_672 : i32 to index
      %swap3A_674 = arith.constant 32 : index
      %swap3A_675 = tpu.vector_load %arg10[%swap3A_673, %swap3A_674] {strides = array<i32>} : memref<672x128xf32, #tpu.memory_space<vmem>>, vector<16xf32>,
      tpu.vector_store %arg10[%swap3A_673, %swap3A_674], %gather3A_670 {strides = array<i32>} : memref<672x128xf32, #tpu.memory_space<vmem>>, vector<16xf32>,
      %add3A_676 = arith.constant 304 : i32
      %add3A_677 = vector.broadcast %add3A_676 : i32 to vector<16xi32>
      %add3A_678 = arith.addi %iota3A, %add3A_677 : vector<16xi32>
      %broadcast_in_dim3A_679 = arith.constant 0 : i32
      %broadcast_in_dim3A_680 = vector.broadcast %broadcast_in_dim3A_679 : i32 to vector<16xi32>
      %add3A_681 = vector.broadcast %scan3A_431 : i32 to vector<16xi32>
      %add3A_682 = arith.addi %broadcast_in_dim3A_680, %add3A_681 : vector<16xi32>
      %gather3A_683 = tpu.vector_load_idx %arg9[%add3A_678, %add3A_682] : memref<896x32xf32, #tpu.memory_space<vmem>>[vector<16xi32>, vector<16xi32>], vector<16xf32>,
      %add3A_684 = arith.constant 512 : i32
      %add3A_685 = arith.addi %add3A_684, %scan3A_431 : i32
      %swap3A_686 = arith.index_cast %add3A_685 : i32 to index
      %swap3A_687 = arith.constant 48 : index
      %swap3A_688 = tpu.vector_load %arg10[%swap3A_686, %swap3A_687] {strides = array<i32>} : memref<672x128xf32, #tpu.memory_space<vmem>>, vector<16xf32>,
      tpu.vector_store %arg10[%swap3A_686, %swap3A_687], %gather3A_683 {strides = array<i32>} : memref<672x128xf32, #tpu.memory_space<vmem>>, vector<16xf32>,
      %add3A_689 = arith.constant 320 : i32
      %add3A_690 = vector.broadcast %add3A_689 : i32 to vector<16xi32>
      %add3A_691 = arith.addi %iota3A, %add3A_690 : vector<16xi32>
      %broadcast_in_dim3A_692 = arith.constant 0 : i32
      %broadcast_in_dim3A_693 = vector.broadcast %broadcast_in_dim3A_692 : i32 to vector<16xi32>
      %add3A_694 = vector.broadcast %scan3A_431 : i32 to vector<16xi32>
      %add3A_695 = arith.addi %broadcast_in_dim3A_693, %add3A_694 : vector<16xi32>
      %gather3A_696 = tpu.vector_load_idx %arg9[%add3A_691, %add3A_695] : memref<896x32xf32, #tpu.memory_space<vmem>>[vector<16xi32>, vector<16xi32>], vector<16xf32>,
      %add3A_697 = arith.constant 512 : i32
      %add3A_698 = arith.addi %add3A_697, %scan3A_431 : i32
      %swap3A_699 = arith.index_cast %add3A_698 : i32 to index
      %swap3A_700 = arith.constant 64 : index
      %swap3A_701 = tpu.vector_load %arg10[%swap3A_699, %swap3A_700] {strides = array<i32>} : memref<672x128xf32, #tpu.memory_space<vmem>>, vector<16xf32>,
      tpu.vector_store %arg10[%swap3A_699, %swap3A_700], %gather3A_696 {strides = array<i32>} : memref<672x128xf32, #tpu.memory_space<vmem>>, vector<16xf32>,
      %add3A_702 = arith.constant 336 : i32
      %add3A_703 = vector.broadcast %add3A_702 : i32 to vector<16xi32>
      %add3A_704 = arith.addi %iota3A, %add3A_703 : vector<16xi32>
      %broadcast_in_dim3A_705 = arith.constant 0 : i32
      %broadcast_in_dim3A_706 = vector.broadcast %broadcast_in_dim3A_705 : i32 to vector<16xi32>
      %add3A_707 = vector.broadcast %scan3A_431 : i32 to vector<16xi32>
      %add3A_708 = arith.addi %broadcast_in_dim3A_706, %add3A_707 : vector<16xi32>
      %gather3A_709 = tpu.vector_load_idx %arg9[%add3A_704, %add3A_708] : memref<896x32xf32, #tpu.memory_space<vmem>>[vector<16xi32>, vector<16xi32>], vector<16xf32>,
      %add3A_710 = arith.constant 512 : i32
      %add3A_711 = arith.addi %add3A_710, %scan3A_431 : i32
      %swap3A_712 = arith.index_cast %add3A_711 : i32 to index
      %swap3A_713 = arith.constant 80 : index
      %swap3A_714 = tpu.vector_load %arg10[%swap3A_712, %swap3A_713] {strides = array<i32>} : memref<672x128xf32, #tpu.memory_space<vmem>>, vector<16xf32>,
      tpu.vector_store %arg10[%swap3A_712, %swap3A_713], %gather3A_709 {strides = array<i32>} : memref<672x128xf32, #tpu.memory_space<vmem>>, vector<16xf32>,
      %add3A_715 = arith.constant 352 : i32
      %add3A_716 = vector.broadcast %add3A_715 : i32 to vector<16xi32>
      %add3A_717 = arith.addi %iota3A, %add3A_716 : vector<16xi32>
      %broadcast_in_dim3A_718 = arith.constant 0 : i32
      %broadcast_in_dim3A_719 = vector.broadcast %broadcast_in_dim3A_718 : i32 to vector<16xi32>
      %add3A_720 = vector.broadcast %scan3A_431 : i32 to vector<16xi32>
      %add3A_721 = arith.addi %broadcast_in_dim3A_719, %add3A_720 : vector<16xi32>
      %gather3A_722 = tpu.vector_load_idx %arg9[%add3A_717, %add3A_721] : memref<896x32xf32, #tpu.memory_space<vmem>>[vector<16xi32>, vector<16xi32>], vector<16xf32>,
      %add3A_723 = arith.constant 512 : i32
      %add3A_724 = arith.addi %add3A_723, %scan3A_431 : i32
      %swap3A_725 = arith.index_cast %add3A_724 : i32 to index
      %swap3A_726 = arith.constant 96 : index
      %swap3A_727 = tpu.vector_load %arg10[%swap3A_725, %swap3A_726] {strides = array<i32>} : memref<672x128xf32, #tpu.memory_space<vmem>>, vector<16xf32>,
      tpu.vector_store %arg10[%swap3A_725, %swap3A_726], %gather3A_722 {strides = array<i32>} : memref<672x128xf32, #tpu.memory_space<vmem>>, vector<16xf32>,
      %add3A_728 = arith.constant 368 : i32
      %add3A_729 = vector.broadcast %add3A_728 : i32 to vector<16xi32>
      %add3A_730 = arith.addi %iota3A, %add3A_729 : vector<16xi32>
      %broadcast_in_dim3A_731 = arith.constant 0 : i32
      %broadcast_in_dim3A_732 = vector.broadcast %broadcast_in_dim3A_731 : i32 to vector<16xi32>
      %add3A_733 = vector.broadcast %scan3A_431 : i32 to vector<16xi32>
      %add3A_734 = arith.addi %broadcast_in_dim3A_732, %add3A_733 : vector<16xi32>
      %gather3A_735 = tpu.vector_load_idx %arg9[%add3A_730, %add3A_734] : memref<896x32xf32, #tpu.memory_space<vmem>>[vector<16xi32>, vector<16xi32>], vector<16xf32>,
      %add3A_736 = arith.constant 512 : i32
      %add3A_737 = arith.addi %add3A_736, %scan3A_431 : i32
      %swap3A_738 = arith.index_cast %add3A_737 : i32 to index
      %swap3A_739 = arith.constant 112 : index
      %swap3A_740 = tpu.vector_load %arg10[%swap3A_738, %swap3A_739] {strides = array<i32>} : memref<672x128xf32, #tpu.memory_space<vmem>>, vector<16xf32>,
      tpu.vector_store %arg10[%swap3A_738, %swap3A_739], %gather3A_735 {strides = array<i32>} : memref<672x128xf32, #tpu.memory_space<vmem>>, vector<16xf32>,
      %add3A_741 = arith.constant 384 : i32
      %add3A_742 = vector.broadcast %add3A_741 : i32 to vector<16xi32>
      %add3A_743 = arith.addi %iota3A, %add3A_742 : vector<16xi32>
      %broadcast_in_dim3A_744 = arith.constant 0 : i32
      %broadcast_in_dim3A_745 = vector.broadcast %broadcast_in_dim3A_744 : i32 to vector<16xi32>
      %add3A_746 = vector.broadcast %scan3A_431 : i32 to vector<16xi32>
      %add3A_747 = arith.addi %broadcast_in_dim3A_745, %add3A_746 : vector<16xi32>
      %gather3A_748 = tpu.vector_load_idx %arg9[%add3A_743, %add3A_747] : memref<896x32xf32, #tpu.memory_space<vmem>>[vector<16xi32>, vector<16xi32>], vector<16xf32>,
      %add3A_749 = arith.constant 544 : i32
      %add3A_750 = arith.addi %add3A_749, %scan3A_431 : i32
      %swap3A_751 = arith.index_cast %add3A_750 : i32 to index
      %swap3A_752 = arith.constant 0 : index
      %swap3A_753 = tpu.vector_load %arg10[%swap3A_751, %swap3A_752] {strides = array<i32>} : memref<672x128xf32, #tpu.memory_space<vmem>>, vector<16xf32>,
      tpu.vector_store %arg10[%swap3A_751, %swap3A_752], %gather3A_748 {strides = array<i32>} : memref<672x128xf32, #tpu.memory_space<vmem>>, vector<16xf32>,
      %add3A_754 = arith.constant 400 : i32
      %add3A_755 = vector.broadcast %add3A_754 : i32 to vector<16xi32>
      %add3A_756 = arith.addi %iota3A, %add3A_755 : vector<16xi32>
      %broadcast_in_dim3A_757 = arith.constant 0 : i32
      %broadcast_in_dim3A_758 = vector.broadcast %broadcast_in_dim3A_757 : i32 to vector<16xi32>
      %add3A_759 = vector.broadcast %scan3A_431 : i32 to vector<16xi32>
      %add3A_760 = arith.addi %broadcast_in_dim3A_758, %add3A_759 : vector<16xi32>
      %gather3A_761 = tpu.vector_load_idx %arg9[%add3A_756, %add3A_760] : memref<896x32xf32, #tpu.memory_space<vmem>>[vector<16xi32>, vector<16xi32>], vector<16xf32>,
      %add3A_762 = arith.constant 544 : i32
      %add3A_763 = arith.addi %add3A_762, %scan3A_431 : i32
      %swap3A_764 = arith.index_cast %add3A_763 : i32 to index
      %swap3A_765 = arith.constant 16 : index
      %swap3A_766 = tpu.vector_load %arg10[%swap3A_764, %swap3A_765] {strides = array<i32>} : memref<672x128xf32, #tpu.memory_space<vmem>>, vector<16xf32>,
      tpu.vector_store %arg10[%swap3A_764, %swap3A_765], %gather3A_761 {strides = array<i32>} : memref<672x128xf32, #tpu.memory_space<vmem>>, vector<16xf32>,
      %add3A_767 = arith.constant 416 : i32
      %add3A_768 = vector.broadcast %add3A_767 : i32 to vector<16xi32>
      %add3A_769 = arith.addi %iota3A, %add3A_768 : vector<16xi32>
      %broadcast_in_dim3A_770 = arith.constant 0 : i32
      %broadcast_in_dim3A_771 = vector.broadcast %broadcast_in_dim3A_770 : i32 to vector<16xi32>
      %add3A_772 = vector.broadcast %scan3A_431 : i32 to vector<16xi32>
      %add3A_773 = arith.addi %broadcast_in_dim3A_771, %add3A_772 : vector<16xi32>
      %gather3A_774 = tpu.vector_load_idx %arg9[%add3A_769, %add3A_773] : memref<896x32xf32, #tpu.memory_space<vmem>>[vector<16xi32>, vector<16xi32>], vector<16xf32>,
      %add3A_775 = arith.constant 544 : i32
      %add3A_776 = arith.addi %add3A_775, %scan3A_431 : i32
      %swap3A_777 = arith.index_cast %add3A_776 : i32 to index
      %swap3A_778 = arith.constant 32 : index
      %swap3A_779 = tpu.vector_load %arg10[%swap3A_777, %swap3A_778] {strides = array<i32>} : memref<672x128xf32, #tpu.memory_space<vmem>>, vector<16xf32>,
      tpu.vector_store %arg10[%swap3A_777, %swap3A_778], %gather3A_774 {strides = array<i32>} : memref<672x128xf32, #tpu.memory_space<vmem>>, vector<16xf32>,
      %add3A_780 = arith.constant 432 : i32
      %add3A_781 = vector.broadcast %add3A_780 : i32 to vector<16xi32>
      %add3A_782 = arith.addi %iota3A, %add3A_781 : vector<16xi32>
      %broadcast_in_dim3A_783 = arith.constant 0 : i32
      %broadcast_in_dim3A_784 = vector.broadcast %broadcast_in_dim3A_783 : i32 to vector<16xi32>
      %add3A_785 = vector.broadcast %scan3A_431 : i32 to vector<16xi32>
      %add3A_786 = arith.addi %broadcast_in_dim3A_784, %add3A_785 : vector<16xi32>
      %gather3A_787 = tpu.vector_load_idx %arg9[%add3A_782, %add3A_786] : memref<896x32xf32, #tpu.memory_space<vmem>>[vector<16xi32>, vector<16xi32>], vector<16xf32>,
      %add3A_788 = arith.constant 544 : i32
      %add3A_789 = arith.addi %add3A_788, %scan3A_431 : i32
      %swap3A_790 = arith.index_cast %add3A_789 : i32 to index
      %swap3A_791 = arith.constant 48 : index
      %swap3A_792 = tpu.vector_load %arg10[%swap3A_790, %swap3A_791] {strides = array<i32>} : memref<672x128xf32, #tpu.memory_space<vmem>>, vector<16xf32>,
      tpu.vector_store %arg10[%swap3A_790, %swap3A_791], %gather3A_787 {strides = array<i32>} : memref<672x128xf32, #tpu.memory_space<vmem>>, vector<16xf32>,
      %add3A_793 = arith.constant 448 : i32
      %add3A_794 = vector.broadcast %add3A_793 : i32 to vector<16xi32>
      %add3A_795 = arith.addi %iota3A, %add3A_794 : vector<16xi32>
      %broadcast_in_dim3A_796 = arith.constant 0 : i32
      %broadcast_in_dim3A_797 = vector.broadcast %broadcast_in_dim3A_796 : i32 to vector<16xi32>
      %add3A_798 = vector.broadcast %scan3A_431 : i32 to vector<16xi32>
      %add3A_799 = arith.addi %broadcast_in_dim3A_797, %add3A_798 : vector<16xi32>
      %gather3A_800 = tpu.vector_load_idx %arg9[%add3A_795, %add3A_799] : memref<896x32xf32, #tpu.memory_space<vmem>>[vector<16xi32>, vector<16xi32>], vector<16xf32>,
      %add3A_801 = arith.constant 544 : i32
      %add3A_802 = arith.addi %add3A_801, %scan3A_431 : i32
      %swap3A_803 = arith.index_cast %add3A_802 : i32 to index
      %swap3A_804 = arith.constant 64 : index
      %swap3A_805 = tpu.vector_load %arg10[%swap3A_803, %swap3A_804] {strides = array<i32>} : memref<672x128xf32, #tpu.memory_space<vmem>>, vector<16xf32>,
      tpu.vector_store %arg10[%swap3A_803, %swap3A_804], %gather3A_800 {strides = array<i32>} : memref<672x128xf32, #tpu.memory_space<vmem>>, vector<16xf32>,
      %add3A_806 = arith.constant 464 : i32
      %add3A_807 = vector.broadcast %add3A_806 : i32 to vector<16xi32>
      %add3A_808 = arith.addi %iota3A, %add3A_807 : vector<16xi32>
      %broadcast_in_dim3A_809 = arith.constant 0 : i32
      %broadcast_in_dim3A_810 = vector.broadcast %broadcast_in_dim3A_809 : i32 to vector<16xi32>
      %add3A_811 = vector.broadcast %scan3A_431 : i32 to vector<16xi32>
      %add3A_812 = arith.addi %broadcast_in_dim3A_810, %add3A_811 : vector<16xi32>
      %gather3A_813 = tpu.vector_load_idx %arg9[%add3A_808, %add3A_812] : memref<896x32xf32, #tpu.memory_space<vmem>>[vector<16xi32>, vector<16xi32>], vector<16xf32>,
      %add3A_814 = arith.constant 544 : i32
      %add3A_815 = arith.addi %add3A_814, %scan3A_431 : i32
      %swap3A_816 = arith.index_cast %add3A_815 : i32 to index
      %swap3A_817 = arith.constant 80 : index
      %swap3A_818 = tpu.vector_load %arg10[%swap3A_816, %swap3A_817] {strides = array<i32>} : memref<672x128xf32, #tpu.memory_space<vmem>>, vector<16xf32>,
      tpu.vector_store %arg10[%swap3A_816, %swap3A_817], %gather3A_813 {strides = array<i32>} : memref<672x128xf32, #tpu.memory_space<vmem>>, vector<16xf32>,
      %add3A_819 = arith.constant 480 : i32
      %add3A_820 = vector.broadcast %add3A_819 : i32 to vector<16xi32>
      %add3A_821 = arith.addi %iota3A, %add3A_820 : vector<16xi32>
      %broadcast_in_dim3A_822 = arith.constant 0 : i32
      %broadcast_in_dim3A_823 = vector.broadcast %broadcast_in_dim3A_822 : i32 to vector<16xi32>
      %add3A_824 = vector.broadcast %scan3A_431 : i32 to vector<16xi32>
      %add3A_825 = arith.addi %broadcast_in_dim3A_823, %add3A_824 : vector<16xi32>
      %gather3A_826 = tpu.vector_load_idx %arg9[%add3A_821, %add3A_825] : memref<896x32xf32, #tpu.memory_space<vmem>>[vector<16xi32>, vector<16xi32>], vector<16xf32>,
      %add3A_827 = arith.constant 544 : i32
      %add3A_828 = arith.addi %add3A_827, %scan3A_431 : i32
      %swap3A_829 = arith.index_cast %add3A_828 : i32 to index
      %swap3A_830 = arith.constant 96 : index
      %swap3A_831 = tpu.vector_load %arg10[%swap3A_829, %swap3A_830] {strides = array<i32>} : memref<672x128xf32, #tpu.memory_space<vmem>>, vector<16xf32>,
      tpu.vector_store %arg10[%swap3A_829, %swap3A_830], %gather3A_826 {strides = array<i32>} : memref<672x128xf32, #tpu.memory_space<vmem>>, vector<16xf32>,
      %add3A_832 = arith.constant 496 : i32
      %add3A_833 = vector.broadcast %add3A_832 : i32 to vector<16xi32>
      %add3A_834 = arith.addi %iota3A, %add3A_833 : vector<16xi32>
      %broadcast_in_dim3A_835 = arith.constant 0 : i32
      %broadcast_in_dim3A_836 = vector.broadcast %broadcast_in_dim3A_835 : i32 to vector<16xi32>
      %add3A_837 = vector.broadcast %scan3A_431 : i32 to vector<16xi32>
      %add3A_838 = arith.addi %broadcast_in_dim3A_836, %add3A_837 : vector<16xi32>
      %gather3A_839 = tpu.vector_load_idx %arg9[%add3A_834, %add3A_838] : memref<896x32xf32, #tpu.memory_space<vmem>>[vector<16xi32>, vector<16xi32>], vector<16xf32>,
      %add3A_840 = arith.constant 544 : i32
      %add3A_841 = arith.addi %add3A_840, %scan3A_431 : i32
      %swap3A_842 = arith.index_cast %add3A_841 : i32 to index
      %swap3A_843 = arith.constant 112 : index
      %swap3A_844 = tpu.vector_load %arg10[%swap3A_842, %swap3A_843] {strides = array<i32>} : memref<672x128xf32, #tpu.memory_space<vmem>>, vector<16xf32>,
      tpu.vector_store %arg10[%swap3A_842, %swap3A_843], %gather3A_839 {strides = array<i32>} : memref<672x128xf32, #tpu.memory_space<vmem>>, vector<16xf32>,
      %add3A_845 = arith.constant 512 : i32
      %add3A_846 = vector.broadcast %add3A_845 : i32 to vector<16xi32>
      %add3A_847 = arith.addi %iota3A, %add3A_846 : vector<16xi32>
      %broadcast_in_dim3A_848 = arith.constant 0 : i32
      %broadcast_in_dim3A_849 = vector.broadcast %broadcast_in_dim3A_848 : i32 to vector<16xi32>
      %add3A_850 = vector.broadcast %scan3A_431 : i32 to vector<16xi32>
      %add3A_851 = arith.addi %broadcast_in_dim3A_849, %add3A_850 : vector<16xi32>
      %gather3A_852 = tpu.vector_load_idx %arg9[%add3A_847, %add3A_851] : memref<896x32xf32, #tpu.memory_space<vmem>>[vector<16xi32>, vector<16xi32>], vector<16xf32>,
      %add3A_853 = arith.constant 576 : i32
      %add3A_854 = arith.addi %add3A_853, %scan3A_431 : i32
      %swap3A_855 = arith.index_cast %add3A_854 : i32 to index
      %swap3A_856 = arith.constant 0 : index
      %swap3A_857 = tpu.vector_load %arg10[%swap3A_855, %swap3A_856] {strides = array<i32>} : memref<672x128xf32, #tpu.memory_space<vmem>>, vector<16xf32>,
      tpu.vector_store %arg10[%swap3A_855, %swap3A_856], %gather3A_852 {strides = array<i32>} : memref<672x128xf32, #tpu.memory_space<vmem>>, vector<16xf32>,
      %add3A_858 = arith.constant 528 : i32
      %add3A_859 = vector.broadcast %add3A_858 : i32 to vector<16xi32>
      %add3A_860 = arith.addi %iota3A, %add3A_859 : vector<16xi32>
      %broadcast_in_dim3A_861 = arith.constant 0 : i32
      %broadcast_in_dim3A_862 = vector.broadcast %broadcast_in_dim3A_861 : i32 to vector<16xi32>
      %add3A_863 = vector.broadcast %scan3A_431 : i32 to vector<16xi32>
      %add3A_864 = arith.addi %broadcast_in_dim3A_862, %add3A_863 : vector<16xi32>
      %gather3A_865 = tpu.vector_load_idx %arg9[%add3A_860, %add3A_864] : memref<896x32xf32, #tpu.memory_space<vmem>>[vector<16xi32>, vector<16xi32>], vector<16xf32>,
      %add3A_866 = arith.constant 576 : i32
      %add3A_867 = arith.addi %add3A_866, %scan3A_431 : i32
      %swap3A_868 = arith.index_cast %add3A_867 : i32 to index
      %swap3A_869 = arith.constant 16 : index
      %swap3A_870 = tpu.vector_load %arg10[%swap3A_868, %swap3A_869] {strides = array<i32>} : memref<672x128xf32, #tpu.memory_space<vmem>>, vector<16xf32>,
      tpu.vector_store %arg10[%swap3A_868, %swap3A_869], %gather3A_865 {strides = array<i32>} : memref<672x128xf32, #tpu.memory_space<vmem>>, vector<16xf32>,
      %add3A_871 = arith.constant 544 : i32
      %add3A_872 = vector.broadcast %add3A_871 : i32 to vector<16xi32>
      %add3A_873 = arith.addi %iota3A, %add3A_872 : vector<16xi32>
      %broadcast_in_dim3A_874 = arith.constant 0 : i32
      %broadcast_in_dim3A_875 = vector.broadcast %broadcast_in_dim3A_874 : i32 to vector<16xi32>
      %add3A_876 = vector.broadcast %scan3A_431 : i32 to vector<16xi32>
      %add3A_877 = arith.addi %broadcast_in_dim3A_875, %add3A_876 : vector<16xi32>
      %gather3A_878 = tpu.vector_load_idx %arg9[%add3A_873, %add3A_877] : memref<896x32xf32, #tpu.memory_space<vmem>>[vector<16xi32>, vector<16xi32>], vector<16xf32>,
      %add3A_879 = arith.constant 576 : i32
      %add3A_880 = arith.addi %add3A_879, %scan3A_431 : i32
      %swap3A_881 = arith.index_cast %add3A_880 : i32 to index
      %swap3A_882 = arith.constant 32 : index
      %swap3A_883 = tpu.vector_load %arg10[%swap3A_881, %swap3A_882] {strides = array<i32>} : memref<672x128xf32, #tpu.memory_space<vmem>>, vector<16xf32>,
      tpu.vector_store %arg10[%swap3A_881, %swap3A_882], %gather3A_878 {strides = array<i32>} : memref<672x128xf32, #tpu.memory_space<vmem>>, vector<16xf32>,
      %add3A_884 = arith.constant 560 : i32
      %add3A_885 = vector.broadcast %add3A_884 : i32 to vector<16xi32>
      %add3A_886 = arith.addi %iota3A, %add3A_885 : vector<16xi32>
      %broadcast_in_dim3A_887 = arith.constant 0 : i32
      %broadcast_in_dim3A_888 = vector.broadcast %broadcast_in_dim3A_887 : i32 to vector<16xi32>
      %add3A_889 = vector.broadcast %scan3A_431 : i32 to vector<16xi32>
      %add3A_890 = arith.addi %broadcast_in_dim3A_888, %add3A_889 : vector<16xi32>
      %gather3A_891 = tpu.vector_load_idx %arg9[%add3A_886, %add3A_890] : memref<896x32xf32, #tpu.memory_space<vmem>>[vector<16xi32>, vector<16xi32>], vector<16xf32>,
      %add3A_892 = arith.constant 576 : i32
      %add3A_893 = arith.addi %add3A_892, %scan3A_431 : i32
      %swap3A_894 = arith.index_cast %add3A_893 : i32 to index
      %swap3A_895 = arith.constant 48 : index
      %swap3A_896 = tpu.vector_load %arg10[%swap3A_894, %swap3A_895] {strides = array<i32>} : memref<672x128xf32, #tpu.memory_space<vmem>>, vector<16xf32>,
      tpu.vector_store %arg10[%swap3A_894, %swap3A_895], %gather3A_891 {strides = array<i32>} : memref<672x128xf32, #tpu.memory_space<vmem>>, vector<16xf32>,
      %add3A_897 = arith.constant 576 : i32
      %add3A_898 = vector.broadcast %add3A_897 : i32 to vector<16xi32>
      %add3A_899 = arith.addi %iota3A, %add3A_898 : vector<16xi32>
      %broadcast_in_dim3A_900 = arith.constant 0 : i32
      %broadcast_in_dim3A_901 = vector.broadcast %broadcast_in_dim3A_900 : i32 to vector<16xi32>
      %add3A_902 = vector.broadcast %scan3A_431 : i32 to vector<16xi32>
      %add3A_903 = arith.addi %broadcast_in_dim3A_901, %add3A_902 : vector<16xi32>
      %gather3A_904 = tpu.vector_load_idx %arg9[%add3A_899, %add3A_903] : memref<896x32xf32, #tpu.memory_space<vmem>>[vector<16xi32>, vector<16xi32>], vector<16xf32>,
      %add3A_905 = arith.constant 576 : i32
      %add3A_906 = arith.addi %add3A_905, %scan3A_431 : i32
      %swap3A_907 = arith.index_cast %add3A_906 : i32 to index
      %swap3A_908 = arith.constant 64 : index
      %swap3A_909 = tpu.vector_load %arg10[%swap3A_907, %swap3A_908] {strides = array<i32>} : memref<672x128xf32, #tpu.memory_space<vmem>>, vector<16xf32>,
      tpu.vector_store %arg10[%swap3A_907, %swap3A_908], %gather3A_904 {strides = array<i32>} : memref<672x128xf32, #tpu.memory_space<vmem>>, vector<16xf32>,
      %add3A_910 = arith.constant 592 : i32
      %add3A_911 = vector.broadcast %add3A_910 : i32 to vector<16xi32>
      %add3A_912 = arith.addi %iota3A, %add3A_911 : vector<16xi32>
      %broadcast_in_dim3A_913 = arith.constant 0 : i32
      %broadcast_in_dim3A_914 = vector.broadcast %broadcast_in_dim3A_913 : i32 to vector<16xi32>
      %add3A_915 = vector.broadcast %scan3A_431 : i32 to vector<16xi32>
      %add3A_916 = arith.addi %broadcast_in_dim3A_914, %add3A_915 : vector<16xi32>
      %gather3A_917 = tpu.vector_load_idx %arg9[%add3A_912, %add3A_916] : memref<896x32xf32, #tpu.memory_space<vmem>>[vector<16xi32>, vector<16xi32>], vector<16xf32>,
      %add3A_918 = arith.constant 576 : i32
      %add3A_919 = arith.addi %add3A_918, %scan3A_431 : i32
      %swap3A_920 = arith.index_cast %add3A_919 : i32 to index
      %swap3A_921 = arith.constant 80 : index
      %swap3A_922 = tpu.vector_load %arg10[%swap3A_920, %swap3A_921] {strides = array<i32>} : memref<672x128xf32, #tpu.memory_space<vmem>>, vector<16xf32>,
      tpu.vector_store %arg10[%swap3A_920, %swap3A_921], %gather3A_917 {strides = array<i32>} : memref<672x128xf32, #tpu.memory_space<vmem>>, vector<16xf32>,
      %add3A_923 = arith.constant 608 : i32
      %add3A_924 = vector.broadcast %add3A_923 : i32 to vector<16xi32>
      %add3A_925 = arith.addi %iota3A, %add3A_924 : vector<16xi32>
      %broadcast_in_dim3A_926 = arith.constant 0 : i32
      %broadcast_in_dim3A_927 = vector.broadcast %broadcast_in_dim3A_926 : i32 to vector<16xi32>
      %add3A_928 = vector.broadcast %scan3A_431 : i32 to vector<16xi32>
      %add3A_929 = arith.addi %broadcast_in_dim3A_927, %add3A_928 : vector<16xi32>
      %gather3A_930 = tpu.vector_load_idx %arg9[%add3A_925, %add3A_929] : memref<896x32xf32, #tpu.memory_space<vmem>>[vector<16xi32>, vector<16xi32>], vector<16xf32>,
      %add3A_931 = arith.constant 576 : i32
      %add3A_932 = arith.addi %add3A_931, %scan3A_431 : i32
      %swap3A_933 = arith.index_cast %add3A_932 : i32 to index
      %swap3A_934 = arith.constant 96 : index
      %swap3A_935 = tpu.vector_load %arg10[%swap3A_933, %swap3A_934] {strides = array<i32>} : memref<672x128xf32, #tpu.memory_space<vmem>>, vector<16xf32>,
      tpu.vector_store %arg10[%swap3A_933, %swap3A_934], %gather3A_930 {strides = array<i32>} : memref<672x128xf32, #tpu.memory_space<vmem>>, vector<16xf32>,
      %add3A_936 = arith.constant 624 : i32
      %add3A_937 = vector.broadcast %add3A_936 : i32 to vector<16xi32>
      %add3A_938 = arith.addi %iota3A, %add3A_937 : vector<16xi32>
      %broadcast_in_dim3A_939 = arith.constant 0 : i32
      %broadcast_in_dim3A_940 = vector.broadcast %broadcast_in_dim3A_939 : i32 to vector<16xi32>
      %add3A_941 = vector.broadcast %scan3A_431 : i32 to vector<16xi32>
      %add3A_942 = arith.addi %broadcast_in_dim3A_940, %add3A_941 : vector<16xi32>
      %gather3A_943 = tpu.vector_load_idx %arg9[%add3A_938, %add3A_942] : memref<896x32xf32, #tpu.memory_space<vmem>>[vector<16xi32>, vector<16xi32>], vector<16xf32>,
      %add3A_944 = arith.constant 576 : i32
      %add3A_945 = arith.addi %add3A_944, %scan3A_431 : i32
      %swap3A_946 = arith.index_cast %add3A_945 : i32 to index
      %swap3A_947 = arith.constant 112 : index
      %swap3A_948 = tpu.vector_load %arg10[%swap3A_946, %swap3A_947] {strides = array<i32>} : memref<672x128xf32, #tpu.memory_space<vmem>>, vector<16xf32>,
      tpu.vector_store %arg10[%swap3A_946, %swap3A_947], %gather3A_943 {strides = array<i32>} : memref<672x128xf32, #tpu.memory_space<vmem>>, vector<16xf32>,
      %add3A_949 = arith.constant 640 : i32
      %add3A_950 = vector.broadcast %add3A_949 : i32 to vector<16xi32>
      %add3A_951 = arith.addi %iota3A, %add3A_950 : vector<16xi32>
      %broadcast_in_dim3A_952 = arith.constant 0 : i32
      %broadcast_in_dim3A_953 = vector.broadcast %broadcast_in_dim3A_952 : i32 to vector<16xi32>
      %add3A_954 = vector.broadcast %scan3A_431 : i32 to vector<16xi32>
      %add3A_955 = arith.addi %broadcast_in_dim3A_953, %add3A_954 : vector<16xi32>
      %gather3A_956 = tpu.vector_load_idx %arg9[%add3A_951, %add3A_955] : memref<896x32xf32, #tpu.memory_space<vmem>>[vector<16xi32>, vector<16xi32>], vector<16xf32>,
      %add3A_957 = arith.constant 608 : i32
      %add3A_958 = arith.addi %add3A_957, %scan3A_431 : i32
      %swap3A_959 = arith.index_cast %add3A_958 : i32 to index
      %swap3A_960 = arith.constant 0 : index
      %swap3A_961 = tpu.vector_load %arg10[%swap3A_959, %swap3A_960] {strides = array<i32>} : memref<672x128xf32, #tpu.memory_space<vmem>>, vector<16xf32>,
      tpu.vector_store %arg10[%swap3A_959, %swap3A_960], %gather3A_956 {strides = array<i32>} : memref<672x128xf32, #tpu.memory_space<vmem>>, vector<16xf32>,
      %add3A_962 = arith.constant 656 : i32
      %add3A_963 = vector.broadcast %add3A_962 : i32 to vector<16xi32>
      %add3A_964 = arith.addi %iota3A, %add3A_963 : vector<16xi32>
      %broadcast_in_dim3A_965 = arith.constant 0 : i32
      %broadcast_in_dim3A_966 = vector.broadcast %broadcast_in_dim3A_965 : i32 to vector<16xi32>
      %add3A_967 = vector.broadcast %scan3A_431 : i32 to vector<16xi32>
      %add3A_968 = arith.addi %broadcast_in_dim3A_966, %add3A_967 : vector<16xi32>
      %gather3A_969 = tpu.vector_load_idx %arg9[%add3A_964, %add3A_968] : memref<896x32xf32, #tpu.memory_space<vmem>>[vector<16xi32>, vector<16xi32>], vector<16xf32>,
      %add3A_970 = arith.constant 608 : i32
      %add3A_971 = arith.addi %add3A_970, %scan3A_431 : i32
      %swap3A_972 = arith.index_cast %add3A_971 : i32 to index
      %swap3A_973 = arith.constant 16 : index
      %swap3A_974 = tpu.vector_load %arg10[%swap3A_972, %swap3A_973] {strides = array<i32>} : memref<672x128xf32, #tpu.memory_space<vmem>>, vector<16xf32>,
      tpu.vector_store %arg10[%swap3A_972, %swap3A_973], %gather3A_969 {strides = array<i32>} : memref<672x128xf32, #tpu.memory_space<vmem>>, vector<16xf32>,
      %add3A_975 = arith.constant 672 : i32
      %add3A_976 = vector.broadcast %add3A_975 : i32 to vector<16xi32>
      %add3A_977 = arith.addi %iota3A, %add3A_976 : vector<16xi32>
      %broadcast_in_dim3A_978 = arith.constant 0 : i32
      %broadcast_in_dim3A_979 = vector.broadcast %broadcast_in_dim3A_978 : i32 to vector<16xi32>
      %add3A_980 = vector.broadcast %scan3A_431 : i32 to vector<16xi32>
      %add3A_981 = arith.addi %broadcast_in_dim3A_979, %add3A_980 : vector<16xi32>
      %gather3A_982 = tpu.vector_load_idx %arg9[%add3A_977, %add3A_981] : memref<896x32xf32, #tpu.memory_space<vmem>>[vector<16xi32>, vector<16xi32>], vector<16xf32>,
      %add3A_983 = arith.constant 608 : i32
      %add3A_984 = arith.addi %add3A_983, %scan3A_431 : i32
      %swap3A_985 = arith.index_cast %add3A_984 : i32 to index
      %swap3A_986 = arith.constant 32 : index
      %swap3A_987 = tpu.vector_load %arg10[%swap3A_985, %swap3A_986] {strides = array<i32>} : memref<672x128xf32, #tpu.memory_space<vmem>>, vector<16xf32>,
      tpu.vector_store %arg10[%swap3A_985, %swap3A_986], %gather3A_982 {strides = array<i32>} : memref<672x128xf32, #tpu.memory_space<vmem>>, vector<16xf32>,
      %add3A_988 = arith.constant 688 : i32
      %add3A_989 = vector.broadcast %add3A_988 : i32 to vector<16xi32>
      %add3A_990 = arith.addi %iota3A, %add3A_989 : vector<16xi32>
      %broadcast_in_dim3A_991 = arith.constant 0 : i32
      %broadcast_in_dim3A_992 = vector.broadcast %broadcast_in_dim3A_991 : i32 to vector<16xi32>
      %add3A_993 = vector.broadcast %scan3A_431 : i32 to vector<16xi32>
      %add3A_994 = arith.addi %broadcast_in_dim3A_992, %add3A_993 : vector<16xi32>
      %gather3A_995 = tpu.vector_load_idx %arg9[%add3A_990, %add3A_994] : memref<896x32xf32, #tpu.memory_space<vmem>>[vector<16xi32>, vector<16xi32>], vector<16xf32>,
      %add3A_996 = arith.constant 608 : i32
      %add3A_997 = arith.addi %add3A_996, %scan3A_431 : i32
      %swap3A_998 = arith.index_cast %add3A_997 : i32 to index
      %swap3A_999 = arith.constant 48 : index
      %swap3A_1000 = tpu.vector_load %arg10[%swap3A_998, %swap3A_999] {strides = array<i32>} : memref<672x128xf32, #tpu.memory_space<vmem>>, vector<16xf32>,
      tpu.vector_store %arg10[%swap3A_998, %swap3A_999], %gather3A_995 {strides = array<i32>} : memref<672x128xf32, #tpu.memory_space<vmem>>, vector<16xf32>,
      %add3A_1001 = arith.constant 704 : i32
      %add3A_1002 = vector.broadcast %add3A_1001 : i32 to vector<16xi32>
      %add3A_1003 = arith.addi %iota3A, %add3A_1002 : vector<16xi32>
      %broadcast_in_dim3A_1004 = arith.constant 0 : i32
      %broadcast_in_dim3A_1005 = vector.broadcast %broadcast_in_dim3A_1004 : i32 to vector<16xi32>
      %add3A_1006 = vector.broadcast %scan3A_431 : i32 to vector<16xi32>
      %add3A_1007 = arith.addi %broadcast_in_dim3A_1005, %add3A_1006 : vector<16xi32>
      %gather3A_1008 = tpu.vector_load_idx %arg9[%add3A_1003, %add3A_1007] : memref<896x32xf32, #tpu.memory_space<vmem>>[vector<16xi32>, vector<16xi32>], vector<16xf32>,
      %add3A_1009 = arith.constant 608 : i32
      %add3A_1010 = arith.addi %add3A_1009, %scan3A_431 : i32
      %swap3A_1011 = arith.index_cast %add3A_1010 : i32 to index
      %swap3A_1012 = arith.constant 64 : index
      %swap3A_1013 = tpu.vector_load %arg10[%swap3A_1011, %swap3A_1012] {strides = array<i32>} : memref<672x128xf32, #tpu.memory_space<vmem>>, vector<16xf32>,
      tpu.vector_store %arg10[%swap3A_1011, %swap3A_1012], %gather3A_1008 {strides = array<i32>} : memref<672x128xf32, #tpu.memory_space<vmem>>, vector<16xf32>,
      %add3A_1014 = arith.constant 720 : i32
      %add3A_1015 = vector.broadcast %add3A_1014 : i32 to vector<16xi32>
      %add3A_1016 = arith.addi %iota3A, %add3A_1015 : vector<16xi32>
      %broadcast_in_dim3A_1017 = arith.constant 0 : i32
      %broadcast_in_dim3A_1018 = vector.broadcast %broadcast_in_dim3A_1017 : i32 to vector<16xi32>
      %add3A_1019 = vector.broadcast %scan3A_431 : i32 to vector<16xi32>
      %add3A_1020 = arith.addi %broadcast_in_dim3A_1018, %add3A_1019 : vector<16xi32>
      %gather3A_1021 = tpu.vector_load_idx %arg9[%add3A_1016, %add3A_1020] : memref<896x32xf32, #tpu.memory_space<vmem>>[vector<16xi32>, vector<16xi32>], vector<16xf32>,
      %add3A_1022 = arith.constant 608 : i32
      %add3A_1023 = arith.addi %add3A_1022, %scan3A_431 : i32
      %swap3A_1024 = arith.index_cast %add3A_1023 : i32 to index
      %swap3A_1025 = arith.constant 80 : index
      %swap3A_1026 = tpu.vector_load %arg10[%swap3A_1024, %swap3A_1025] {strides = array<i32>} : memref<672x128xf32, #tpu.memory_space<vmem>>, vector<16xf32>,
      tpu.vector_store %arg10[%swap3A_1024, %swap3A_1025], %gather3A_1021 {strides = array<i32>} : memref<672x128xf32, #tpu.memory_space<vmem>>, vector<16xf32>,
      %add3A_1027 = arith.constant 736 : i32
      %add3A_1028 = vector.broadcast %add3A_1027 : i32 to vector<16xi32>
      %add3A_1029 = arith.addi %iota3A, %add3A_1028 : vector<16xi32>
      %broadcast_in_dim3A_1030 = arith.constant 0 : i32
      %broadcast_in_dim3A_1031 = vector.broadcast %broadcast_in_dim3A_1030 : i32 to vector<16xi32>
      %add3A_1032 = vector.broadcast %scan3A_431 : i32 to vector<16xi32>
      %add3A_1033 = arith.addi %broadcast_in_dim3A_1031, %add3A_1032 : vector<16xi32>
      %gather3A_1034 = tpu.vector_load_idx %arg9[%add3A_1029, %add3A_1033] : memref<896x32xf32, #tpu.memory_space<vmem>>[vector<16xi32>, vector<16xi32>], vector<16xf32>,
      %add3A_1035 = arith.constant 608 : i32
      %add3A_1036 = arith.addi %add3A_1035, %scan3A_431 : i32
      %swap3A_1037 = arith.index_cast %add3A_1036 : i32 to index
      %swap3A_1038 = arith.constant 96 : index
      %swap3A_1039 = tpu.vector_load %arg10[%swap3A_1037, %swap3A_1038] {strides = array<i32>} : memref<672x128xf32, #tpu.memory_space<vmem>>, vector<16xf32>,
      tpu.vector_store %arg10[%swap3A_1037, %swap3A_1038], %gather3A_1034 {strides = array<i32>} : memref<672x128xf32, #tpu.memory_space<vmem>>, vector<16xf32>,
      %add3A_1040 = arith.constant 752 : i32
      %add3A_1041 = vector.broadcast %add3A_1040 : i32 to vector<16xi32>
      %add3A_1042 = arith.addi %iota3A, %add3A_1041 : vector<16xi32>
      %broadcast_in_dim3A_1043 = arith.constant 0 : i32
      %broadcast_in_dim3A_1044 = vector.broadcast %broadcast_in_dim3A_1043 : i32 to vector<16xi32>
      %add3A_1045 = vector.broadcast %scan3A_431 : i32 to vector<16xi32>
      %add3A_1046 = arith.addi %broadcast_in_dim3A_1044, %add3A_1045 : vector<16xi32>
      %gather3A_1047 = tpu.vector_load_idx %arg9[%add3A_1042, %add3A_1046] : memref<896x32xf32, #tpu.memory_space<vmem>>[vector<16xi32>, vector<16xi32>], vector<16xf32>,
      %add3A_1048 = arith.constant 608 : i32
      %add3A_1049 = arith.addi %add3A_1048, %scan3A_431 : i32
      %swap3A_1050 = arith.index_cast %add3A_1049 : i32 to index
      %swap3A_1051 = arith.constant 112 : index
      %swap3A_1052 = tpu.vector_load %arg10[%swap3A_1050, %swap3A_1051] {strides = array<i32>} : memref<672x128xf32, #tpu.memory_space<vmem>>, vector<16xf32>,
      tpu.vector_store %arg10[%swap3A_1050, %swap3A_1051], %gather3A_1047 {strides = array<i32>} : memref<672x128xf32, #tpu.memory_space<vmem>>, vector<16xf32>,
      %add3A_1053 = arith.constant 768 : i32
      %add3A_1054 = vector.broadcast %add3A_1053 : i32 to vector<16xi32>
      %add3A_1055 = arith.addi %iota3A, %add3A_1054 : vector<16xi32>
      %broadcast_in_dim3A_1056 = arith.constant 0 : i32
      %broadcast_in_dim3A_1057 = vector.broadcast %broadcast_in_dim3A_1056 : i32 to vector<16xi32>
      %add3A_1058 = vector.broadcast %scan3A_431 : i32 to vector<16xi32>
      %add3A_1059 = arith.addi %broadcast_in_dim3A_1057, %add3A_1058 : vector<16xi32>
      %gather3A_1060 = tpu.vector_load_idx %arg9[%add3A_1055, %add3A_1059] : memref<896x32xf32, #tpu.memory_space<vmem>>[vector<16xi32>, vector<16xi32>], vector<16xf32>,
      %add3A_1061 = arith.constant 640 : i32
      %add3A_1062 = arith.addi %add3A_1061, %scan3A_431 : i32
      %swap3A_1063 = arith.index_cast %add3A_1062 : i32 to index
      %swap3A_1064 = arith.constant 0 : index
      %swap3A_1065 = tpu.vector_load %arg10[%swap3A_1063, %swap3A_1064] {strides = array<i32>} : memref<672x128xf32, #tpu.memory_space<vmem>>, vector<16xf32>,
      tpu.vector_store %arg10[%swap3A_1063, %swap3A_1064], %gather3A_1060 {strides = array<i32>} : memref<672x128xf32, #tpu.memory_space<vmem>>, vector<16xf32>,
      %add3A_1066 = arith.constant 784 : i32
      %add3A_1067 = vector.broadcast %add3A_1066 : i32 to vector<16xi32>
      %add3A_1068 = arith.addi %iota3A, %add3A_1067 : vector<16xi32>
      %broadcast_in_dim3A_1069 = arith.constant 0 : i32
      %broadcast_in_dim3A_1070 = vector.broadcast %broadcast_in_dim3A_1069 : i32 to vector<16xi32>
      %add3A_1071 = vector.broadcast %scan3A_431 : i32 to vector<16xi32>
      %add3A_1072 = arith.addi %broadcast_in_dim3A_1070, %add3A_1071 : vector<16xi32>
      %gather3A_1073 = tpu.vector_load_idx %arg9[%add3A_1068, %add3A_1072] : memref<896x32xf32, #tpu.memory_space<vmem>>[vector<16xi32>, vector<16xi32>], vector<16xf32>,
      %add3A_1074 = arith.constant 640 : i32
      %add3A_1075 = arith.addi %add3A_1074, %scan3A_431 : i32
      %swap3A_1076 = arith.index_cast %add3A_1075 : i32 to index
      %swap3A_1077 = arith.constant 16 : index
      %swap3A_1078 = tpu.vector_load %arg10[%swap3A_1076, %swap3A_1077] {strides = array<i32>} : memref<672x128xf32, #tpu.memory_space<vmem>>, vector<16xf32>,
      tpu.vector_store %arg10[%swap3A_1076, %swap3A_1077], %gather3A_1073 {strides = array<i32>} : memref<672x128xf32, #tpu.memory_space<vmem>>, vector<16xf32>,
      %add3A_1079 = arith.constant 800 : i32
      %add3A_1080 = vector.broadcast %add3A_1079 : i32 to vector<16xi32>
      %add3A_1081 = arith.addi %iota3A, %add3A_1080 : vector<16xi32>
      %broadcast_in_dim3A_1082 = arith.constant 0 : i32
      %broadcast_in_dim3A_1083 = vector.broadcast %broadcast_in_dim3A_1082 : i32 to vector<16xi32>
      %add3A_1084 = vector.broadcast %scan3A_431 : i32 to vector<16xi32>
      %add3A_1085 = arith.addi %broadcast_in_dim3A_1083, %add3A_1084 : vector<16xi32>
      %gather3A_1086 = tpu.vector_load_idx %arg9[%add3A_1081, %add3A_1085] : memref<896x32xf32, #tpu.memory_space<vmem>>[vector<16xi32>, vector<16xi32>], vector<16xf32>,
      %add3A_1087 = arith.constant 640 : i32
      %add3A_1088 = arith.addi %add3A_1087, %scan3A_431 : i32
      %swap3A_1089 = arith.index_cast %add3A_1088 : i32 to index
      %swap3A_1090 = arith.constant 32 : index
      %swap3A_1091 = tpu.vector_load %arg10[%swap3A_1089, %swap3A_1090] {strides = array<i32>} : memref<672x128xf32, #tpu.memory_space<vmem>>, vector<16xf32>,
      tpu.vector_store %arg10[%swap3A_1089, %swap3A_1090], %gather3A_1086 {strides = array<i32>} : memref<672x128xf32, #tpu.memory_space<vmem>>, vector<16xf32>,
      %add3A_1092 = arith.constant 816 : i32
      %add3A_1093 = vector.broadcast %add3A_1092 : i32 to vector<16xi32>
      %add3A_1094 = arith.addi %iota3A, %add3A_1093 : vector<16xi32>
      %broadcast_in_dim3A_1095 = arith.constant 0 : i32
      %broadcast_in_dim3A_1096 = vector.broadcast %broadcast_in_dim3A_1095 : i32 to vector<16xi32>
      %add3A_1097 = vector.broadcast %scan3A_431 : i32 to vector<16xi32>
      %add3A_1098 = arith.addi %broadcast_in_dim3A_1096, %add3A_1097 : vector<16xi32>
      %gather3A_1099 = tpu.vector_load_idx %arg9[%add3A_1094, %add3A_1098] : memref<896x32xf32, #tpu.memory_space<vmem>>[vector<16xi32>, vector<16xi32>], vector<16xf32>,
      %add3A_1100 = arith.constant 640 : i32
      %add3A_1101 = arith.addi %add3A_1100, %scan3A_431 : i32
      %swap3A_1102 = arith.index_cast %add3A_1101 : i32 to index
      %swap3A_1103 = arith.constant 48 : index
      %swap3A_1104 = tpu.vector_load %arg10[%swap3A_1102, %swap3A_1103] {strides = array<i32>} : memref<672x128xf32, #tpu.memory_space<vmem>>, vector<16xf32>,
      tpu.vector_store %arg10[%swap3A_1102, %swap3A_1103], %gather3A_1099 {strides = array<i32>} : memref<672x128xf32, #tpu.memory_space<vmem>>, vector<16xf32>,
      %add3A_1105 = arith.constant 832 : i32
      %add3A_1106 = vector.broadcast %add3A_1105 : i32 to vector<16xi32>
      %add3A_1107 = arith.addi %iota3A, %add3A_1106 : vector<16xi32>
      %broadcast_in_dim3A_1108 = arith.constant 0 : i32
      %broadcast_in_dim3A_1109 = vector.broadcast %broadcast_in_dim3A_1108 : i32 to vector<16xi32>
      %add3A_1110 = vector.broadcast %scan3A_431 : i32 to vector<16xi32>
      %add3A_1111 = arith.addi %broadcast_in_dim3A_1109, %add3A_1110 : vector<16xi32>
      %gather3A_1112 = tpu.vector_load_idx %arg9[%add3A_1107, %add3A_1111] : memref<896x32xf32, #tpu.memory_space<vmem>>[vector<16xi32>, vector<16xi32>], vector<16xf32>,
      %add3A_1113 = arith.constant 640 : i32
      %add3A_1114 = arith.addi %add3A_1113, %scan3A_431 : i32
      %swap3A_1115 = arith.index_cast %add3A_1114 : i32 to index
      %swap3A_1116 = arith.constant 64 : index
      %swap3A_1117 = tpu.vector_load %arg10[%swap3A_1115, %swap3A_1116] {strides = array<i32>} : memref<672x128xf32, #tpu.memory_space<vmem>>, vector<16xf32>,
      tpu.vector_store %arg10[%swap3A_1115, %swap3A_1116], %gather3A_1112 {strides = array<i32>} : memref<672x128xf32, #tpu.memory_space<vmem>>, vector<16xf32>,
      %add3A_1118 = arith.constant 848 : i32
      %add3A_1119 = vector.broadcast %add3A_1118 : i32 to vector<16xi32>
      %add3A_1120 = arith.addi %iota3A, %add3A_1119 : vector<16xi32>
      %broadcast_in_dim3A_1121 = arith.constant 0 : i32
      %broadcast_in_dim3A_1122 = vector.broadcast %broadcast_in_dim3A_1121 : i32 to vector<16xi32>
      %add3A_1123 = vector.broadcast %scan3A_431 : i32 to vector<16xi32>
      %add3A_1124 = arith.addi %broadcast_in_dim3A_1122, %add3A_1123 : vector<16xi32>
      %gather3A_1125 = tpu.vector_load_idx %arg9[%add3A_1120, %add3A_1124] : memref<896x32xf32, #tpu.memory_space<vmem>>[vector<16xi32>, vector<16xi32>], vector<16xf32>,
      %add3A_1126 = arith.constant 640 : i32
      %add3A_1127 = arith.addi %add3A_1126, %scan3A_431 : i32
      %swap3A_1128 = arith.index_cast %add3A_1127 : i32 to index
      %swap3A_1129 = arith.constant 80 : index
      %swap3A_1130 = tpu.vector_load %arg10[%swap3A_1128, %swap3A_1129] {strides = array<i32>} : memref<672x128xf32, #tpu.memory_space<vmem>>, vector<16xf32>,
      tpu.vector_store %arg10[%swap3A_1128, %swap3A_1129], %gather3A_1125 {strides = array<i32>} : memref<672x128xf32, #tpu.memory_space<vmem>>, vector<16xf32>,
      %add3A_1131 = arith.constant 864 : i32
      %add3A_1132 = vector.broadcast %add3A_1131 : i32 to vector<16xi32>
      %add3A_1133 = arith.addi %iota3A, %add3A_1132 : vector<16xi32>
      %broadcast_in_dim3A_1134 = arith.constant 0 : i32
      %broadcast_in_dim3A_1135 = vector.broadcast %broadcast_in_dim3A_1134 : i32 to vector<16xi32>
      %add3A_1136 = vector.broadcast %scan3A_431 : i32 to vector<16xi32>
      %add3A_1137 = arith.addi %broadcast_in_dim3A_1135, %add3A_1136 : vector<16xi32>
      %gather3A_1138 = tpu.vector_load_idx %arg9[%add3A_1133, %add3A_1137] : memref<896x32xf32, #tpu.memory_space<vmem>>[vector<16xi32>, vector<16xi32>], vector<16xf32>,
      %add3A_1139 = arith.constant 640 : i32
      %add3A_1140 = arith.addi %add3A_1139, %scan3A_431 : i32
      %swap3A_1141 = arith.index_cast %add3A_1140 : i32 to index
      %swap3A_1142 = arith.constant 96 : index
      %swap3A_1143 = tpu.vector_load %arg10[%swap3A_1141, %swap3A_1142] {strides = array<i32>} : memref<672x128xf32, #tpu.memory_space<vmem>>, vector<16xf32>,
      tpu.vector_store %arg10[%swap3A_1141, %swap3A_1142], %gather3A_1138 {strides = array<i32>} : memref<672x128xf32, #tpu.memory_space<vmem>>, vector<16xf32>,
      %add3A_1144 = arith.constant 880 : i32
      %add3A_1145 = vector.broadcast %add3A_1144 : i32 to vector<16xi32>
      %add3A_1146 = arith.addi %iota3A, %add3A_1145 : vector<16xi32>
      %broadcast_in_dim3A_1147 = arith.constant 0 : i32
      %broadcast_in_dim3A_1148 = vector.broadcast %broadcast_in_dim3A_1147 : i32 to vector<16xi32>
      %add3A_1149 = vector.broadcast %scan3A_431 : i32 to vector<16xi32>
      %add3A_1150 = arith.addi %broadcast_in_dim3A_1148, %add3A_1149 : vector<16xi32>
      %gather3A_1151 = tpu.vector_load_idx %arg9[%add3A_1146, %add3A_1150] : memref<896x32xf32, #tpu.memory_space<vmem>>[vector<16xi32>, vector<16xi32>], vector<16xf32>,
      %add3A_1152 = arith.constant 640 : i32
      %add3A_1153 = arith.addi %add3A_1152, %scan3A_431 : i32
      %swap3A_1154 = arith.index_cast %add3A_1153 : i32 to index
      %swap3A_1155 = arith.constant 112 : index
      %swap3A_1156 = tpu.vector_load %arg10[%swap3A_1154, %swap3A_1155] {strides = array<i32>} : memref<672x128xf32, #tpu.memory_space<vmem>>, vector<16xf32>,
      tpu.vector_store %arg10[%swap3A_1154, %swap3A_1155], %gather3A_1151 {strides = array<i32>} : memref<672x128xf32, #tpu.memory_space<vmem>>, vector<16xf32>,
    }
    %scan3A_430 = arith.constant 32 : i32
    "tpu.region"() ({
      %run_scoped3A = tpu.sem_alloc : memref<!tpu.dma_semaphore, #tpu.memory_space<semaphore_mem>>
      %dma_start3A_431 = arith.constant 0 : i32
      %dma_start3A_432 = tpu.memref_slice %arg6[%dma_start3A_431, %mul3A_2] : memref<672x4096xf32, #tpu.memory_space<hbm>> -> memref<672x128xf32, #tpu.memory_space<hbm>>
      %dma_start3A_433 = arith.constant 0 : i32
      %dma_start3A_434 = tpu.memref_slice %arg6[%dma_start3A_433, %mul3A_2] : memref<672x4096xf32, #tpu.memory_space<hbm>> -> memref<672x128xf32, #tpu.memory_space<hbm>>
      tpu.enqueue_dma source(%arg10 : memref<672x128xf32, #tpu.memory_space<vmem>>) target(%dma_start3A_434 : memref<672x128xf32, #tpu.memory_space<hbm>>) target_semaphore(%run_scoped3A : memref<!tpu.dma_semaphore, #tpu.memory_space<semaphore_mem>>)
      %dma_wait3A_435 = arith.constant 0 : i32
      %dma_wait3A_436 = tpu.memref_slice %arg6[%dma_wait3A_435, %mul3A_2] : memref<672x4096xf32, #tpu.memory_space<hbm>> -> memref<672x128xf32, #tpu.memory_space<hbm>>
      %dma_wait3A_437 = arith.constant 0 : i32
      %dma_wait3A_438 = tpu.memref_slice %arg6[%dma_wait3A_437, %mul3A_2] : memref<672x4096xf32, #tpu.memory_space<hbm>> -> memref<672x128xf32, #tpu.memory_space<hbm>>
      tpu.wait_dma2 semaphore(%run_scoped3A : memref<!tpu.dma_semaphore, #tpu.memory_space<semaphore_mem>>) src(%arg10 : memref<672x128xf32, #tpu.memory_space<vmem>>) dst(%dma_wait3A_438 : memref<672x128xf32, #tpu.memory_space<hbm>>)
      tpu.yield
    }) : () -> ()
    return
  }
}

module attributes {stable_mosaic.version = 14 : i64} {
  func.func @_p_body(%arg0: i32, %arg1: i32, %arg2: memref<210xi32, #tpu.memory_space<smem>>, %arg3: memref<210xi32, #tpu.memory_space<smem>>, %arg4: memref<672x512xf32, #tpu.memory_space<vmem>>, %arg5: memref<960x1xf32, #tpu.memory_space<vmem>>, %arg6: memref<960x512xf32, #tpu.memory_space<vmem>>) attributes {dimension_semantics = [#tpu.dimension_semantics<arbitrary>, #tpu.dimension_semantics<arbitrary>], iteration_bounds = array<i64: 8, 7>, scalar_prefetch = 2 : i64, scratch_operands = 0 : i64, tpu.core_type = #tpu.core_type<tc>, window_params = [{transform_indices = @transform_0, window_bounds = array<i64: 672, 512>}, {transform_indices = @transform_1, window_bounds = array<i64: 960, 1>}, {transform_indices = @transform_2, window_bounds = array<i64: 960, 512>}]} {
    %mul3A = arith.constant 30 : i32
    %mul3A_0 = arith.muli %arg1, %mul3A : i32
    %add3A = arith.constant 0 : i32
    %add3A_1 = arith.addi %mul3A_0, %add3A : i32
    %get3A = arith.index_cast %add3A_1 : i32 to index
    %get3A_2 = memref.load %arg2[%get3A] : memref<210xi32, #tpu.memory_space<smem>>
    %mul3A_3 = arith.constant 32 : i32
    %mul3A_4 = arith.muli %get3A_2, %mul3A_3 : i32
    %get3A_5 = arith.index_cast %add3A_1 : i32 to index
    %get3A_6 = memref.load %arg3[%get3A_5] : memref<210xi32, #tpu.memory_space<smem>>
    %mul3A_7 = arith.constant 32 : i32
    %mul3A_8 = arith.muli %get3A_6, %mul3A_7 : i32
    %get3A_9 = arith.index_cast %mul3A_4 : i32 to index
    %get3A_10 = arith.constant 0 : index
    %get3A_11 = vector.load %arg4[%get3A_9, %get3A_10] : memref<672x512xf32, #tpu.memory_space<vmem>>, vector<32x512xf32>
    %get3A_12 = arith.index_cast %mul3A_8 : i32 to index
    %get3A_13 = arith.constant 0 : index
    %get3A_14 = vector.load %arg4[%get3A_12, %get3A_13] : memref<672x512xf32, #tpu.memory_space<vmem>>, vector<32x512xf32>
    %mul3A_15 = arith.mulf %get3A_11, %get3A_14 : vector<32x512xf32>
    %get3A_16 = arith.constant 0 : index
    %get3A_17 = arith.constant 0 : index
    %get3A_18 = vector.load %arg5[%get3A_16, %get3A_17] : memref<960x1xf32, #tpu.memory_space<vmem>>, vector<32x1xf32>
    %mul3A_19 = vector.broadcast %get3A_18 : vector<32x1xf32> to vector<32x512xf32>
    %mul3A_20 = arith.mulf %mul3A_15, %mul3A_19 : vector<32x512xf32>
    %swap3A = arith.constant 0 : index
    %swap3A_21 = arith.constant 0 : index
    %swap3A_22 = vector.load %arg6[%swap3A, %swap3A_21] : memref<960x512xf32, #tpu.memory_space<vmem>>, vector<32x512xf32>
    tpu.vector_store %arg6[%swap3A, %swap3A_21], %mul3A_20 {strides = array<i32>} : memref<960x512xf32, #tpu.memory_space<vmem>>, vector<32x512xf32>,
    %mul3A_23 = arith.constant 30 : i32
    %mul3A_24 = arith.muli %arg1, %mul3A_23 : i32
    %add3A_25 = arith.constant 1 : i32
    %add3A_26 = arith.addi %mul3A_24, %add3A_25 : i32
    %get3A_27 = arith.index_cast %add3A_26 : i32 to index
    %get3A_28 = memref.load %arg2[%get3A_27] : memref<210xi32, #tpu.memory_space<smem>>
    %mul3A_29 = arith.constant 32 : i32
    %mul3A_30 = arith.muli %get3A_28, %mul3A_29 : i32
    %get3A_31 = arith.index_cast %add3A_26 : i32 to index
    %get3A_32 = memref.load %arg3[%get3A_31] : memref<210xi32, #tpu.memory_space<smem>>
    %mul3A_33 = arith.constant 32 : i32
    %mul3A_34 = arith.muli %get3A_32, %mul3A_33 : i32
    %get3A_35 = arith.index_cast %mul3A_30 : i32 to index
    %get3A_36 = arith.constant 0 : index
    %get3A_37 = vector.load %arg4[%get3A_35, %get3A_36] : memref<672x512xf32, #tpu.memory_space<vmem>>, vector<32x512xf32>
    %get3A_38 = arith.index_cast %mul3A_34 : i32 to index
    %get3A_39 = arith.constant 0 : index
    %get3A_40 = vector.load %arg4[%get3A_38, %get3A_39] : memref<672x512xf32, #tpu.memory_space<vmem>>, vector<32x512xf32>
    %mul3A_41 = arith.mulf %get3A_37, %get3A_40 : vector<32x512xf32>
    %get3A_42 = arith.constant 32 : index
    %get3A_43 = arith.constant 0 : index
    %get3A_44 = vector.load %arg5[%get3A_42, %get3A_43] : memref<960x1xf32, #tpu.memory_space<vmem>>, vector<32x1xf32>
    %mul3A_45 = vector.broadcast %get3A_44 : vector<32x1xf32> to vector<32x512xf32>
    %mul3A_46 = arith.mulf %mul3A_41, %mul3A_45 : vector<32x512xf32>
    %swap3A_47 = arith.constant 32 : index
    %swap3A_48 = arith.constant 0 : index
    %swap3A_49 = vector.load %arg6[%swap3A_47, %swap3A_48] : memref<960x512xf32, #tpu.memory_space<vmem>>, vector<32x512xf32>
    tpu.vector_store %arg6[%swap3A_47, %swap3A_48], %mul3A_46 {strides = array<i32>} : memref<960x512xf32, #tpu.memory_space<vmem>>, vector<32x512xf32>,
    %mul3A_50 = arith.constant 30 : i32
    %mul3A_51 = arith.muli %arg1, %mul3A_50 : i32
    %add3A_52 = arith.constant 2 : i32
    %add3A_53 = arith.addi %mul3A_51, %add3A_52 : i32
    %get3A_54 = arith.index_cast %add3A_53 : i32 to index
    %get3A_55 = memref.load %arg2[%get3A_54] : memref<210xi32, #tpu.memory_space<smem>>
    %mul3A_56 = arith.constant 32 : i32
    %mul3A_57 = arith.muli %get3A_55, %mul3A_56 : i32
    %get3A_58 = arith.index_cast %add3A_53 : i32 to index
    %get3A_59 = memref.load %arg3[%get3A_58] : memref<210xi32, #tpu.memory_space<smem>>
    %mul3A_60 = arith.constant 32 : i32
    %mul3A_61 = arith.muli %get3A_59, %mul3A_60 : i32
    %get3A_62 = arith.index_cast %mul3A_57 : i32 to index
    %get3A_63 = arith.constant 0 : index
    %get3A_64 = vector.load %arg4[%get3A_62, %get3A_63] : memref<672x512xf32, #tpu.memory_space<vmem>>, vector<32x512xf32>
    %get3A_65 = arith.index_cast %mul3A_61 : i32 to index
    %get3A_66 = arith.constant 0 : index
    %get3A_67 = vector.load %arg4[%get3A_65, %get3A_66] : memref<672x512xf32, #tpu.memory_space<vmem>>, vector<32x512xf32>
    %mul3A_68 = arith.mulf %get3A_64, %get3A_67 : vector<32x512xf32>
    %get3A_69 = arith.constant 64 : index
    %get3A_70 = arith.constant 0 : index
    %get3A_71 = vector.load %arg5[%get3A_69, %get3A_70] : memref<960x1xf32, #tpu.memory_space<vmem>>, vector<32x1xf32>
    %mul3A_72 = vector.broadcast %get3A_71 : vector<32x1xf32> to vector<32x512xf32>
    %mul3A_73 = arith.mulf %mul3A_68, %mul3A_72 : vector<32x512xf32>
    %swap3A_74 = arith.constant 64 : index
    %swap3A_75 = arith.constant 0 : index
    %swap3A_76 = vector.load %arg6[%swap3A_74, %swap3A_75] : memref<960x512xf32, #tpu.memory_space<vmem>>, vector<32x512xf32>
    tpu.vector_store %arg6[%swap3A_74, %swap3A_75], %mul3A_73 {strides = array<i32>} : memref<960x512xf32, #tpu.memory_space<vmem>>, vector<32x512xf32>,
    %mul3A_77 = arith.constant 30 : i32
    %mul3A_78 = arith.muli %arg1, %mul3A_77 : i32
    %add3A_79 = arith.constant 3 : i32
    %add3A_80 = arith.addi %mul3A_78, %add3A_79 : i32
    %get3A_81 = arith.index_cast %add3A_80 : i32 to index
    %get3A_82 = memref.load %arg2[%get3A_81] : memref<210xi32, #tpu.memory_space<smem>>
    %mul3A_83 = arith.constant 32 : i32
    %mul3A_84 = arith.muli %get3A_82, %mul3A_83 : i32
    %get3A_85 = arith.index_cast %add3A_80 : i32 to index
    %get3A_86 = memref.load %arg3[%get3A_85] : memref<210xi32, #tpu.memory_space<smem>>
    %mul3A_87 = arith.constant 32 : i32
    %mul3A_88 = arith.muli %get3A_86, %mul3A_87 : i32
    %get3A_89 = arith.index_cast %mul3A_84 : i32 to index
    %get3A_90 = arith.constant 0 : index
    %get3A_91 = vector.load %arg4[%get3A_89, %get3A_90] : memref<672x512xf32, #tpu.memory_space<vmem>>, vector<32x512xf32>
    %get3A_92 = arith.index_cast %mul3A_88 : i32 to index
    %get3A_93 = arith.constant 0 : index
    %get3A_94 = vector.load %arg4[%get3A_92, %get3A_93] : memref<672x512xf32, #tpu.memory_space<vmem>>, vector<32x512xf32>
    %mul3A_95 = arith.mulf %get3A_91, %get3A_94 : vector<32x512xf32>
    %get3A_96 = arith.constant 96 : index
    %get3A_97 = arith.constant 0 : index
    %get3A_98 = vector.load %arg5[%get3A_96, %get3A_97] : memref<960x1xf32, #tpu.memory_space<vmem>>, vector<32x1xf32>
    %mul3A_99 = vector.broadcast %get3A_98 : vector<32x1xf32> to vector<32x512xf32>
    %mul3A_100 = arith.mulf %mul3A_95, %mul3A_99 : vector<32x512xf32>
    %swap3A_101 = arith.constant 96 : index
    %swap3A_102 = arith.constant 0 : index
    %swap3A_103 = vector.load %arg6[%swap3A_101, %swap3A_102] : memref<960x512xf32, #tpu.memory_space<vmem>>, vector<32x512xf32>
    tpu.vector_store %arg6[%swap3A_101, %swap3A_102], %mul3A_100 {strides = array<i32>} : memref<960x512xf32, #tpu.memory_space<vmem>>, vector<32x512xf32>,
    %mul3A_104 = arith.constant 30 : i32
    %mul3A_105 = arith.muli %arg1, %mul3A_104 : i32
    %add3A_106 = arith.constant 4 : i32
    %add3A_107 = arith.addi %mul3A_105, %add3A_106 : i32
    %get3A_108 = arith.index_cast %add3A_107 : i32 to index
    %get3A_109 = memref.load %arg2[%get3A_108] : memref<210xi32, #tpu.memory_space<smem>>
    %mul3A_110 = arith.constant 32 : i32
    %mul3A_111 = arith.muli %get3A_109, %mul3A_110 : i32
    %get3A_112 = arith.index_cast %add3A_107 : i32 to index
    %get3A_113 = memref.load %arg3[%get3A_112] : memref<210xi32, #tpu.memory_space<smem>>
    %mul3A_114 = arith.constant 32 : i32
    %mul3A_115 = arith.muli %get3A_113, %mul3A_114 : i32
    %get3A_116 = arith.index_cast %mul3A_111 : i32 to index
    %get3A_117 = arith.constant 0 : index
    %get3A_118 = vector.load %arg4[%get3A_116, %get3A_117] : memref<672x512xf32, #tpu.memory_space<vmem>>, vector<32x512xf32>
    %get3A_119 = arith.index_cast %mul3A_115 : i32 to index
    %get3A_120 = arith.constant 0 : index
    %get3A_121 = vector.load %arg4[%get3A_119, %get3A_120] : memref<672x512xf32, #tpu.memory_space<vmem>>, vector<32x512xf32>
    %mul3A_122 = arith.mulf %get3A_118, %get3A_121 : vector<32x512xf32>
    %get3A_123 = arith.constant 128 : index
    %get3A_124 = arith.constant 0 : index
    %get3A_125 = vector.load %arg5[%get3A_123, %get3A_124] : memref<960x1xf32, #tpu.memory_space<vmem>>, vector<32x1xf32>
    %mul3A_126 = vector.broadcast %get3A_125 : vector<32x1xf32> to vector<32x512xf32>
    %mul3A_127 = arith.mulf %mul3A_122, %mul3A_126 : vector<32x512xf32>
    %swap3A_128 = arith.constant 128 : index
    %swap3A_129 = arith.constant 0 : index
    %swap3A_130 = vector.load %arg6[%swap3A_128, %swap3A_129] : memref<960x512xf32, #tpu.memory_space<vmem>>, vector<32x512xf32>
    tpu.vector_store %arg6[%swap3A_128, %swap3A_129], %mul3A_127 {strides = array<i32>} : memref<960x512xf32, #tpu.memory_space<vmem>>, vector<32x512xf32>,
    %mul3A_131 = arith.constant 30 : i32
    %mul3A_132 = arith.muli %arg1, %mul3A_131 : i32
    %add3A_133 = arith.constant 5 : i32
    %add3A_134 = arith.addi %mul3A_132, %add3A_133 : i32
    %get3A_135 = arith.index_cast %add3A_134 : i32 to index
    %get3A_136 = memref.load %arg2[%get3A_135] : memref<210xi32, #tpu.memory_space<smem>>
    %mul3A_137 = arith.constant 32 : i32
    %mul3A_138 = arith.muli %get3A_136, %mul3A_137 : i32
    %get3A_139 = arith.index_cast %add3A_134 : i32 to index
    %get3A_140 = memref.load %arg3[%get3A_139] : memref<210xi32, #tpu.memory_space<smem>>
    %mul3A_141 = arith.constant 32 : i32
    %mul3A_142 = arith.muli %get3A_140, %mul3A_141 : i32
    %get3A_143 = arith.index_cast %mul3A_138 : i32 to index
    %get3A_144 = arith.constant 0 : index
    %get3A_145 = vector.load %arg4[%get3A_143, %get3A_144] : memref<672x512xf32, #tpu.memory_space<vmem>>, vector<32x512xf32>
    %get3A_146 = arith.index_cast %mul3A_142 : i32 to index
    %get3A_147 = arith.constant 0 : index
    %get3A_148 = vector.load %arg4[%get3A_146, %get3A_147] : memref<672x512xf32, #tpu.memory_space<vmem>>, vector<32x512xf32>
    %mul3A_149 = arith.mulf %get3A_145, %get3A_148 : vector<32x512xf32>
    %get3A_150 = arith.constant 160 : index
    %get3A_151 = arith.constant 0 : index
    %get3A_152 = vector.load %arg5[%get3A_150, %get3A_151] : memref<960x1xf32, #tpu.memory_space<vmem>>, vector<32x1xf32>
    %mul3A_153 = vector.broadcast %get3A_152 : vector<32x1xf32> to vector<32x512xf32>
    %mul3A_154 = arith.mulf %mul3A_149, %mul3A_153 : vector<32x512xf32>
    %swap3A_155 = arith.constant 160 : index
    %swap3A_156 = arith.constant 0 : index
    %swap3A_157 = vector.load %arg6[%swap3A_155, %swap3A_156] : memref<960x512xf32, #tpu.memory_space<vmem>>, vector<32x512xf32>
    tpu.vector_store %arg6[%swap3A_155, %swap3A_156], %mul3A_154 {strides = array<i32>} : memref<960x512xf32, #tpu.memory_space<vmem>>, vector<32x512xf32>,
    %mul3A_158 = arith.constant 30 : i32
    %mul3A_159 = arith.muli %arg1, %mul3A_158 : i32
    %add3A_160 = arith.constant 6 : i32
    %add3A_161 = arith.addi %mul3A_159, %add3A_160 : i32
    %get3A_162 = arith.index_cast %add3A_161 : i32 to index
    %get3A_163 = memref.load %arg2[%get3A_162] : memref<210xi32, #tpu.memory_space<smem>>
    %mul3A_164 = arith.constant 32 : i32
    %mul3A_165 = arith.muli %get3A_163, %mul3A_164 : i32
    %get3A_166 = arith.index_cast %add3A_161 : i32 to index
    %get3A_167 = memref.load %arg3[%get3A_166] : memref<210xi32, #tpu.memory_space<smem>>
    %mul3A_168 = arith.constant 32 : i32
    %mul3A_169 = arith.muli %get3A_167, %mul3A_168 : i32
    %get3A_170 = arith.index_cast %mul3A_165 : i32 to index
    %get3A_171 = arith.constant 0 : index
    %get3A_172 = vector.load %arg4[%get3A_170, %get3A_171] : memref<672x512xf32, #tpu.memory_space<vmem>>, vector<32x512xf32>
    %get3A_173 = arith.index_cast %mul3A_169 : i32 to index
    %get3A_174 = arith.constant 0 : index
    %get3A_175 = vector.load %arg4[%get3A_173, %get3A_174] : memref<672x512xf32, #tpu.memory_space<vmem>>, vector<32x512xf32>
    %mul3A_176 = arith.mulf %get3A_172, %get3A_175 : vector<32x512xf32>
    %get3A_177 = arith.constant 192 : index
    %get3A_178 = arith.constant 0 : index
    %get3A_179 = vector.load %arg5[%get3A_177, %get3A_178] : memref<960x1xf32, #tpu.memory_space<vmem>>, vector<32x1xf32>
    %mul3A_180 = vector.broadcast %get3A_179 : vector<32x1xf32> to vector<32x512xf32>
    %mul3A_181 = arith.mulf %mul3A_176, %mul3A_180 : vector<32x512xf32>
    %swap3A_182 = arith.constant 192 : index
    %swap3A_183 = arith.constant 0 : index
    %swap3A_184 = vector.load %arg6[%swap3A_182, %swap3A_183] : memref<960x512xf32, #tpu.memory_space<vmem>>, vector<32x512xf32>
    tpu.vector_store %arg6[%swap3A_182, %swap3A_183], %mul3A_181 {strides = array<i32>} : memref<960x512xf32, #tpu.memory_space<vmem>>, vector<32x512xf32>,
    %mul3A_185 = arith.constant 30 : i32
    %mul3A_186 = arith.muli %arg1, %mul3A_185 : i32
    %add3A_187 = arith.constant 7 : i32
    %add3A_188 = arith.addi %mul3A_186, %add3A_187 : i32
    %get3A_189 = arith.index_cast %add3A_188 : i32 to index
    %get3A_190 = memref.load %arg2[%get3A_189] : memref<210xi32, #tpu.memory_space<smem>>
    %mul3A_191 = arith.constant 32 : i32
    %mul3A_192 = arith.muli %get3A_190, %mul3A_191 : i32
    %get3A_193 = arith.index_cast %add3A_188 : i32 to index
    %get3A_194 = memref.load %arg3[%get3A_193] : memref<210xi32, #tpu.memory_space<smem>>
    %mul3A_195 = arith.constant 32 : i32
    %mul3A_196 = arith.muli %get3A_194, %mul3A_195 : i32
    %get3A_197 = arith.index_cast %mul3A_192 : i32 to index
    %get3A_198 = arith.constant 0 : index
    %get3A_199 = vector.load %arg4[%get3A_197, %get3A_198] : memref<672x512xf32, #tpu.memory_space<vmem>>, vector<32x512xf32>
    %get3A_200 = arith.index_cast %mul3A_196 : i32 to index
    %get3A_201 = arith.constant 0 : index
    %get3A_202 = vector.load %arg4[%get3A_200, %get3A_201] : memref<672x512xf32, #tpu.memory_space<vmem>>, vector<32x512xf32>
    %mul3A_203 = arith.mulf %get3A_199, %get3A_202 : vector<32x512xf32>
    %get3A_204 = arith.constant 224 : index
    %get3A_205 = arith.constant 0 : index
    %get3A_206 = vector.load %arg5[%get3A_204, %get3A_205] : memref<960x1xf32, #tpu.memory_space<vmem>>, vector<32x1xf32>
    %mul3A_207 = vector.broadcast %get3A_206 : vector<32x1xf32> to vector<32x512xf32>
    %mul3A_208 = arith.mulf %mul3A_203, %mul3A_207 : vector<32x512xf32>
    %swap3A_209 = arith.constant 224 : index
    %swap3A_210 = arith.constant 0 : index
    %swap3A_211 = vector.load %arg6[%swap3A_209, %swap3A_210] : memref<960x512xf32, #tpu.memory_space<vmem>>, vector<32x512xf32>
    tpu.vector_store %arg6[%swap3A_209, %swap3A_210], %mul3A_208 {strides = array<i32>} : memref<960x512xf32, #tpu.memory_space<vmem>>, vector<32x512xf32>,
    %mul3A_212 = arith.constant 30 : i32
    %mul3A_213 = arith.muli %arg1, %mul3A_212 : i32
    %add3A_214 = arith.constant 8 : i32
    %add3A_215 = arith.addi %mul3A_213, %add3A_214 : i32
    %get3A_216 = arith.index_cast %add3A_215 : i32 to index
    %get3A_217 = memref.load %arg2[%get3A_216] : memref<210xi32, #tpu.memory_space<smem>>
    %mul3A_218 = arith.constant 32 : i32
    %mul3A_219 = arith.muli %get3A_217, %mul3A_218 : i32
    %get3A_220 = arith.index_cast %add3A_215 : i32 to index
    %get3A_221 = memref.load %arg3[%get3A_220] : memref<210xi32, #tpu.memory_space<smem>>
    %mul3A_222 = arith.constant 32 : i32
    %mul3A_223 = arith.muli %get3A_221, %mul3A_222 : i32
    %get3A_224 = arith.index_cast %mul3A_219 : i32 to index
    %get3A_225 = arith.constant 0 : index
    %get3A_226 = vector.load %arg4[%get3A_224, %get3A_225] : memref<672x512xf32, #tpu.memory_space<vmem>>, vector<32x512xf32>
    %get3A_227 = arith.index_cast %mul3A_223 : i32 to index
    %get3A_228 = arith.constant 0 : index
    %get3A_229 = vector.load %arg4[%get3A_227, %get3A_228] : memref<672x512xf32, #tpu.memory_space<vmem>>, vector<32x512xf32>
    %mul3A_230 = arith.mulf %get3A_226, %get3A_229 : vector<32x512xf32>
    %get3A_231 = arith.constant 256 : index
    %get3A_232 = arith.constant 0 : index
    %get3A_233 = vector.load %arg5[%get3A_231, %get3A_232] : memref<960x1xf32, #tpu.memory_space<vmem>>, vector<32x1xf32>
    %mul3A_234 = vector.broadcast %get3A_233 : vector<32x1xf32> to vector<32x512xf32>
    %mul3A_235 = arith.mulf %mul3A_230, %mul3A_234 : vector<32x512xf32>
    %swap3A_236 = arith.constant 256 : index
    %swap3A_237 = arith.constant 0 : index
    %swap3A_238 = vector.load %arg6[%swap3A_236, %swap3A_237] : memref<960x512xf32, #tpu.memory_space<vmem>>, vector<32x512xf32>
    tpu.vector_store %arg6[%swap3A_236, %swap3A_237], %mul3A_235 {strides = array<i32>} : memref<960x512xf32, #tpu.memory_space<vmem>>, vector<32x512xf32>,
    %mul3A_239 = arith.constant 30 : i32
    %mul3A_240 = arith.muli %arg1, %mul3A_239 : i32
    %add3A_241 = arith.constant 9 : i32
    %add3A_242 = arith.addi %mul3A_240, %add3A_241 : i32
    %get3A_243 = arith.index_cast %add3A_242 : i32 to index
    %get3A_244 = memref.load %arg2[%get3A_243] : memref<210xi32, #tpu.memory_space<smem>>
    %mul3A_245 = arith.constant 32 : i32
    %mul3A_246 = arith.muli %get3A_244, %mul3A_245 : i32
    %get3A_247 = arith.index_cast %add3A_242 : i32 to index
    %get3A_248 = memref.load %arg3[%get3A_247] : memref<210xi32, #tpu.memory_space<smem>>
    %mul3A_249 = arith.constant 32 : i32
    %mul3A_250 = arith.muli %get3A_248, %mul3A_249 : i32
    %get3A_251 = arith.index_cast %mul3A_246 : i32 to index
    %get3A_252 = arith.constant 0 : index
    %get3A_253 = vector.load %arg4[%get3A_251, %get3A_252] : memref<672x512xf32, #tpu.memory_space<vmem>>, vector<32x512xf32>
    %get3A_254 = arith.index_cast %mul3A_250 : i32 to index
    %get3A_255 = arith.constant 0 : index
    %get3A_256 = vector.load %arg4[%get3A_254, %get3A_255] : memref<672x512xf32, #tpu.memory_space<vmem>>, vector<32x512xf32>
    %mul3A_257 = arith.mulf %get3A_253, %get3A_256 : vector<32x512xf32>
    %get3A_258 = arith.constant 288 : index
    %get3A_259 = arith.constant 0 : index
    %get3A_260 = vector.load %arg5[%get3A_258, %get3A_259] : memref<960x1xf32, #tpu.memory_space<vmem>>, vector<32x1xf32>
    %mul3A_261 = vector.broadcast %get3A_260 : vector<32x1xf32> to vector<32x512xf32>
    %mul3A_262 = arith.mulf %mul3A_257, %mul3A_261 : vector<32x512xf32>
    %swap3A_263 = arith.constant 288 : index
    %swap3A_264 = arith.constant 0 : index
    %swap3A_265 = vector.load %arg6[%swap3A_263, %swap3A_264] : memref<960x512xf32, #tpu.memory_space<vmem>>, vector<32x512xf32>
    tpu.vector_store %arg6[%swap3A_263, %swap3A_264], %mul3A_262 {strides = array<i32>} : memref<960x512xf32, #tpu.memory_space<vmem>>, vector<32x512xf32>,
    %mul3A_266 = arith.constant 30 : i32
    %mul3A_267 = arith.muli %arg1, %mul3A_266 : i32
    %add3A_268 = arith.constant 10 : i32
    %add3A_269 = arith.addi %mul3A_267, %add3A_268 : i32
    %get3A_270 = arith.index_cast %add3A_269 : i32 to index
    %get3A_271 = memref.load %arg2[%get3A_270] : memref<210xi32, #tpu.memory_space<smem>>
    %mul3A_272 = arith.constant 32 : i32
    %mul3A_273 = arith.muli %get3A_271, %mul3A_272 : i32
    %get3A_274 = arith.index_cast %add3A_269 : i32 to index
    %get3A_275 = memref.load %arg3[%get3A_274] : memref<210xi32, #tpu.memory_space<smem>>
    %mul3A_276 = arith.constant 32 : i32
    %mul3A_277 = arith.muli %get3A_275, %mul3A_276 : i32
    %get3A_278 = arith.index_cast %mul3A_273 : i32 to index
    %get3A_279 = arith.constant 0 : index
    %get3A_280 = vector.load %arg4[%get3A_278, %get3A_279] : memref<672x512xf32, #tpu.memory_space<vmem>>, vector<32x512xf32>
    %get3A_281 = arith.index_cast %mul3A_277 : i32 to index
    %get3A_282 = arith.constant 0 : index
    %get3A_283 = vector.load %arg4[%get3A_281, %get3A_282] : memref<672x512xf32, #tpu.memory_space<vmem>>, vector<32x512xf32>
    %mul3A_284 = arith.mulf %get3A_280, %get3A_283 : vector<32x512xf32>
    %get3A_285 = arith.constant 320 : index
    %get3A_286 = arith.constant 0 : index
    %get3A_287 = vector.load %arg5[%get3A_285, %get3A_286] : memref<960x1xf32, #tpu.memory_space<vmem>>, vector<32x1xf32>
    %mul3A_288 = vector.broadcast %get3A_287 : vector<32x1xf32> to vector<32x512xf32>
    %mul3A_289 = arith.mulf %mul3A_284, %mul3A_288 : vector<32x512xf32>
    %swap3A_290 = arith.constant 320 : index
    %swap3A_291 = arith.constant 0 : index
    %swap3A_292 = vector.load %arg6[%swap3A_290, %swap3A_291] : memref<960x512xf32, #tpu.memory_space<vmem>>, vector<32x512xf32>
    tpu.vector_store %arg6[%swap3A_290, %swap3A_291], %mul3A_289 {strides = array<i32>} : memref<960x512xf32, #tpu.memory_space<vmem>>, vector<32x512xf32>,
    %mul3A_293 = arith.constant 30 : i32
    %mul3A_294 = arith.muli %arg1, %mul3A_293 : i32
    %add3A_295 = arith.constant 11 : i32
    %add3A_296 = arith.addi %mul3A_294, %add3A_295 : i32
    %get3A_297 = arith.index_cast %add3A_296 : i32 to index
    %get3A_298 = memref.load %arg2[%get3A_297] : memref<210xi32, #tpu.memory_space<smem>>
    %mul3A_299 = arith.constant 32 : i32
    %mul3A_300 = arith.muli %get3A_298, %mul3A_299 : i32
    %get3A_301 = arith.index_cast %add3A_296 : i32 to index
    %get3A_302 = memref.load %arg3[%get3A_301] : memref<210xi32, #tpu.memory_space<smem>>
    %mul3A_303 = arith.constant 32 : i32
    %mul3A_304 = arith.muli %get3A_302, %mul3A_303 : i32
    %get3A_305 = arith.index_cast %mul3A_300 : i32 to index
    %get3A_306 = arith.constant 0 : index
    %get3A_307 = vector.load %arg4[%get3A_305, %get3A_306] : memref<672x512xf32, #tpu.memory_space<vmem>>, vector<32x512xf32>
    %get3A_308 = arith.index_cast %mul3A_304 : i32 to index
    %get3A_309 = arith.constant 0 : index
    %get3A_310 = vector.load %arg4[%get3A_308, %get3A_309] : memref<672x512xf32, #tpu.memory_space<vmem>>, vector<32x512xf32>
    %mul3A_311 = arith.mulf %get3A_307, %get3A_310 : vector<32x512xf32>
    %get3A_312 = arith.constant 352 : index
    %get3A_313 = arith.constant 0 : index
    %get3A_314 = vector.load %arg5[%get3A_312, %get3A_313] : memref<960x1xf32, #tpu.memory_space<vmem>>, vector<32x1xf32>
    %mul3A_315 = vector.broadcast %get3A_314 : vector<32x1xf32> to vector<32x512xf32>
    %mul3A_316 = arith.mulf %mul3A_311, %mul3A_315 : vector<32x512xf32>
    %swap3A_317 = arith.constant 352 : index
    %swap3A_318 = arith.constant 0 : index
    %swap3A_319 = vector.load %arg6[%swap3A_317, %swap3A_318] : memref<960x512xf32, #tpu.memory_space<vmem>>, vector<32x512xf32>
    tpu.vector_store %arg6[%swap3A_317, %swap3A_318], %mul3A_316 {strides = array<i32>} : memref<960x512xf32, #tpu.memory_space<vmem>>, vector<32x512xf32>,
    %mul3A_320 = arith.constant 30 : i32
    %mul3A_321 = arith.muli %arg1, %mul3A_320 : i32
    %add3A_322 = arith.constant 12 : i32
    %add3A_323 = arith.addi %mul3A_321, %add3A_322 : i32
    %get3A_324 = arith.index_cast %add3A_323 : i32 to index
    %get3A_325 = memref.load %arg2[%get3A_324] : memref<210xi32, #tpu.memory_space<smem>>
    %mul3A_326 = arith.constant 32 : i32
    %mul3A_327 = arith.muli %get3A_325, %mul3A_326 : i32
    %get3A_328 = arith.index_cast %add3A_323 : i32 to index
    %get3A_329 = memref.load %arg3[%get3A_328] : memref<210xi32, #tpu.memory_space<smem>>
    %mul3A_330 = arith.constant 32 : i32
    %mul3A_331 = arith.muli %get3A_329, %mul3A_330 : i32
    %get3A_332 = arith.index_cast %mul3A_327 : i32 to index
    %get3A_333 = arith.constant 0 : index
    %get3A_334 = vector.load %arg4[%get3A_332, %get3A_333] : memref<672x512xf32, #tpu.memory_space<vmem>>, vector<32x512xf32>
    %get3A_335 = arith.index_cast %mul3A_331 : i32 to index
    %get3A_336 = arith.constant 0 : index
    %get3A_337 = vector.load %arg4[%get3A_335, %get3A_336] : memref<672x512xf32, #tpu.memory_space<vmem>>, vector<32x512xf32>
    %mul3A_338 = arith.mulf %get3A_334, %get3A_337 : vector<32x512xf32>
    %get3A_339 = arith.constant 384 : index
    %get3A_340 = arith.constant 0 : index
    %get3A_341 = vector.load %arg5[%get3A_339, %get3A_340] : memref<960x1xf32, #tpu.memory_space<vmem>>, vector<32x1xf32>
    %mul3A_342 = vector.broadcast %get3A_341 : vector<32x1xf32> to vector<32x512xf32>
    %mul3A_343 = arith.mulf %mul3A_338, %mul3A_342 : vector<32x512xf32>
    %swap3A_344 = arith.constant 384 : index
    %swap3A_345 = arith.constant 0 : index
    %swap3A_346 = vector.load %arg6[%swap3A_344, %swap3A_345] : memref<960x512xf32, #tpu.memory_space<vmem>>, vector<32x512xf32>
    tpu.vector_store %arg6[%swap3A_344, %swap3A_345], %mul3A_343 {strides = array<i32>} : memref<960x512xf32, #tpu.memory_space<vmem>>, vector<32x512xf32>,
    %mul3A_347 = arith.constant 30 : i32
    %mul3A_348 = arith.muli %arg1, %mul3A_347 : i32
    %add3A_349 = arith.constant 13 : i32
    %add3A_350 = arith.addi %mul3A_348, %add3A_349 : i32
    %get3A_351 = arith.index_cast %add3A_350 : i32 to index
    %get3A_352 = memref.load %arg2[%get3A_351] : memref<210xi32, #tpu.memory_space<smem>>
    %mul3A_353 = arith.constant 32 : i32
    %mul3A_354 = arith.muli %get3A_352, %mul3A_353 : i32
    %get3A_355 = arith.index_cast %add3A_350 : i32 to index
    %get3A_356 = memref.load %arg3[%get3A_355] : memref<210xi32, #tpu.memory_space<smem>>
    %mul3A_357 = arith.constant 32 : i32
    %mul3A_358 = arith.muli %get3A_356, %mul3A_357 : i32
    %get3A_359 = arith.index_cast %mul3A_354 : i32 to index
    %get3A_360 = arith.constant 0 : index
    %get3A_361 = vector.load %arg4[%get3A_359, %get3A_360] : memref<672x512xf32, #tpu.memory_space<vmem>>, vector<32x512xf32>
    %get3A_362 = arith.index_cast %mul3A_358 : i32 to index
    %get3A_363 = arith.constant 0 : index
    %get3A_364 = vector.load %arg4[%get3A_362, %get3A_363] : memref<672x512xf32, #tpu.memory_space<vmem>>, vector<32x512xf32>
    %mul3A_365 = arith.mulf %get3A_361, %get3A_364 : vector<32x512xf32>
    %get3A_366 = arith.constant 416 : index
    %get3A_367 = arith.constant 0 : index
    %get3A_368 = vector.load %arg5[%get3A_366, %get3A_367] : memref<960x1xf32, #tpu.memory_space<vmem>>, vector<32x1xf32>
    %mul3A_369 = vector.broadcast %get3A_368 : vector<32x1xf32> to vector<32x512xf32>
    %mul3A_370 = arith.mulf %mul3A_365, %mul3A_369 : vector<32x512xf32>
    %swap3A_371 = arith.constant 416 : index
    %swap3A_372 = arith.constant 0 : index
    %swap3A_373 = vector.load %arg6[%swap3A_371, %swap3A_372] : memref<960x512xf32, #tpu.memory_space<vmem>>, vector<32x512xf32>
    tpu.vector_store %arg6[%swap3A_371, %swap3A_372], %mul3A_370 {strides = array<i32>} : memref<960x512xf32, #tpu.memory_space<vmem>>, vector<32x512xf32>,
    %mul3A_374 = arith.constant 30 : i32
    %mul3A_375 = arith.muli %arg1, %mul3A_374 : i32
    %add3A_376 = arith.constant 14 : i32
    %add3A_377 = arith.addi %mul3A_375, %add3A_376 : i32
    %get3A_378 = arith.index_cast %add3A_377 : i32 to index
    %get3A_379 = memref.load %arg2[%get3A_378] : memref<210xi32, #tpu.memory_space<smem>>
    %mul3A_380 = arith.constant 32 : i32
    %mul3A_381 = arith.muli %get3A_379, %mul3A_380 : i32
    %get3A_382 = arith.index_cast %add3A_377 : i32 to index
    %get3A_383 = memref.load %arg3[%get3A_382] : memref<210xi32, #tpu.memory_space<smem>>
    %mul3A_384 = arith.constant 32 : i32
    %mul3A_385 = arith.muli %get3A_383, %mul3A_384 : i32
    %get3A_386 = arith.index_cast %mul3A_381 : i32 to index
    %get3A_387 = arith.constant 0 : index
    %get3A_388 = vector.load %arg4[%get3A_386, %get3A_387] : memref<672x512xf32, #tpu.memory_space<vmem>>, vector<32x512xf32>
    %get3A_389 = arith.index_cast %mul3A_385 : i32 to index
    %get3A_390 = arith.constant 0 : index
    %get3A_391 = vector.load %arg4[%get3A_389, %get3A_390] : memref<672x512xf32, #tpu.memory_space<vmem>>, vector<32x512xf32>
    %mul3A_392 = arith.mulf %get3A_388, %get3A_391 : vector<32x512xf32>
    %get3A_393 = arith.constant 448 : index
    %get3A_394 = arith.constant 0 : index
    %get3A_395 = vector.load %arg5[%get3A_393, %get3A_394] : memref<960x1xf32, #tpu.memory_space<vmem>>, vector<32x1xf32>
    %mul3A_396 = vector.broadcast %get3A_395 : vector<32x1xf32> to vector<32x512xf32>
    %mul3A_397 = arith.mulf %mul3A_392, %mul3A_396 : vector<32x512xf32>
    %swap3A_398 = arith.constant 448 : index
    %swap3A_399 = arith.constant 0 : index
    %swap3A_400 = vector.load %arg6[%swap3A_398, %swap3A_399] : memref<960x512xf32, #tpu.memory_space<vmem>>, vector<32x512xf32>
    tpu.vector_store %arg6[%swap3A_398, %swap3A_399], %mul3A_397 {strides = array<i32>} : memref<960x512xf32, #tpu.memory_space<vmem>>, vector<32x512xf32>,
    %mul3A_401 = arith.constant 30 : i32
    %mul3A_402 = arith.muli %arg1, %mul3A_401 : i32
    %add3A_403 = arith.constant 15 : i32
    %add3A_404 = arith.addi %mul3A_402, %add3A_403 : i32
    %get3A_405 = arith.index_cast %add3A_404 : i32 to index
    %get3A_406 = memref.load %arg2[%get3A_405] : memref<210xi32, #tpu.memory_space<smem>>
    %mul3A_407 = arith.constant 32 : i32
    %mul3A_408 = arith.muli %get3A_406, %mul3A_407 : i32
    %get3A_409 = arith.index_cast %add3A_404 : i32 to index
    %get3A_410 = memref.load %arg3[%get3A_409] : memref<210xi32, #tpu.memory_space<smem>>
    %mul3A_411 = arith.constant 32 : i32
    %mul3A_412 = arith.muli %get3A_410, %mul3A_411 : i32
    %get3A_413 = arith.index_cast %mul3A_408 : i32 to index
    %get3A_414 = arith.constant 0 : index
    %get3A_415 = vector.load %arg4[%get3A_413, %get3A_414] : memref<672x512xf32, #tpu.memory_space<vmem>>, vector<32x512xf32>
    %get3A_416 = arith.index_cast %mul3A_412 : i32 to index
    %get3A_417 = arith.constant 0 : index
    %get3A_418 = vector.load %arg4[%get3A_416, %get3A_417] : memref<672x512xf32, #tpu.memory_space<vmem>>, vector<32x512xf32>
    %mul3A_419 = arith.mulf %get3A_415, %get3A_418 : vector<32x512xf32>
    %get3A_420 = arith.constant 480 : index
    %get3A_421 = arith.constant 0 : index
    %get3A_422 = vector.load %arg5[%get3A_420, %get3A_421] : memref<960x1xf32, #tpu.memory_space<vmem>>, vector<32x1xf32>
    %mul3A_423 = vector.broadcast %get3A_422 : vector<32x1xf32> to vector<32x512xf32>
    %mul3A_424 = arith.mulf %mul3A_419, %mul3A_423 : vector<32x512xf32>
    %swap3A_425 = arith.constant 480 : index
    %swap3A_426 = arith.constant 0 : index
    %swap3A_427 = vector.load %arg6[%swap3A_425, %swap3A_426] : memref<960x512xf32, #tpu.memory_space<vmem>>, vector<32x512xf32>
    tpu.vector_store %arg6[%swap3A_425, %swap3A_426], %mul3A_424 {strides = array<i32>} : memref<960x512xf32, #tpu.memory_space<vmem>>, vector<32x512xf32>,
    %mul3A_428 = arith.constant 30 : i32
    %mul3A_429 = arith.muli %arg1, %mul3A_428 : i32
    %add3A_430 = arith.constant 16 : i32
    %add3A_431 = arith.addi %mul3A_429, %add3A_430 : i32
    %get3A_432 = arith.index_cast %add3A_431 : i32 to index
    %get3A_433 = memref.load %arg2[%get3A_432] : memref<210xi32, #tpu.memory_space<smem>>
    %mul3A_434 = arith.constant 32 : i32
    %mul3A_435 = arith.muli %get3A_433, %mul3A_434 : i32
    %get3A_436 = arith.index_cast %add3A_431 : i32 to index
    %get3A_437 = memref.load %arg3[%get3A_436] : memref<210xi32, #tpu.memory_space<smem>>
    %mul3A_438 = arith.constant 32 : i32
    %mul3A_439 = arith.muli %get3A_437, %mul3A_438 : i32
    %get3A_440 = arith.index_cast %mul3A_435 : i32 to index
    %get3A_441 = arith.constant 0 : index
    %get3A_442 = vector.load %arg4[%get3A_440, %get3A_441] : memref<672x512xf32, #tpu.memory_space<vmem>>, vector<32x512xf32>
    %get3A_443 = arith.index_cast %mul3A_439 : i32 to index
    %get3A_444 = arith.constant 0 : index
    %get3A_445 = vector.load %arg4[%get3A_443, %get3A_444] : memref<672x512xf32, #tpu.memory_space<vmem>>, vector<32x512xf32>
    %mul3A_446 = arith.mulf %get3A_442, %get3A_445 : vector<32x512xf32>
    %get3A_447 = arith.constant 512 : index
    %get3A_448 = arith.constant 0 : index
    %get3A_449 = vector.load %arg5[%get3A_447, %get3A_448] : memref<960x1xf32, #tpu.memory_space<vmem>>, vector<32x1xf32>
    %mul3A_450 = vector.broadcast %get3A_449 : vector<32x1xf32> to vector<32x512xf32>
    %mul3A_451 = arith.mulf %mul3A_446, %mul3A_450 : vector<32x512xf32>
    %swap3A_452 = arith.constant 512 : index
    %swap3A_453 = arith.constant 0 : index
    %swap3A_454 = vector.load %arg6[%swap3A_452, %swap3A_453] : memref<960x512xf32, #tpu.memory_space<vmem>>, vector<32x512xf32>
    tpu.vector_store %arg6[%swap3A_452, %swap3A_453], %mul3A_451 {strides = array<i32>} : memref<960x512xf32, #tpu.memory_space<vmem>>, vector<32x512xf32>,
    %mul3A_455 = arith.constant 30 : i32
    %mul3A_456 = arith.muli %arg1, %mul3A_455 : i32
    %add3A_457 = arith.constant 17 : i32
    %add3A_458 = arith.addi %mul3A_456, %add3A_457 : i32
    %get3A_459 = arith.index_cast %add3A_458 : i32 to index
    %get3A_460 = memref.load %arg2[%get3A_459] : memref<210xi32, #tpu.memory_space<smem>>
    %mul3A_461 = arith.constant 32 : i32
    %mul3A_462 = arith.muli %get3A_460, %mul3A_461 : i32
    %get3A_463 = arith.index_cast %add3A_458 : i32 to index
    %get3A_464 = memref.load %arg3[%get3A_463] : memref<210xi32, #tpu.memory_space<smem>>
    %mul3A_465 = arith.constant 32 : i32
    %mul3A_466 = arith.muli %get3A_464, %mul3A_465 : i32
    %get3A_467 = arith.index_cast %mul3A_462 : i32 to index
    %get3A_468 = arith.constant 0 : index
    %get3A_469 = vector.load %arg4[%get3A_467, %get3A_468] : memref<672x512xf32, #tpu.memory_space<vmem>>, vector<32x512xf32>
    %get3A_470 = arith.index_cast %mul3A_466 : i32 to index
    %get3A_471 = arith.constant 0 : index
    %get3A_472 = vector.load %arg4[%get3A_470, %get3A_471] : memref<672x512xf32, #tpu.memory_space<vmem>>, vector<32x512xf32>
    %mul3A_473 = arith.mulf %get3A_469, %get3A_472 : vector<32x512xf32>
    %get3A_474 = arith.constant 544 : index
    %get3A_475 = arith.constant 0 : index
    %get3A_476 = vector.load %arg5[%get3A_474, %get3A_475] : memref<960x1xf32, #tpu.memory_space<vmem>>, vector<32x1xf32>
    %mul3A_477 = vector.broadcast %get3A_476 : vector<32x1xf32> to vector<32x512xf32>
    %mul3A_478 = arith.mulf %mul3A_473, %mul3A_477 : vector<32x512xf32>
    %swap3A_479 = arith.constant 544 : index
    %swap3A_480 = arith.constant 0 : index
    %swap3A_481 = vector.load %arg6[%swap3A_479, %swap3A_480] : memref<960x512xf32, #tpu.memory_space<vmem>>, vector<32x512xf32>
    tpu.vector_store %arg6[%swap3A_479, %swap3A_480], %mul3A_478 {strides = array<i32>} : memref<960x512xf32, #tpu.memory_space<vmem>>, vector<32x512xf32>,
    %mul3A_482 = arith.constant 30 : i32
    %mul3A_483 = arith.muli %arg1, %mul3A_482 : i32
    %add3A_484 = arith.constant 18 : i32
    %add3A_485 = arith.addi %mul3A_483, %add3A_484 : i32
    %get3A_486 = arith.index_cast %add3A_485 : i32 to index
    %get3A_487 = memref.load %arg2[%get3A_486] : memref<210xi32, #tpu.memory_space<smem>>
    %mul3A_488 = arith.constant 32 : i32
    %mul3A_489 = arith.muli %get3A_487, %mul3A_488 : i32
    %get3A_490 = arith.index_cast %add3A_485 : i32 to index
    %get3A_491 = memref.load %arg3[%get3A_490] : memref<210xi32, #tpu.memory_space<smem>>
    %mul3A_492 = arith.constant 32 : i32
    %mul3A_493 = arith.muli %get3A_491, %mul3A_492 : i32
    %get3A_494 = arith.index_cast %mul3A_489 : i32 to index
    %get3A_495 = arith.constant 0 : index
    %get3A_496 = vector.load %arg4[%get3A_494, %get3A_495] : memref<672x512xf32, #tpu.memory_space<vmem>>, vector<32x512xf32>
    %get3A_497 = arith.index_cast %mul3A_493 : i32 to index
    %get3A_498 = arith.constant 0 : index
    %get3A_499 = vector.load %arg4[%get3A_497, %get3A_498] : memref<672x512xf32, #tpu.memory_space<vmem>>, vector<32x512xf32>
    %mul3A_500 = arith.mulf %get3A_496, %get3A_499 : vector<32x512xf32>
    %get3A_501 = arith.constant 576 : index
    %get3A_502 = arith.constant 0 : index
    %get3A_503 = vector.load %arg5[%get3A_501, %get3A_502] : memref<960x1xf32, #tpu.memory_space<vmem>>, vector<32x1xf32>
    %mul3A_504 = vector.broadcast %get3A_503 : vector<32x1xf32> to vector<32x512xf32>
    %mul3A_505 = arith.mulf %mul3A_500, %mul3A_504 : vector<32x512xf32>
    %swap3A_506 = arith.constant 576 : index
    %swap3A_507 = arith.constant 0 : index
    %swap3A_508 = vector.load %arg6[%swap3A_506, %swap3A_507] : memref<960x512xf32, #tpu.memory_space<vmem>>, vector<32x512xf32>
    tpu.vector_store %arg6[%swap3A_506, %swap3A_507], %mul3A_505 {strides = array<i32>} : memref<960x512xf32, #tpu.memory_space<vmem>>, vector<32x512xf32>,
    %mul3A_509 = arith.constant 30 : i32
    %mul3A_510 = arith.muli %arg1, %mul3A_509 : i32
    %add3A_511 = arith.constant 19 : i32
    %add3A_512 = arith.addi %mul3A_510, %add3A_511 : i32
    %get3A_513 = arith.index_cast %add3A_512 : i32 to index
    %get3A_514 = memref.load %arg2[%get3A_513] : memref<210xi32, #tpu.memory_space<smem>>
    %mul3A_515 = arith.constant 32 : i32
    %mul3A_516 = arith.muli %get3A_514, %mul3A_515 : i32
    %get3A_517 = arith.index_cast %add3A_512 : i32 to index
    %get3A_518 = memref.load %arg3[%get3A_517] : memref<210xi32, #tpu.memory_space<smem>>
    %mul3A_519 = arith.constant 32 : i32
    %mul3A_520 = arith.muli %get3A_518, %mul3A_519 : i32
    %get3A_521 = arith.index_cast %mul3A_516 : i32 to index
    %get3A_522 = arith.constant 0 : index
    %get3A_523 = vector.load %arg4[%get3A_521, %get3A_522] : memref<672x512xf32, #tpu.memory_space<vmem>>, vector<32x512xf32>
    %get3A_524 = arith.index_cast %mul3A_520 : i32 to index
    %get3A_525 = arith.constant 0 : index
    %get3A_526 = vector.load %arg4[%get3A_524, %get3A_525] : memref<672x512xf32, #tpu.memory_space<vmem>>, vector<32x512xf32>
    %mul3A_527 = arith.mulf %get3A_523, %get3A_526 : vector<32x512xf32>
    %get3A_528 = arith.constant 608 : index
    %get3A_529 = arith.constant 0 : index
    %get3A_530 = vector.load %arg5[%get3A_528, %get3A_529] : memref<960x1xf32, #tpu.memory_space<vmem>>, vector<32x1xf32>
    %mul3A_531 = vector.broadcast %get3A_530 : vector<32x1xf32> to vector<32x512xf32>
    %mul3A_532 = arith.mulf %mul3A_527, %mul3A_531 : vector<32x512xf32>
    %swap3A_533 = arith.constant 608 : index
    %swap3A_534 = arith.constant 0 : index
    %swap3A_535 = vector.load %arg6[%swap3A_533, %swap3A_534] : memref<960x512xf32, #tpu.memory_space<vmem>>, vector<32x512xf32>
    tpu.vector_store %arg6[%swap3A_533, %swap3A_534], %mul3A_532 {strides = array<i32>} : memref<960x512xf32, #tpu.memory_space<vmem>>, vector<32x512xf32>,
    %mul3A_536 = arith.constant 30 : i32
    %mul3A_537 = arith.muli %arg1, %mul3A_536 : i32
    %add3A_538 = arith.constant 20 : i32
    %add3A_539 = arith.addi %mul3A_537, %add3A_538 : i32
    %get3A_540 = arith.index_cast %add3A_539 : i32 to index
    %get3A_541 = memref.load %arg2[%get3A_540] : memref<210xi32, #tpu.memory_space<smem>>
    %mul3A_542 = arith.constant 32 : i32
    %mul3A_543 = arith.muli %get3A_541, %mul3A_542 : i32
    %get3A_544 = arith.index_cast %add3A_539 : i32 to index
    %get3A_545 = memref.load %arg3[%get3A_544] : memref<210xi32, #tpu.memory_space<smem>>
    %mul3A_546 = arith.constant 32 : i32
    %mul3A_547 = arith.muli %get3A_545, %mul3A_546 : i32
    %get3A_548 = arith.index_cast %mul3A_543 : i32 to index
    %get3A_549 = arith.constant 0 : index
    %get3A_550 = vector.load %arg4[%get3A_548, %get3A_549] : memref<672x512xf32, #tpu.memory_space<vmem>>, vector<32x512xf32>
    %get3A_551 = arith.index_cast %mul3A_547 : i32 to index
    %get3A_552 = arith.constant 0 : index
    %get3A_553 = vector.load %arg4[%get3A_551, %get3A_552] : memref<672x512xf32, #tpu.memory_space<vmem>>, vector<32x512xf32>
    %mul3A_554 = arith.mulf %get3A_550, %get3A_553 : vector<32x512xf32>
    %get3A_555 = arith.constant 640 : index
    %get3A_556 = arith.constant 0 : index
    %get3A_557 = vector.load %arg5[%get3A_555, %get3A_556] : memref<960x1xf32, #tpu.memory_space<vmem>>, vector<32x1xf32>
    %mul3A_558 = vector.broadcast %get3A_557 : vector<32x1xf32> to vector<32x512xf32>
    %mul3A_559 = arith.mulf %mul3A_554, %mul3A_558 : vector<32x512xf32>
    %swap3A_560 = arith.constant 640 : index
    %swap3A_561 = arith.constant 0 : index
    %swap3A_562 = vector.load %arg6[%swap3A_560, %swap3A_561] : memref<960x512xf32, #tpu.memory_space<vmem>>, vector<32x512xf32>
    tpu.vector_store %arg6[%swap3A_560, %swap3A_561], %mul3A_559 {strides = array<i32>} : memref<960x512xf32, #tpu.memory_space<vmem>>, vector<32x512xf32>,
    %mul3A_563 = arith.constant 30 : i32
    %mul3A_564 = arith.muli %arg1, %mul3A_563 : i32
    %add3A_565 = arith.constant 21 : i32
    %add3A_566 = arith.addi %mul3A_564, %add3A_565 : i32
    %get3A_567 = arith.index_cast %add3A_566 : i32 to index
    %get3A_568 = memref.load %arg2[%get3A_567] : memref<210xi32, #tpu.memory_space<smem>>
    %mul3A_569 = arith.constant 32 : i32
    %mul3A_570 = arith.muli %get3A_568, %mul3A_569 : i32
    %get3A_571 = arith.index_cast %add3A_566 : i32 to index
    %get3A_572 = memref.load %arg3[%get3A_571] : memref<210xi32, #tpu.memory_space<smem>>
    %mul3A_573 = arith.constant 32 : i32
    %mul3A_574 = arith.muli %get3A_572, %mul3A_573 : i32
    %get3A_575 = arith.index_cast %mul3A_570 : i32 to index
    %get3A_576 = arith.constant 0 : index
    %get3A_577 = vector.load %arg4[%get3A_575, %get3A_576] : memref<672x512xf32, #tpu.memory_space<vmem>>, vector<32x512xf32>
    %get3A_578 = arith.index_cast %mul3A_574 : i32 to index
    %get3A_579 = arith.constant 0 : index
    %get3A_580 = vector.load %arg4[%get3A_578, %get3A_579] : memref<672x512xf32, #tpu.memory_space<vmem>>, vector<32x512xf32>
    %mul3A_581 = arith.mulf %get3A_577, %get3A_580 : vector<32x512xf32>
    %get3A_582 = arith.constant 672 : index
    %get3A_583 = arith.constant 0 : index
    %get3A_584 = vector.load %arg5[%get3A_582, %get3A_583] : memref<960x1xf32, #tpu.memory_space<vmem>>, vector<32x1xf32>
    %mul3A_585 = vector.broadcast %get3A_584 : vector<32x1xf32> to vector<32x512xf32>
    %mul3A_586 = arith.mulf %mul3A_581, %mul3A_585 : vector<32x512xf32>
    %swap3A_587 = arith.constant 672 : index
    %swap3A_588 = arith.constant 0 : index
    %swap3A_589 = vector.load %arg6[%swap3A_587, %swap3A_588] : memref<960x512xf32, #tpu.memory_space<vmem>>, vector<32x512xf32>
    tpu.vector_store %arg6[%swap3A_587, %swap3A_588], %mul3A_586 {strides = array<i32>} : memref<960x512xf32, #tpu.memory_space<vmem>>, vector<32x512xf32>,
    %mul3A_590 = arith.constant 30 : i32
    %mul3A_591 = arith.muli %arg1, %mul3A_590 : i32
    %add3A_592 = arith.constant 22 : i32
    %add3A_593 = arith.addi %mul3A_591, %add3A_592 : i32
    %get3A_594 = arith.index_cast %add3A_593 : i32 to index
    %get3A_595 = memref.load %arg2[%get3A_594] : memref<210xi32, #tpu.memory_space<smem>>
    %mul3A_596 = arith.constant 32 : i32
    %mul3A_597 = arith.muli %get3A_595, %mul3A_596 : i32
    %get3A_598 = arith.index_cast %add3A_593 : i32 to index
    %get3A_599 = memref.load %arg3[%get3A_598] : memref<210xi32, #tpu.memory_space<smem>>
    %mul3A_600 = arith.constant 32 : i32
    %mul3A_601 = arith.muli %get3A_599, %mul3A_600 : i32
    %get3A_602 = arith.index_cast %mul3A_597 : i32 to index
    %get3A_603 = arith.constant 0 : index
    %get3A_604 = vector.load %arg4[%get3A_602, %get3A_603] : memref<672x512xf32, #tpu.memory_space<vmem>>, vector<32x512xf32>
    %get3A_605 = arith.index_cast %mul3A_601 : i32 to index
    %get3A_606 = arith.constant 0 : index
    %get3A_607 = vector.load %arg4[%get3A_605, %get3A_606] : memref<672x512xf32, #tpu.memory_space<vmem>>, vector<32x512xf32>
    %mul3A_608 = arith.mulf %get3A_604, %get3A_607 : vector<32x512xf32>
    %get3A_609 = arith.constant 704 : index
    %get3A_610 = arith.constant 0 : index
    %get3A_611 = vector.load %arg5[%get3A_609, %get3A_610] : memref<960x1xf32, #tpu.memory_space<vmem>>, vector<32x1xf32>
    %mul3A_612 = vector.broadcast %get3A_611 : vector<32x1xf32> to vector<32x512xf32>
    %mul3A_613 = arith.mulf %mul3A_608, %mul3A_612 : vector<32x512xf32>
    %swap3A_614 = arith.constant 704 : index
    %swap3A_615 = arith.constant 0 : index
    %swap3A_616 = vector.load %arg6[%swap3A_614, %swap3A_615] : memref<960x512xf32, #tpu.memory_space<vmem>>, vector<32x512xf32>
    tpu.vector_store %arg6[%swap3A_614, %swap3A_615], %mul3A_613 {strides = array<i32>} : memref<960x512xf32, #tpu.memory_space<vmem>>, vector<32x512xf32>,
    %mul3A_617 = arith.constant 30 : i32
    %mul3A_618 = arith.muli %arg1, %mul3A_617 : i32
    %add3A_619 = arith.constant 23 : i32
    %add3A_620 = arith.addi %mul3A_618, %add3A_619 : i32
    %get3A_621 = arith.index_cast %add3A_620 : i32 to index
    %get3A_622 = memref.load %arg2[%get3A_621] : memref<210xi32, #tpu.memory_space<smem>>
    %mul3A_623 = arith.constant 32 : i32
    %mul3A_624 = arith.muli %get3A_622, %mul3A_623 : i32
    %get3A_625 = arith.index_cast %add3A_620 : i32 to index
    %get3A_626 = memref.load %arg3[%get3A_625] : memref<210xi32, #tpu.memory_space<smem>>
    %mul3A_627 = arith.constant 32 : i32
    %mul3A_628 = arith.muli %get3A_626, %mul3A_627 : i32
    %get3A_629 = arith.index_cast %mul3A_624 : i32 to index
    %get3A_630 = arith.constant 0 : index
    %get3A_631 = vector.load %arg4[%get3A_629, %get3A_630] : memref<672x512xf32, #tpu.memory_space<vmem>>, vector<32x512xf32>
    %get3A_632 = arith.index_cast %mul3A_628 : i32 to index
    %get3A_633 = arith.constant 0 : index
    %get3A_634 = vector.load %arg4[%get3A_632, %get3A_633] : memref<672x512xf32, #tpu.memory_space<vmem>>, vector<32x512xf32>
    %mul3A_635 = arith.mulf %get3A_631, %get3A_634 : vector<32x512xf32>
    %get3A_636 = arith.constant 736 : index
    %get3A_637 = arith.constant 0 : index
    %get3A_638 = vector.load %arg5[%get3A_636, %get3A_637] : memref<960x1xf32, #tpu.memory_space<vmem>>, vector<32x1xf32>
    %mul3A_639 = vector.broadcast %get3A_638 : vector<32x1xf32> to vector<32x512xf32>
    %mul3A_640 = arith.mulf %mul3A_635, %mul3A_639 : vector<32x512xf32>
    %swap3A_641 = arith.constant 736 : index
    %swap3A_642 = arith.constant 0 : index
    %swap3A_643 = vector.load %arg6[%swap3A_641, %swap3A_642] : memref<960x512xf32, #tpu.memory_space<vmem>>, vector<32x512xf32>
    tpu.vector_store %arg6[%swap3A_641, %swap3A_642], %mul3A_640 {strides = array<i32>} : memref<960x512xf32, #tpu.memory_space<vmem>>, vector<32x512xf32>,
    %mul3A_644 = arith.constant 30 : i32
    %mul3A_645 = arith.muli %arg1, %mul3A_644 : i32
    %add3A_646 = arith.constant 24 : i32
    %add3A_647 = arith.addi %mul3A_645, %add3A_646 : i32
    %get3A_648 = arith.index_cast %add3A_647 : i32 to index
    %get3A_649 = memref.load %arg2[%get3A_648] : memref<210xi32, #tpu.memory_space<smem>>
    %mul3A_650 = arith.constant 32 : i32
    %mul3A_651 = arith.muli %get3A_649, %mul3A_650 : i32
    %get3A_652 = arith.index_cast %add3A_647 : i32 to index
    %get3A_653 = memref.load %arg3[%get3A_652] : memref<210xi32, #tpu.memory_space<smem>>
    %mul3A_654 = arith.constant 32 : i32
    %mul3A_655 = arith.muli %get3A_653, %mul3A_654 : i32
    %get3A_656 = arith.index_cast %mul3A_651 : i32 to index
    %get3A_657 = arith.constant 0 : index
    %get3A_658 = vector.load %arg4[%get3A_656, %get3A_657] : memref<672x512xf32, #tpu.memory_space<vmem>>, vector<32x512xf32>
    %get3A_659 = arith.index_cast %mul3A_655 : i32 to index
    %get3A_660 = arith.constant 0 : index
    %get3A_661 = vector.load %arg4[%get3A_659, %get3A_660] : memref<672x512xf32, #tpu.memory_space<vmem>>, vector<32x512xf32>
    %mul3A_662 = arith.mulf %get3A_658, %get3A_661 : vector<32x512xf32>
    %get3A_663 = arith.constant 768 : index
    %get3A_664 = arith.constant 0 : index
    %get3A_665 = vector.load %arg5[%get3A_663, %get3A_664] : memref<960x1xf32, #tpu.memory_space<vmem>>, vector<32x1xf32>
    %mul3A_666 = vector.broadcast %get3A_665 : vector<32x1xf32> to vector<32x512xf32>
    %mul3A_667 = arith.mulf %mul3A_662, %mul3A_666 : vector<32x512xf32>
    %swap3A_668 = arith.constant 768 : index
    %swap3A_669 = arith.constant 0 : index
    %swap3A_670 = vector.load %arg6[%swap3A_668, %swap3A_669] : memref<960x512xf32, #tpu.memory_space<vmem>>, vector<32x512xf32>
    tpu.vector_store %arg6[%swap3A_668, %swap3A_669], %mul3A_667 {strides = array<i32>} : memref<960x512xf32, #tpu.memory_space<vmem>>, vector<32x512xf32>,
    %mul3A_671 = arith.constant 30 : i32
    %mul3A_672 = arith.muli %arg1, %mul3A_671 : i32
    %add3A_673 = arith.constant 25 : i32
    %add3A_674 = arith.addi %mul3A_672, %add3A_673 : i32
    %get3A_675 = arith.index_cast %add3A_674 : i32 to index
    %get3A_676 = memref.load %arg2[%get3A_675] : memref<210xi32, #tpu.memory_space<smem>>
    %mul3A_677 = arith.constant 32 : i32
    %mul3A_678 = arith.muli %get3A_676, %mul3A_677 : i32
    %get3A_679 = arith.index_cast %add3A_674 : i32 to index
    %get3A_680 = memref.load %arg3[%get3A_679] : memref<210xi32, #tpu.memory_space<smem>>
    %mul3A_681 = arith.constant 32 : i32
    %mul3A_682 = arith.muli %get3A_680, %mul3A_681 : i32
    %get3A_683 = arith.index_cast %mul3A_678 : i32 to index
    %get3A_684 = arith.constant 0 : index
    %get3A_685 = vector.load %arg4[%get3A_683, %get3A_684] : memref<672x512xf32, #tpu.memory_space<vmem>>, vector<32x512xf32>
    %get3A_686 = arith.index_cast %mul3A_682 : i32 to index
    %get3A_687 = arith.constant 0 : index
    %get3A_688 = vector.load %arg4[%get3A_686, %get3A_687] : memref<672x512xf32, #tpu.memory_space<vmem>>, vector<32x512xf32>
    %mul3A_689 = arith.mulf %get3A_685, %get3A_688 : vector<32x512xf32>
    %get3A_690 = arith.constant 800 : index
    %get3A_691 = arith.constant 0 : index
    %get3A_692 = vector.load %arg5[%get3A_690, %get3A_691] : memref<960x1xf32, #tpu.memory_space<vmem>>, vector<32x1xf32>
    %mul3A_693 = vector.broadcast %get3A_692 : vector<32x1xf32> to vector<32x512xf32>
    %mul3A_694 = arith.mulf %mul3A_689, %mul3A_693 : vector<32x512xf32>
    %swap3A_695 = arith.constant 800 : index
    %swap3A_696 = arith.constant 0 : index
    %swap3A_697 = vector.load %arg6[%swap3A_695, %swap3A_696] : memref<960x512xf32, #tpu.memory_space<vmem>>, vector<32x512xf32>
    tpu.vector_store %arg6[%swap3A_695, %swap3A_696], %mul3A_694 {strides = array<i32>} : memref<960x512xf32, #tpu.memory_space<vmem>>, vector<32x512xf32>,
    %mul3A_698 = arith.constant 30 : i32
    %mul3A_699 = arith.muli %arg1, %mul3A_698 : i32
    %add3A_700 = arith.constant 26 : i32
    %add3A_701 = arith.addi %mul3A_699, %add3A_700 : i32
    %get3A_702 = arith.index_cast %add3A_701 : i32 to index
    %get3A_703 = memref.load %arg2[%get3A_702] : memref<210xi32, #tpu.memory_space<smem>>
    %mul3A_704 = arith.constant 32 : i32
    %mul3A_705 = arith.muli %get3A_703, %mul3A_704 : i32
    %get3A_706 = arith.index_cast %add3A_701 : i32 to index
    %get3A_707 = memref.load %arg3[%get3A_706] : memref<210xi32, #tpu.memory_space<smem>>
    %mul3A_708 = arith.constant 32 : i32
    %mul3A_709 = arith.muli %get3A_707, %mul3A_708 : i32
    %get3A_710 = arith.index_cast %mul3A_705 : i32 to index
    %get3A_711 = arith.constant 0 : index
    %get3A_712 = vector.load %arg4[%get3A_710, %get3A_711] : memref<672x512xf32, #tpu.memory_space<vmem>>, vector<32x512xf32>
    %get3A_713 = arith.index_cast %mul3A_709 : i32 to index
    %get3A_714 = arith.constant 0 : index
    %get3A_715 = vector.load %arg4[%get3A_713, %get3A_714] : memref<672x512xf32, #tpu.memory_space<vmem>>, vector<32x512xf32>
    %mul3A_716 = arith.mulf %get3A_712, %get3A_715 : vector<32x512xf32>
    %get3A_717 = arith.constant 832 : index
    %get3A_718 = arith.constant 0 : index
    %get3A_719 = vector.load %arg5[%get3A_717, %get3A_718] : memref<960x1xf32, #tpu.memory_space<vmem>>, vector<32x1xf32>
    %mul3A_720 = vector.broadcast %get3A_719 : vector<32x1xf32> to vector<32x512xf32>
    %mul3A_721 = arith.mulf %mul3A_716, %mul3A_720 : vector<32x512xf32>
    %swap3A_722 = arith.constant 832 : index
    %swap3A_723 = arith.constant 0 : index
    %swap3A_724 = vector.load %arg6[%swap3A_722, %swap3A_723] : memref<960x512xf32, #tpu.memory_space<vmem>>, vector<32x512xf32>
    tpu.vector_store %arg6[%swap3A_722, %swap3A_723], %mul3A_721 {strides = array<i32>} : memref<960x512xf32, #tpu.memory_space<vmem>>, vector<32x512xf32>,
    %mul3A_725 = arith.constant 30 : i32
    %mul3A_726 = arith.muli %arg1, %mul3A_725 : i32
    %add3A_727 = arith.constant 27 : i32
    %add3A_728 = arith.addi %mul3A_726, %add3A_727 : i32
    %get3A_729 = arith.index_cast %add3A_728 : i32 to index
    %get3A_730 = memref.load %arg2[%get3A_729] : memref<210xi32, #tpu.memory_space<smem>>
    %mul3A_731 = arith.constant 32 : i32
    %mul3A_732 = arith.muli %get3A_730, %mul3A_731 : i32
    %get3A_733 = arith.index_cast %add3A_728 : i32 to index
    %get3A_734 = memref.load %arg3[%get3A_733] : memref<210xi32, #tpu.memory_space<smem>>
    %mul3A_735 = arith.constant 32 : i32
    %mul3A_736 = arith.muli %get3A_734, %mul3A_735 : i32
    %get3A_737 = arith.index_cast %mul3A_732 : i32 to index
    %get3A_738 = arith.constant 0 : index
    %get3A_739 = vector.load %arg4[%get3A_737, %get3A_738] : memref<672x512xf32, #tpu.memory_space<vmem>>, vector<32x512xf32>
    %get3A_740 = arith.index_cast %mul3A_736 : i32 to index
    %get3A_741 = arith.constant 0 : index
    %get3A_742 = vector.load %arg4[%get3A_740, %get3A_741] : memref<672x512xf32, #tpu.memory_space<vmem>>, vector<32x512xf32>
    %mul3A_743 = arith.mulf %get3A_739, %get3A_742 : vector<32x512xf32>
    %get3A_744 = arith.constant 864 : index
    %get3A_745 = arith.constant 0 : index
    %get3A_746 = vector.load %arg5[%get3A_744, %get3A_745] : memref<960x1xf32, #tpu.memory_space<vmem>>, vector<32x1xf32>
    %mul3A_747 = vector.broadcast %get3A_746 : vector<32x1xf32> to vector<32x512xf32>
    %mul3A_748 = arith.mulf %mul3A_743, %mul3A_747 : vector<32x512xf32>
    %swap3A_749 = arith.constant 864 : index
    %swap3A_750 = arith.constant 0 : index
    %swap3A_751 = vector.load %arg6[%swap3A_749, %swap3A_750] : memref<960x512xf32, #tpu.memory_space<vmem>>, vector<32x512xf32>
    tpu.vector_store %arg6[%swap3A_749, %swap3A_750], %mul3A_748 {strides = array<i32>} : memref<960x512xf32, #tpu.memory_space<vmem>>, vector<32x512xf32>,
    %mul3A_752 = arith.constant 30 : i32
    %mul3A_753 = arith.muli %arg1, %mul3A_752 : i32
    %add3A_754 = arith.constant 28 : i32
    %add3A_755 = arith.addi %mul3A_753, %add3A_754 : i32
    %get3A_756 = arith.index_cast %add3A_755 : i32 to index
    %get3A_757 = memref.load %arg2[%get3A_756] : memref<210xi32, #tpu.memory_space<smem>>
    %mul3A_758 = arith.constant 32 : i32
    %mul3A_759 = arith.muli %get3A_757, %mul3A_758 : i32
    %get3A_760 = arith.index_cast %add3A_755 : i32 to index
    %get3A_761 = memref.load %arg3[%get3A_760] : memref<210xi32, #tpu.memory_space<smem>>
    %mul3A_762 = arith.constant 32 : i32
    %mul3A_763 = arith.muli %get3A_761, %mul3A_762 : i32
    %get3A_764 = arith.index_cast %mul3A_759 : i32 to index
    %get3A_765 = arith.constant 0 : index
    %get3A_766 = vector.load %arg4[%get3A_764, %get3A_765] : memref<672x512xf32, #tpu.memory_space<vmem>>, vector<32x512xf32>
    %get3A_767 = arith.index_cast %mul3A_763 : i32 to index
    %get3A_768 = arith.constant 0 : index
    %get3A_769 = vector.load %arg4[%get3A_767, %get3A_768] : memref<672x512xf32, #tpu.memory_space<vmem>>, vector<32x512xf32>
    %mul3A_770 = arith.mulf %get3A_766, %get3A_769 : vector<32x512xf32>
    %get3A_771 = arith.constant 896 : index
    %get3A_772 = arith.constant 0 : index
    %get3A_773 = vector.load %arg5[%get3A_771, %get3A_772] : memref<960x1xf32, #tpu.memory_space<vmem>>, vector<32x1xf32>
    %mul3A_774 = vector.broadcast %get3A_773 : vector<32x1xf32> to vector<32x512xf32>
    %mul3A_775 = arith.mulf %mul3A_770, %mul3A_774 : vector<32x512xf32>
    %swap3A_776 = arith.constant 896 : index
    %swap3A_777 = arith.constant 0 : index
    %swap3A_778 = vector.load %arg6[%swap3A_776, %swap3A_777] : memref<960x512xf32, #tpu.memory_space<vmem>>, vector<32x512xf32>
    tpu.vector_store %arg6[%swap3A_776, %swap3A_777], %mul3A_775 {strides = array<i32>} : memref<960x512xf32, #tpu.memory_space<vmem>>, vector<32x512xf32>,
    %mul3A_779 = arith.constant 30 : i32
    %mul3A_780 = arith.muli %arg1, %mul3A_779 : i32
    %add3A_781 = arith.constant 29 : i32
    %add3A_782 = arith.addi %mul3A_780, %add3A_781 : i32
    %get3A_783 = arith.index_cast %add3A_782 : i32 to index
    %get3A_784 = memref.load %arg2[%get3A_783] : memref<210xi32, #tpu.memory_space<smem>>
    %mul3A_785 = arith.constant 32 : i32
    %mul3A_786 = arith.muli %get3A_784, %mul3A_785 : i32
    %get3A_787 = arith.index_cast %add3A_782 : i32 to index
    %get3A_788 = memref.load %arg3[%get3A_787] : memref<210xi32, #tpu.memory_space<smem>>
    %mul3A_789 = arith.constant 32 : i32
    %mul3A_790 = arith.muli %get3A_788, %mul3A_789 : i32
    %get3A_791 = arith.index_cast %mul3A_786 : i32 to index
    %get3A_792 = arith.constant 0 : index
    %get3A_793 = vector.load %arg4[%get3A_791, %get3A_792] : memref<672x512xf32, #tpu.memory_space<vmem>>, vector<32x512xf32>
    %get3A_794 = arith.index_cast %mul3A_790 : i32 to index
    %get3A_795 = arith.constant 0 : index
    %get3A_796 = vector.load %arg4[%get3A_794, %get3A_795] : memref<672x512xf32, #tpu.memory_space<vmem>>, vector<32x512xf32>
    %mul3A_797 = arith.mulf %get3A_793, %get3A_796 : vector<32x512xf32>
    %get3A_798 = arith.constant 928 : index
    %get3A_799 = arith.constant 0 : index
    %get3A_800 = vector.load %arg5[%get3A_798, %get3A_799] : memref<960x1xf32, #tpu.memory_space<vmem>>, vector<32x1xf32>
    %mul3A_801 = vector.broadcast %get3A_800 : vector<32x1xf32> to vector<32x512xf32>
    %mul3A_802 = arith.mulf %mul3A_797, %mul3A_801 : vector<32x512xf32>
    %swap3A_803 = arith.constant 928 : index
    %swap3A_804 = arith.constant 0 : index
    %swap3A_805 = vector.load %arg6[%swap3A_803, %swap3A_804] : memref<960x512xf32, #tpu.memory_space<vmem>>, vector<32x512xf32>
    tpu.vector_store %arg6[%swap3A_803, %swap3A_804], %mul3A_802 {strides = array<i32>} : memref<960x512xf32, #tpu.memory_space<vmem>>, vector<32x512xf32>,
    return
  }
  func.func @transform_0(%arg0: i32, %arg1: i32, %arg2: memref<210xi32, #tpu.memory_space<smem>>, %arg3: memref<210xi32, #tpu.memory_space<smem>>) -> (i32, i32) {
    %c0_i32 = arith.constant 0 : i32
    %c0_i32_0 = arith.constant 0 : i32
    return %c0_i32, %arg0 : i32, i32
  }
  func.func @transform_1(%arg0: i32, %arg1: i32, %arg2: memref<210xi32, #tpu.memory_space<smem>>, %arg3: memref<210xi32, #tpu.memory_space<smem>>) -> (i32, i32) {
    %c0_i32 = arith.constant 0 : i32
    %c0_i32_0 = arith.constant 0 : i32
    return %arg1, %c0_i32 : i32, i32
  }
  func.func @transform_2(%arg0: i32, %arg1: i32, %arg2: memref<210xi32, #tpu.memory_space<smem>>, %arg3: memref<210xi32, #tpu.memory_space<smem>>) -> (i32, i32) {
    %c0_i32 = arith.constant 0 : i32
    return %arg1, %arg0 : i32, i32
  }
}

</mosaic_0001>

<sc_bundles>
// kernel: kernel.4.cloned.1.call-start
scs
__scs_entry_jumppad:
0x0: {  	(pc) =	sbr.rel $0x88, $3  }
0x1: {  	(tag) =	ssettag $0x0;
	lr =	simm.s32 $0x1  }
0x2: {  	[smem:$0x3F9C] =	sst lr;
	_ =	strace $0xD0000000  }
0x3: {  	_ = 	snop  }
0x4: {  	_ = 	snop  }
0x5: {  	_ = 	snop  }
0x6: {  	_ = 	snop  }
0x7: {  	_ = 	snop  }
__scs_overlays_trampoline_lowered:
0x8: {  	[smem:$0x3FAB] =	sst s0  }
0x9: {  	[smem:$0x3FAC] =	sst s1  }
0xa: {  	[smem:$0x3FAD] =	sst s2  }
0xb: {  	[smem:$0x3FAE] =	sst s3  }
0xc: {  	[smem:$0x3FAF] =	sst s4  }
0xd: {  	[smem:$0x3FB0] =	sst s5  }
0xe: {  	[smem:$0x3FB1] =	sst s6  }
0xf: {  	[smem:$0x3FB2] =	sst s7  }
0x10: {  	[smem:$0x3FB3] =	sst s8  }
0x11: {  	[smem:$0x3FB4] =	sst s9;
	s0 =	simm.s32 @!p0 $0x0  }
0x12: {  	s1 =	sld [smem:$0x3F9A];
	s0 =	simm.s32 @p0 $0x1  }
0x13: {  	[smem:$0x3FB5] =	sst s0;
	s0 =	simm.s32 @!p1 $0x0  }
0x14: {  	s2 =	sld [smem:$0x3F99];
	s0 =	simm.s32 @p1 $0x1  }
0x15: {  	[smem:$0x3FB6] =	sst s0;
	s0 =	simm.s32 @!p2 $0x0  }
0x16: {  	s3 =	sld [smem:$0x3FDB];
	s0 =	simm.s32 @p2 $0x1  }
0x17: {  	s4 =	simm.s32 $0x1BF5;
	[smem:$0x3FB8] =	sst s0  }
0x18: {  	s0 =	sld [smem:$0x3F9B];
	_ =	swait.ge [sflag:s4], $0x0  }
0x19: {  	s7 =	sld [smem:$0x3F9C]  }
0x1a: {  	s8 =	sadd.s32 $0xFFFFE003, lr  }
0x1b: {  	s9 =	sadd.s32 $0xFFFFFEF7, lr;
	s5 =	simm.s32 $0xFFFFFFFF;
	p2 =	slt.u32 s8, $0xFFFFF086  }
0x1c: {  	p1 =	slt.u32 s9, $0xF7A;
	s5 =	simm.s32 @!p2 $0x0  }
0x1d: {  	s5 =	simm.s32 @p1 $0x1;
	p0 =	seq.s32 s7, s2  }
0x1e: {  	s7 =	smul.u32 @!p0 $0xF7A, s2;
	p2 =	seq.s32 @!p0 s5, $0x0  }
0x1f: {  	s9 =	smul.u32 $0xF7A, s1;
	s8 =	simm.s32 @!p0 $0x1BF5;
	p2 =	por !p2, p0  }
0x20: {  	[sflag:s8] =	ssyncset.s32 @!p0 $0xFFFFF086;
	s6 =	sadd.s32 @!p0 s3, s7;
	s7 =	simm.s32 @!p0 $0x108  }
0x21: {  	s3 =	sadd.s32 s3, s9;
	s6 =	sadd.s32 @!p0 $0x88, s6;
	s7 =	simm.s32 @p2 $0x1082  }
0x22: {  	[simem:s7], [sflag:s8] =	dma.local @!p0 [hbm:s6], $0xF7A  }
0x23: {  	s9 =	sor.u32 $0xD0000000, s2;
	s6 =	simm.s32 $0x108;
	_ =	swait.ge @!p0 [sflag:s8], $0x0  }
0x24: {  	s3 =	sadd.s32 $0x88, s3;
	s6 =	simm.s32 @!p1 $0x1082;
	[sflag:s4] =	ssyncset.s32 $0xFFFFF086  }
0x25: {  	[simem:s6], [sflag:s4] =	dma.local [hbm:s3], $0xF7A  }
0x26: {  	[smem:$0x3F9C] =	sst s1;
	(tag) =	ssettag s2;
	_ =	strace s9  }
0x27: {  	s1 =	sld [smem:$0x3FAC]  }
0x28: {  	s2 =	sld [smem:$0x3FAD]  }
0x29: {  	s4 =	sld [smem:$0x3FAF]  }
0x2a: {  	p0 =	seq.s32 s5, $0x0;
	s5 =	sld [smem:$0x3FB0]  }
0x2b: {  	s6 =	sld [smem:$0x3FB1]  }
0x2c: {  	s7 =	sld [smem:$0x3FB2]  }
0x2d: {  	s3 =	simm.s32 $0x108;
	s8 =	sld [smem:$0x3FB3]  }
0x2e: {  	s3 =	simm.s32 @!p0 $0x1082;
	s9 =	sld [smem:$0x3FB4]  }
0x2f: {  	lr =	sadd.s32 s0, s3;
	s0 =	sld [smem:$0x3FAB]  }
0x30: {  	s3 =	sld [smem:$0x3FAE]  }
0x31: {  	[smem:$0x3FB7] =	sst s10  }
0x32: {  	s10 =	sld [smem:$0x3FB5];
	_ =	sdelay $0x3  }
0x33: {  	p0 =	seq.s32 s10, $0x1;
	s10 =	sld [smem:$0x3FB7];
	_ =	sdelay $0x3  }
0x34: {  	[smem:$0x3FB7] =	sst s10  }
0x35: {  	s10 =	sld [smem:$0x3FB6];
	_ =	sdelay $0x3  }
0x36: {  	p1 =	seq.s32 s10, $0x1;
	s10 =	sld [smem:$0x3FB7];
	_ =	sdelay $0x3  }
0x37: {  	[smem:$0x3FB7] =	sst s10  }
0x38: {  	s10 =	sld [smem:$0x3FB8]  }
0x39: {  	_ = 	snop;
	(pc) =	sbr.ind lr, $3  }
0x3a: {  	_ = 	snop  }
0x3b: {  	_ = 	snop  }
0x3c: {  	p2 =	seq.s32 s10, $0x1;
	s10 =	sld [smem:$0x3FB7]  }
0x3d: {  	_ =	shalt  }
0x3e: {  	_ =	shalt  }
0x3f: {  	_ =	shalt  }
0x40: {  	_ =	shalt  }
0x41: {  	_ =	shalt  }
0x42: {  	_ =	shalt  }
0x43: {  	_ =	shalt  }
0x44: {  	_ =	shalt  }
0x45: {  	_ =	shalt  }
0x46: {  	_ =	shalt  }
0x47: {  	_ =	shalt  }
0x48: {  	_ =	shalt  }
0x49: {  	_ =	shalt  }
0x4a: {  	_ =	shalt  }
0x4b: {  	_ =	shalt  }
0x4c: {  	_ =	shalt  }
0x4d: {  	_ =	shalt  }
0x4e: {  	_ =	shalt  }
0x4f: {  	_ =	shalt  }
0x50: {  	_ =	shalt  }
0x51: {  	_ =	shalt  }
0x52: {  	_ =	shalt  }
0x53: {  	_ =	shalt  }
0x54: {  	_ =	shalt  }
0x55: {  	_ =	shalt  }
0x56: {  	_ =	shalt  }
0x57: {  	_ =	shalt  }
0x58: {  	_ =	shalt  }
0x59: {  	_ =	shalt  }
0x5a: {  	_ =	shalt  }
0x5b: {  	_ =	shalt  }
0x5c: {  	_ =	shalt  }
0x5d: {  	_ =	shalt  }
0x5e: {  	_ =	shalt  }
0x5f: {  	_ =	shalt  }
0x60: {  	_ =	shalt  }
0x61: {  	_ =	shalt  }
0x62: {  	_ =	shalt  }
0x63: {  	_ =	shalt  }
0x64: {  	_ =	shalt  }
0x65: {  	_ =	shalt  }
0x66: {  	_ =	shalt  }
0x67: {  	_ =	shalt  }
0x68: {  	_ =	shalt  }
0x69: {  	_ =	shalt  }
0x6a: {  	_ =	shalt  }
0x6b: {  	_ =	shalt  }
0x6c: {  	_ =	shalt  }
0x6d: {  	_ =	shalt  }
0x6e: {  	_ =	shalt  }
0x6f: {  	_ =	shalt  }
0x70: {  	_ =	shalt  }
0x71: {  	_ =	shalt  }
0x72: {  	_ =	shalt  }
0x73: {  	_ =	shalt  }
0x74: {  	_ =	shalt  }
0x75: {  	_ =	shalt  }
0x76: {  	_ =	shalt  }
0x77: {  	_ =	shalt  }
0x78: {  	_ =	shalt  }
0x79: {  	_ =	shalt  }
0x7a: {  	_ =	shalt  }
0x7b: {  	_ =	shalt  }
0x7c: {  	_ =	shalt  }
0x7d: {  	_ =	shalt  }
0x7e: {  	_ =	shalt  }
0x7f: {  	_ =	shalt  }
0x80: {  	_ =	shalt  }
0x81: {  	_ =	shalt  }
0x82: {  	_ =	shalt  }
0x83: {  	_ =	shalt  }
0x84: {  	_ =	shalt  }
0x85: {  	_ =	shalt  }
0x86: {  	_ =	shalt  }
0x87: {  	_ =	shalt  }
.Lfunc_end0:
.L_simem_size_0:
called_computation_lowered:
.L_overlay_start_0:
0x88: {  	s2 =	sld [smem:$0x3FD9]  }
0x89: {  	s3 =	sld [smem:$0x3FFE];
	_ =	sdelay $0x1  }
0x8a: {  	s1 =	srdreg.scid  }
0x8b: {  	s0 =	sand.u32 $0x1, s1  }
0x8c: {  	s17 =	sshll.u32 s0, $0xA;
	s2 =	sadd.s32 s3, s2  }
0x8d: {  	s2 =	sadd.s32 s2, s17  }
0x8e: {  	[smem:$0x3FC3] =	sst s2  }
0x8f: {  	_ = 	snop  }
0x90: {  	s2 =	sld [smem:$0x3FC9]  }
0x91: {  	s18 =	sld [smem:$0x3FD0];
	(tm) =	ssettm $0x1  }
0x92: {  	s4 =	sld [smem:$0x3FFB];
	_ =	sdelay $0x3  }
0x93: {  	_ =	strace s4  }
0x94: {  	s4 =	sld [smem:$0x3FFC];
	_ =	sdelay $0x3  }
0x95: {  	_ =	strace s4  }
0x96: {  	s4 =	sld [smem:$0x3FFD];
	_ =	sdelay $0x3  }
0x97: {  	_ =	strace s4  }
0x98: {  	_ =	strace $0x8FFFFFFF  }
0x99: {  	s19 =	sld [smem:$0x3FDB];
	_ =	sdelay $0x1  }
0x9a: {  	s5 =	simm.s32 $_scs_section_size  }
0x9b: {  	s6 =	simm.s32 $_size__tile_overlayer_lowered;
	s7 =	simm.s32 $_tile_overlayer_lowered  }
0x9c: {  	s22 =	simm.s32 $0x1BFF;
	s21 =	sshll.u32 s7, $0x1;
	s4 =	sadd.s32 s5, s19  }
0x9d: {  	s8 =	simm.s32 $0x0;
	s20 =	sshll.u32 s6, $0x1;
	s6 =	sadd.s32 s21, s4  }
0x9e: {  	[timem:s8], [sflag:s22] =	dma.local [hbm:s6], s20  }
0x9f: {  	_ =	swait.ge [sflag:s22], s20  }
0xa0: {  	s5 =	ssub.s32 $0x0, s20;
	[sflag:s22] =	ssyncset.done $0x0  }
0xa1: {  	[sflag:s22] =	ssyncadd.s32 s5;
	_ =	sdelay $0x1  }
0xa2: {  	s23 =	simm.s32 $0x1B8B  }
0xa3: {  	_ =	swait.ge [sflag:s23], $0x1  }
0xa4: {  	[sflag:s23] =	ssyncset.done $0x0  }
0xa5: {  	s25 =	simm.s32 $0x1B8E;
	s24 =	sld [smem:$0x3FFE];
	[sflag:s23] =	ssyncadd.s32 $0xFFFFFFFF  }
0xa6: {  	s26 =	simm.s32 $execute0_lowered;
	[smem:$0x3FD2] =	sst s25  }
0xa7: {  	s6 =	sshll.u32 s26, $0x1;
	_ =	strace $0x80000046;
	[dreg:$0x1] =	wrdreg $0xFFFFFFFF  }
0xa8: {  	s28 =	simm.s32 $_size_execute0_lowered;
	s4 =	sadd.s32 s4, s6;
	[dreg:$0x0] =	wrdreg $0x0  }
0xa9: {  	s6 =	sshll.u32 s28, $0x1;
	[dreg:$0x2] =	wrdreg s4  }
0xaa: {  	[dreg:$0x3] =	wrdreg s6  }
0xab: {  	[dreg:$0x4] =	wrdreg $0xC0  }
0xac: {  	_ =	task [dreg:s8], $0x5FFFF  }
0xad: {  	[dreg:$0x1] =	wrdreg $0xFFFFFFFF  }
0xae: {  	[dreg:$0x0] =	wrdreg $0x60  }
0xaf: {  	[dreg:$0x2] =	wrdreg s2  }
0xb0: {  	[dreg:$0x3] =	wrdreg s24  }
0xb1: {  	[dreg:$0x4] =	wrdreg s18  }
0xb2: {  	[dreg:$0x5] =	wrdreg $0x9  }
0xb3: {  	_ =	task.clear_ibuf [dreg:s8], $0x6FFFF;
	_ =	strace $0x90000046  }
0xb4: {  	s29 =	simm.s32 $0x9;
	_ =	strace $0x80000048  }
0xb5: {  	_ =	swait.ge [sflag:s29], $0x1  }
0xb6: {  	[sflag:s29] =	ssyncadd.s32 $0xFFFFFFFF  }
0xb7: {  	_ =	strace $0x90000048  }
0xb8: {  	_ =	sfence  }
0xb9: {  	s30 =	sld [smem:$0x0];
	_ =	sdelay $0x2  }
0xba: {  	s31 =	sshll.u32 s1, $0xD;
	s1 =	sshrl.u32 s1, $0x2  }
0xbb: {  	s3 =	sand.u32 $0x4000, s31;
	s1 =	sadd.s32 s1, s30  }
0xbc: {  	s0 =	sor.u32 s3, s0;
	s1 =	sshll.u32 s1, $0x11  }
0xbd: {  	s0 =	sor.u32 s1, s0  }
0xbe: {  	s0 =	sadd.s32 $0x8F2B, s0  }
0xbf: {  	[sflag:s0] =	ssyncadd.remote.s32 $0x1  }
0xc0: {  	_ =	sfence.sel $0xFFFF  }
0xc1: {  	[dreg:$0x0] =	wrdreg $0xFFFFFFFF;
	(pc) =	sbr.abs _section_cstart, $3  }
0xc2: {  	[dreg:$0x1] =	wrdreg $0xFFFFFFFF  }
0xc3: {  	_ =	task.clear_ibuf [dreg:s8], $0x2FFFF;
	_ =	strace $0x9FFFFFFF  }
0xc4: {  	(tm) =	ssettm $0x7FFFFFFF  }
0xc5: {  	_ =	shalt  }
tec
execute0_lowered:
.L_overlay_start_1:
0x0: {  	(tag) =	ssettag $0x1  }
0x1: {  	v0 =	vlaneseq.u32  }
0x2: {  	v0 =	vmul.u32 $0x20, v0;
	_ =	sdelay $0x1  }
0x3: {  	v1 =	vor.u32 $0x200, v0  }
0x4: {  	v2 =	vor.u32 $0x400, v0;
	v3 =	vor.u32 $0x600, v0;
	v4 =	vor.u32 $0x800, v0  }
0x5: {  	v5 =	vor.u32 $0xA00, v0;
	v6 =	vor.u32 $0xC00, v0;
	v7 =	vor.u32 $0xE00, v0  }
0x6: {  	s0 =	rddreg [dreg:$0x0];
	v8 =	vor.u32 $0x1000, v0;
	v9 =	vor.u32 $0x1200, v0;
	v10 =	vor.u32 $0x1400, v0  }
0x7: {  	s1 =	rddreg [dreg:$0x1];
	v11 =	vor.u32 $0x1600, v0;
	v12 =	vor.u32 $0x1800, v0;
	v13 =	vor.u32 $0x1A00, v0  }
0x8: {  	s7 =	rddreg [dreg:$0x2];
	v14 =	vor.u32 $0x1C00, v0;
	v15 =	vor.u32 $0x1E00, v0;
	v16 =	vor.u32 $0x2000, v0  }
0x9: {  	s2 =	srdreg.scid;
	s4 =	stileid.u32;
	s10 =	simm.s32 $0x1000;
	v17 =	vor.u32 $0x2200, v0;
	v18 =	vor.u32 $0x2400, v0;
	v19 =	vor.u32 $0x2600, v0  }
0xa: {  	s11 =	simm.s32 $0x2;
	s12 =	simm.s32 $0xA00;
	s13 =	simm.s32 $0xA80;
	v20 =	vor.u32 $0x2800, v0;
	v21 =	vor.u32 $0x2A00, v0;
	v22 =	vor.u32 $0x2C00, v0  }
0xb: {  	s14 =	simm.s32 $0x1A80;
	s16 =	simm.s32 $0x2A80;
	s18 =	simm.s32 $0x3A80;
	v23 =	vor.u32 $0x2E00, v0;
	v24 =	vor.u32 $0x3000, v0;
	v25 =	vor.u32 $0x3200, v0  }
0xc: {  	s20 =	simm.s32 $0x4A80;
	s22 =	simm.s32 $0x5A80;
	s24 =	simm.s32 $0x6A80;
	v26 =	vor.u32 $0x3400, v0;
	v27 =	vor.u32 $0x3600, v0;
	v28 =	vor.u32 $0x3800, v0  }
0xd: {  	s25 =	simm.s32 $0x1;
	s15 =	simm.s32 $0x700;
	s17 =	simm.s32 $0x780;
	v29 =	vor.u32 $0x3A00, v0;
	v30 =	vor.u32 $0x3C00, v0;
	v31 =	vor.u32 $0x3E00, v0  }
0xe: {  	s19 =	simm.s32 $0x800;
	s21 =	simm.s32 $0x880;
	s23 =	simm.s32 $0x900;
	v32 =	vor.u32 $0x4000, v0;
	v33 =	vor.u32 $0x4200, v0;
	v34 =	vor.u32 $0x4400, v0  }
0xf: {  	s26 =	simm.s32 $0x980;
	s28 =	simm.s32 $0x7A80;
	s3 =	sand.u32 $0x1, s2;
	v35 =	vor.u32 $0x4600, v0;
	v36 =	vor.u32 $0x4800, v0;
	v37 =	vor.u32 $0x4A00, v0  }
0x10: {  	s2 =	simm.s32 $0x0;
	s4 =	sshll.u32 s4, $0x5;
	s5 =	sshll.u32 s3, $0x4;
	v38 =	vor.u32 $0x4C00, v0;
	v39 =	vor.u32 $0x4E00, v0;
	v40 =	vor.u32 $0x5000, v0  }
0x11: {  	[smem:$0x7FF] =	sst s2;
	s30 =	ssub.s32 $0x2, s3;
	s3 =	sadd.s32 $0xF4A200, s1;
	v41 =	vor.u32 $0x5200, v0;
	v42 =	vor.u32 $0x5400, v0;
	v43 =	vor.u32 $0x5600, v0  }
0x12: {  	s29 =	simm.s32 $0x0;
	s8 =	sor.u32 s5, s4;
	_ =	strace $0x80000047;
	v44 =	vor.u32 $0x5800, v0;
	v45 =	vor.u32 $0x5A00, v0;
	v46 =	vor.u32 $0x5C00, v0  }
0x13: {  	s9 =	sshrl.u32 s30, $0x1;
	s4 =	sadd.s32 $0x7E00, s1;
	v47 =	vor.u32 $0x5E00, v0;
	v48 =	vor.u32 $0x6000, v0;
	v49 =	vor.u32 $0x6200, v0;
	s6 =	sadd.s32 s8, s1  }
0x14: {  	v50 =	vor.u32 $0x6400, v0;
	v51 =	vor.u32 $0x6600, v0;
	v52 =	vor.u32 $0x6800, v0;
	s31 =	ssub.s32 s30, s9;
	s7 =	sadd.s32 s7, s8;
	s9 =	simm.s32 $0x80  }
0x15: {  	v53 =	vor.u32 $0x6A00, v0;
	v54 =	vor.u32 $0x6C00, v0;
	v55 =	vor.u32 $0x6E00, v0;
	s5 =	sadd.s32 $0x5600, s6;
	s6 =	sadd.s32 s0, s8;
	s8 =	smax.u32 s31, $0x1  }
.LBB2_1:
0x16: {  	[tilespmem:s2], [sflag:$0x2] =	stream.strided.gather [hbm4b:s5+s9], $0xA00, s10, s9, $0x38;
	[tilespmem:$0x1CA80] =	vst v63  }
0x17: {  	_ =	swait.ge [sflag:s11], $0xA00  }
0x18: {  	[sflag:s11] =	ssyncset.done $0x0  }
0x19: {  	[sflag:s11] =	ssyncadd.s32 $0xFFFFF600  }
0x1a: {  	[tilespmem:s12], [sflag:$0x2] =	stream.linear.gather [hbm4b:s6+s2], $0x80, $0x38;
	[tilespmem:$0x1CA80] =	vst v63  }
0x1b: {  	_ =	swait.ge [sflag:s11], $0x80  }
0x1c: {  	[sflag:s11] =	ssyncset.done $0x0  }
0x1d: {  	[sflag:s11] =	ssyncadd.s32 $0xFFFFFF80  }
0x1e: {  	[tilespmem:s13], [sflag:$0x1] =	stream.indirect.gather [hbm4b:s4+s9], $0x20, s2, s9, $0xb8;
	[tilespmem:$0x1CA80] =	vst v63  }
0x1f: {  	_ = 	snop  }
0x20: {  	[tilespmem:s14], [sflag:$0x1] =	stream.indirect.gather [hbm4b:s4+s9], $0x20, s9, s9, $0xb8;
	[tilespmem:$0x1CA80] =	vst v63  }
0x21: {  	s0 =	simm.s32 $0x100  }
0x22: {  	[tilespmem:s16], [sflag:$0x1] =	stream.indirect.gather [hbm4b:s4+s9], $0x20, s0, s9, $0xb8;
	[tilespmem:$0x1CA80] =	vst v63  }
0x23: {  	s1 =	simm.s32 $0x180  }
0x24: {  	[tilespmem:s18], [sflag:$0x1] =	stream.indirect.gather [hbm4b:s4+s9], $0x20, s1, s9, $0xb8;
	[tilespmem:$0x1CA80] =	vst v63  }
0x25: {  	s1 =	simm.s32 $0x200  }
0x26: {  	[tilespmem:s20], [sflag:$0x1] =	stream.indirect.gather [hbm4b:s4+s9], $0x20, s1, s9, $0xb8;
	[tilespmem:$0x1CA80] =	vst v63  }
0x27: {  	s1 =	simm.s32 $0x280  }
0x28: {  	[tilespmem:s22], [sflag:$0x1] =	stream.indirect.gather [hbm4b:s4+s9], $0x20, s1, s9, $0xb8;
	[tilespmem:$0x1CA80] =	vst v63  }
0x29: {  	s1 =	simm.s32 $0x300  }
0x2a: {  	[tilespmem:s24], [sflag:$0x1] =	stream.indirect.gather [hbm4b:s4+s9], $0x20, s1, s9, $0xb8;
	[tilespmem:$0x1CA80] =	vst v63  }
0x2b: {  	_ =	swait.ge [sflag:s25], $0x1000  }
0x2c: {  	[sflag:s25] =	ssyncset.done $0x0  }
0x2d: {  	[sflag:s25] =	ssyncadd.s32 $0xFFFFF000  }
0x2e: {  	_ =	swait.ge [sflag:s25], $0x1000  }
0x2f: {  	[sflag:s25] =	ssyncset.done $0x0  }
0x30: {  	[sflag:s25] =	ssyncadd.s32 $0xFFFFF000  }
0x31: {  	_ =	swait.ge [sflag:s25], $0x1000  }
0x32: {  	[sflag:s25] =	ssyncset.done $0x0  }
0x33: {  	[sflag:s25] =	ssyncadd.s32 $0xFFFFF000  }
0x34: {  	_ =	swait.ge [sflag:s25], $0x1000  }
0x35: {  	[sflag:s25] =	ssyncset.done $0x0  }
0x36: {  	[sflag:s25] =	ssyncadd.s32 $0xFFFFF000  }
0x37: {  	v56 =	vmov s2;
	_ =	swait.ge [sflag:s25], $0x1000  }
0x38: {  	v56 =	vand.u32 $0x1F, v56;
	[sflag:s25] =	ssyncset.done $0x0  }
0x39: {  	v56 =	vbroadcast v56, $0x0;
	[sflag:s25] =	ssyncadd.s32 $0xFFFFF000  }
0x3a: {  	_ =	swait.ge [sflag:s25], $0x1000  }
0x3b: {  	v57 =	vor.u32 v0, v56;
	[sflag:s25] =	ssyncset.done $0x0  }
0x3c: {  	[sflag:s25] =	ssyncadd.s32 $0xFFFFF000  }
0x3d: {  	_ =	swait.ge [sflag:s25], $0x1000  }
0x3e: {  	[sflag:s25] =	ssyncset.done $0x0  }
0x3f: {  	[sflag:s25] =	ssyncadd.s32 $0xFFFFF000  }
0x40: {  	v57 =	vld.idx.msk [tilespmem:v57+s13+$0x0], $0xffff  }
0x41: {  	v58 =	vor.u32 v1, v56;
	_ =	sdelay $0x2  }
0x42: {  	s30 =	simm.s32 $0x0  }
0x43: {  	[tilespmem:s30+$0x7A80] =	vst v57  }
0x44: {  	v57 =	vld.idx.msk [tilespmem:v58+s13+$0x0], $0xffff  }
0x45: {  	v63 =	vor.u32 v2, v56;
	_ =	sdelay $0x3  }
0x46: {  	[tilespmem:s30+$0x7A90] =	vst v57  }
0x47: {  	v57 =	vld.idx.msk [tilespmem:v63+s13+$0x0], $0xffff  }
0x48: {  	v60 =	vor.u32 v3, v56;
	_ =	sdelay $0x3  }
0x49: {  	[tilespmem:s30+$0x7AA0] =	vst v57  }
0x4a: {  	v57 =	vld.idx.msk [tilespmem:v60+s13+$0x0], $0xffff  }
0x4b: {  	v61 =	vor.u32 v4, v56;
	_ =	sdelay $0x3  }
0x4c: {  	[tilespmem:s30+$0x7AB0] =	vst v57  }
0x4d: {  	v57 =	vld.idx.msk [tilespmem:v61+s13+$0x0], $0xffff  }
0x4e: {  	v62 =	vor.u32 v5, v56;
	_ =	sdelay $0x3  }
0x4f: {  	[tilespmem:s30+$0x7AC0] =	vst v57  }
0x50: {  	v57 =	vld.idx.msk [tilespmem:v62+s13+$0x0], $0xffff  }
0x51: {  	v63 =	vor.u32 v6, v56;
	_ =	sdelay $0x3  }
0x52: {  	[tilespmem:s30+$0x7AD0] =	vst v57  }
0x53: {  	v57 =	vld.idx.msk [tilespmem:v63+s13+$0x0], $0xffff  }
0x54: {  	v60 =	vor.u32 v7, v56;
	_ =	sdelay $0x3  }
0x55: {  	[tilespmem:s30+$0x7AE0] =	vst v57  }
0x56: {  	v57 =	vld.idx.msk [tilespmem:v60+s13+$0x0], $0xffff  }
0x57: {  	v61 =	vor.u32 v8, v56;
	_ =	sdelay $0x3  }
0x58: {  	[tilespmem:s30+$0x7AF0] =	vst v57  }
0x59: {  	v57 =	vld.idx.msk [tilespmem:v61+s13+$0x0], $0xffff  }
0x5a: {  	v62 =	vor.u32 v9, v56;
	_ =	sdelay $0x3  }
0x5b: {  	[tilespmem:s30+$0x8A80] =	vst v57  }
0x5c: {  	v57 =	vld.idx.msk [tilespmem:v62+s13+$0x0], $0xffff  }
0x5d: {  	v63 =	vor.u32 v10, v56;
	_ =	sdelay $0x3  }
0x5e: {  	[tilespmem:s30+$0x8A90] =	vst v57  }
0x5f: {  	v57 =	vld.idx.msk [tilespmem:v63+s13+$0x0], $0xffff  }
0x60: {  	v60 =	vor.u32 v11, v56;
	_ =	sdelay $0x3  }
0x61: {  	[tilespmem:s30+$0x8AA0] =	vst v57  }
0x62: {  	v57 =	vld.idx.msk [tilespmem:v60+s13+$0x0], $0xffff  }
0x63: {  	v61 =	vor.u32 v12, v56;
	_ =	sdelay $0x3  }
0x64: {  	[tilespmem:s30+$0x8AB0] =	vst v57  }
0x65: {  	v57 =	vld.idx.msk [tilespmem:v61+s13+$0x0], $0xffff  }
0x66: {  	v62 =	vor.u32 v13, v56;
	_ =	sdelay $0x3  }
0x67: {  	[tilespmem:s30+$0x8AC0] =	vst v57  }
0x68: {  	v57 =	vld.idx.msk [tilespmem:v62+s13+$0x0], $0xffff  }
0x69: {  	v63 =	vor.u32 v14, v56;
	_ =	sdelay $0x3  }
0x6a: {  	[tilespmem:s30+$0x8AD0] =	vst v57  }
0x6b: {  	v57 =	vld.idx.msk [tilespmem:v63+s13+$0x0], $0xffff  }
0x6c: {  	v60 =	vor.u32 v15, v56;
	_ =	sdelay $0x3  }
0x6d: {  	[tilespmem:s30+$0x8AE0] =	vst v57  }
0x6e: {  	v57 =	vld.idx.msk [tilespmem:v60+s13+$0x0], $0xffff  }
0x6f: {  	v61 =	vor.u32 v16, v56;
	_ =	sdelay $0x3  }
0x70: {  	[tilespmem:s30+$0x8AF0] =	vst v57  }
0x71: {  	v57 =	vld.idx.msk [tilespmem:v61+s13+$0x0], $0xffff  }
0x72: {  	v62 =	vor.u32 v17, v56;
	_ =	sdelay $0x3  }
0x73: {  	[tilespmem:s30+$0x9A80] =	vst v57  }
0x74: {  	v57 =	vld.idx.msk [tilespmem:v62+s13+$0x0], $0xffff  }
0x75: {  	v63 =	vor.u32 v18, v56;
	_ =	sdelay $0x3  }
0x76: {  	[tilespmem:s30+$0x9A90] =	vst v57  }
0x77: {  	v57 =	vld.idx.msk [tilespmem:v63+s13+$0x0], $0xffff  }
0x78: {  	v60 =	vor.u32 v19, v56;
	_ =	sdelay $0x3  }
0x79: {  	[tilespmem:s30+$0x9AA0] =	vst v57  }
0x7a: {  	v57 =	vld.idx.msk [tilespmem:v60+s13+$0x0], $0xffff  }
0x7b: {  	v61 =	vor.u32 v20, v56;
	_ =	sdelay $0x3  }
0x7c: {  	[tilespmem:s30+$0x9AB0] =	vst v57  }
0x7d: {  	v57 =	vld.idx.msk [tilespmem:v61+s13+$0x0], $0xffff  }
0x7e: {  	v62 =	vor.u32 v21, v56;
	_ =	sdelay $0x3  }
0x7f: {  	[tilespmem:s30+$0x9AC0] =	vst v57  }
0x80: {  	v57 =	vld.idx.msk [tilespmem:v62+s13+$0x0], $0xffff  }
0x81: {  	v63 =	vor.u32 v22, v56;
	_ =	sdelay $0x3  }
0x82: {  	[tilespmem:s30+$0x9AD0] =	vst v57  }
0x83: {  	v57 =	vld.idx.msk [tilespmem:v63+s13+$0x0], $0xffff  }
0x84: {  	v60 =	vor.u32 v23, v56;
	_ =	sdelay $0x3  }
0x85: {  	[tilespmem:s30+$0x9AE0] =	vst v57  }
0x86: {  	v57 =	vld.idx.msk [tilespmem:v60+s13+$0x0], $0xffff  }
0x87: {  	v61 =	vor.u32 v24, v56;
	_ =	sdelay $0x3  }
0x88: {  	[tilespmem:s30+$0x9AF0] =	vst v57  }
0x89: {  	v57 =	vld.idx.msk [tilespmem:v61+s13+$0x0], $0xffff  }
0x8a: {  	v62 =	vor.u32 v25, v56;
	_ =	sdelay $0x3  }
0x8b: {  	[tilespmem:s30+$0xAA80] =	vst v57  }
0x8c: {  	v57 =	vld.idx.msk [tilespmem:v62+s13+$0x0], $0xffff  }
0x8d: {  	v63 =	vor.u32 v26, v56;
	_ =	sdelay $0x3  }
0x8e: {  	[tilespmem:s30+$0xAA90] =	vst v57  }
0x8f: {  	v57 =	vld.idx.msk [tilespmem:v63+s13+$0x0], $0xffff  }
0x90: {  	v60 =	vor.u32 v27, v56;
	_ =	sdelay $0x3  }
0x91: {  	[tilespmem:s30+$0xAAA0] =	vst v57  }
0x92: {  	v57 =	vld.idx.msk [tilespmem:v60+s13+$0x0], $0xffff  }
0x93: {  	v61 =	vor.u32 v28, v56;
	_ =	sdelay $0x3  }
0x94: {  	[tilespmem:s30+$0xAAB0] =	vst v57  }
0x95: {  	v57 =	vld.idx.msk [tilespmem:v61+s13+$0x0], $0xffff  }
0x96: {  	v62 =	vor.u32 v29, v56;
	_ =	sdelay $0x3  }
0x97: {  	[tilespmem:s30+$0xAAC0] =	vst v57  }
0x98: {  	v57 =	vld.idx.msk [tilespmem:v62+s13+$0x0], $0xffff  }
0x99: {  	v63 =	vor.u32 v30, v56;
	_ =	sdelay $0x3  }
0x9a: {  	[tilespmem:s30+$0xAAD0] =	vst v57  }
0x9b: {  	v57 =	vld.idx.msk [tilespmem:v63+s13+$0x0], $0xffff  }
0x9c: {  	v60 =	vor.u32 v31, v56;
	_ =	sdelay $0x3  }
0x9d: {  	[tilespmem:s30+$0xAAE0] =	vst v57  }
0x9e: {  	v57 =	vld.idx.msk [tilespmem:v60+s13+$0x0], $0xffff  }
0x9f: {  	v61 =	vor.u32 v32, v56;
	_ =	sdelay $0x3  }
0xa0: {  	[tilespmem:s30+$0xAAF0] =	vst v57  }
0xa1: {  	v57 =	vld.idx.msk [tilespmem:v61+s13+$0x0], $0xffff  }
0xa2: {  	v62 =	vor.u32 v33, v56;
	_ =	sdelay $0x3  }
0xa3: {  	[tilespmem:s30+$0xBA80] =	vst v57  }
0xa4: {  	v57 =	vld.idx.msk [tilespmem:v62+s13+$0x0], $0xffff  }
0xa5: {  	v63 =	vor.u32 v34, v56;
	_ =	sdelay $0x3  }
0xa6: {  	[tilespmem:s30+$0xBA90] =	vst v57  }
0xa7: {  	v57 =	vld.idx.msk [tilespmem:v63+s13+$0x0], $0xffff  }
0xa8: {  	v60 =	vor.u32 v35, v56;
	_ =	sdelay $0x3  }
0xa9: {  	[tilespmem:s30+$0xBAA0] =	vst v57  }
0xaa: {  	v57 =	vld.idx.msk [tilespmem:v60+s13+$0x0], $0xffff  }
0xab: {  	v61 =	vor.u32 v36, v56;
	_ =	sdelay $0x3  }
0xac: {  	[tilespmem:s30+$0xBAB0] =	vst v57  }
0xad: {  	v57 =	vld.idx.msk [tilespmem:v61+s13+$0x0], $0xffff  }
0xae: {  	v62 =	vor.u32 v37, v56;
	_ =	sdelay $0x3  }
0xaf: {  	[tilespmem:s30+$0xBAC0] =	vst v57  }
0xb0: {  	v57 =	vld.idx.msk [tilespmem:v62+s13+$0x0], $0xffff  }
0xb1: {  	v63 =	vor.u32 v38, v56;
	_ =	sdelay $0x3  }
0xb2: {  	[tilespmem:s30+$0xBAD0] =	vst v57  }
0xb3: {  	v57 =	vld.idx.msk [tilespmem:v63+s13+$0x0], $0xffff  }
0xb4: {  	v60 =	vor.u32 v39, v56;
	_ =	sdelay $0x3  }
0xb5: {  	[tilespmem:s30+$0xBAE0] =	vst v57  }
0xb6: {  	v57 =	vld.idx.msk [tilespmem:v60+s13+$0x0], $0xffff  }
0xb7: {  	v61 =	vor.u32 v40, v56;
	_ =	sdelay $0x3  }
0xb8: {  	[tilespmem:s30+$0xBAF0] =	vst v57  }
0xb9: {  	v57 =	vld.idx.msk [tilespmem:v61+s13+$0x0], $0xffff  }
0xba: {  	v62 =	vor.u32 v41, v56;
	_ =	sdelay $0x3  }
0xbb: {  	[tilespmem:s30+$0xCA80] =	vst v57  }
0xbc: {  	v57 =	vld.idx.msk [tilespmem:v62+s13+$0x0], $0xffff  }
0xbd: {  	v63 =	vor.u32 v42, v56;
	_ =	sdelay $0x3  }
0xbe: {  	[tilespmem:s30+$0xCA90] =	vst v57  }
0xbf: {  	v57 =	vld.idx.msk [tilespmem:v63+s13+$0x0], $0xffff  }
0xc0: {  	v60 =	vor.u32 v43, v56;
	_ =	sdelay $0x3  }
0xc1: {  	[tilespmem:s30+$0xCAA0] =	vst v57  }
0xc2: {  	v57 =	vld.idx.msk [tilespmem:v60+s13+$0x0], $0xffff  }
0xc3: {  	v61 =	vor.u32 v44, v56;
	_ =	sdelay $0x3  }
0xc4: {  	[tilespmem:s30+$0xCAB0] =	vst v57  }
0xc5: {  	v57 =	vld.idx.msk [tilespmem:v61+s13+$0x0], $0xffff  }
0xc6: {  	v62 =	vor.u32 v45, v56;
	_ =	sdelay $0x3  }
0xc7: {  	[tilespmem:s30+$0xCAC0] =	vst v57  }
0xc8: {  	v57 =	vld.idx.msk [tilespmem:v62+s13+$0x0], $0xffff  }
0xc9: {  	v63 =	vor.u32 v46, v56;
	_ =	sdelay $0x3  }
0xca: {  	[tilespmem:s30+$0xCAD0] =	vst v57  }
0xcb: {  	v57 =	vld.idx.msk [tilespmem:v63+s13+$0x0], $0xffff  }
0xcc: {  	v60 =	vor.u32 v47, v56;
	_ =	sdelay $0x3  }
0xcd: {  	[tilespmem:s30+$0xCAE0] =	vst v57  }
0xce: {  	v57 =	vld.idx.msk [tilespmem:v60+s13+$0x0], $0xffff  }
0xcf: {  	v61 =	vor.u32 v48, v56;
	_ =	sdelay $0x3  }
0xd0: {  	[tilespmem:s30+$0xCAF0] =	vst v57  }
0xd1: {  	v57 =	vld.idx.msk [tilespmem:v61+s13+$0x0], $0xffff  }
0xd2: {  	v62 =	vor.u32 v49, v56;
	_ =	sdelay $0x3  }
0xd3: {  	[tilespmem:s30+$0xDA80] =	vst v57  }
0xd4: {  	v57 =	vld.idx.msk [tilespmem:v62+s13+$0x0], $0xffff  }
0xd5: {  	v63 =	vor.u32 v50, v56;
	_ =	sdelay $0x3  }
0xd6: {  	[tilespmem:s30+$0xDA90] =	vst v57  }
0xd7: {  	v57 =	vld.idx.msk [tilespmem:v63+s13+$0x0], $0xffff  }
0xd8: {  	v60 =	vor.u32 v51, v56;
	_ =	sdelay $0x3  }
0xd9: {  	[tilespmem:s30+$0xDAA0] =	vst v57  }
0xda: {  	v57 =	vld.idx.msk [tilespmem:v60+s13+$0x0], $0xffff  }
0xdb: {  	v61 =	vor.u32 v52, v56;
	_ =	sdelay $0x3  }
0xdc: {  	[tilespmem:s30+$0xDAB0] =	vst v57  }
0xdd: {  	v57 =	vld.idx.msk [tilespmem:v61+s13+$0x0], $0xffff  }
0xde: {  	v62 =	vor.u32 v53, v56;
	_ =	sdelay $0x3  }
0xdf: {  	[tilespmem:s30+$0xDAC0] =	vst v57  }
0xe0: {  	v57 =	vld.idx.msk [tilespmem:v62+s13+$0x0], $0xffff  }
0xe1: {  	v63 =	vor.u32 v54, v56;
	_ =	sdelay $0x3  }
0xe2: {  	[tilespmem:s30+$0xDAD0] =	vst v57  }
0xe3: {  	v58 =	vld.idx.msk [tilespmem:v63+s13+$0x0], $0xffff  }
0xe4: {  	v57 =	vor.u32 v55, v56;
	_ =	sdelay $0x1  }
0xe5: {  	s0 =	simm.s32 $0x1  }
0xe6: {  	s31 =	simm.s32 $0x200;
	s1 =	simm.s32 $0x400;
	v56 =	vmov s0  }
.LBB2_2:
0xe7: {  	p0 =	sne.s32 s1, $0x3E00;
	v56 =	vand.u32 $0x1F, v56;
	[tilespmem:s30+$0xDAE0] =	vst v58  }
0xe8: {  	v56 =	vbroadcast v56, $0x0;
	v57 =	vld.idx.msk [tilespmem:v57+s13+$0x0], $0xffff;
	_ =	sdelay $0x1  }
0xe9: {  	v58 =	vor.u32 v0, v56;
	_ =	sdelay $0x3  }
0xea: {  	[tilespmem:s30+$0xDAF0] =	vst v57  }
0xeb: {  	v57 =	vld.idx.msk [tilespmem:v58+s13+$0x0], $0xffff;
	_ =	sdelay $0x1  }
0xec: {  	v58 =	vor.u32 v1, v56;
	_ =	sdelay $0x2  }
0xed: {  	s30 =	sshra.s32 s31, $0x2;
	s31 =	smov.u32 s1  }
0xee: {  	[tilespmem:s30+$0x7A80] =	vst v57  }
0xef: {  	v57 =	vld.idx.msk [tilespmem:v58+s13+$0x0], $0xffff;
	_ =	sdelay $0x1  }
0xf0: {  	v58 =	vor.u32 v2, v56;
	_ =	sdelay $0x3  }
0xf1: {  	[tilespmem:s30+$0x7A90] =	vst v57  }
0xf2: {  	v57 =	vld.idx.msk [tilespmem:v58+s13+$0x0], $0xffff;
	_ =	sdelay $0x1  }
0xf3: {  	v58 =	vor.u32 v3, v56;
	_ =	sdelay $0x3  }
0xf4: {  	[tilespmem:s30+$0x7AA0] =	vst v57  }
0xf5: {  	v57 =	vld.idx.msk [tilespmem:v58+s13+$0x0], $0xffff;
	_ =	sdelay $0x1  }
0xf6: {  	v58 =	vor.u32 v4, v56;
	_ =	sdelay $0x3  }
0xf7: {  	[tilespmem:s30+$0x7AB0] =	vst v57  }
0xf8: {  	v57 =	vld.idx.msk [tilespmem:v58+s13+$0x0], $0xffff;
	_ =	sdelay $0x1  }
0xf9: {  	v58 =	vor.u32 v5, v56;
	_ =	sdelay $0x3  }
0xfa: {  	[tilespmem:s30+$0x7AC0] =	vst v57  }
0xfb: {  	v57 =	vld.idx.msk [tilespmem:v58+s13+$0x0], $0xffff;
	_ =	sdelay $0x1  }
0xfc: {  	v58 =	vor.u32 v6, v56;
	_ =	sdelay $0x3  }
0xfd: {  	[tilespmem:s30+$0x7AD0] =	vst v57  }
0xfe: {  	v57 =	vld.idx.msk [tilespmem:v58+s13+$0x0], $0xffff;
	_ =	sdelay $0x1  }
0xff: {  	v58 =	vor.u32 v7, v56;
	_ =	sdelay $0x3  }
0x100: {  	[tilespmem:s30+$0x7AE0] =	vst v57  }
0x101: {  	v57 =	vld.idx.msk [tilespmem:v58+s13+$0x0], $0xffff;
	_ =	sdelay $0x1  }
0x102: {  	v58 =	vor.u32 v8, v56;
	_ =	sdelay $0x3  }
0x103: {  	[tilespmem:s30+$0x7AF0] =	vst v57  }
0x104: {  	v57 =	vld.idx.msk [tilespmem:v58+s13+$0x0], $0xffff;
	_ =	sdelay $0x1  }
0x105: {  	v58 =	vor.u32 v9, v56;
	_ =	sdelay $0x3  }
0x106: {  	[tilespmem:s30+$0x8A80] =	vst v57  }
0x107: {  	v57 =	vld.idx.msk [tilespmem:v58+s13+$0x0], $0xffff;
	_ =	sdelay $0x1  }
0x108: {  	v58 =	vor.u32 v10, v56;
	_ =	sdelay $0x3  }
0x109: {  	[tilespmem:s30+$0x8A90] =	vst v57  }
0x10a: {  	v57 =	vld.idx.msk [tilespmem:v58+s13+$0x0], $0xffff;
	_ =	sdelay $0x1  }
0x10b: {  	v58 =	vor.u32 v11, v56;
	_ =	sdelay $0x3  }
0x10c: {  	[tilespmem:s30+$0x8AA0] =	vst v57  }
0x10d: {  	v57 =	vld.idx.msk [tilespmem:v58+s13+$0x0], $0xffff;
	_ =	sdelay $0x1  }
0x10e: {  	v58 =	vor.u32 v12, v56;
	_ =	sdelay $0x3  }
0x10f: {  	[tilespmem:s30+$0x8AB0] =	vst v57  }
0x110: {  	v57 =	vld.idx.msk [tilespmem:v58+s13+$0x0], $0xffff;
	_ =	sdelay $0x1  }
0x111: {  	v58 =	vor.u32 v13, v56;
	_ =	sdelay $0x3  }
0x112: {  	[tilespmem:s30+$0x8AC0] =	vst v57  }
0x113: {  	v57 =	vld.idx.msk [tilespmem:v58+s13+$0x0], $0xffff;
	_ =	sdelay $0x1  }
0x114: {  	v58 =	vor.u32 v14, v56;
	_ =	sdelay $0x3  }
0x115: {  	[tilespmem:s30+$0x8AD0] =	vst v57  }
0x116: {  	v57 =	vld.idx.msk [tilespmem:v58+s13+$0x0], $0xffff;
	_ =	sdelay $0x1  }
0x117: {  	v58 =	vor.u32 v15, v56;
	_ =	sdelay $0x3  }
0x118: {  	[tilespmem:s30+$0x8AE0] =	vst v57  }
0x119: {  	v57 =	vld.idx.msk [tilespmem:v58+s13+$0x0], $0xffff;
	_ =	sdelay $0x1  }
0x11a: {  	v58 =	vor.u32 v16, v56;
	_ =	sdelay $0x3  }
0x11b: {  	[tilespmem:s30+$0x8AF0] =	vst v57  }
0x11c: {  	v57 =	vld.idx.msk [tilespmem:v58+s13+$0x0], $0xffff;
	_ =	sdelay $0x1  }
0x11d: {  	v58 =	vor.u32 v17, v56;
	_ =	sdelay $0x3  }
0x11e: {  	[tilespmem:s30+$0x9A80] =	vst v57  }
0x11f: {  	v57 =	vld.idx.msk [tilespmem:v58+s13+$0x0], $0xffff;
	_ =	sdelay $0x1  }
0x120: {  	v58 =	vor.u32 v18, v56;
	_ =	sdelay $0x3  }
0x121: {  	[tilespmem:s30+$0x9A90] =	vst v57  }
0x122: {  	v57 =	vld.idx.msk [tilespmem:v58+s13+$0x0], $0xffff;
	_ =	sdelay $0x1  }
0x123: {  	v58 =	vor.u32 v19, v56;
	_ =	sdelay $0x3  }
0x124: {  	[tilespmem:s30+$0x9AA0] =	vst v57  }
0x125: {  	v57 =	vld.idx.msk [tilespmem:v58+s13+$0x0], $0xffff;
	_ =	sdelay $0x1  }
0x126: {  	v58 =	vor.u32 v20, v56;
	_ =	sdelay $0x3  }
0x127: {  	[tilespmem:s30+$0x9AB0] =	vst v57  }
0x128: {  	v57 =	vld.idx.msk [tilespmem:v58+s13+$0x0], $0xffff;
	_ =	sdelay $0x1  }
0x129: {  	v58 =	vor.u32 v21, v56;
	_ =	sdelay $0x3  }
0x12a: {  	[tilespmem:s30+$0x9AC0] =	vst v57  }
0x12b: {  	v57 =	vld.idx.msk [tilespmem:v58+s13+$0x0], $0xffff;
	_ =	sdelay $0x1  }
0x12c: {  	v58 =	vor.u32 v22, v56;
	_ =	sdelay $0x3  }
0x12d: {  	[tilespmem:s30+$0x9AD0] =	vst v57  }
0x12e: {  	v57 =	vld.idx.msk [tilespmem:v58+s13+$0x0], $0xffff;
	_ =	sdelay $0x1  }
0x12f: {  	v58 =	vor.u32 v23, v56;
	_ =	sdelay $0x3  }
0x130: {  	[tilespmem:s30+$0x9AE0] =	vst v57  }
0x131: {  	v57 =	vld.idx.msk [tilespmem:v58+s13+$0x0], $0xffff;
	_ =	sdelay $0x1  }
0x132: {  	v58 =	vor.u32 v24, v56;
	_ =	sdelay $0x3  }
0x133: {  	[tilespmem:s30+$0x9AF0] =	vst v57  }
0x134: {  	v57 =	vld.idx.msk [tilespmem:v58+s13+$0x0], $0xffff;
	_ =	sdelay $0x1  }
0x135: {  	v58 =	vor.u32 v25, v56;
	_ =	sdelay $0x3  }
0x136: {  	[tilespmem:s30+$0xAA80] =	vst v57  }
0x137: {  	v57 =	vld.idx.msk [tilespmem:v58+s13+$0x0], $0xffff;
	_ =	sdelay $0x1  }
0x138: {  	v58 =	vor.u32 v26, v56;
	_ =	sdelay $0x3  }
0x139: {  	[tilespmem:s30+$0xAA90] =	vst v57  }
0x13a: {  	v57 =	vld.idx.msk [tilespmem:v58+s13+$0x0], $0xffff;
	_ =	sdelay $0x1  }
0x13b: {  	v58 =	vor.u32 v27, v56;
	_ =	sdelay $0x3  }
0x13c: {  	[tilespmem:s30+$0xAAA0] =	vst v57  }
0x13d: {  	v57 =	vld.idx.msk [tilespmem:v58+s13+$0x0], $0xffff;
	_ =	sdelay $0x1  }
0x13e: {  	v58 =	vor.u32 v28, v56;
	_ =	sdelay $0x3  }
0x13f: {  	[tilespmem:s30+$0xAAB0] =	vst v57  }
0x140: {  	v57 =	vld.idx.msk [tilespmem:v58+s13+$0x0], $0xffff;
	_ =	sdelay $0x1  }
0x141: {  	v58 =	vor.u32 v29, v56;
	_ =	sdelay $0x3  }
0x142: {  	[tilespmem:s30+$0xAAC0] =	vst v57  }
0x143: {  	v57 =	vld.idx.msk [tilespmem:v58+s13+$0x0], $0xffff;
	_ =	sdelay $0x1  }
0x144: {  	v58 =	vor.u32 v30, v56;
	_ =	sdelay $0x3  }
0x145: {  	[tilespmem:s30+$0xAAD0] =	vst v57  }
0x146: {  	v57 =	vld.idx.msk [tilespmem:v58+s13+$0x0], $0xffff;
	_ =	sdelay $0x1  }
0x147: {  	v58 =	vor.u32 v31, v56;
	_ =	sdelay $0x3  }
0x148: {  	[tilespmem:s30+$0xAAE0] =	vst v57  }
0x149: {  	v57 =	vld.idx.msk [tilespmem:v58+s13+$0x0], $0xffff;
	_ =	sdelay $0x1  }
0x14a: {  	v58 =	vor.u32 v32, v56;
	_ =	sdelay $0x3  }
0x14b: {  	[tilespmem:s30+$0xAAF0] =	vst v57  }
0x14c: {  	v57 =	vld.idx.msk [tilespmem:v58+s13+$0x0], $0xffff;
	_ =	sdelay $0x1  }
0x14d: {  	v58 =	vor.u32 v33, v56;
	_ =	sdelay $0x3  }
0x14e: {  	[tilespmem:s30+$0xBA80] =	vst v57  }
0x14f: {  	v57 =	vld.idx.msk [tilespmem:v58+s13+$0x0], $0xffff;
	_ =	sdelay $0x1  }
0x150: {  	v58 =	vor.u32 v34, v56;
	_ =	sdelay $0x3  }
0x151: {  	[tilespmem:s30+$0xBA90] =	vst v57  }
0x152: {  	v57 =	vld.idx.msk [tilespmem:v58+s13+$0x0], $0xffff;
	_ =	sdelay $0x1  }
0x153: {  	v58 =	vor.u32 v35, v56;
	_ =	sdelay $0x3  }
0x154: {  	[tilespmem:s30+$0xBAA0] =	vst v57  }
0x155: {  	v57 =	vld.idx.msk [tilespmem:v58+s13+$0x0], $0xffff;
	_ =	sdelay $0x1  }
0x156: {  	v58 =	vor.u32 v36, v56;
	_ =	sdelay $0x3  }
0x157: {  	[tilespmem:s30+$0xBAB0] =	vst v57  }
0x158: {  	v57 =	vld.idx.msk [tilespmem:v58+s13+$0x0], $0xffff;
	_ =	sdelay $0x1  }
0x159: {  	v58 =	vor.u32 v37, v56;
	_ =	sdelay $0x3  }
0x15a: {  	[tilespmem:s30+$0xBAC0] =	vst v57  }
0x15b: {  	v57 =	vld.idx.msk [tilespmem:v58+s13+$0x0], $0xffff;
	_ =	sdelay $0x1  }
0x15c: {  	v58 =	vor.u32 v38, v56;
	_ =	sdelay $0x3  }
0x15d: {  	[tilespmem:s30+$0xBAD0] =	vst v57  }
0x15e: {  	v57 =	vld.idx.msk [tilespmem:v58+s13+$0x0], $0xffff;
	_ =	sdelay $0x1  }
0x15f: {  	v58 =	vor.u32 v39, v56;
	_ =	sdelay $0x3  }
0x160: {  	[tilespmem:s30+$0xBAE0] =	vst v57  }
0x161: {  	v57 =	vld.idx.msk [tilespmem:v58+s13+$0x0], $0xffff;
	_ =	sdelay $0x1  }
0x162: {  	v58 =	vor.u32 v40, v56;
	_ =	sdelay $0x3  }
0x163: {  	[tilespmem:s30+$0xBAF0] =	vst v57  }
0x164: {  	v57 =	vld.idx.msk [tilespmem:v58+s13+$0x0], $0xffff;
	_ =	sdelay $0x1  }
0x165: {  	v58 =	vor.u32 v41, v56;
	_ =	sdelay $0x3  }
0x166: {  	[tilespmem:s30+$0xCA80] =	vst v57  }
0x167: {  	v57 =	vld.idx.msk [tilespmem:v58+s13+$0x0], $0xffff;
	_ =	sdelay $0x1  }
0x168: {  	v58 =	vor.u32 v42, v56;
	_ =	sdelay $0x3  }
0x169: {  	[tilespmem:s30+$0xCA90] =	vst v57  }
0x16a: {  	v57 =	vld.idx.msk [tilespmem:v58+s13+$0x0], $0xffff;
	_ =	sdelay $0x1  }
0x16b: {  	v58 =	vor.u32 v43, v56;
	_ =	sdelay $0x3  }
0x16c: {  	[tilespmem:s30+$0xCAA0] =	vst v57  }
0x16d: {  	v57 =	vld.idx.msk [tilespmem:v58+s13+$0x0], $0xffff;
	_ =	sdelay $0x1  }
0x16e: {  	v58 =	vor.u32 v44, v56;
	_ =	sdelay $0x3  }
0x16f: {  	[tilespmem:s30+$0xCAB0] =	vst v57  }
0x170: {  	v57 =	vld.idx.msk [tilespmem:v58+s13+$0x0], $0xffff;
	_ =	sdelay $0x1  }
0x171: {  	v58 =	vor.u32 v45, v56;
	_ =	sdelay $0x3  }
0x172: {  	[tilespmem:s30+$0xCAC0] =	vst v57  }
0x173: {  	v57 =	vld.idx.msk [tilespmem:v58+s13+$0x0], $0xffff;
	_ =	sdelay $0x1  }
0x174: {  	v58 =	vor.u32 v46, v56;
	_ =	sdelay $0x3  }
0x175: {  	[tilespmem:s30+$0xCAD0] =	vst v57  }
0x176: {  	v57 =	vld.idx.msk [tilespmem:v58+s13+$0x0], $0xffff;
	_ =	sdelay $0x1  }
0x177: {  	v58 =	vor.u32 v47, v56;
	_ =	sdelay $0x3  }
0x178: {  	[tilespmem:s30+$0xCAE0] =	vst v57  }
0x179: {  	v57 =	vld.idx.msk [tilespmem:v58+s13+$0x0], $0xffff;
	_ =	sdelay $0x1  }
0x17a: {  	v58 =	vor.u32 v48, v56;
	_ =	sdelay $0x3  }
0x17b: {  	[tilespmem:s30+$0xCAF0] =	vst v57  }
0x17c: {  	v57 =	vld.idx.msk [tilespmem:v58+s13+$0x0], $0xffff;
	_ =	sdelay $0x1  }
0x17d: {  	v58 =	vor.u32 v49, v56;
	_ =	sdelay $0x3  }
0x17e: {  	[tilespmem:s30+$0xDA80] =	vst v57  }
0x17f: {  	v57 =	vld.idx.msk [tilespmem:v58+s13+$0x0], $0xffff;
	_ =	sdelay $0x1  }
0x180: {  	v58 =	vor.u32 v50, v56;
	_ =	sdelay $0x3  }
0x181: {  	[tilespmem:s30+$0xDA90] =	vst v57  }
0x182: {  	v57 =	vld.idx.msk [tilespmem:v58+s13+$0x0], $0xffff;
	_ =	sdelay $0x1  }
0x183: {  	v58 =	vor.u32 v51, v56;
	_ =	sdelay $0x3  }
0x184: {  	[tilespmem:s30+$0xDAA0] =	vst v57  }
0x185: {  	v57 =	vld.idx.msk [tilespmem:v58+s13+$0x0], $0xffff;
	_ =	sdelay $0x1  }
0x186: {  	v58 =	vor.u32 v52, v56;
	_ =	sdelay $0x3  }
0x187: {  	[tilespmem:s30+$0xDAB0] =	vst v57  }
0x188: {  	v57 =	vld.idx.msk [tilespmem:v58+s13+$0x0], $0xffff;
	_ =	sdelay $0x1  }
0x189: {  	v58 =	vor.u32 v53, v56;
	_ =	sdelay $0x3  }
0x18a: {  	[tilespmem:s30+$0xDAC0] =	vst v57  }
0x18b: {  	v57 =	vld.idx.msk [tilespmem:v58+s13+$0x0], $0xffff;
	_ =	sdelay $0x1  }
0x18c: {  	v58 =	vor.u32 v54, v56;
	_ =	sdelay $0x3  }
0x18d: {  	[tilespmem:s30+$0xDAD0] =	vst v57  }
0x18e: {  	v58 =	vld.idx.msk [tilespmem:v58+s13+$0x0], $0xffff  }
.Ltmp0:
0x18f: {  	(pc) =	sbr.rel @p0 .LBB2_2-.Ltmp0, $3  }
0x190: {  	v57 =	vor.u32 v55, v56;
	_ =	sdelay $0x1  }
0x191: {  	s0 =	sadd.s32 $0x1, s0  }
0x192: {  	s1 =	sadd.s32 $0x200, s1;
	v56 =	vmov s0  }
0x193: {  	_ =	sdelay $0x1  }
0x194: {  	v56 =	vand.u32 $0x1F, v56  }
0x195: {  	[tilespmem:s30+$0xDAE0] =	vst v58;
	v56 =	vbroadcast v56, $0x0  }
0x196: {  	v57 =	vld.idx.msk [tilespmem:v57+s13+$0x0], $0xffff  }
0x197: {  	v61 =	vor.u32 v0, v56;
	_ =	sdelay $0x3  }
0x198: {  	[tilespmem:s30+$0xDAF0] =	vst v57  }
0x199: {  	v57 =	vld.idx.msk [tilespmem:v61+s13+$0x0], $0xffff  }
0x19a: {  	v62 =	vor.u32 v1, v56;
	_ =	sdelay $0x2  }
0x19b: {  	s0 =	sshra.s32 s31, $0x2  }
0x19c: {  	[tilespmem:s0+$0x7A80] =	vst v57  }
0x19d: {  	v57 =	vld.idx.msk [tilespmem:v62+s13+$0x0], $0xffff  }
0x19e: {  	v63 =	vor.u32 v2, v56;
	_ =	sdelay $0x3  }
0x19f: {  	[tilespmem:s0+$0x7A90] =	vst v57  }
0x1a0: {  	v57 =	vld.idx.msk [tilespmem:v63+s13+$0x0], $0xffff  }
0x1a1: {  	v60 =	vor.u32 v3, v56;
	_ =	sdelay $0x3  }
0x1a2: {  	[tilespmem:s0+$0x7AA0] =	vst v57  }
0x1a3: {  	v57 =	vld.idx.msk [tilespmem:v60+s13+$0x0], $0xffff  }
0x1a4: {  	v61 =	vor.u32 v4, v56;
	_ =	sdelay $0x3  }
0x1a5: {  	[tilespmem:s0+$0x7AB0] =	vst v57  }
0x1a6: {  	v57 =	vld.idx.msk [tilespmem:v61+s13+$0x0], $0xffff  }
0x1a7: {  	v62 =	vor.u32 v5, v56;
	_ =	sdelay $0x3  }
0x1a8: {  	[tilespmem:s0+$0x7AC0] =	vst v57  }
0x1a9: {  	v57 =	vld.idx.msk [tilespmem:v62+s13+$0x0], $0xffff  }
0x1aa: {  	v63 =	vor.u32 v6, v56;
	_ =	sdelay $0x3  }
0x1ab: {  	[tilespmem:s0+$0x7AD0] =	vst v57  }
0x1ac: {  	v57 =	vld.idx.msk [tilespmem:v63+s13+$0x0], $0xffff  }
0x1ad: {  	v60 =	vor.u32 v7, v56;
	_ =	sdelay $0x3  }
0x1ae: {  	[tilespmem:s0+$0x7AE0] =	vst v57  }
0x1af: {  	v57 =	vld.idx.msk [tilespmem:v60+s13+$0x0], $0xffff  }
0x1b0: {  	v61 =	vor.u32 v8, v56;
	_ =	sdelay $0x3  }
0x1b1: {  	[tilespmem:s0+$0x7AF0] =	vst v57  }
0x1b2: {  	v57 =	vld.idx.msk [tilespmem:v61+s13+$0x0], $0xffff  }
0x1b3: {  	v62 =	vor.u32 v9, v56;
	_ =	sdelay $0x3  }
0x1b4: {  	[tilespmem:s0+$0x8A80] =	vst v57  }
0x1b5: {  	v57 =	vld.idx.msk [tilespmem:v62+s13+$0x0], $0xffff  }
0x1b6: {  	v63 =	vor.u32 v10, v56;
	_ =	sdelay $0x3  }
0x1b7: {  	[tilespmem:s0+$0x8A90] =	vst v57  }
0x1b8: {  	v57 =	vld.idx.msk [tilespmem:v63+s13+$0x0], $0xffff  }
0x1b9: {  	v60 =	vor.u32 v11, v56;
	_ =	sdelay $0x3  }
0x1ba: {  	[tilespmem:s0+$0x8AA0] =	vst v57  }
0x1bb: {  	v57 =	vld.idx.msk [tilespmem:v60+s13+$0x0], $0xffff  }
0x1bc: {  	v61 =	vor.u32 v12, v56;
	_ =	sdelay $0x3  }
0x1bd: {  	[tilespmem:s0+$0x8AB0] =	vst v57  }
0x1be: {  	v57 =	vld.idx.msk [tilespmem:v61+s13+$0x0], $0xffff  }
0x1bf: {  	v62 =	vor.u32 v13, v56;
	_ =	sdelay $0x3  }
0x1c0: {  	[tilespmem:s0+$0x8AC0] =	vst v57  }
0x1c1: {  	v57 =	vld.idx.msk [tilespmem:v62+s13+$0x0], $0xffff  }
0x1c2: {  	v63 =	vor.u32 v14, v56;
	_ =	sdelay $0x3  }
0x1c3: {  	[tilespmem:s0+$0x8AD0] =	vst v57  }
0x1c4: {  	v57 =	vld.idx.msk [tilespmem:v63+s13+$0x0], $0xffff  }
0x1c5: {  	v60 =	vor.u32 v15, v56;
	_ =	sdelay $0x3  }
0x1c6: {  	[tilespmem:s0+$0x8AE0] =	vst v57  }
0x1c7: {  	v57 =	vld.idx.msk [tilespmem:v60+s13+$0x0], $0xffff  }
0x1c8: {  	v61 =	vor.u32 v16, v56;
	_ =	sdelay $0x3  }
0x1c9: {  	[tilespmem:s0+$0x8AF0] =	vst v57  }
0x1ca: {  	v57 =	vld.idx.msk [tilespmem:v61+s13+$0x0], $0xffff  }
0x1cb: {  	v62 =	vor.u32 v17, v56;
	_ =	sdelay $0x3  }
0x1cc: {  	[tilespmem:s0+$0x9A80] =	vst v57  }
0x1cd: {  	v57 =	vld.idx.msk [tilespmem:v62+s13+$0x0], $0xffff  }
0x1ce: {  	v63 =	vor.u32 v18, v56;
	_ =	sdelay $0x3  }
0x1cf: {  	[tilespmem:s0+$0x9A90] =	vst v57  }
0x1d0: {  	v57 =	vld.idx.msk [tilespmem:v63+s13+$0x0], $0xffff  }
0x1d1: {  	v60 =	vor.u32 v19, v56;
	_ =	sdelay $0x3  }
0x1d2: {  	[tilespmem:s0+$0x9AA0] =	vst v57  }
0x1d3: {  	v57 =	vld.idx.msk [tilespmem:v60+s13+$0x0], $0xffff  }
0x1d4: {  	v61 =	vor.u32 v20, v56;
	_ =	sdelay $0x3  }
0x1d5: {  	[tilespmem:s0+$0x9AB0] =	vst v57  }
0x1d6: {  	v57 =	vld.idx.msk [tilespmem:v61+s13+$0x0], $0xffff  }
0x1d7: {  	v62 =	vor.u32 v21, v56;
	_ =	sdelay $0x3  }
0x1d8: {  	[tilespmem:s0+$0x9AC0] =	vst v57  }
0x1d9: {  	v57 =	vld.idx.msk [tilespmem:v62+s13+$0x0], $0xffff  }
0x1da: {  	v63 =	vor.u32 v22, v56;
	_ =	sdelay $0x3  }
0x1db: {  	[tilespmem:s0+$0x9AD0] =	vst v57  }
0x1dc: {  	v57 =	vld.idx.msk [tilespmem:v63+s13+$0x0], $0xffff  }
0x1dd: {  	v60 =	vor.u32 v23, v56;
	_ =	sdelay $0x3  }
0x1de: {  	[tilespmem:s0+$0x9AE0] =	vst v57  }
0x1df: {  	v57 =	vld.idx.msk [tilespmem:v60+s13+$0x0], $0xffff  }
0x1e0: {  	v61 =	vor.u32 v24, v56;
	_ =	sdelay $0x3  }
0x1e1: {  	[tilespmem:s0+$0x9AF0] =	vst v57  }
0x1e2: {  	v57 =	vld.idx.msk [tilespmem:v61+s13+$0x0], $0xffff  }
0x1e3: {  	v62 =	vor.u32 v25, v56;
	_ =	sdelay $0x3  }
0x1e4: {  	[tilespmem:s0+$0xAA80] =	vst v57  }
0x1e5: {  	v57 =	vld.idx.msk [tilespmem:v62+s13+$0x0], $0xffff  }
0x1e6: {  	v63 =	vor.u32 v26, v56;
	_ =	sdelay $0x3  }
0x1e7: {  	[tilespmem:s0+$0xAA90] =	vst v57  }
0x1e8: {  	v57 =	vld.idx.msk [tilespmem:v63+s13+$0x0], $0xffff  }
0x1e9: {  	v60 =	vor.u32 v27, v56;
	_ =	sdelay $0x3  }
0x1ea: {  	[tilespmem:s0+$0xAAA0] =	vst v57  }
0x1eb: {  	v57 =	vld.idx.msk [tilespmem:v60+s13+$0x0], $0xffff  }
0x1ec: {  	v61 =	vor.u32 v28, v56;
	_ =	sdelay $0x3  }
0x1ed: {  	[tilespmem:s0+$0xAAB0] =	vst v57  }
0x1ee: {  	v57 =	vld.idx.msk [tilespmem:v61+s13+$0x0], $0xffff  }
0x1ef: {  	v62 =	vor.u32 v29, v56;
	_ =	sdelay $0x3  }
0x1f0: {  	[tilespmem:s0+$0xAAC0] =	vst v57  }
0x1f1: {  	v57 =	vld.idx.msk [tilespmem:v62+s13+$0x0], $0xffff  }
0x1f2: {  	v63 =	vor.u32 v30, v56;
	_ =	sdelay $0x3  }
0x1f3: {  	[tilespmem:s0+$0xAAD0] =	vst v57  }
0x1f4: {  	v57 =	vld.idx.msk [tilespmem:v63+s13+$0x0], $0xffff  }
0x1f5: {  	v60 =	vor.u32 v31, v56;
	_ =	sdelay $0x3  }
0x1f6: {  	[tilespmem:s0+$0xAAE0] =	vst v57  }
0x1f7: {  	v57 =	vld.idx.msk [tilespmem:v60+s13+$0x0], $0xffff  }
0x1f8: {  	v61 =	vor.u32 v32, v56;
	_ =	sdelay $0x3  }
0x1f9: {  	[tilespmem:s0+$0xAAF0] =	vst v57  }
0x1fa: {  	v57 =	vld.idx.msk [tilespmem:v61+s13+$0x0], $0xffff  }
0x1fb: {  	v62 =	vor.u32 v33, v56;
	_ =	sdelay $0x3  }
0x1fc: {  	[tilespmem:s0+$0xBA80] =	vst v57  }
0x1fd: {  	v57 =	vld.idx.msk [tilespmem:v62+s13+$0x0], $0xffff  }
0x1fe: {  	v63 =	vor.u32 v34, v56;
	_ =	sdelay $0x3  }
0x1ff: {  	[tilespmem:s0+$0xBA90] =	vst v57  }
0x200: {  	v57 =	vld.idx.msk [tilespmem:v63+s13+$0x0], $0xffff  }
0x201: {  	v60 =	vor.u32 v35, v56;
	_ =	sdelay $0x3  }
0x202: {  	[tilespmem:s0+$0xBAA0] =	vst v57  }
0x203: {  	v57 =	vld.idx.msk [tilespmem:v60+s13+$0x0], $0xffff  }
0x204: {  	v61 =	vor.u32 v36, v56;
	_ =	sdelay $0x3  }
0x205: {  	[tilespmem:s0+$0xBAB0] =	vst v57  }
0x206: {  	v57 =	vld.idx.msk [tilespmem:v61+s13+$0x0], $0xffff  }
0x207: {  	v62 =	vor.u32 v37, v56;
	_ =	sdelay $0x3  }
0x208: {  	[tilespmem:s0+$0xBAC0] =	vst v57  }
0x209: {  	v57 =	vld.idx.msk [tilespmem:v62+s13+$0x0], $0xffff  }
0x20a: {  	v63 =	vor.u32 v38, v56;
	_ =	sdelay $0x3  }
0x20b: {  	[tilespmem:s0+$0xBAD0] =	vst v57  }
0x20c: {  	v57 =	vld.idx.msk [tilespmem:v63+s13+$0x0], $0xffff  }
0x20d: {  	v60 =	vor.u32 v39, v56;
	_ =	sdelay $0x3  }
0x20e: {  	[tilespmem:s0+$0xBAE0] =	vst v57  }
0x20f: {  	v57 =	vld.idx.msk [tilespmem:v60+s13+$0x0], $0xffff  }
0x210: {  	v61 =	vor.u32 v40, v56;
	_ =	sdelay $0x3  }
0x211: {  	[tilespmem:s0+$0xBAF0] =	vst v57  }
0x212: {  	v57 =	vld.idx.msk [tilespmem:v61+s13+$0x0], $0xffff  }
0x213: {  	v62 =	vor.u32 v41, v56;
	_ =	sdelay $0x3  }
0x214: {  	[tilespmem:s0+$0xCA80] =	vst v57  }
0x215: {  	v57 =	vld.idx.msk [tilespmem:v62+s13+$0x0], $0xffff  }
0x216: {  	v63 =	vor.u32 v42, v56;
	_ =	sdelay $0x3  }
0x217: {  	[tilespmem:s0+$0xCA90] =	vst v57  }
0x218: {  	v57 =	vld.idx.msk [tilespmem:v63+s13+$0x0], $0xffff  }
0x219: {  	v60 =	vor.u32 v43, v56;
	_ =	sdelay $0x3  }
0x21a: {  	[tilespmem:s0+$0xCAA0] =	vst v57  }
0x21b: {  	v57 =	vld.idx.msk [tilespmem:v60+s13+$0x0], $0xffff  }
0x21c: {  	v61 =	vor.u32 v44, v56;
	_ =	sdelay $0x3  }
0x21d: {  	[tilespmem:s0+$0xCAB0] =	vst v57  }
0x21e: {  	v57 =	vld.idx.msk [tilespmem:v61+s13+$0x0], $0xffff  }
0x21f: {  	v62 =	vor.u32 v45, v56;
	_ =	sdelay $0x3  }
0x220: {  	[tilespmem:s0+$0xCAC0] =	vst v57  }
0x221: {  	v57 =	vld.idx.msk [tilespmem:v62+s13+$0x0], $0xffff  }
0x222: {  	v63 =	vor.u32 v46, v56;
	_ =	sdelay $0x3  }
0x223: {  	[tilespmem:s0+$0xCAD0] =	vst v57  }
0x224: {  	v57 =	vld.idx.msk [tilespmem:v63+s13+$0x0], $0xffff  }
0x225: {  	v60 =	vor.u32 v47, v56;
	_ =	sdelay $0x3  }
0x226: {  	[tilespmem:s0+$0xCAE0] =	vst v57  }
0x227: {  	v57 =	vld.idx.msk [tilespmem:v60+s13+$0x0], $0xffff  }
0x228: {  	v61 =	vor.u32 v48, v56;
	_ =	sdelay $0x3  }
0x229: {  	[tilespmem:s0+$0xCAF0] =	vst v57  }
0x22a: {  	v57 =	vld.idx.msk [tilespmem:v61+s13+$0x0], $0xffff  }
0x22b: {  	v62 =	vor.u32 v49, v56;
	_ =	sdelay $0x3  }
0x22c: {  	[tilespmem:s0+$0xDA80] =	vst v57  }
0x22d: {  	v57 =	vld.idx.msk [tilespmem:v62+s13+$0x0], $0xffff  }
0x22e: {  	v63 =	vor.u32 v50, v56;
	_ =	sdelay $0x3  }
0x22f: {  	[tilespmem:s0+$0xDA90] =	vst v57  }
0x230: {  	v57 =	vld.idx.msk [tilespmem:v63+s13+$0x0], $0xffff  }
0x231: {  	v60 =	vor.u32 v51, v56;
	_ =	sdelay $0x3  }
0x232: {  	[tilespmem:s0+$0xDAA0] =	vst v57  }
0x233: {  	v57 =	vld.idx.msk [tilespmem:v60+s13+$0x0], $0xffff  }
0x234: {  	v61 =	vor.u32 v52, v56;
	_ =	sdelay $0x3  }
0x235: {  	[tilespmem:s0+$0xDAB0] =	vst v57  }
0x236: {  	v57 =	vld.idx.msk [tilespmem:v61+s13+$0x0], $0xffff  }
0x237: {  	v62 =	vor.u32 v53, v56;
	_ =	sdelay $0x3  }
0x238: {  	[tilespmem:s0+$0xDAC0] =	vst v57  }
0x239: {  	v57 =	vld.idx.msk [tilespmem:v62+s13+$0x0], $0xffff  }
0x23a: {  	v63 =	vor.u32 v54, v56;
	_ =	sdelay $0x3  }
0x23b: {  	[tilespmem:s0+$0xDAD0] =	vst v57  }
0x23c: {  	v57 =	vld.idx.msk [tilespmem:v63+s13+$0x0], $0xffff  }
0x23d: {  	v56 =	vor.u32 v55, v56;
	_ =	sdelay $0x3  }
0x23e: {  	[tilespmem:s0+$0xDAE0] =	vst v57  }
0x23f: {  	v56 =	vld.idx.msk [tilespmem:v56+s13+$0x0], $0xffff;
	_ =	sdelay $0x4  }
0x240: {  	s1 =	simm.s32 $0x380;
	[tilespmem:s0+$0xDAF0] =	vst v56  }
0x241: {  	[tilespmem:s13], [sflag:$0x1] =	stream.indirect.gather [hbm4b:s4+s9], $0x20, s1, s9, $0xb8;
	[tilespmem:$0x1CA80] =	vst v63  }
0x242: {  	s1 =	simm.s32 $0x400  }
0x243: {  	[tilespmem:s14], [sflag:$0x1] =	stream.indirect.gather [hbm4b:s4+s9], $0x20, s1, s9, $0xb8;
	[tilespmem:$0x1CA80] =	vst v63  }
0x244: {  	s1 =	simm.s32 $0x480  }
0x245: {  	[tilespmem:s16], [sflag:$0x1] =	stream.indirect.gather [hbm4b:s4+s9], $0x20, s1, s9, $0xb8;
	[tilespmem:$0x1CA80] =	vst v63  }
0x246: {  	s1 =	simm.s32 $0x500  }
0x247: {  	[tilespmem:s18], [sflag:$0x1] =	stream.indirect.gather [hbm4b:s4+s9], $0x20, s1, s9, $0xb8;
	[tilespmem:$0x1CA80] =	vst v63  }
0x248: {  	s1 =	simm.s32 $0x580  }
0x249: {  	[tilespmem:s20], [sflag:$0x1] =	stream.indirect.gather [hbm4b:s4+s9], $0x20, s1, s9, $0xb8;
	[tilespmem:$0x1CA80] =	vst v63  }
0x24a: {  	s1 =	simm.s32 $0x600  }
0x24b: {  	[tilespmem:s22], [sflag:$0x1] =	stream.indirect.gather [hbm4b:s4+s9], $0x20, s1, s9, $0xb8;
	[tilespmem:$0x1CA80] =	vst v63  }
0x24c: {  	s1 =	simm.s32 $0x680  }
0x24d: {  	[tilespmem:s24], [sflag:$0x1] =	stream.indirect.gather [hbm4b:s4+s9], $0x20, s1, s9, $0xb8;
	[tilespmem:$0x1CA80] =	vst v63  }
0x24e: {  	_ =	swait.ge [sflag:s25], $0x1000  }
0x24f: {  	[sflag:s25] =	ssyncset.done $0x0  }
0x250: {  	[sflag:s25] =	ssyncadd.s32 $0xFFFFF000  }
0x251: {  	_ =	swait.ge [sflag:s25], $0x1000  }
0x252: {  	[sflag:s25] =	ssyncset.done $0x0  }
0x253: {  	[sflag:s25] =	ssyncadd.s32 $0xFFFFF000  }
0x254: {  	_ =	swait.ge [sflag:s25], $0x1000  }
0x255: {  	[sflag:s25] =	ssyncset.done $0x0  }
0x256: {  	[sflag:s25] =	ssyncadd.s32 $0xFFFFF000  }
0x257: {  	_ =	swait.ge [sflag:s25], $0x1000  }
0x258: {  	[sflag:s25] =	ssyncset.done $0x0  }
0x259: {  	s1 =	simm.s32 $0x0;
	[sflag:s25] =	ssyncadd.s32 $0xFFFFF000  }
0x25a: {  	v60 =	vmov s1;
	_ =	swait.ge [sflag:s25], $0x1000  }
0x25b: {  	v56 =	vand.u32 $0x1F, v60;
	[sflag:s25] =	ssyncset.done $0x0  }
0x25c: {  	v56 =	vbroadcast v56, $0x0;
	[sflag:s25] =	ssyncadd.s32 $0xFFFFF000  }
0x25d: {  	_ =	swait.ge [sflag:s25], $0x1000  }
0x25e: {  	v61 =	vor.u32 v0, v56;
	[sflag:s25] =	ssyncset.done $0x0  }
0x25f: {  	[sflag:s25] =	ssyncadd.s32 $0xFFFFF000  }
0x260: {  	_ =	swait.ge [sflag:s25], $0x1000  }
0x261: {  	[sflag:s25] =	ssyncset.done $0x0  }
0x262: {  	[sflag:s25] =	ssyncadd.s32 $0xFFFFF000  }
0x263: {  	v57 =	vld.idx.msk [tilespmem:v61+s13+$0x0], $0xffff  }
0x264: {  	v62 =	vor.u32 v1, v56;
	_ =	sdelay $0x2  }
0x265: {  	s30 =	simm.s32 $0x0  }
0x266: {  	[tilespmem:s30+$0xEA80] =	vst v57  }
0x267: {  	v57 =	vld.idx.msk [tilespmem:v62+s13+$0x0], $0xffff  }
0x268: {  	v63 =	vor.u32 v2, v56;
	_ =	sdelay $0x3  }
0x269: {  	[tilespmem:s30+$0xEA90] =	vst v57  }
0x26a: {  	v57 =	vld.idx.msk [tilespmem:v63+s13+$0x0], $0xffff  }
0x26b: {  	v60 =	vor.u32 v3, v56;
	_ =	sdelay $0x3  }
0x26c: {  	[tilespmem:s30+$0xEAA0] =	vst v57  }
0x26d: {  	v57 =	vld.idx.msk [tilespmem:v60+s13+$0x0], $0xffff  }
0x26e: {  	v61 =	vor.u32 v4, v56;
	_ =	sdelay $0x3  }
0x26f: {  	[tilespmem:s30+$0xEAB0] =	vst v57  }
0x270: {  	v57 =	vld.idx.msk [tilespmem:v61+s13+$0x0], $0xffff  }
0x271: {  	v62 =	vor.u32 v5, v56;
	_ =	sdelay $0x3  }
0x272: {  	[tilespmem:s30+$0xEAC0] =	vst v57  }
0x273: {  	v57 =	vld.idx.msk [tilespmem:v62+s13+$0x0], $0xffff  }
0x274: {  	v63 =	vor.u32 v6, v56;
	_ =	sdelay $0x3  }
0x275: {  	[tilespmem:s30+$0xEAD0] =	vst v57  }
0x276: {  	v57 =	vld.idx.msk [tilespmem:v63+s13+$0x0], $0xffff  }
0x277: {  	v60 =	vor.u32 v7, v56;
	_ =	sdelay $0x3  }
0x278: {  	[tilespmem:s30+$0xEAE0] =	vst v57  }
0x279: {  	v57 =	vld.idx.msk [tilespmem:v60+s13+$0x0], $0xffff  }
0x27a: {  	v61 =	vor.u32 v8, v56;
	_ =	sdelay $0x3  }
0x27b: {  	[tilespmem:s30+$0xEAF0] =	vst v57  }
0x27c: {  	v57 =	vld.idx.msk [tilespmem:v61+s13+$0x0], $0xffff  }
0x27d: {  	v62 =	vor.u32 v9, v56;
	_ =	sdelay $0x3  }
0x27e: {  	[tilespmem:s30+$0xFA80] =	vst v57  }
0x27f: {  	v57 =	vld.idx.msk [tilespmem:v62+s13+$0x0], $0xffff  }
0x280: {  	v63 =	vor.u32 v10, v56;
	_ =	sdelay $0x3  }
0x281: {  	[tilespmem:s30+$0xFA90] =	vst v57  }
0x282: {  	v57 =	vld.idx.msk [tilespmem:v63+s13+$0x0], $0xffff  }
0x283: {  	v60 =	vor.u32 v11, v56;
	_ =	sdelay $0x3  }
0x284: {  	[tilespmem:s30+$0xFAA0] =	vst v57  }
0x285: {  	v57 =	vld.idx.msk [tilespmem:v60+s13+$0x0], $0xffff  }
0x286: {  	v61 =	vor.u32 v12, v56;
	_ =	sdelay $0x3  }
0x287: {  	[tilespmem:s30+$0xFAB0] =	vst v57  }
0x288: {  	v57 =	vld.idx.msk [tilespmem:v61+s13+$0x0], $0xffff  }
0x289: {  	v62 =	vor.u32 v13, v56;
	_ =	sdelay $0x3  }
0x28a: {  	[tilespmem:s30+$0xFAC0] =	vst v57  }
0x28b: {  	v57 =	vld.idx.msk [tilespmem:v62+s13+$0x0], $0xffff  }
0x28c: {  	v63 =	vor.u32 v14, v56;
	_ =	sdelay $0x3  }
0x28d: {  	[tilespmem:s30+$0xFAD0] =	vst v57  }
0x28e: {  	v57 =	vld.idx.msk [tilespmem:v63+s13+$0x0], $0xffff  }
0x28f: {  	v60 =	vor.u32 v15, v56;
	_ =	sdelay $0x3  }
0x290: {  	[tilespmem:s30+$0xFAE0] =	vst v57  }
0x291: {  	v57 =	vld.idx.msk [tilespmem:v60+s13+$0x0], $0xffff  }
0x292: {  	v61 =	vor.u32 v16, v56;
	_ =	sdelay $0x3  }
0x293: {  	[tilespmem:s30+$0xFAF0] =	vst v57  }
0x294: {  	v57 =	vld.idx.msk [tilespmem:v61+s13+$0x0], $0xffff  }
0x295: {  	v62 =	vor.u32 v17, v56;
	_ =	sdelay $0x3  }
0x296: {  	[tilespmem:s30+$0x10A80] =	vst v57  }
0x297: {  	v57 =	vld.idx.msk [tilespmem:v62+s13+$0x0], $0xffff  }
0x298: {  	v63 =	vor.u32 v18, v56;
	_ =	sdelay $0x3  }
0x299: {  	[tilespmem:s30+$0x10A90] =	vst v57  }
0x29a: {  	v57 =	vld.idx.msk [tilespmem:v63+s13+$0x0], $0xffff  }
0x29b: {  	v60 =	vor.u32 v19, v56;
	_ =	sdelay $0x3  }
0x29c: {  	[tilespmem:s30+$0x10AA0] =	vst v57  }
0x29d: {  	v57 =	vld.idx.msk [tilespmem:v60+s13+$0x0], $0xffff  }
0x29e: {  	v61 =	vor.u32 v20, v56;
	_ =	sdelay $0x3  }
0x29f: {  	[tilespmem:s30+$0x10AB0] =	vst v57  }
0x2a0: {  	v57 =	vld.idx.msk [tilespmem:v61+s13+$0x0], $0xffff  }
0x2a1: {  	v62 =	vor.u32 v21, v56;
	_ =	sdelay $0x3  }
0x2a2: {  	[tilespmem:s30+$0x10AC0] =	vst v57  }
0x2a3: {  	v57 =	vld.idx.msk [tilespmem:v62+s13+$0x0], $0xffff  }
0x2a4: {  	v63 =	vor.u32 v22, v56;
	_ =	sdelay $0x3  }
0x2a5: {  	[tilespmem:s30+$0x10AD0] =	vst v57  }
0x2a6: {  	v57 =	vld.idx.msk [tilespmem:v63+s13+$0x0], $0xffff  }
0x2a7: {  	v60 =	vor.u32 v23, v56;
	_ =	sdelay $0x3  }
0x2a8: {  	[tilespmem:s30+$0x10AE0] =	vst v57  }
0x2a9: {  	v57 =	vld.idx.msk [tilespmem:v60+s13+$0x0], $0xffff  }
0x2aa: {  	v61 =	vor.u32 v24, v56;
	_ =	sdelay $0x3  }
0x2ab: {  	[tilespmem:s30+$0x10AF0] =	vst v57  }
0x2ac: {  	v57 =	vld.idx.msk [tilespmem:v61+s13+$0x0], $0xffff  }
0x2ad: {  	v62 =	vor.u32 v25, v56;
	_ =	sdelay $0x3  }
0x2ae: {  	[tilespmem:s30+$0x11A80] =	vst v57  }
0x2af: {  	v57 =	vld.idx.msk [tilespmem:v62+s13+$0x0], $0xffff  }
0x2b0: {  	v63 =	vor.u32 v26, v56;
	_ =	sdelay $0x3  }
0x2b1: {  	[tilespmem:s30+$0x11A90] =	vst v57  }
0x2b2: {  	v57 =	vld.idx.msk [tilespmem:v63+s13+$0x0], $0xffff  }
0x2b3: {  	v60 =	vor.u32 v27, v56;
	_ =	sdelay $0x3  }
0x2b4: {  	[tilespmem:s30+$0x11AA0] =	vst v57  }
0x2b5: {  	v57 =	vld.idx.msk [tilespmem:v60+s13+$0x0], $0xffff  }
0x2b6: {  	v61 =	vor.u32 v28, v56;
	_ =	sdelay $0x3  }
0x2b7: {  	[tilespmem:s30+$0x11AB0] =	vst v57  }
0x2b8: {  	v57 =	vld.idx.msk [tilespmem:v61+s13+$0x0], $0xffff  }
0x2b9: {  	v62 =	vor.u32 v29, v56;
	_ =	sdelay $0x3  }
0x2ba: {  	[tilespmem:s30+$0x11AC0] =	vst v57  }
0x2bb: {  	v57 =	vld.idx.msk [tilespmem:v62+s13+$0x0], $0xffff  }
0x2bc: {  	v63 =	vor.u32 v30, v56;
	_ =	sdelay $0x3  }
0x2bd: {  	[tilespmem:s30+$0x11AD0] =	vst v57  }
0x2be: {  	v57 =	vld.idx.msk [tilespmem:v63+s13+$0x0], $0xffff  }
0x2bf: {  	v60 =	vor.u32 v31, v56;
	_ =	sdelay $0x3  }
0x2c0: {  	[tilespmem:s30+$0x11AE0] =	vst v57  }
0x2c1: {  	v57 =	vld.idx.msk [tilespmem:v60+s13+$0x0], $0xffff  }
0x2c2: {  	v61 =	vor.u32 v32, v56;
	_ =	sdelay $0x3  }
0x2c3: {  	[tilespmem:s30+$0x11AF0] =	vst v57  }
0x2c4: {  	v57 =	vld.idx.msk [tilespmem:v61+s13+$0x0], $0xffff  }
0x2c5: {  	v62 =	vor.u32 v33, v56;
	_ =	sdelay $0x3  }
0x2c6: {  	[tilespmem:s30+$0x12A80] =	vst v57  }
0x2c7: {  	v57 =	vld.idx.msk [tilespmem:v62+s13+$0x0], $0xffff  }
0x2c8: {  	v63 =	vor.u32 v34, v56;
	_ =	sdelay $0x3  }
0x2c9: {  	[tilespmem:s30+$0x12A90] =	vst v57  }
0x2ca: {  	v57 =	vld.idx.msk [tilespmem:v63+s13+$0x0], $0xffff  }
0x2cb: {  	v60 =	vor.u32 v35, v56;
	_ =	sdelay $0x3  }
0x2cc: {  	[tilespmem:s30+$0x12AA0] =	vst v57  }
0x2cd: {  	v57 =	vld.idx.msk [tilespmem:v60+s13+$0x0], $0xffff  }
0x2ce: {  	v61 =	vor.u32 v36, v56;
	_ =	sdelay $0x3  }
0x2cf: {  	[tilespmem:s30+$0x12AB0] =	vst v57  }
0x2d0: {  	v57 =	vld.idx.msk [tilespmem:v61+s13+$0x0], $0xffff  }
0x2d1: {  	v62 =	vor.u32 v37, v56;
	_ =	sdelay $0x3  }
0x2d2: {  	[tilespmem:s30+$0x12AC0] =	vst v57  }
0x2d3: {  	v57 =	vld.idx.msk [tilespmem:v62+s13+$0x0], $0xffff  }
0x2d4: {  	v63 =	vor.u32 v38, v56;
	_ =	sdelay $0x3  }
0x2d5: {  	[tilespmem:s30+$0x12AD0] =	vst v57  }
0x2d6: {  	v57 =	vld.idx.msk [tilespmem:v63+s13+$0x0], $0xffff  }
0x2d7: {  	v60 =	vor.u32 v39, v56;
	_ =	sdelay $0x3  }
0x2d8: {  	[tilespmem:s30+$0x12AE0] =	vst v57  }
0x2d9: {  	v57 =	vld.idx.msk [tilespmem:v60+s13+$0x0], $0xffff  }
0x2da: {  	v61 =	vor.u32 v40, v56;
	_ =	sdelay $0x3  }
0x2db: {  	[tilespmem:s30+$0x12AF0] =	vst v57  }
0x2dc: {  	v57 =	vld.idx.msk [tilespmem:v61+s13+$0x0], $0xffff  }
0x2dd: {  	v62 =	vor.u32 v41, v56;
	_ =	sdelay $0x3  }
0x2de: {  	[tilespmem:s30+$0x13A80] =	vst v57  }
0x2df: {  	v57 =	vld.idx.msk [tilespmem:v62+s13+$0x0], $0xffff  }
0x2e0: {  	v63 =	vor.u32 v42, v56;
	_ =	sdelay $0x3  }
0x2e1: {  	[tilespmem:s30+$0x13A90] =	vst v57  }
0x2e2: {  	v57 =	vld.idx.msk [tilespmem:v63+s13+$0x0], $0xffff  }
0x2e3: {  	v60 =	vor.u32 v43, v56;
	_ =	sdelay $0x3  }
0x2e4: {  	[tilespmem:s30+$0x13AA0] =	vst v57  }
0x2e5: {  	v57 =	vld.idx.msk [tilespmem:v60+s13+$0x0], $0xffff  }
0x2e6: {  	v61 =	vor.u32 v44, v56;
	_ =	sdelay $0x3  }
0x2e7: {  	[tilespmem:s30+$0x13AB0] =	vst v57  }
0x2e8: {  	v57 =	vld.idx.msk [tilespmem:v61+s13+$0x0], $0xffff  }
0x2e9: {  	v62 =	vor.u32 v45, v56;
	_ =	sdelay $0x3  }
0x2ea: {  	[tilespmem:s30+$0x13AC0] =	vst v57  }
0x2eb: {  	v57 =	vld.idx.msk [tilespmem:v62+s13+$0x0], $0xffff  }
0x2ec: {  	v63 =	vor.u32 v46, v56;
	_ =	sdelay $0x3  }
0x2ed: {  	[tilespmem:s30+$0x13AD0] =	vst v57  }
0x2ee: {  	v57 =	vld.idx.msk [tilespmem:v63+s13+$0x0], $0xffff  }
0x2ef: {  	v60 =	vor.u32 v47, v56;
	_ =	sdelay $0x3  }
0x2f0: {  	[tilespmem:s30+$0x13AE0] =	vst v57  }
0x2f1: {  	v57 =	vld.idx.msk [tilespmem:v60+s13+$0x0], $0xffff  }
0x2f2: {  	v61 =	vor.u32 v48, v56;
	_ =	sdelay $0x3  }
0x2f3: {  	[tilespmem:s30+$0x13AF0] =	vst v57  }
0x2f4: {  	v57 =	vld.idx.msk [tilespmem:v61+s13+$0x0], $0xffff  }
0x2f5: {  	v62 =	vor.u32 v49, v56;
	_ =	sdelay $0x3  }
0x2f6: {  	[tilespmem:s30+$0x14A80] =	vst v57  }
0x2f7: {  	v57 =	vld.idx.msk [tilespmem:v62+s13+$0x0], $0xffff  }
0x2f8: {  	v63 =	vor.u32 v50, v56;
	_ =	sdelay $0x3  }
0x2f9: {  	[tilespmem:s30+$0x14A90] =	vst v57  }
0x2fa: {  	v57 =	vld.idx.msk [tilespmem:v63+s13+$0x0], $0xffff  }
0x2fb: {  	v60 =	vor.u32 v51, v56;
	_ =	sdelay $0x3  }
0x2fc: {  	[tilespmem:s30+$0x14AA0] =	vst v57  }
0x2fd: {  	v57 =	vld.idx.msk [tilespmem:v60+s13+$0x0], $0xffff  }
0x2fe: {  	v61 =	vor.u32 v52, v56;
	_ =	sdelay $0x3  }
0x2ff: {  	[tilespmem:s30+$0x14AB0] =	vst v57  }
0x300: {  	v57 =	vld.idx.msk [tilespmem:v61+s13+$0x0], $0xffff  }
0x301: {  	v62 =	vor.u32 v53, v56;
	_ =	sdelay $0x3  }
0x302: {  	[tilespmem:s30+$0x14AC0] =	vst v57  }
0x303: {  	v57 =	vld.idx.msk [tilespmem:v62+s13+$0x0], $0xffff  }
0x304: {  	v63 =	vor.u32 v54, v56;
	_ =	sdelay $0x3  }
0x305: {  	[tilespmem:s30+$0x14AD0] =	vst v57  }
0x306: {  	v58 =	vld.idx.msk [tilespmem:v63+s13+$0x0], $0xffff  }
0x307: {  	v57 =	vor.u32 v55, v56;
	_ =	sdelay $0x1  }
0x308: {  	s0 =	simm.s32 $0x1  }
0x309: {  	s31 =	simm.s32 $0x200;
	s1 =	simm.s32 $0x400;
	v56 =	vmov s0  }
.LBB2_4:
0x30a: {  	p0 =	sne.s32 s1, $0x3E00;
	v56 =	vand.u32 $0x1F, v56;
	[tilespmem:s30+$0x14AE0] =	vst v58  }
0x30b: {  	v56 =	vbroadcast v56, $0x0;
	v57 =	vld.idx.msk [tilespmem:v57+s13+$0x0], $0xffff;
	_ =	sdelay $0x1  }
0x30c: {  	v58 =	vor.u32 v0, v56;
	_ =	sdelay $0x3  }
0x30d: {  	[tilespmem:s30+$0x14AF0] =	vst v57  }
0x30e: {  	v57 =	vld.idx.msk [tilespmem:v58+s13+$0x0], $0xffff;
	_ =	sdelay $0x1  }
0x30f: {  	v58 =	vor.u32 v1, v56;
	_ =	sdelay $0x2  }
0x310: {  	s30 =	sshra.s32 s31, $0x2;
	s31 =	smov.u32 s1  }
0x311: {  	[tilespmem:s30+$0xEA80] =	vst v57  }
0x312: {  	v57 =	vld.idx.msk [tilespmem:v58+s13+$0x0], $0xffff;
	_ =	sdelay $0x1  }
0x313: {  	v58 =	vor.u32 v2, v56;
	_ =	sdelay $0x3  }
0x314: {  	[tilespmem:s30+$0xEA90] =	vst v57  }
0x315: {  	v57 =	vld.idx.msk [tilespmem:v58+s13+$0x0], $0xffff;
	_ =	sdelay $0x1  }
0x316: {  	v58 =	vor.u32 v3, v56;
	_ =	sdelay $0x3  }
0x317: {  	[tilespmem:s30+$0xEAA0] =	vst v57  }
0x318: {  	v57 =	vld.idx.msk [tilespmem:v58+s13+$0x0], $0xffff;
	_ =	sdelay $0x1  }
0x319: {  	v58 =	vor.u32 v4, v56;
	_ =	sdelay $0x3  }
0x31a: {  	[tilespmem:s30+$0xEAB0] =	vst v57  }
0x31b: {  	v57 =	vld.idx.msk [tilespmem:v58+s13+$0x0], $0xffff;
	_ =	sdelay $0x1  }
0x31c: {  	v58 =	vor.u32 v5, v56;
	_ =	sdelay $0x3  }
0x31d: {  	[tilespmem:s30+$0xEAC0] =	vst v57  }
0x31e: {  	v57 =	vld.idx.msk [tilespmem:v58+s13+$0x0], $0xffff;
	_ =	sdelay $0x1  }
0x31f: {  	v58 =	vor.u32 v6, v56;
	_ =	sdelay $0x3  }
0x320: {  	[tilespmem:s30+$0xEAD0] =	vst v57  }
0x321: {  	v57 =	vld.idx.msk [tilespmem:v58+s13+$0x0], $0xffff;
	_ =	sdelay $0x1  }
0x322: {  	v58 =	vor.u32 v7, v56;
	_ =	sdelay $0x3  }
0x323: {  	[tilespmem:s30+$0xEAE0] =	vst v57  }
0x324: {  	v57 =	vld.idx.msk [tilespmem:v58+s13+$0x0], $0xffff;
	_ =	sdelay $0x1  }
0x325: {  	v58 =	vor.u32 v8, v56;
	_ =	sdelay $0x3  }
0x326: {  	[tilespmem:s30+$0xEAF0] =	vst v57  }
0x327: {  	v57 =	vld.idx.msk [tilespmem:v58+s13+$0x0], $0xffff;
	_ =	sdelay $0x1  }
0x328: {  	v58 =	vor.u32 v9, v56;
	_ =	sdelay $0x3  }
0x329: {  	[tilespmem:s30+$0xFA80] =	vst v57  }
0x32a: {  	v57 =	vld.idx.msk [tilespmem:v58+s13+$0x0], $0xffff;
	_ =	sdelay $0x1  }
0x32b: {  	v58 =	vor.u32 v10, v56;
	_ =	sdelay $0x3  }
0x32c: {  	[tilespmem:s30+$0xFA90] =	vst v57  }
0x32d: {  	v57 =	vld.idx.msk [tilespmem:v58+s13+$0x0], $0xffff;
	_ =	sdelay $0x1  }
0x32e: {  	v58 =	vor.u32 v11, v56;
	_ =	sdelay $0x3  }
0x32f: {  	[tilespmem:s30+$0xFAA0] =	vst v57  }
0x330: {  	v57 =	vld.idx.msk [tilespmem:v58+s13+$0x0], $0xffff;
	_ =	sdelay $0x1  }
0x331: {  	v58 =	vor.u32 v12, v56;
	_ =	sdelay $0x3  }
0x332: {  	[tilespmem:s30+$0xFAB0] =	vst v57  }
0x333: {  	v57 =	vld.idx.msk [tilespmem:v58+s13+$0x0], $0xffff;
	_ =	sdelay $0x1  }
0x334: {  	v58 =	vor.u32 v13, v56;
	_ =	sdelay $0x3  }
0x335: {  	[tilespmem:s30+$0xFAC0] =	vst v57  }
0x336: {  	v57 =	vld.idx.msk [tilespmem:v58+s13+$0x0], $0xffff;
	_ =	sdelay $0x1  }
0x337: {  	v58 =	vor.u32 v14, v56;
	_ =	sdelay $0x3  }
0x338: {  	[tilespmem:s30+$0xFAD0] =	vst v57  }
0x339: {  	v57 =	vld.idx.msk [tilespmem:v58+s13+$0x0], $0xffff;
	_ =	sdelay $0x1  }
0x33a: {  	v58 =	vor.u32 v15, v56;
	_ =	sdelay $0x3  }
0x33b: {  	[tilespmem:s30+$0xFAE0] =	vst v57  }
0x33c: {  	v57 =	vld.idx.msk [tilespmem:v58+s13+$0x0], $0xffff;
	_ =	sdelay $0x1  }
0x33d: {  	v58 =	vor.u32 v16, v56;
	_ =	sdelay $0x3  }
0x33e: {  	[tilespmem:s30+$0xFAF0] =	vst v57  }
0x33f: {  	v57 =	vld.idx.msk [tilespmem:v58+s13+$0x0], $0xffff;
	_ =	sdelay $0x1  }
0x340: {  	v58 =	vor.u32 v17, v56;
	_ =	sdelay $0x3  }
0x341: {  	[tilespmem:s30+$0x10A80] =	vst v57  }
0x342: {  	v57 =	vld.idx.msk [tilespmem:v58+s13+$0x0], $0xffff;
	_ =	sdelay $0x1  }
0x343: {  	v58 =	vor.u32 v18, v56;
	_ =	sdelay $0x3  }
0x344: {  	[tilespmem:s30+$0x10A90] =	vst v57  }
0x345: {  	v57 =	vld.idx.msk [tilespmem:v58+s13+$0x0], $0xffff;
	_ =	sdelay $0x1  }
0x346: {  	v58 =	vor.u32 v19, v56;
	_ =	sdelay $0x3  }
0x347: {  	[tilespmem:s30+$0x10AA0] =	vst v57  }
0x348: {  	v57 =	vld.idx.msk [tilespmem:v58+s13+$0x0], $0xffff;
	_ =	sdelay $0x1  }
0x349: {  	v58 =	vor.u32 v20, v56;
	_ =	sdelay $0x3  }
0x34a: {  	[tilespmem:s30+$0x10AB0] =	vst v57  }
0x34b: {  	v57 =	vld.idx.msk [tilespmem:v58+s13+$0x0], $0xffff;
	_ =	sdelay $0x1  }
0x34c: {  	v58 =	vor.u32 v21, v56;
	_ =	sdelay $0x3  }
0x34d: {  	[tilespmem:s30+$0x10AC0] =	vst v57  }
0x34e: {  	v57 =	vld.idx.msk [tilespmem:v58+s13+$0x0], $0xffff;
	_ =	sdelay $0x1  }
0x34f: {  	v58 =	vor.u32 v22, v56;
	_ =	sdelay $0x3  }
0x350: {  	[tilespmem:s30+$0x10AD0] =	vst v57  }
0x351: {  	v57 =	vld.idx.msk [tilespmem:v58+s13+$0x0], $0xffff;
	_ =	sdelay $0x1  }
0x352: {  	v58 =	vor.u32 v23, v56;
	_ =	sdelay $0x3  }
0x353: {  	[tilespmem:s30+$0x10AE0] =	vst v57  }
0x354: {  	v57 =	vld.idx.msk [tilespmem:v58+s13+$0x0], $0xffff;
	_ =	sdelay $0x1  }
0x355: {  	v58 =	vor.u32 v24, v56;
	_ =	sdelay $0x3  }
0x356: {  	[tilespmem:s30+$0x10AF0] =	vst v57  }
0x357: {  	v57 =	vld.idx.msk [tilespmem:v58+s13+$0x0], $0xffff;
	_ =	sdelay $0x1  }
0x358: {  	v58 =	vor.u32 v25, v56;
	_ =	sdelay $0x3  }
0x359: {  	[tilespmem:s30+$0x11A80] =	vst v57  }
0x35a: {  	v57 =	vld.idx.msk [tilespmem:v58+s13+$0x0], $0xffff;
	_ =	sdelay $0x1  }
0x35b: {  	v58 =	vor.u32 v26, v56;
	_ =	sdelay $0x3  }
0x35c: {  	[tilespmem:s30+$0x11A90] =	vst v57  }
0x35d: {  	v57 =	vld.idx.msk [tilespmem:v58+s13+$0x0], $0xffff;
	_ =	sdelay $0x1  }
0x35e: {  	v58 =	vor.u32 v27, v56;
	_ =	sdelay $0x3  }
0x35f: {  	[tilespmem:s30+$0x11AA0] =	vst v57  }
0x360: {  	v57 =	vld.idx.msk [tilespmem:v58+s13+$0x0], $0xffff;
	_ =	sdelay $0x1  }
0x361: {  	v58 =	vor.u32 v28, v56;
	_ =	sdelay $0x3  }
0x362: {  	[tilespmem:s30+$0x11AB0] =	vst v57  }
0x363: {  	v57 =	vld.idx.msk [tilespmem:v58+s13+$0x0], $0xffff;
	_ =	sdelay $0x1  }
0x364: {  	v58 =	vor.u32 v29, v56;
	_ =	sdelay $0x3  }
0x365: {  	[tilespmem:s30+$0x11AC0] =	vst v57  }
0x366: {  	v57 =	vld.idx.msk [tilespmem:v58+s13+$0x0], $0xffff;
	_ =	sdelay $0x1  }
0x367: {  	v58 =	vor.u32 v30, v56;
	_ =	sdelay $0x3  }
0x368: {  	[tilespmem:s30+$0x11AD0] =	vst v57  }
0x369: {  	v57 =	vld.idx.msk [tilespmem:v58+s13+$0x0], $0xffff;
	_ =	sdelay $0x1  }
0x36a: {  	v58 =	vor.u32 v31, v56;
	_ =	sdelay $0x3  }
0x36b: {  	[tilespmem:s30+$0x11AE0] =	vst v57  }
0x36c: {  	v57 =	vld.idx.msk [tilespmem:v58+s13+$0x0], $0xffff;
	_ =	sdelay $0x1  }
0x36d: {  	v58 =	vor.u32 v32, v56;
	_ =	sdelay $0x3  }
0x36e: {  	[tilespmem:s30+$0x11AF0] =	vst v57  }
0x36f: {  	v57 =	vld.idx.msk [tilespmem:v58+s13+$0x0], $0xffff;
	_ =	sdelay $0x1  }
0x370: {  	v58 =	vor.u32 v33, v56;
	_ =	sdelay $0x3  }
0x371: {  	[tilespmem:s30+$0x12A80] =	vst v57  }
0x372: {  	v57 =	vld.idx.msk [tilespmem:v58+s13+$0x0], $0xffff;
	_ =	sdelay $0x1  }
0x373: {  	v58 =	vor.u32 v34, v56;
	_ =	sdelay $0x3  }
0x374: {  	[tilespmem:s30+$0x12A90] =	vst v57  }
0x375: {  	v57 =	vld.idx.msk [tilespmem:v58+s13+$0x0], $0xffff;
	_ =	sdelay $0x1  }
0x376: {  	v58 =	vor.u32 v35, v56;
	_ =	sdelay $0x3  }
0x377: {  	[tilespmem:s30+$0x12AA0] =	vst v57  }
0x378: {  	v57 =	vld.idx.msk [tilespmem:v58+s13+$0x0], $0xffff;
	_ =	sdelay $0x1  }
0x379: {  	v58 =	vor.u32 v36, v56;
	_ =	sdelay $0x3  }
0x37a: {  	[tilespmem:s30+$0x12AB0] =	vst v57  }
0x37b: {  	v57 =	vld.idx.msk [tilespmem:v58+s13+$0x0], $0xffff;
	_ =	sdelay $0x1  }
0x37c: {  	v58 =	vor.u32 v37, v56;
	_ =	sdelay $0x3  }
0x37d: {  	[tilespmem:s30+$0x12AC0] =	vst v57  }
0x37e: {  	v57 =	vld.idx.msk [tilespmem:v58+s13+$0x0], $0xffff;
	_ =	sdelay $0x1  }
0x37f: {  	v58 =	vor.u32 v38, v56;
	_ =	sdelay $0x3  }
0x380: {  	[tilespmem:s30+$0x12AD0] =	vst v57  }
0x381: {  	v57 =	vld.idx.msk [tilespmem:v58+s13+$0x0], $0xffff;
	_ =	sdelay $0x1  }
0x382: {  	v58 =	vor.u32 v39, v56;
	_ =	sdelay $0x3  }
0x383: {  	[tilespmem:s30+$0x12AE0] =	vst v57  }
0x384: {  	v57 =	vld.idx.msk [tilespmem:v58+s13+$0x0], $0xffff;
	_ =	sdelay $0x1  }
0x385: {  	v58 =	vor.u32 v40, v56;
	_ =	sdelay $0x3  }
0x386: {  	[tilespmem:s30+$0x12AF0] =	vst v57  }
0x387: {  	v57 =	vld.idx.msk [tilespmem:v58+s13+$0x0], $0xffff;
	_ =	sdelay $0x1  }
0x388: {  	v58 =	vor.u32 v41, v56;
	_ =	sdelay $0x3  }
0x389: {  	[tilespmem:s30+$0x13A80] =	vst v57  }
0x38a: {  	v57 =	vld.idx.msk [tilespmem:v58+s13+$0x0], $0xffff;
	_ =	sdelay $0x1  }
0x38b: {  	v58 =	vor.u32 v42, v56;
	_ =	sdelay $0x3  }
0x38c: {  	[tilespmem:s30+$0x13A90] =	vst v57  }
0x38d: {  	v57 =	vld.idx.msk [tilespmem:v58+s13+$0x0], $0xffff;
	_ =	sdelay $0x1  }
0x38e: {  	v58 =	vor.u32 v43, v56;
	_ =	sdelay $0x3  }
0x38f: {  	[tilespmem:s30+$0x13AA0] =	vst v57  }
0x390: {  	v57 =	vld.idx.msk [tilespmem:v58+s13+$0x0], $0xffff;
	_ =	sdelay $0x1  }
0x391: {  	v58 =	vor.u32 v44, v56;
	_ =	sdelay $0x3  }
0x392: {  	[tilespmem:s30+$0x13AB0] =	vst v57  }
0x393: {  	v57 =	vld.idx.msk [tilespmem:v58+s13+$0x0], $0xffff;
	_ =	sdelay $0x1  }
0x394: {  	v58 =	vor.u32 v45, v56;
	_ =	sdelay $0x3  }
0x395: {  	[tilespmem:s30+$0x13AC0] =	vst v57  }
0x396: {  	v57 =	vld.idx.msk [tilespmem:v58+s13+$0x0], $0xffff;
	_ =	sdelay $0x1  }
0x397: {  	v58 =	vor.u32 v46, v56;
	_ =	sdelay $0x3  }
0x398: {  	[tilespmem:s30+$0x13AD0] =	vst v57  }
0x399: {  	v57 =	vld.idx.msk [tilespmem:v58+s13+$0x0], $0xffff;
	_ =	sdelay $0x1  }
0x39a: {  	v58 =	vor.u32 v47, v56;
	_ =	sdelay $0x3  }
0x39b: {  	[tilespmem:s30+$0x13AE0] =	vst v57  }
0x39c: {  	v57 =	vld.idx.msk [tilespmem:v58+s13+$0x0], $0xffff;
	_ =	sdelay $0x1  }
0x39d: {  	v58 =	vor.u32 v48, v56;
	_ =	sdelay $0x3  }
0x39e: {  	[tilespmem:s30+$0x13AF0] =	vst v57  }
0x39f: {  	v57 =	vld.idx.msk [tilespmem:v58+s13+$0x0], $0xffff;
	_ =	sdelay $0x1  }
0x3a0: {  	v58 =	vor.u32 v49, v56;
	_ =	sdelay $0x3  }
0x3a1: {  	[tilespmem:s30+$0x14A80] =	vst v57  }
0x3a2: {  	v57 =	vld.idx.msk [tilespmem:v58+s13+$0x0], $0xffff;
	_ =	sdelay $0x1  }
0x3a3: {  	v58 =	vor.u32 v50, v56;
	_ =	sdelay $0x3  }
0x3a4: {  	[tilespmem:s30+$0x14A90] =	vst v57  }
0x3a5: {  	v57 =	vld.idx.msk [tilespmem:v58+s13+$0x0], $0xffff;
	_ =	sdelay $0x1  }
0x3a6: {  	v58 =	vor.u32 v51, v56;
	_ =	sdelay $0x3  }
0x3a7: {  	[tilespmem:s30+$0x14AA0] =	vst v57  }
0x3a8: {  	v57 =	vld.idx.msk [tilespmem:v58+s13+$0x0], $0xffff;
	_ =	sdelay $0x1  }
0x3a9: {  	v58 =	vor.u32 v52, v56;
	_ =	sdelay $0x3  }
0x3aa: {  	[tilespmem:s30+$0x14AB0] =	vst v57  }
0x3ab: {  	v57 =	vld.idx.msk [tilespmem:v58+s13+$0x0], $0xffff;
	_ =	sdelay $0x1  }
0x3ac: {  	v58 =	vor.u32 v53, v56;
	_ =	sdelay $0x3  }
0x3ad: {  	[tilespmem:s30+$0x14AC0] =	vst v57  }
0x3ae: {  	v57 =	vld.idx.msk [tilespmem:v58+s13+$0x0], $0xffff;
	_ =	sdelay $0x1  }
0x3af: {  	v58 =	vor.u32 v54, v56;
	_ =	sdelay $0x3  }
0x3b0: {  	[tilespmem:s30+$0x14AD0] =	vst v57  }
0x3b1: {  	v58 =	vld.idx.msk [tilespmem:v58+s13+$0x0], $0xffff  }
.Ltmp1:
0x3b2: {  	(pc) =	sbr.rel @p0 .LBB2_4-.Ltmp1, $3  }
0x3b3: {  	v57 =	vor.u32 v55, v56;
	_ =	sdelay $0x1  }
0x3b4: {  	s0 =	sadd.s32 $0x1, s0  }
0x3b5: {  	s1 =	sadd.s32 $0x200, s1;
	v56 =	vmov s0  }
0x3b6: {  	_ =	sdelay $0x1  }
0x3b7: {  	v56 =	vand.u32 $0x1F, v56  }
0x3b8: {  	[tilespmem:s30+$0x14AE0] =	vst v58;
	v56 =	vbroadcast v56, $0x0  }
0x3b9: {  	v57 =	vld.idx.msk [tilespmem:v57+s13+$0x0], $0xffff  }
0x3ba: {  	v61 =	vor.u32 v0, v56;
	_ =	sdelay $0x3  }
0x3bb: {  	[tilespmem:s30+$0x14AF0] =	vst v57  }
0x3bc: {  	v57 =	vld.idx.msk [tilespmem:v61+s13+$0x0], $0xffff  }
0x3bd: {  	v62 =	vor.u32 v1, v56;
	_ =	sdelay $0x2  }
0x3be: {  	s0 =	sshra.s32 s31, $0x2  }
0x3bf: {  	[tilespmem:s0+$0xEA80] =	vst v57  }
0x3c0: {  	v57 =	vld.idx.msk [tilespmem:v62+s13+$0x0], $0xffff  }
0x3c1: {  	v63 =	vor.u32 v2, v56;
	_ =	sdelay $0x3  }
0x3c2: {  	[tilespmem:s0+$0xEA90] =	vst v57  }
0x3c3: {  	v57 =	vld.idx.msk [tilespmem:v63+s13+$0x0], $0xffff  }
0x3c4: {  	v60 =	vor.u32 v3, v56;
	_ =	sdelay $0x3  }
0x3c5: {  	[tilespmem:s0+$0xEAA0] =	vst v57  }
0x3c6: {  	v57 =	vld.idx.msk [tilespmem:v60+s13+$0x0], $0xffff  }
0x3c7: {  	v61 =	vor.u32 v4, v56;
	_ =	sdelay $0x3  }
0x3c8: {  	[tilespmem:s0+$0xEAB0] =	vst v57  }
0x3c9: {  	v57 =	vld.idx.msk [tilespmem:v61+s13+$0x0], $0xffff  }
0x3ca: {  	v62 =	vor.u32 v5, v56;
	_ =	sdelay $0x3  }
0x3cb: {  	[tilespmem:s0+$0xEAC0] =	vst v57  }
0x3cc: {  	v57 =	vld.idx.msk [tilespmem:v62+s13+$0x0], $0xffff  }
0x3cd: {  	v63 =	vor.u32 v6, v56;
	_ =	sdelay $0x3  }
0x3ce: {  	[tilespmem:s0+$0xEAD0] =	vst v57  }
0x3cf: {  	v57 =	vld.idx.msk [tilespmem:v63+s13+$0x0], $0xffff  }
0x3d0: {  	v60 =	vor.u32 v7, v56;
	_ =	sdelay $0x3  }
0x3d1: {  	[tilespmem:s0+$0xEAE0] =	vst v57  }
0x3d2: {  	v57 =	vld.idx.msk [tilespmem:v60+s13+$0x0], $0xffff  }
0x3d3: {  	v61 =	vor.u32 v8, v56;
	_ =	sdelay $0x3  }
0x3d4: {  	[tilespmem:s0+$0xEAF0] =	vst v57  }
0x3d5: {  	v57 =	vld.idx.msk [tilespmem:v61+s13+$0x0], $0xffff  }
0x3d6: {  	v62 =	vor.u32 v9, v56;
	_ =	sdelay $0x3  }
0x3d7: {  	[tilespmem:s0+$0xFA80] =	vst v57  }
0x3d8: {  	v57 =	vld.idx.msk [tilespmem:v62+s13+$0x0], $0xffff  }
0x3d9: {  	v63 =	vor.u32 v10, v56;
	_ =	sdelay $0x3  }
0x3da: {  	[tilespmem:s0+$0xFA90] =	vst v57  }
0x3db: {  	v57 =	vld.idx.msk [tilespmem:v63+s13+$0x0], $0xffff  }
0x3dc: {  	v60 =	vor.u32 v11, v56;
	_ =	sdelay $0x3  }
0x3dd: {  	[tilespmem:s0+$0xFAA0] =	vst v57  }
0x3de: {  	v57 =	vld.idx.msk [tilespmem:v60+s13+$0x0], $0xffff  }
0x3df: {  	v61 =	vor.u32 v12, v56;
	_ =	sdelay $0x3  }
0x3e0: {  	[tilespmem:s0+$0xFAB0] =	vst v57  }
0x3e1: {  	v57 =	vld.idx.msk [tilespmem:v61+s13+$0x0], $0xffff  }
0x3e2: {  	v62 =	vor.u32 v13, v56;
	_ =	sdelay $0x3  }
0x3e3: {  	[tilespmem:s0+$0xFAC0] =	vst v57  }
0x3e4: {  	v57 =	vld.idx.msk [tilespmem:v62+s13+$0x0], $0xffff  }
0x3e5: {  	v63 =	vor.u32 v14, v56;
	_ =	sdelay $0x3  }
0x3e6: {  	[tilespmem:s0+$0xFAD0] =	vst v57  }
0x3e7: {  	v57 =	vld.idx.msk [tilespmem:v63+s13+$0x0], $0xffff  }
0x3e8: {  	v60 =	vor.u32 v15, v56;
	_ =	sdelay $0x3  }
0x3e9: {  	[tilespmem:s0+$0xFAE0] =	vst v57  }
0x3ea: {  	v57 =	vld.idx.msk [tilespmem:v60+s13+$0x0], $0xffff  }
0x3eb: {  	v61 =	vor.u32 v16, v56;
	_ =	sdelay $0x3  }
0x3ec: {  	[tilespmem:s0+$0xFAF0] =	vst v57  }
0x3ed: {  	v57 =	vld.idx.msk [tilespmem:v61+s13+$0x0], $0xffff  }
0x3ee: {  	v62 =	vor.u32 v17, v56;
	_ =	sdelay $0x3  }
0x3ef: {  	[tilespmem:s0+$0x10A80] =	vst v57  }
0x3f0: {  	v57 =	vld.idx.msk [tilespmem:v62+s13+$0x0], $0xffff  }
0x3f1: {  	v63 =	vor.u32 v18, v56;
	_ =	sdelay $0x3  }
0x3f2: {  	[tilespmem:s0+$0x10A90] =	vst v57  }
0x3f3: {  	v57 =	vld.idx.msk [tilespmem:v63+s13+$0x0], $0xffff  }
0x3f4: {  	v60 =	vor.u32 v19, v56;
	_ =	sdelay $0x3  }
0x3f5: {  	[tilespmem:s0+$0x10AA0] =	vst v57  }
0x3f6: {  	v57 =	vld.idx.msk [tilespmem:v60+s13+$0x0], $0xffff  }
0x3f7: {  	v61 =	vor.u32 v20, v56;
	_ =	sdelay $0x3  }
0x3f8: {  	[tilespmem:s0+$0x10AB0] =	vst v57  }
0x3f9: {  	v57 =	vld.idx.msk [tilespmem:v61+s13+$0x0], $0xffff  }
0x3fa: {  	v62 =	vor.u32 v21, v56;
	_ =	sdelay $0x3  }
0x3fb: {  	[tilespmem:s0+$0x10AC0] =	vst v57  }
0x3fc: {  	v57 =	vld.idx.msk [tilespmem:v62+s13+$0x0], $0xffff  }
0x3fd: {  	v63 =	vor.u32 v22, v56;
	_ =	sdelay $0x3  }
0x3fe: {  	[tilespmem:s0+$0x10AD0] =	vst v57  }
0x3ff: {  	v57 =	vld.idx.msk [tilespmem:v63+s13+$0x0], $0xffff  }
0x400: {  	v60 =	vor.u32 v23, v56;
	_ =	sdelay $0x3  }
0x401: {  	[tilespmem:s0+$0x10AE0] =	vst v57  }
0x402: {  	v57 =	vld.idx.msk [tilespmem:v60+s13+$0x0], $0xffff  }
0x403: {  	v61 =	vor.u32 v24, v56;
	_ =	sdelay $0x3  }
0x404: {  	[tilespmem:s0+$0x10AF0] =	vst v57  }
0x405: {  	v57 =	vld.idx.msk [tilespmem:v61+s13+$0x0], $0xffff  }
0x406: {  	v62 =	vor.u32 v25, v56;
	_ =	sdelay $0x3  }
0x407: {  	[tilespmem:s0+$0x11A80] =	vst v57  }
0x408: {  	v57 =	vld.idx.msk [tilespmem:v62+s13+$0x0], $0xffff  }
0x409: {  	v63 =	vor.u32 v26, v56;
	_ =	sdelay $0x3  }
0x40a: {  	[tilespmem:s0+$0x11A90] =	vst v57  }
0x40b: {  	v57 =	vld.idx.msk [tilespmem:v63+s13+$0x0], $0xffff  }
0x40c: {  	v60 =	vor.u32 v27, v56;
	_ =	sdelay $0x3  }
0x40d: {  	[tilespmem:s0+$0x11AA0] =	vst v57  }
0x40e: {  	v57 =	vld.idx.msk [tilespmem:v60+s13+$0x0], $0xffff  }
0x40f: {  	v61 =	vor.u32 v28, v56;
	_ =	sdelay $0x3  }
0x410: {  	[tilespmem:s0+$0x11AB0] =	vst v57  }
0x411: {  	v57 =	vld.idx.msk [tilespmem:v61+s13+$0x0], $0xffff  }
0x412: {  	v62 =	vor.u32 v29, v56;
	_ =	sdelay $0x3  }
0x413: {  	[tilespmem:s0+$0x11AC0] =	vst v57  }
0x414: {  	v57 =	vld.idx.msk [tilespmem:v62+s13+$0x0], $0xffff  }
0x415: {  	v63 =	vor.u32 v30, v56;
	_ =	sdelay $0x3  }
0x416: {  	[tilespmem:s0+$0x11AD0] =	vst v57  }
0x417: {  	v57 =	vld.idx.msk [tilespmem:v63+s13+$0x0], $0xffff  }
0x418: {  	v60 =	vor.u32 v31, v56;
	_ =	sdelay $0x3  }
0x419: {  	[tilespmem:s0+$0x11AE0] =	vst v57  }
0x41a: {  	v57 =	vld.idx.msk [tilespmem:v60+s13+$0x0], $0xffff  }
0x41b: {  	v61 =	vor.u32 v32, v56;
	_ =	sdelay $0x3  }
0x41c: {  	[tilespmem:s0+$0x11AF0] =	vst v57  }
0x41d: {  	v57 =	vld.idx.msk [tilespmem:v61+s13+$0x0], $0xffff  }
0x41e: {  	v62 =	vor.u32 v33, v56;
	_ =	sdelay $0x3  }
0x41f: {  	[tilespmem:s0+$0x12A80] =	vst v57  }
0x420: {  	v57 =	vld.idx.msk [tilespmem:v62+s13+$0x0], $0xffff  }
0x421: {  	v63 =	vor.u32 v34, v56;
	_ =	sdelay $0x3  }
0x422: {  	[tilespmem:s0+$0x12A90] =	vst v57  }
0x423: {  	v57 =	vld.idx.msk [tilespmem:v63+s13+$0x0], $0xffff  }
0x424: {  	v60 =	vor.u32 v35, v56;
	_ =	sdelay $0x3  }
0x425: {  	[tilespmem:s0+$0x12AA0] =	vst v57  }
0x426: {  	v57 =	vld.idx.msk [tilespmem:v60+s13+$0x0], $0xffff  }
0x427: {  	v61 =	vor.u32 v36, v56;
	_ =	sdelay $0x3  }
0x428: {  	[tilespmem:s0+$0x12AB0] =	vst v57  }
0x429: {  	v57 =	vld.idx.msk [tilespmem:v61+s13+$0x0], $0xffff  }
0x42a: {  	v62 =	vor.u32 v37, v56;
	_ =	sdelay $0x3  }
0x42b: {  	[tilespmem:s0+$0x12AC0] =	vst v57  }
0x42c: {  	v57 =	vld.idx.msk [tilespmem:v62+s13+$0x0], $0xffff  }
0x42d: {  	v63 =	vor.u32 v38, v56;
	_ =	sdelay $0x3  }
0x42e: {  	[tilespmem:s0+$0x12AD0] =	vst v57  }
0x42f: {  	v57 =	vld.idx.msk [tilespmem:v63+s13+$0x0], $0xffff  }
0x430: {  	v60 =	vor.u32 v39, v56;
	_ =	sdelay $0x3  }
0x431: {  	[tilespmem:s0+$0x12AE0] =	vst v57  }
0x432: {  	v57 =	vld.idx.msk [tilespmem:v60+s13+$0x0], $0xffff  }
0x433: {  	v61 =	vor.u32 v40, v56;
	_ =	sdelay $0x3  }
0x434: {  	[tilespmem:s0+$0x12AF0] =	vst v57  }
0x435: {  	v57 =	vld.idx.msk [tilespmem:v61+s13+$0x0], $0xffff  }
0x436: {  	v62 =	vor.u32 v41, v56;
	_ =	sdelay $0x3  }
0x437: {  	[tilespmem:s0+$0x13A80] =	vst v57  }
0x438: {  	v57 =	vld.idx.msk [tilespmem:v62+s13+$0x0], $0xffff  }
0x439: {  	v63 =	vor.u32 v42, v56;
	_ =	sdelay $0x3  }
0x43a: {  	[tilespmem:s0+$0x13A90] =	vst v57  }
0x43b: {  	v57 =	vld.idx.msk [tilespmem:v63+s13+$0x0], $0xffff  }
0x43c: {  	v60 =	vor.u32 v43, v56;
	_ =	sdelay $0x3  }
0x43d: {  	[tilespmem:s0+$0x13AA0] =	vst v57  }
0x43e: {  	v57 =	vld.idx.msk [tilespmem:v60+s13+$0x0], $0xffff  }
0x43f: {  	v61 =	vor.u32 v44, v56;
	_ =	sdelay $0x3  }
0x440: {  	[tilespmem:s0+$0x13AB0] =	vst v57  }
0x441: {  	v57 =	vld.idx.msk [tilespmem:v61+s13+$0x0], $0xffff  }
0x442: {  	v62 =	vor.u32 v45, v56;
	_ =	sdelay $0x3  }
0x443: {  	[tilespmem:s0+$0x13AC0] =	vst v57  }
0x444: {  	v57 =	vld.idx.msk [tilespmem:v62+s13+$0x0], $0xffff  }
0x445: {  	v63 =	vor.u32 v46, v56;
	_ =	sdelay $0x3  }
0x446: {  	[tilespmem:s0+$0x13AD0] =	vst v57  }
0x447: {  	v57 =	vld.idx.msk [tilespmem:v63+s13+$0x0], $0xffff  }
0x448: {  	v60 =	vor.u32 v47, v56;
	_ =	sdelay $0x3  }
0x449: {  	[tilespmem:s0+$0x13AE0] =	vst v57  }
0x44a: {  	v57 =	vld.idx.msk [tilespmem:v60+s13+$0x0], $0xffff  }
0x44b: {  	v61 =	vor.u32 v48, v56;
	_ =	sdelay $0x3  }
0x44c: {  	[tilespmem:s0+$0x13AF0] =	vst v57  }
0x44d: {  	v57 =	vld.idx.msk [tilespmem:v61+s13+$0x0], $0xffff  }
0x44e: {  	v62 =	vor.u32 v49, v56;
	_ =	sdelay $0x3  }
0x44f: {  	[tilespmem:s0+$0x14A80] =	vst v57  }
0x450: {  	v57 =	vld.idx.msk [tilespmem:v62+s13+$0x0], $0xffff  }
0x451: {  	v63 =	vor.u32 v50, v56;
	_ =	sdelay $0x3  }
0x452: {  	[tilespmem:s0+$0x14A90] =	vst v57  }
0x453: {  	v57 =	vld.idx.msk [tilespmem:v63+s13+$0x0], $0xffff  }
0x454: {  	v60 =	vor.u32 v51, v56;
	_ =	sdelay $0x3  }
0x455: {  	[tilespmem:s0+$0x14AA0] =	vst v57  }
0x456: {  	v57 =	vld.idx.msk [tilespmem:v60+s13+$0x0], $0xffff  }
0x457: {  	v61 =	vor.u32 v52, v56;
	_ =	sdelay $0x3  }
0x458: {  	[tilespmem:s0+$0x14AB0] =	vst v57  }
0x459: {  	v57 =	vld.idx.msk [tilespmem:v61+s13+$0x0], $0xffff  }
0x45a: {  	v62 =	vor.u32 v53, v56;
	_ =	sdelay $0x3  }
0x45b: {  	[tilespmem:s0+$0x14AC0] =	vst v57  }
0x45c: {  	v57 =	vld.idx.msk [tilespmem:v62+s13+$0x0], $0xffff  }
0x45d: {  	v63 =	vor.u32 v54, v56;
	_ =	sdelay $0x3  }
0x45e: {  	[tilespmem:s0+$0x14AD0] =	vst v57  }
0x45f: {  	v57 =	vld.idx.msk [tilespmem:v63+s13+$0x0], $0xffff  }
0x460: {  	v56 =	vor.u32 v55, v56;
	_ =	sdelay $0x3  }
0x461: {  	[tilespmem:s0+$0x14AE0] =	vst v57  }
0x462: {  	v56 =	vld.idx.msk [tilespmem:v56+s13+$0x0], $0xffff;
	_ =	sdelay $0x4  }
0x463: {  	[tilespmem:s0+$0x14AF0] =	vst v56  }
0x464: {  	[tilespmem:s13], [sflag:$0x1] =	stream.indirect.gather [hbm4b:s4+s9], $0x20, s15, s9, $0xb8;
	[tilespmem:$0x1CA80] =	vst v63  }
0x465: {  	_ = 	snop  }
0x466: {  	[tilespmem:s14], [sflag:$0x1] =	stream.indirect.gather [hbm4b:s4+s9], $0x20, s17, s9, $0xb8;
	[tilespmem:$0x1CA80] =	vst v63  }
0x467: {  	_ = 	snop  }
0x468: {  	[tilespmem:s16], [sflag:$0x1] =	stream.indirect.gather [hbm4b:s4+s9], $0x20, s19, s9, $0xb8;
	[tilespmem:$0x1CA80] =	vst v63  }
0x469: {  	_ = 	snop  }
0x46a: {  	[tilespmem:s18], [sflag:$0x1] =	stream.indirect.gather [hbm4b:s4+s9], $0x20, s21, s9, $0xb8;
	[tilespmem:$0x1CA80] =	vst v63  }
0x46b: {  	_ = 	snop  }
0x46c: {  	[tilespmem:s20], [sflag:$0x1] =	stream.indirect.gather [hbm4b:s4+s9], $0x20, s23, s9, $0xb8;
	[tilespmem:$0x1CA80] =	vst v63  }
0x46d: {  	_ = 	snop  }
0x46e: {  	[tilespmem:s22], [sflag:$0x1] =	stream.indirect.gather [hbm4b:s4+s9], $0x20, s26, s9, $0xb8;
	[tilespmem:$0x1CA80] =	vst v63  }
0x46f: {  	_ = 	snop  }
0x470: {  	[tilespmem:s24], [sflag:$0x1] =	stream.indirect.gather [hbm4b:s3+s9], $0x20, s12, s9, $0xb8;
	[tilespmem:$0x1CA80] =	vst v63  }
0x471: {  	_ =	swait.ge [sflag:s25], $0x1000  }
0x472: {  	[sflag:s25] =	ssyncset.done $0x0  }
0x473: {  	[sflag:s25] =	ssyncadd.s32 $0xFFFFF000  }
0x474: {  	_ =	swait.ge [sflag:s25], $0x1000  }
0x475: {  	[sflag:s25] =	ssyncset.done $0x0  }
0x476: {  	[sflag:s25] =	ssyncadd.s32 $0xFFFFF000  }
0x477: {  	_ =	swait.ge [sflag:s25], $0x1000  }
0x478: {  	[sflag:s25] =	ssyncset.done $0x0  }
0x479: {  	[sflag:s25] =	ssyncadd.s32 $0xFFFFF000  }
0x47a: {  	_ =	swait.ge [sflag:s25], $0x1000  }
0x47b: {  	[sflag:s25] =	ssyncset.done $0x0  }
0x47c: {  	s1 =	simm.s32 $0x0;
	[sflag:s25] =	ssyncadd.s32 $0xFFFFF000  }
0x47d: {  	v60 =	vmov s1;
	_ =	swait.ge [sflag:s25], $0x1000  }
0x47e: {  	v56 =	vand.u32 $0x1F, v60;
	[sflag:s25] =	ssyncset.done $0x0  }
0x47f: {  	v56 =	vbroadcast v56, $0x0;
	[sflag:s25] =	ssyncadd.s32 $0xFFFFF000  }
0x480: {  	_ =	swait.ge [sflag:s25], $0x1000  }
0x481: {  	v61 =	vor.u32 v0, v56;
	[sflag:s25] =	ssyncset.done $0x0  }
0x482: {  	[sflag:s25] =	ssyncadd.s32 $0xFFFFF000  }
0x483: {  	_ =	swait.ge [sflag:s25], $0x1000  }
0x484: {  	[sflag:s25] =	ssyncset.done $0x0  }
0x485: {  	[sflag:s25] =	ssyncadd.s32 $0xFFFFF000  }
0x486: {  	v57 =	vld.idx.msk [tilespmem:v61+s13+$0x0], $0xffff  }
0x487: {  	v62 =	vor.u32 v1, v56;
	_ =	sdelay $0x2  }
0x488: {  	s30 =	simm.s32 $0x0  }
0x489: {  	[tilespmem:s30+$0x15A80] =	vst v57  }
0x48a: {  	v57 =	vld.idx.msk [tilespmem:v62+s13+$0x0], $0xffff  }
0x48b: {  	v63 =	vor.u32 v2, v56;
	_ =	sdelay $0x3  }
0x48c: {  	[tilespmem:s30+$0x15A90] =	vst v57  }
0x48d: {  	v57 =	vld.idx.msk [tilespmem:v63+s13+$0x0], $0xffff  }
0x48e: {  	v60 =	vor.u32 v3, v56;
	_ =	sdelay $0x3  }
0x48f: {  	[tilespmem:s30+$0x15AA0] =	vst v57  }
0x490: {  	v57 =	vld.idx.msk [tilespmem:v60+s13+$0x0], $0xffff  }
0x491: {  	v61 =	vor.u32 v4, v56;
	_ =	sdelay $0x3  }
0x492: {  	[tilespmem:s30+$0x15AB0] =	vst v57  }
0x493: {  	v57 =	vld.idx.msk [tilespmem:v61+s13+$0x0], $0xffff  }
0x494: {  	v62 =	vor.u32 v5, v56;
	_ =	sdelay $0x3  }
0x495: {  	[tilespmem:s30+$0x15AC0] =	vst v57  }
0x496: {  	v57 =	vld.idx.msk [tilespmem:v62+s13+$0x0], $0xffff  }
0x497: {  	v63 =	vor.u32 v6, v56;
	_ =	sdelay $0x3  }
0x498: {  	[tilespmem:s30+$0x15AD0] =	vst v57  }
0x499: {  	v57 =	vld.idx.msk [tilespmem:v63+s13+$0x0], $0xffff  }
0x49a: {  	v60 =	vor.u32 v7, v56;
	_ =	sdelay $0x3  }
0x49b: {  	[tilespmem:s30+$0x15AE0] =	vst v57  }
0x49c: {  	v57 =	vld.idx.msk [tilespmem:v60+s13+$0x0], $0xffff  }
0x49d: {  	v61 =	vor.u32 v8, v56;
	_ =	sdelay $0x3  }
0x49e: {  	[tilespmem:s30+$0x15AF0] =	vst v57  }
0x49f: {  	v57 =	vld.idx.msk [tilespmem:v61+s13+$0x0], $0xffff  }
0x4a0: {  	v62 =	vor.u32 v9, v56;
	_ =	sdelay $0x3  }
0x4a1: {  	[tilespmem:s30+$0x16A80] =	vst v57  }
0x4a2: {  	v57 =	vld.idx.msk [tilespmem:v62+s13+$0x0], $0xffff  }
0x4a3: {  	v63 =	vor.u32 v10, v56;
	_ =	sdelay $0x3  }
0x4a4: {  	[tilespmem:s30+$0x16A90] =	vst v57  }
0x4a5: {  	v57 =	vld.idx.msk [tilespmem:v63+s13+$0x0], $0xffff  }
0x4a6: {  	v60 =	vor.u32 v11, v56;
	_ =	sdelay $0x3  }
0x4a7: {  	[tilespmem:s30+$0x16AA0] =	vst v57  }
0x4a8: {  	v57 =	vld.idx.msk [tilespmem:v60+s13+$0x0], $0xffff  }
0x4a9: {  	v61 =	vor.u32 v12, v56;
	_ =	sdelay $0x3  }
0x4aa: {  	[tilespmem:s30+$0x16AB0] =	vst v57  }
0x4ab: {  	v57 =	vld.idx.msk [tilespmem:v61+s13+$0x0], $0xffff  }
0x4ac: {  	v62 =	vor.u32 v13, v56;
	_ =	sdelay $0x3  }
0x4ad: {  	[tilespmem:s30+$0x16AC0] =	vst v57  }
0x4ae: {  	v57 =	vld.idx.msk [tilespmem:v62+s13+$0x0], $0xffff  }
0x4af: {  	v63 =	vor.u32 v14, v56;
	_ =	sdelay $0x3  }
0x4b0: {  	[tilespmem:s30+$0x16AD0] =	vst v57  }
0x4b1: {  	v57 =	vld.idx.msk [tilespmem:v63+s13+$0x0], $0xffff  }
0x4b2: {  	v60 =	vor.u32 v15, v56;
	_ =	sdelay $0x3  }
0x4b3: {  	[tilespmem:s30+$0x16AE0] =	vst v57  }
0x4b4: {  	v57 =	vld.idx.msk [tilespmem:v60+s13+$0x0], $0xffff  }
0x4b5: {  	v61 =	vor.u32 v16, v56;
	_ =	sdelay $0x3  }
0x4b6: {  	[tilespmem:s30+$0x16AF0] =	vst v57  }
0x4b7: {  	v57 =	vld.idx.msk [tilespmem:v61+s13+$0x0], $0xffff  }
0x4b8: {  	v62 =	vor.u32 v17, v56;
	_ =	sdelay $0x3  }
0x4b9: {  	[tilespmem:s30+$0x17A80] =	vst v57  }
0x4ba: {  	v57 =	vld.idx.msk [tilespmem:v62+s13+$0x0], $0xffff  }
0x4bb: {  	v63 =	vor.u32 v18, v56;
	_ =	sdelay $0x3  }
0x4bc: {  	[tilespmem:s30+$0x17A90] =	vst v57  }
0x4bd: {  	v57 =	vld.idx.msk [tilespmem:v63+s13+$0x0], $0xffff  }
0x4be: {  	v60 =	vor.u32 v19, v56;
	_ =	sdelay $0x3  }
0x4bf: {  	[tilespmem:s30+$0x17AA0] =	vst v57  }
0x4c0: {  	v57 =	vld.idx.msk [tilespmem:v60+s13+$0x0], $0xffff  }
0x4c1: {  	v61 =	vor.u32 v20, v56;
	_ =	sdelay $0x3  }
0x4c2: {  	[tilespmem:s30+$0x17AB0] =	vst v57  }
0x4c3: {  	v57 =	vld.idx.msk [tilespmem:v61+s13+$0x0], $0xffff  }
0x4c4: {  	v62 =	vor.u32 v21, v56;
	_ =	sdelay $0x3  }
0x4c5: {  	[tilespmem:s30+$0x17AC0] =	vst v57  }
0x4c6: {  	v57 =	vld.idx.msk [tilespmem:v62+s13+$0x0], $0xffff  }
0x4c7: {  	v63 =	vor.u32 v22, v56;
	_ =	sdelay $0x3  }
0x4c8: {  	[tilespmem:s30+$0x17AD0] =	vst v57  }
0x4c9: {  	v57 =	vld.idx.msk [tilespmem:v63+s13+$0x0], $0xffff  }
0x4ca: {  	v60 =	vor.u32 v23, v56;
	_ =	sdelay $0x3  }
0x4cb: {  	[tilespmem:s30+$0x17AE0] =	vst v57  }
0x4cc: {  	v57 =	vld.idx.msk [tilespmem:v60+s13+$0x0], $0xffff  }
0x4cd: {  	v61 =	vor.u32 v24, v56;
	_ =	sdelay $0x3  }
0x4ce: {  	[tilespmem:s30+$0x17AF0] =	vst v57  }
0x4cf: {  	v57 =	vld.idx.msk [tilespmem:v61+s13+$0x0], $0xffff  }
0x4d0: {  	v62 =	vor.u32 v25, v56;
	_ =	sdelay $0x3  }
0x4d1: {  	[tilespmem:s30+$0x18A80] =	vst v57  }
0x4d2: {  	v57 =	vld.idx.msk [tilespmem:v62+s13+$0x0], $0xffff  }
0x4d3: {  	v63 =	vor.u32 v26, v56;
	_ =	sdelay $0x3  }
0x4d4: {  	[tilespmem:s30+$0x18A90] =	vst v57  }
0x4d5: {  	v57 =	vld.idx.msk [tilespmem:v63+s13+$0x0], $0xffff  }
0x4d6: {  	v60 =	vor.u32 v27, v56;
	_ =	sdelay $0x3  }
0x4d7: {  	[tilespmem:s30+$0x18AA0] =	vst v57  }
0x4d8: {  	v57 =	vld.idx.msk [tilespmem:v60+s13+$0x0], $0xffff  }
0x4d9: {  	v61 =	vor.u32 v28, v56;
	_ =	sdelay $0x3  }
0x4da: {  	[tilespmem:s30+$0x18AB0] =	vst v57  }
0x4db: {  	v57 =	vld.idx.msk [tilespmem:v61+s13+$0x0], $0xffff  }
0x4dc: {  	v62 =	vor.u32 v29, v56;
	_ =	sdelay $0x3  }
0x4dd: {  	[tilespmem:s30+$0x18AC0] =	vst v57  }
0x4de: {  	v57 =	vld.idx.msk [tilespmem:v62+s13+$0x0], $0xffff  }
0x4df: {  	v63 =	vor.u32 v30, v56;
	_ =	sdelay $0x3  }
0x4e0: {  	[tilespmem:s30+$0x18AD0] =	vst v57  }
0x4e1: {  	v57 =	vld.idx.msk [tilespmem:v63+s13+$0x0], $0xffff  }
0x4e2: {  	v60 =	vor.u32 v31, v56;
	_ =	sdelay $0x3  }
0x4e3: {  	[tilespmem:s30+$0x18AE0] =	vst v57  }
0x4e4: {  	v57 =	vld.idx.msk [tilespmem:v60+s13+$0x0], $0xffff  }
0x4e5: {  	v61 =	vor.u32 v32, v56;
	_ =	sdelay $0x3  }
0x4e6: {  	[tilespmem:s30+$0x18AF0] =	vst v57  }
0x4e7: {  	v57 =	vld.idx.msk [tilespmem:v61+s13+$0x0], $0xffff  }
0x4e8: {  	v62 =	vor.u32 v33, v56;
	_ =	sdelay $0x3  }
0x4e9: {  	[tilespmem:s30+$0x19A80] =	vst v57  }
0x4ea: {  	v57 =	vld.idx.msk [tilespmem:v62+s13+$0x0], $0xffff  }
0x4eb: {  	v63 =	vor.u32 v34, v56;
	_ =	sdelay $0x3  }
0x4ec: {  	[tilespmem:s30+$0x19A90] =	vst v57  }
0x4ed: {  	v57 =	vld.idx.msk [tilespmem:v63+s13+$0x0], $0xffff  }
0x4ee: {  	v60 =	vor.u32 v35, v56;
	_ =	sdelay $0x3  }
0x4ef: {  	[tilespmem:s30+$0x19AA0] =	vst v57  }
0x4f0: {  	v57 =	vld.idx.msk [tilespmem:v60+s13+$0x0], $0xffff  }
0x4f1: {  	v61 =	vor.u32 v36, v56;
	_ =	sdelay $0x3  }
0x4f2: {  	[tilespmem:s30+$0x19AB0] =	vst v57  }
0x4f3: {  	v57 =	vld.idx.msk [tilespmem:v61+s13+$0x0], $0xffff  }
0x4f4: {  	v62 =	vor.u32 v37, v56;
	_ =	sdelay $0x3  }
0x4f5: {  	[tilespmem:s30+$0x19AC0] =	vst v57  }
0x4f6: {  	v57 =	vld.idx.msk [tilespmem:v62+s13+$0x0], $0xffff  }
0x4f7: {  	v63 =	vor.u32 v38, v56;
	_ =	sdelay $0x3  }
0x4f8: {  	[tilespmem:s30+$0x19AD0] =	vst v57  }
0x4f9: {  	v57 =	vld.idx.msk [tilespmem:v63+s13+$0x0], $0xffff  }
0x4fa: {  	v60 =	vor.u32 v39, v56;
	_ =	sdelay $0x3  }
0x4fb: {  	[tilespmem:s30+$0x19AE0] =	vst v57  }
0x4fc: {  	v57 =	vld.idx.msk [tilespmem:v60+s13+$0x0], $0xffff  }
0x4fd: {  	v61 =	vor.u32 v40, v56;
	_ =	sdelay $0x3  }
0x4fe: {  	[tilespmem:s30+$0x19AF0] =	vst v57  }
0x4ff: {  	v57 =	vld.idx.msk [tilespmem:v61+s13+$0x0], $0xffff  }
0x500: {  	v62 =	vor.u32 v41, v56;
	_ =	sdelay $0x3  }
0x501: {  	[tilespmem:s30+$0x1AA80] =	vst v57  }
0x502: {  	v57 =	vld.idx.msk [tilespmem:v62+s13+$0x0], $0xffff  }
0x503: {  	v63 =	vor.u32 v42, v56;
	_ =	sdelay $0x3  }
0x504: {  	[tilespmem:s30+$0x1AA90] =	vst v57  }
0x505: {  	v57 =	vld.idx.msk [tilespmem:v63+s13+$0x0], $0xffff  }
0x506: {  	v60 =	vor.u32 v43, v56;
	_ =	sdelay $0x3  }
0x507: {  	[tilespmem:s30+$0x1AAA0] =	vst v57  }
0x508: {  	v57 =	vld.idx.msk [tilespmem:v60+s13+$0x0], $0xffff  }
0x509: {  	v61 =	vor.u32 v44, v56;
	_ =	sdelay $0x3  }
0x50a: {  	[tilespmem:s30+$0x1AAB0] =	vst v57  }
0x50b: {  	v57 =	vld.idx.msk [tilespmem:v61+s13+$0x0], $0xffff  }
0x50c: {  	v62 =	vor.u32 v45, v56;
	_ =	sdelay $0x3  }
0x50d: {  	[tilespmem:s30+$0x1AAC0] =	vst v57  }
0x50e: {  	v57 =	vld.idx.msk [tilespmem:v62+s13+$0x0], $0xffff  }
0x50f: {  	v63 =	vor.u32 v46, v56;
	_ =	sdelay $0x3  }
0x510: {  	[tilespmem:s30+$0x1AAD0] =	vst v57  }
0x511: {  	v57 =	vld.idx.msk [tilespmem:v63+s13+$0x0], $0xffff  }
0x512: {  	v60 =	vor.u32 v47, v56;
	_ =	sdelay $0x3  }
0x513: {  	[tilespmem:s30+$0x1AAE0] =	vst v57  }
0x514: {  	v57 =	vld.idx.msk [tilespmem:v60+s13+$0x0], $0xffff  }
0x515: {  	v61 =	vor.u32 v48, v56;
	_ =	sdelay $0x3  }
0x516: {  	[tilespmem:s30+$0x1AAF0] =	vst v57  }
0x517: {  	v57 =	vld.idx.msk [tilespmem:v61+s13+$0x0], $0xffff  }
0x518: {  	v62 =	vor.u32 v49, v56;
	_ =	sdelay $0x3  }
0x519: {  	[tilespmem:s30+$0x1BA80] =	vst v57  }
0x51a: {  	v57 =	vld.idx.msk [tilespmem:v62+s13+$0x0], $0xffff  }
0x51b: {  	v63 =	vor.u32 v50, v56;
	_ =	sdelay $0x3  }
0x51c: {  	[tilespmem:s30+$0x1BA90] =	vst v57  }
0x51d: {  	v57 =	vld.idx.msk [tilespmem:v63+s13+$0x0], $0xffff  }
0x51e: {  	v60 =	vor.u32 v51, v56;
	_ =	sdelay $0x3  }
0x51f: {  	[tilespmem:s30+$0x1BAA0] =	vst v57  }
0x520: {  	v57 =	vld.idx.msk [tilespmem:v60+s13+$0x0], $0xffff  }
0x521: {  	v61 =	vor.u32 v52, v56;
	_ =	sdelay $0x3  }
0x522: {  	[tilespmem:s30+$0x1BAB0] =	vst v57  }
0x523: {  	v57 =	vld.idx.msk [tilespmem:v61+s13+$0x0], $0xffff  }
0x524: {  	v62 =	vor.u32 v53, v56;
	_ =	sdelay $0x3  }
0x525: {  	[tilespmem:s30+$0x1BAC0] =	vst v57  }
0x526: {  	v57 =	vld.idx.msk [tilespmem:v62+s13+$0x0], $0xffff  }
0x527: {  	v63 =	vor.u32 v54, v56;
	_ =	sdelay $0x3  }
0x528: {  	[tilespmem:s30+$0x1BAD0] =	vst v57  }
0x529: {  	v58 =	vld.idx.msk [tilespmem:v63+s13+$0x0], $0xffff  }
0x52a: {  	v57 =	vor.u32 v55, v56;
	_ =	sdelay $0x1  }
0x52b: {  	s0 =	simm.s32 $0x1  }
0x52c: {  	s31 =	simm.s32 $0x200;
	s1 =	simm.s32 $0x400;
	v56 =	vmov s0  }
.LBB2_6:
0x52d: {  	p0 =	sne.s32 s1, $0x3E00;
	v56 =	vand.u32 $0x1F, v56;
	[tilespmem:s30+$0x1BAE0] =	vst v58  }
0x52e: {  	v56 =	vbroadcast v56, $0x0;
	v57 =	vld.idx.msk [tilespmem:v57+s13+$0x0], $0xffff;
	_ =	sdelay $0x1  }
0x52f: {  	v58 =	vor.u32 v0, v56;
	_ =	sdelay $0x3  }
0x530: {  	[tilespmem:s30+$0x1BAF0] =	vst v57  }
0x531: {  	v57 =	vld.idx.msk [tilespmem:v58+s13+$0x0], $0xffff;
	_ =	sdelay $0x1  }
0x532: {  	v58 =	vor.u32 v1, v56;
	_ =	sdelay $0x2  }
0x533: {  	s30 =	sshra.s32 s31, $0x2;
	s31 =	smov.u32 s1  }
0x534: {  	[tilespmem:s30+$0x15A80] =	vst v57  }
0x535: {  	v57 =	vld.idx.msk [tilespmem:v58+s13+$0x0], $0xffff;
	_ =	sdelay $0x1  }
0x536: {  	v58 =	vor.u32 v2, v56;
	_ =	sdelay $0x3  }
0x537: {  	[tilespmem:s30+$0x15A90] =	vst v57  }
0x538: {  	v57 =	vld.idx.msk [tilespmem:v58+s13+$0x0], $0xffff;
	_ =	sdelay $0x1  }
0x539: {  	v58 =	vor.u32 v3, v56;
	_ =	sdelay $0x3  }
0x53a: {  	[tilespmem:s30+$0x15AA0] =	vst v57  }
0x53b: {  	v57 =	vld.idx.msk [tilespmem:v58+s13+$0x0], $0xffff;
	_ =	sdelay $0x1  }
0x53c: {  	v58 =	vor.u32 v4, v56;
	_ =	sdelay $0x3  }
0x53d: {  	[tilespmem:s30+$0x15AB0] =	vst v57  }
0x53e: {  	v57 =	vld.idx.msk [tilespmem:v58+s13+$0x0], $0xffff;
	_ =	sdelay $0x1  }
0x53f: {  	v58 =	vor.u32 v5, v56;
	_ =	sdelay $0x3  }
0x540: {  	[tilespmem:s30+$0x15AC0] =	vst v57  }
0x541: {  	v57 =	vld.idx.msk [tilespmem:v58+s13+$0x0], $0xffff;
	_ =	sdelay $0x1  }
0x542: {  	v58 =	vor.u32 v6, v56;
	_ =	sdelay $0x3  }
0x543: {  	[tilespmem:s30+$0x15AD0] =	vst v57  }
0x544: {  	v57 =	vld.idx.msk [tilespmem:v58+s13+$0x0], $0xffff;
	_ =	sdelay $0x1  }
0x545: {  	v58 =	vor.u32 v7, v56;
	_ =	sdelay $0x3  }
0x546: {  	[tilespmem:s30+$0x15AE0] =	vst v57  }
0x547: {  	v57 =	vld.idx.msk [tilespmem:v58+s13+$0x0], $0xffff;
	_ =	sdelay $0x1  }
0x548: {  	v58 =	vor.u32 v8, v56;
	_ =	sdelay $0x3  }
0x549: {  	[tilespmem:s30+$0x15AF0] =	vst v57  }
0x54a: {  	v57 =	vld.idx.msk [tilespmem:v58+s13+$0x0], $0xffff;
	_ =	sdelay $0x1  }
0x54b: {  	v58 =	vor.u32 v9, v56;
	_ =	sdelay $0x3  }
0x54c: {  	[tilespmem:s30+$0x16A80] =	vst v57  }
0x54d: {  	v57 =	vld.idx.msk [tilespmem:v58+s13+$0x0], $0xffff;
	_ =	sdelay $0x1  }
0x54e: {  	v58 =	vor.u32 v10, v56;
	_ =	sdelay $0x3  }
0x54f: {  	[tilespmem:s30+$0x16A90] =	vst v57  }
0x550: {  	v57 =	vld.idx.msk [tilespmem:v58+s13+$0x0], $0xffff;
	_ =	sdelay $0x1  }
0x551: {  	v58 =	vor.u32 v11, v56;
	_ =	sdelay $0x3  }
0x552: {  	[tilespmem:s30+$0x16AA0] =	vst v57  }
0x553: {  	v57 =	vld.idx.msk [tilespmem:v58+s13+$0x0], $0xffff;
	_ =	sdelay $0x1  }
0x554: {  	v58 =	vor.u32 v12, v56;
	_ =	sdelay $0x3  }
0x555: {  	[tilespmem:s30+$0x16AB0] =	vst v57  }
0x556: {  	v57 =	vld.idx.msk [tilespmem:v58+s13+$0x0], $0xffff;
	_ =	sdelay $0x1  }
0x557: {  	v58 =	vor.u32 v13, v56;
	_ =	sdelay $0x3  }
0x558: {  	[tilespmem:s30+$0x16AC0] =	vst v57  }
0x559: {  	v57 =	vld.idx.msk [tilespmem:v58+s13+$0x0], $0xffff;
	_ =	sdelay $0x1  }
0x55a: {  	v58 =	vor.u32 v14, v56;
	_ =	sdelay $0x3  }
0x55b: {  	[tilespmem:s30+$0x16AD0] =	vst v57  }
0x55c: {  	v57 =	vld.idx.msk [tilespmem:v58+s13+$0x0], $0xffff;
	_ =	sdelay $0x1  }
0x55d: {  	v58 =	vor.u32 v15, v56;
	_ =	sdelay $0x3  }
0x55e: {  	[tilespmem:s30+$0x16AE0] =	vst v57  }
0x55f: {  	v57 =	vld.idx.msk [tilespmem:v58+s13+$0x0], $0xffff;
	_ =	sdelay $0x1  }
0x560: {  	v58 =	vor.u32 v16, v56;
	_ =	sdelay $0x3  }
0x561: {  	[tilespmem:s30+$0x16AF0] =	vst v57  }
0x562: {  	v57 =	vld.idx.msk [tilespmem:v58+s13+$0x0], $0xffff;
	_ =	sdelay $0x1  }
0x563: {  	v58 =	vor.u32 v17, v56;
	_ =	sdelay $0x3  }
0x564: {  	[tilespmem:s30+$0x17A80] =	vst v57  }
0x565: {  	v57 =	vld.idx.msk [tilespmem:v58+s13+$0x0], $0xffff;
	_ =	sdelay $0x1  }
0x566: {  	v58 =	vor.u32 v18, v56;
	_ =	sdelay $0x3  }
0x567: {  	[tilespmem:s30+$0x17A90] =	vst v57  }
0x568: {  	v57 =	vld.idx.msk [tilespmem:v58+s13+$0x0], $0xffff;
	_ =	sdelay $0x1  }
0x569: {  	v58 =	vor.u32 v19, v56;
	_ =	sdelay $0x3  }
0x56a: {  	[tilespmem:s30+$0x17AA0] =	vst v57  }
0x56b: {  	v57 =	vld.idx.msk [tilespmem:v58+s13+$0x0], $0xffff;
	_ =	sdelay $0x1  }
0x56c: {  	v58 =	vor.u32 v20, v56;
	_ =	sdelay $0x3  }
0x56d: {  	[tilespmem:s30+$0x17AB0] =	vst v57  }
0x56e: {  	v57 =	vld.idx.msk [tilespmem:v58+s13+$0x0], $0xffff;
	_ =	sdelay $0x1  }
0x56f: {  	v58 =	vor.u32 v21, v56;
	_ =	sdelay $0x3  }
0x570: {  	[tilespmem:s30+$0x17AC0] =	vst v57  }
0x571: {  	v57 =	vld.idx.msk [tilespmem:v58+s13+$0x0], $0xffff;
	_ =	sdelay $0x1  }
0x572: {  	v58 =	vor.u32 v22, v56;
	_ =	sdelay $0x3  }
0x573: {  	[tilespmem:s30+$0x17AD0] =	vst v57  }
0x574: {  	v57 =	vld.idx.msk [tilespmem:v58+s13+$0x0], $0xffff;
	_ =	sdelay $0x1  }
0x575: {  	v58 =	vor.u32 v23, v56;
	_ =	sdelay $0x3  }
0x576: {  	[tilespmem:s30+$0x17AE0] =	vst v57  }
0x577: {  	v57 =	vld.idx.msk [tilespmem:v58+s13+$0x0], $0xffff;
	_ =	sdelay $0x1  }
0x578: {  	v58 =	vor.u32 v24, v56;
	_ =	sdelay $0x3  }
0x579: {  	[tilespmem:s30+$0x17AF0] =	vst v57  }
0x57a: {  	v57 =	vld.idx.msk [tilespmem:v58+s13+$0x0], $0xffff;
	_ =	sdelay $0x1  }
0x57b: {  	v58 =	vor.u32 v25, v56;
	_ =	sdelay $0x3  }
0x57c: {  	[tilespmem:s30+$0x18A80] =	vst v57  }
0x57d: {  	v57 =	vld.idx.msk [tilespmem:v58+s13+$0x0], $0xffff;
	_ =	sdelay $0x1  }
0x57e: {  	v58 =	vor.u32 v26, v56;
	_ =	sdelay $0x3  }
0x57f: {  	[tilespmem:s30+$0x18A90] =	vst v57  }
0x580: {  	v57 =	vld.idx.msk [tilespmem:v58+s13+$0x0], $0xffff;
	_ =	sdelay $0x1  }
0x581: {  	v58 =	vor.u32 v27, v56;
	_ =	sdelay $0x3  }
0x582: {  	[tilespmem:s30+$0x18AA0] =	vst v57  }
0x583: {  	v57 =	vld.idx.msk [tilespmem:v58+s13+$0x0], $0xffff;
	_ =	sdelay $0x1  }
0x584: {  	v58 =	vor.u32 v28, v56;
	_ =	sdelay $0x3  }
0x585: {  	[tilespmem:s30+$0x18AB0] =	vst v57  }
0x586: {  	v57 =	vld.idx.msk [tilespmem:v58+s13+$0x0], $0xffff;
	_ =	sdelay $0x1  }
0x587: {  	v58 =	vor.u32 v29, v56;
	_ =	sdelay $0x3  }
0x588: {  	[tilespmem:s30+$0x18AC0] =	vst v57  }
0x589: {  	v57 =	vld.idx.msk [tilespmem:v58+s13+$0x0], $0xffff;
	_ =	sdelay $0x1  }
0x58a: {  	v58 =	vor.u32 v30, v56;
	_ =	sdelay $0x3  }
0x58b: {  	[tilespmem:s30+$0x18AD0] =	vst v57  }
0x58c: {  	v57 =	vld.idx.msk [tilespmem:v58+s13+$0x0], $0xffff;
	_ =	sdelay $0x1  }
0x58d: {  	v58 =	vor.u32 v31, v56;
	_ =	sdelay $0x3  }
0x58e: {  	[tilespmem:s30+$0x18AE0] =	vst v57  }
0x58f: {  	v57 =	vld.idx.msk [tilespmem:v58+s13+$0x0], $0xffff;
	_ =	sdelay $0x1  }
0x590: {  	v58 =	vor.u32 v32, v56;
	_ =	sdelay $0x3  }
0x591: {  	[tilespmem:s30+$0x18AF0] =	vst v57  }
0x592: {  	v57 =	vld.idx.msk [tilespmem:v58+s13+$0x0], $0xffff;
	_ =	sdelay $0x1  }
0x593: {  	v58 =	vor.u32 v33, v56;
	_ =	sdelay $0x3  }
0x594: {  	[tilespmem:s30+$0x19A80] =	vst v57  }
0x595: {  	v57 =	vld.idx.msk [tilespmem:v58+s13+$0x0], $0xffff;
	_ =	sdelay $0x1  }
0x596: {  	v58 =	vor.u32 v34, v56;
	_ =	sdelay $0x3  }
0x597: {  	[tilespmem:s30+$0x19A90] =	vst v57  }
0x598: {  	v57 =	vld.idx.msk [tilespmem:v58+s13+$0x0], $0xffff;
	_ =	sdelay $0x1  }
0x599: {  	v58 =	vor.u32 v35, v56;
	_ =	sdelay $0x3  }
0x59a: {  	[tilespmem:s30+$0x19AA0] =	vst v57  }
0x59b: {  	v57 =	vld.idx.msk [tilespmem:v58+s13+$0x0], $0xffff;
	_ =	sdelay $0x1  }
0x59c: {  	v58 =	vor.u32 v36, v56;
	_ =	sdelay $0x3  }
0x59d: {  	[tilespmem:s30+$0x19AB0] =	vst v57  }
0x59e: {  	v57 =	vld.idx.msk [tilespmem:v58+s13+$0x0], $0xffff;
	_ =	sdelay $0x1  }
0x59f: {  	v58 =	vor.u32 v37, v56;
	_ =	sdelay $0x3  }
0x5a0: {  	[tilespmem:s30+$0x19AC0] =	vst v57  }
0x5a1: {  	v57 =	vld.idx.msk [tilespmem:v58+s13+$0x0], $0xffff;
	_ =	sdelay $0x1  }
0x5a2: {  	v58 =	vor.u32 v38, v56;
	_ =	sdelay $0x3  }
0x5a3: {  	[tilespmem:s30+$0x19AD0] =	vst v57  }
0x5a4: {  	v57 =	vld.idx.msk [tilespmem:v58+s13+$0x0], $0xffff;
	_ =	sdelay $0x1  }
0x5a5: {  	v58 =	vor.u32 v39, v56;
	_ =	sdelay $0x3  }
0x5a6: {  	[tilespmem:s30+$0x19AE0] =	vst v57  }
0x5a7: {  	v57 =	vld.idx.msk [tilespmem:v58+s13+$0x0], $0xffff;
	_ =	sdelay $0x1  }
0x5a8: {  	v58 =	vor.u32 v40, v56;
	_ =	sdelay $0x3  }
0x5a9: {  	[tilespmem:s30+$0x19AF0] =	vst v57  }
0x5aa: {  	v57 =	vld.idx.msk [tilespmem:v58+s13+$0x0], $0xffff;
	_ =	sdelay $0x1  }
0x5ab: {  	v58 =	vor.u32 v41, v56;
	_ =	sdelay $0x3  }
0x5ac: {  	[tilespmem:s30+$0x1AA80] =	vst v57  }
0x5ad: {  	v57 =	vld.idx.msk [tilespmem:v58+s13+$0x0], $0xffff;
	_ =	sdelay $0x1  }
0x5ae: {  	v58 =	vor.u32 v42, v56;
	_ =	sdelay $0x3  }
0x5af: {  	[tilespmem:s30+$0x1AA90] =	vst v57  }
0x5b0: {  	v57 =	vld.idx.msk [tilespmem:v58+s13+$0x0], $0xffff;
	_ =	sdelay $0x1  }
0x5b1: {  	v58 =	vor.u32 v43, v56;
	_ =	sdelay $0x3  }
0x5b2: {  	[tilespmem:s30+$0x1AAA0] =	vst v57  }
0x5b3: {  	v57 =	vld.idx.msk [tilespmem:v58+s13+$0x0], $0xffff;
	_ =	sdelay $0x1  }
0x5b4: {  	v58 =	vor.u32 v44, v56;
	_ =	sdelay $0x3  }
0x5b5: {  	[tilespmem:s30+$0x1AAB0] =	vst v57  }
0x5b6: {  	v57 =	vld.idx.msk [tilespmem:v58+s13+$0x0], $0xffff;
	_ =	sdelay $0x1  }
0x5b7: {  	v58 =	vor.u32 v45, v56;
	_ =	sdelay $0x3  }
0x5b8: {  	[tilespmem:s30+$0x1AAC0] =	vst v57  }
0x5b9: {  	v57 =	vld.idx.msk [tilespmem:v58+s13+$0x0], $0xffff;
	_ =	sdelay $0x1  }
0x5ba: {  	v58 =	vor.u32 v46, v56;
	_ =	sdelay $0x3  }
0x5bb: {  	[tilespmem:s30+$0x1AAD0] =	vst v57  }
0x5bc: {  	v57 =	vld.idx.msk [tilespmem:v58+s13+$0x0], $0xffff;
	_ =	sdelay $0x1  }
0x5bd: {  	v58 =	vor.u32 v47, v56;
	_ =	sdelay $0x3  }
0x5be: {  	[tilespmem:s30+$0x1AAE0] =	vst v57  }
0x5bf: {  	v57 =	vld.idx.msk [tilespmem:v58+s13+$0x0], $0xffff;
	_ =	sdelay $0x1  }
0x5c0: {  	v58 =	vor.u32 v48, v56;
	_ =	sdelay $0x3  }
0x5c1: {  	[tilespmem:s30+$0x1AAF0] =	vst v57  }
0x5c2: {  	v57 =	vld.idx.msk [tilespmem:v58+s13+$0x0], $0xffff;
	_ =	sdelay $0x1  }
0x5c3: {  	v58 =	vor.u32 v49, v56;
	_ =	sdelay $0x3  }
0x5c4: {  	[tilespmem:s30+$0x1BA80] =	vst v57  }
0x5c5: {  	v57 =	vld.idx.msk [tilespmem:v58+s13+$0x0], $0xffff;
	_ =	sdelay $0x1  }
0x5c6: {  	v58 =	vor.u32 v50, v56;
	_ =	sdelay $0x3  }
0x5c7: {  	[tilespmem:s30+$0x1BA90] =	vst v57  }
0x5c8: {  	v57 =	vld.idx.msk [tilespmem:v58+s13+$0x0], $0xffff;
	_ =	sdelay $0x1  }
0x5c9: {  	v58 =	vor.u32 v51, v56;
	_ =	sdelay $0x3  }
0x5ca: {  	[tilespmem:s30+$0x1BAA0] =	vst v57  }
0x5cb: {  	v57 =	vld.idx.msk [tilespmem:v58+s13+$0x0], $0xffff;
	_ =	sdelay $0x1  }
0x5cc: {  	v58 =	vor.u32 v52, v56;
	_ =	sdelay $0x3  }
0x5cd: {  	[tilespmem:s30+$0x1BAB0] =	vst v57  }
0x5ce: {  	v57 =	vld.idx.msk [tilespmem:v58+s13+$0x0], $0xffff;
	_ =	sdelay $0x1  }
0x5cf: {  	v58 =	vor.u32 v53, v56;
	_ =	sdelay $0x3  }
0x5d0: {  	[tilespmem:s30+$0x1BAC0] =	vst v57  }
0x5d1: {  	v57 =	vld.idx.msk [tilespmem:v58+s13+$0x0], $0xffff;
	_ =	sdelay $0x1  }
0x5d2: {  	v58 =	vor.u32 v54, v56;
	_ =	sdelay $0x3  }
0x5d3: {  	[tilespmem:s30+$0x1BAD0] =	vst v57  }
0x5d4: {  	v58 =	vld.idx.msk [tilespmem:v58+s13+$0x0], $0xffff  }
.Ltmp2:
0x5d5: {  	(pc) =	sbr.rel @p0 .LBB2_6-.Ltmp2, $3  }
0x5d6: {  	v57 =	vor.u32 v55, v56;
	_ =	sdelay $0x1  }
0x5d7: {  	s0 =	sadd.s32 $0x1, s0  }
0x5d8: {  	s1 =	sadd.s32 $0x200, s1;
	v56 =	vmov s0  }
0x5d9: {  	_ =	sdelay $0x1  }
0x5da: {  	v56 =	vand.u32 $0x1F, v56  }
0x5db: {  	[tilespmem:s30+$0x1BAE0] =	vst v58;
	v56 =	vbroadcast v56, $0x0  }
0x5dc: {  	v57 =	vld.idx.msk [tilespmem:v57+s13+$0x0], $0xffff  }
0x5dd: {  	v61 =	vor.u32 v0, v56;
	_ =	sdelay $0x3  }
0x5de: {  	[tilespmem:s30+$0x1BAF0] =	vst v57  }
0x5df: {  	v57 =	vld.idx.msk [tilespmem:v61+s13+$0x0], $0xffff  }
0x5e0: {  	v62 =	vor.u32 v1, v56;
	_ =	sdelay $0x2  }
0x5e1: {  	s0 =	sshra.s32 s31, $0x2  }
0x5e2: {  	[tilespmem:s0+$0x15A80] =	vst v57  }
0x5e3: {  	v57 =	vld.idx.msk [tilespmem:v62+s13+$0x0], $0xffff  }
0x5e4: {  	v63 =	vor.u32 v2, v56;
	_ =	sdelay $0x3  }
0x5e5: {  	[tilespmem:s0+$0x15A90] =	vst v57  }
0x5e6: {  	v57 =	vld.idx.msk [tilespmem:v63+s13+$0x0], $0xffff  }
0x5e7: {  	v60 =	vor.u32 v3, v56;
	_ =	sdelay $0x3  }
0x5e8: {  	[tilespmem:s0+$0x15AA0] =	vst v57  }
0x5e9: {  	v57 =	vld.idx.msk [tilespmem:v60+s13+$0x0], $0xffff  }
0x5ea: {  	v61 =	vor.u32 v4, v56;
	_ =	sdelay $0x3  }
0x5eb: {  	[tilespmem:s0+$0x15AB0] =	vst v57  }
0x5ec: {  	v57 =	vld.idx.msk [tilespmem:v61+s13+$0x0], $0xffff  }
0x5ed: {  	v62 =	vor.u32 v5, v56;
	_ =	sdelay $0x3  }
0x5ee: {  	[tilespmem:s0+$0x15AC0] =	vst v57  }
0x5ef: {  	v57 =	vld.idx.msk [tilespmem:v62+s13+$0x0], $0xffff  }
0x5f0: {  	v63 =	vor.u32 v6, v56;
	_ =	sdelay $0x3  }
0x5f1: {  	[tilespmem:s0+$0x15AD0] =	vst v57  }
0x5f2: {  	v57 =	vld.idx.msk [tilespmem:v63+s13+$0x0], $0xffff  }
0x5f3: {  	v60 =	vor.u32 v7, v56;
	_ =	sdelay $0x3  }
0x5f4: {  	[tilespmem:s0+$0x15AE0] =	vst v57  }
0x5f5: {  	v57 =	vld.idx.msk [tilespmem:v60+s13+$0x0], $0xffff  }
0x5f6: {  	v61 =	vor.u32 v8, v56;
	_ =	sdelay $0x3  }
0x5f7: {  	[tilespmem:s0+$0x15AF0] =	vst v57  }
0x5f8: {  	v57 =	vld.idx.msk [tilespmem:v61+s13+$0x0], $0xffff  }
0x5f9: {  	v62 =	vor.u32 v9, v56;
	_ =	sdelay $0x3  }
0x5fa: {  	[tilespmem:s0+$0x16A80] =	vst v57  }
0x5fb: {  	v57 =	vld.idx.msk [tilespmem:v62+s13+$0x0], $0xffff  }
0x5fc: {  	v63 =	vor.u32 v10, v56;
	_ =	sdelay $0x3  }
0x5fd: {  	[tilespmem:s0+$0x16A90] =	vst v57  }
0x5fe: {  	v57 =	vld.idx.msk [tilespmem:v63+s13+$0x0], $0xffff  }
0x5ff: {  	v60 =	vor.u32 v11, v56;
	_ =	sdelay $0x3  }
0x600: {  	[tilespmem:s0+$0x16AA0] =	vst v57  }
0x601: {  	v57 =	vld.idx.msk [tilespmem:v60+s13+$0x0], $0xffff  }
0x602: {  	v61 =	vor.u32 v12, v56;
	_ =	sdelay $0x3  }
0x603: {  	[tilespmem:s0+$0x16AB0] =	vst v57  }
0x604: {  	v57 =	vld.idx.msk [tilespmem:v61+s13+$0x0], $0xffff  }
0x605: {  	v62 =	vor.u32 v13, v56;
	_ =	sdelay $0x3  }
0x606: {  	[tilespmem:s0+$0x16AC0] =	vst v57  }
0x607: {  	v57 =	vld.idx.msk [tilespmem:v62+s13+$0x0], $0xffff  }
0x608: {  	v63 =	vor.u32 v14, v56;
	_ =	sdelay $0x3  }
0x609: {  	[tilespmem:s0+$0x16AD0] =	vst v57  }
0x60a: {  	v57 =	vld.idx.msk [tilespmem:v63+s13+$0x0], $0xffff  }
0x60b: {  	v60 =	vor.u32 v15, v56;
	_ =	sdelay $0x3  }
0x60c: {  	[tilespmem:s0+$0x16AE0] =	vst v57  }
0x60d: {  	v57 =	vld.idx.msk [tilespmem:v60+s13+$0x0], $0xffff  }
0x60e: {  	v61 =	vor.u32 v16, v56;
	_ =	sdelay $0x3  }
0x60f: {  	[tilespmem:s0+$0x16AF0] =	vst v57  }
0x610: {  	v57 =	vld.idx.msk [tilespmem:v61+s13+$0x0], $0xffff  }
0x611: {  	v62 =	vor.u32 v17, v56;
	_ =	sdelay $0x3  }
0x612: {  	[tilespmem:s0+$0x17A80] =	vst v57  }
0x613: {  	v57 =	vld.idx.msk [tilespmem:v62+s13+$0x0], $0xffff  }
0x614: {  	v63 =	vor.u32 v18, v56;
	_ =	sdelay $0x3  }
0x615: {  	[tilespmem:s0+$0x17A90] =	vst v57  }
0x616: {  	v57 =	vld.idx.msk [tilespmem:v63+s13+$0x0], $0xffff  }
0x617: {  	v60 =	vor.u32 v19, v56;
	_ =	sdelay $0x3  }
0x618: {  	[tilespmem:s0+$0x17AA0] =	vst v57  }
0x619: {  	v57 =	vld.idx.msk [tilespmem:v60+s13+$0x0], $0xffff  }
0x61a: {  	v61 =	vor.u32 v20, v56;
	_ =	sdelay $0x3  }
0x61b: {  	[tilespmem:s0+$0x17AB0] =	vst v57  }
0x61c: {  	v57 =	vld.idx.msk [tilespmem:v61+s13+$0x0], $0xffff  }
0x61d: {  	v62 =	vor.u32 v21, v56;
	_ =	sdelay $0x3  }
0x61e: {  	[tilespmem:s0+$0x17AC0] =	vst v57  }
0x61f: {  	v57 =	vld.idx.msk [tilespmem:v62+s13+$0x0], $0xffff  }
0x620: {  	v63 =	vor.u32 v22, v56;
	_ =	sdelay $0x3  }
0x621: {  	[tilespmem:s0+$0x17AD0] =	vst v57  }
0x622: {  	v57 =	vld.idx.msk [tilespmem:v63+s13+$0x0], $0xffff  }
0x623: {  	v60 =	vor.u32 v23, v56;
	_ =	sdelay $0x3  }
0x624: {  	[tilespmem:s0+$0x17AE0] =	vst v57  }
0x625: {  	v57 =	vld.idx.msk [tilespmem:v60+s13+$0x0], $0xffff  }
0x626: {  	v61 =	vor.u32 v24, v56;
	_ =	sdelay $0x3  }
0x627: {  	[tilespmem:s0+$0x17AF0] =	vst v57  }
0x628: {  	v57 =	vld.idx.msk [tilespmem:v61+s13+$0x0], $0xffff  }
0x629: {  	v62 =	vor.u32 v25, v56;
	_ =	sdelay $0x3  }
0x62a: {  	[tilespmem:s0+$0x18A80] =	vst v57  }
0x62b: {  	v57 =	vld.idx.msk [tilespmem:v62+s13+$0x0], $0xffff  }
0x62c: {  	v63 =	vor.u32 v26, v56;
	_ =	sdelay $0x3  }
0x62d: {  	[tilespmem:s0+$0x18A90] =	vst v57  }
0x62e: {  	v57 =	vld.idx.msk [tilespmem:v63+s13+$0x0], $0xffff  }
0x62f: {  	v60 =	vor.u32 v27, v56;
	_ =	sdelay $0x3  }
0x630: {  	[tilespmem:s0+$0x18AA0] =	vst v57  }
0x631: {  	v57 =	vld.idx.msk [tilespmem:v60+s13+$0x0], $0xffff  }
0x632: {  	v61 =	vor.u32 v28, v56;
	_ =	sdelay $0x3  }
0x633: {  	[tilespmem:s0+$0x18AB0] =	vst v57  }
0x634: {  	v57 =	vld.idx.msk [tilespmem:v61+s13+$0x0], $0xffff  }
0x635: {  	v62 =	vor.u32 v29, v56;
	_ =	sdelay $0x3  }
0x636: {  	[tilespmem:s0+$0x18AC0] =	vst v57  }
0x637: {  	v57 =	vld.idx.msk [tilespmem:v62+s13+$0x0], $0xffff  }
0x638: {  	v63 =	vor.u32 v30, v56;
	_ =	sdelay $0x3  }
0x639: {  	[tilespmem:s0+$0x18AD0] =	vst v57  }
0x63a: {  	v57 =	vld.idx.msk [tilespmem:v63+s13+$0x0], $0xffff  }
0x63b: {  	v60 =	vor.u32 v31, v56;
	_ =	sdelay $0x3  }
0x63c: {  	[tilespmem:s0+$0x18AE0] =	vst v57  }
0x63d: {  	v57 =	vld.idx.msk [tilespmem:v60+s13+$0x0], $0xffff  }
0x63e: {  	v61 =	vor.u32 v32, v56;
	_ =	sdelay $0x3  }
0x63f: {  	[tilespmem:s0+$0x18AF0] =	vst v57  }
0x640: {  	v57 =	vld.idx.msk [tilespmem:v61+s13+$0x0], $0xffff  }
0x641: {  	v62 =	vor.u32 v33, v56;
	_ =	sdelay $0x3  }
0x642: {  	[tilespmem:s0+$0x19A80] =	vst v57  }
0x643: {  	v57 =	vld.idx.msk [tilespmem:v62+s13+$0x0], $0xffff  }
0x644: {  	v63 =	vor.u32 v34, v56;
	_ =	sdelay $0x3  }
0x645: {  	[tilespmem:s0+$0x19A90] =	vst v57  }
0x646: {  	v57 =	vld.idx.msk [tilespmem:v63+s13+$0x0], $0xffff  }
0x647: {  	v60 =	vor.u32 v35, v56;
	_ =	sdelay $0x3  }
0x648: {  	[tilespmem:s0+$0x19AA0] =	vst v57  }
0x649: {  	v57 =	vld.idx.msk [tilespmem:v60+s13+$0x0], $0xffff  }
0x64a: {  	v61 =	vor.u32 v36, v56;
	_ =	sdelay $0x3  }
0x64b: {  	[tilespmem:s0+$0x19AB0] =	vst v57  }
0x64c: {  	v57 =	vld.idx.msk [tilespmem:v61+s13+$0x0], $0xffff  }
0x64d: {  	v62 =	vor.u32 v37, v56;
	_ =	sdelay $0x3  }
0x64e: {  	[tilespmem:s0+$0x19AC0] =	vst v57  }
0x64f: {  	v57 =	vld.idx.msk [tilespmem:v62+s13+$0x0], $0xffff  }
0x650: {  	v63 =	vor.u32 v38, v56;
	_ =	sdelay $0x3  }
0x651: {  	[tilespmem:s0+$0x19AD0] =	vst v57  }
0x652: {  	v57 =	vld.idx.msk [tilespmem:v63+s13+$0x0], $0xffff  }
0x653: {  	v60 =	vor.u32 v39, v56;
	_ =	sdelay $0x3  }
0x654: {  	[tilespmem:s0+$0x19AE0] =	vst v57  }
0x655: {  	v57 =	vld.idx.msk [tilespmem:v60+s13+$0x0], $0xffff  }
0x656: {  	v61 =	vor.u32 v40, v56;
	_ =	sdelay $0x3  }
0x657: {  	[tilespmem:s0+$0x19AF0] =	vst v57  }
0x658: {  	v57 =	vld.idx.msk [tilespmem:v61+s13+$0x0], $0xffff  }
0x659: {  	v62 =	vor.u32 v41, v56;
	_ =	sdelay $0x3  }
0x65a: {  	[tilespmem:s0+$0x1AA80] =	vst v57  }
0x65b: {  	v57 =	vld.idx.msk [tilespmem:v62+s13+$0x0], $0xffff  }
0x65c: {  	v63 =	vor.u32 v42, v56;
	_ =	sdelay $0x3  }
0x65d: {  	[tilespmem:s0+$0x1AA90] =	vst v57  }
0x65e: {  	v57 =	vld.idx.msk [tilespmem:v63+s13+$0x0], $0xffff  }
0x65f: {  	v60 =	vor.u32 v43, v56;
	_ =	sdelay $0x3  }
0x660: {  	[tilespmem:s0+$0x1AAA0] =	vst v57  }
0x661: {  	v57 =	vld.idx.msk [tilespmem:v60+s13+$0x0], $0xffff  }
0x662: {  	v61 =	vor.u32 v44, v56;
	_ =	sdelay $0x3  }
0x663: {  	[tilespmem:s0+$0x1AAB0] =	vst v57  }
0x664: {  	v57 =	vld.idx.msk [tilespmem:v61+s13+$0x0], $0xffff  }
0x665: {  	v62 =	vor.u32 v45, v56;
	_ =	sdelay $0x3  }
0x666: {  	[tilespmem:s0+$0x1AAC0] =	vst v57  }
0x667: {  	v57 =	vld.idx.msk [tilespmem:v62+s13+$0x0], $0xffff  }
0x668: {  	v63 =	vor.u32 v46, v56;
	_ =	sdelay $0x3  }
0x669: {  	[tilespmem:s0+$0x1AAD0] =	vst v57  }
0x66a: {  	v57 =	vld.idx.msk [tilespmem:v63+s13+$0x0], $0xffff  }
0x66b: {  	v60 =	vor.u32 v47, v56;
	_ =	sdelay $0x3  }
0x66c: {  	[tilespmem:s0+$0x1AAE0] =	vst v57  }
0x66d: {  	v57 =	vld.idx.msk [tilespmem:v60+s13+$0x0], $0xffff  }
0x66e: {  	v61 =	vor.u32 v48, v56;
	_ =	sdelay $0x3  }
0x66f: {  	[tilespmem:s0+$0x1AAF0] =	vst v57  }
0x670: {  	v57 =	vld.idx.msk [tilespmem:v61+s13+$0x0], $0xffff  }
0x671: {  	v62 =	vor.u32 v49, v56;
	_ =	sdelay $0x3  }
0x672: {  	[tilespmem:s0+$0x1BA80] =	vst v57  }
0x673: {  	v57 =	vld.idx.msk [tilespmem:v62+s13+$0x0], $0xffff  }
0x674: {  	v63 =	vor.u32 v50, v56;
	_ =	sdelay $0x3  }
0x675: {  	[tilespmem:s0+$0x1BA90] =	vst v57  }
0x676: {  	v57 =	vld.idx.msk [tilespmem:v63+s13+$0x0], $0xffff  }
0x677: {  	v60 =	vor.u32 v51, v56;
	_ =	sdelay $0x3  }
0x678: {  	[tilespmem:s0+$0x1BAA0] =	vst v57  }
0x679: {  	v57 =	vld.idx.msk [tilespmem:v60+s13+$0x0], $0xffff  }
0x67a: {  	v61 =	vor.u32 v52, v56;
	_ =	sdelay $0x3  }
0x67b: {  	[tilespmem:s0+$0x1BAB0] =	vst v57  }
0x67c: {  	v57 =	vld.idx.msk [tilespmem:v61+s13+$0x0], $0xffff  }
0x67d: {  	v62 =	vor.u32 v53, v56;
	_ =	sdelay $0x3  }
0x67e: {  	[tilespmem:s0+$0x1BAC0] =	vst v57  }
0x67f: {  	v57 =	vld.idx.msk [tilespmem:v62+s13+$0x0], $0xffff  }
0x680: {  	v63 =	vor.u32 v54, v56;
	_ =	sdelay $0x3  }
0x681: {  	[tilespmem:s0+$0x1BAD0] =	vst v57  }
0x682: {  	v57 =	vld.idx.msk [tilespmem:v63+s13+$0x0], $0xffff  }
0x683: {  	v56 =	vor.u32 v55, v56;
	_ =	sdelay $0x3  }
0x684: {  	[tilespmem:s0+$0x1BAE0] =	vst v57  }
0x685: {  	v56 =	vld.idx.msk [tilespmem:v56+s13+$0x0], $0xffff;
	_ =	sdelay $0x2  }
0x686: {  	s29 =	sadd.s32 $0x1, s29  }
0x687: {  	p0 =	sne.s32 s29, s8  }
.Ltmp3:
0x688: {  	[tilespmem:s0+$0x1BAF0] =	vst v56;
	(pc) =	sbr.rel @p0 .LBB2_1-.Ltmp3, $4  }
0x689: {  	[hbm4b:s7+s9] =	stream.strided.scatter [tilespmem:s28], [sflag:$0x2], $0x15000, s10, s9, $0x38;
	[tilespmem:$0x1CA80] =	vst v63  }
0x68a: {  	_ =	swait.ge [sflag:s11], $0x15000  }
0x68b: {  	[sflag:s11] =	ssyncset.done $0x0  }
0x68c: {  	[sflag:s11] =	ssyncadd.s32 $0xFFFEB000  }
0x68d: {  	_ =	sfence.sel $0x180000  }
0x68e: {  	[bflag:$0x0] =	sbarrier.arrive $0xFFFF  }
0x68f: {  	_ =	strace $0x90000047  }
0x690: {  	s0 =	stileid.u32;
	[bflag:$0x2] =	sbarrier.arrive $0xFFFF  }
0x691: {  	p0 =	sne.s32 s0, $0x0;
	s0 =	rddreg [dreg:$0x3]  }
0x692: {  	s0 =	sadd.s32 @!p0 $0x100000, s0  }
0x693: {  	[sflag:s0] =	ssyncadd.tile.s32 @!p0 $0x1;
	_ =	shalt  }
.Lfunc_end2:
_tile_overlayer_lowered:
.L_overlay_start_2:
0x694: {  	(tag) =	ssettag $0x2  }
0x695: {  	s0 =	rddreg [dreg:$0x0];
	s2 =	stileid.u32  }
0x696: {  	s1 =	rddreg [dreg:$0x1];
	p0 =	sne.s32 s2, $0x0  }
0x697: {  	s3 =	rddreg [dreg:$0x2];
	[bflag:$0x3] =	sbarrier.arrive $0xFFFF;
	s2 =	simm.s32 @!p0 $0x1C02  }
0x698: {  	[timem:s3], [sflag:s2] =	dma.local @!p0 [hbm:s0], s1  }
0x699: {  	s0 =	simm.s32 @!p0 $0x2  }
0x69a: {  	_ =	swait.ge @!p0 [sflag:s0], s1  }
0x69b: {  	s1 =	ssub.s32 @!p0 $0x0, s1;
	[sflag:s0] =	ssyncset.done @!p0 $0x0  }
0x69c: {  	[sflag:s0] =	ssyncadd.s32 @!p0 s1  }
0x69d: {  	[bflag:$0x3] =	sbarrier.arrive $0xFFFF  }
0x69e: {  	_ =	shalt  }

</sc_bundles>
